<compile_context>
chip_gen: v7x
topology: tpu7x:2x2x1
jax: 0.10.2.dev20260603
libtpu: 0.0.44.dev20260713+nightly
codegen_flags: <defaults>
</compile_context>

<pallas_src>
import functools

import jax
import jax.numpy as jnp
from jax import lax
from jax.experimental import pallas as pl
from jax.experimental.pallas import tpu as pltpu
from jax.experimental.pallas import tpu_sc as plsc

B = 256
T = 77
D = 768
R = B * T

NUM_CORES = 2
NUM_SUBCORES = 16
NW = NUM_CORES * NUM_SUBCORES
RPW = R // NW
CH = 16
NFULL = RPW // CH
TAIL = RPW - NFULL * CH
LANES = 16


def _body(tok_hbm, tab_hbm, pos_hbm, out_hbm,
          idx0, idx1, idxt, g0, g1, o0, o1, pos_v,
          gsem0, gsem1, osem0, osem1, isem0, isem1, psem):
    wid = lax.axis_index("s") * NUM_CORES + lax.axis_index("c")
    base = wid * RPW
    h_pos = pltpu.async_copy(pos_hbm, pos_v, psem)

    idx_b = (idx0, idx1)
    g_b = (g0, g1)
    o_b = (o0, o1)
    gsems = (gsem0, gsem1)
    osems = (osem0, osem1)
    isems = (isem0, isem1)

    def add_chunk(j, src, dst, nrows):
        @plsc.parallel_loop(0, nrows)
        def _(r):
            t = lax.rem(j * CH + r, T)
            for c in range(D // LANES):
                sl = pl.ds(c * LANES, LANES)
                dst[r, sl] = src[r, sl] + pos_v[t, sl]

    pltpu.sync_copy(tok_hbm.at[pl.ds(base, CH)], idx0)
    pltpu.sync_copy(tok_hbm.at[pl.ds(base + CH, CH)], idx1)
    pltpu.async_copy(tab_hbm.at[idx0], g0, gsem0)
    pltpu.async_copy(tab_hbm.at[idx1], g1, gsem1)
    h_pos.wait()

    def step(j, _):
        for b in range(2):
            @pl.when(lax.rem(j, 2) == b)
            def _():
                pltpu.make_async_copy(
                    tab_hbm.at[idx_b[b]], g_b[b], gsems[b]).wait()

                @pl.when(j <= NFULL - 3)
                def _():
                    pltpu.async_copy(
                        tok_hbm.at[pl.ds(base + (j + 2) * CH, CH)],
                        idx_b[b], isems[b])

                @pl.when(j >= 2)
                def _():
                    pltpu.make_async_copy(
                        o_b[b],
                        out_hbm.at[pl.ds(base + (j - 2) * CH, CH), :],
                        osems[b]).wait()

                add_chunk(j, g_b[b], o_b[b], CH)

                @pl.when(j <= NFULL - 3)
                def _():
                    pltpu.make_async_copy(
                        tok_hbm.at[pl.ds(base + (j + 2) * CH, CH)],
                        idx_b[b], isems[b]).wait()
                    pltpu.async_copy(tab_hbm.at[idx_b[b]], g_b[b], gsems[b])

                pltpu.async_copy(
                    o_b[b],
                    out_hbm.at[pl.ds(base + j * CH, CH), :], osems[b])
        return 0

    lax.fori_loop(0, NFULL, step, 0)

    pltpu.sync_copy(tok_hbm.at[pl.ds(base + NFULL * CH, TAIL)], idxt)
    pltpu.async_copy(
        tab_hbm.at[idxt], g0.at[pl.ds(0, TAIL), :], gsem0).wait()
    pltpu.make_async_copy(
        o0, out_hbm.at[pl.ds(base + (NFULL - 2) * CH, CH), :], osem0).wait()
    add_chunk(NFULL, g0, o0, TAIL)
    pltpu.async_copy(
        o0.at[pl.ds(0, TAIL), :],
        out_hbm.at[pl.ds(base + NFULL * CH, TAIL), :], osem0)
    pltpu.make_async_copy(
        o1, out_hbm.at[pl.ds(base + (NFULL - 1) * CH, CH), :], osem1).wait()
    pltpu.make_async_copy(
        o0.at[pl.ds(0, TAIL), :],
        out_hbm.at[pl.ds(base + NFULL * CH, TAIL), :], osem0).wait()


def kernel(tokens, token_table, position_embedding):
    tokens_flat = tokens.astype(jnp.int32).reshape(R)

    mesh = plsc.VectorSubcoreMesh(core_axis_name="c", subcore_axis_name="s")
    run = functools.partial(
        pl.kernel,
        out_type=jax.ShapeDtypeStruct((R, D), jnp.float32),
        mesh=mesh,
        scratch_types=[
            pltpu.VMEM((CH,), jnp.int32),
            pltpu.VMEM((CH,), jnp.int32),
            pltpu.VMEM((TAIL,), jnp.int32),
            pltpu.VMEM((CH, D), jnp.float32),
            pltpu.VMEM((CH, D), jnp.float32),
            pltpu.VMEM((CH, D), jnp.float32),
            pltpu.VMEM((CH, D), jnp.float32),
            pltpu.VMEM((T, D), jnp.float32),
            pltpu.SemaphoreType.DMA,
            pltpu.SemaphoreType.DMA,
            pltpu.SemaphoreType.DMA,
            pltpu.SemaphoreType.DMA,
            pltpu.SemaphoreType.DMA,
            pltpu.SemaphoreType.DMA,
            pltpu.SemaphoreType.DMA,
        ],
    )(_body)
    out = run(tokens_flat, token_table, position_embedding)
    return out.reshape(B, T, D)

# --- scband reference (transcript-rebuilt; emitter-appended) ---
"""Pipeline reference for scband-clipembedding-979252544056 (READ-ONLY COPY).

The authoritative reference and input builder live on the scoring server;
editing this copy changes nothing except your own understanding.
"""

import jax, jax.numpy as jnp
import numpy as np

N_VOCAB = 49408
N_EMBED = 768
N_TOKENS = 77
BATCH = 256

def setup_inputs(seed: int = 0) -> dict:
    key = jax.random.key(seed)
    k_tok, k_tab, k_pos = jax.random.split(key, 3)
    tokens = jax.random.randint(k_tok, (BATCH, N_TOKENS), 0, N_VOCAB, dtype=jnp.int64 if jax.config.jax_enable_x64 else jnp.int32)
    token_table = jax.random.normal(k_tab, (N_VOCAB, N_EMBED), dtype=jnp.float32) * 0.02
    # nn.Parameter(torch.zeros(n_tokens, n_embed)) initializes to zeros
    position_embedding = jnp.zeros((N_TOKENS, N_EMBED), dtype=jnp.float32)
    return {"tokens": tokens, "token_table": token_table, "position_embedding": position_embedding}

def reference(tokens, token_table, position_embedding):
    # tokens = self.token_embedding(tokens)
    emb = jnp.take(token_table, tokens, axis=0)  # [B, T, D]
    # tokens += self.position_embedding (broadcast over batch)
    emb = emb + position_embedding[None, :, :]
    return emb

if __name__ == "__main__":
    import jax
    _d = setup_inputs()
    print(jax.jit(kernel)(*tuple(_d.values())))

</pallas_src>

<mosaic_0001>
#map = affine_map<(d0, d1) -> (0)>
#map1 = affine_map<(d0, d1) -> (0, 0)>
module attributes {stable_mosaic.version = 14 : i64} {
  func.func @_body(%arg0: i32, %arg1: i32, %arg2: memref<19712xi32, #tpu.memory_space<hbm>>, %arg3: memref<49408x768xf32, #tpu.memory_space<hbm>>, %arg4: memref<77x768xf32, #tpu.memory_space<hbm>>, %arg5: memref<19712x768xf32, #tpu.memory_space<hbm>>, %arg6: memref<16xi32, #tpu.memory_space<vmem>>, %arg7: memref<16xi32, #tpu.memory_space<vmem>>, %arg8: memref<8xi32, #tpu.memory_space<vmem>>, %arg9: memref<16x768xf32, #tpu.memory_space<vmem>>, %arg10: memref<16x768xf32, #tpu.memory_space<vmem>>, %arg11: memref<16x768xf32, #tpu.memory_space<vmem>>, %arg12: memref<16x768xf32, #tpu.memory_space<vmem>>, %arg13: memref<77x768xf32, #tpu.memory_space<vmem>>, %arg14: memref<!tpu.dma_semaphore, #tpu.memory_space<semaphore_mem>>, %arg15: memref<!tpu.dma_semaphore, #tpu.memory_space<semaphore_mem>>, %arg16: memref<!tpu.dma_semaphore, #tpu.memory_space<semaphore_mem>>, %arg17: memref<!tpu.dma_semaphore, #tpu.memory_space<semaphore_mem>>, %arg18: memref<!tpu.dma_semaphore, #tpu.memory_space<semaphore_mem>>, %arg19: memref<!tpu.dma_semaphore, #tpu.memory_space<semaphore_mem>>, %arg20: memref<!tpu.dma_semaphore, #tpu.memory_space<semaphore_mem>>) attributes {dimension_semantics = [#tpu.dimension_semantics<core_parallel>, #tpu.dimension_semantics<subcore_parallel>], iteration_bounds = array<i64: 2, 16>, scalar_prefetch = 0 : i64, scratch_operands = 15 : i64, tpu.core_type = #tpu.core_type<sc_vector_subcore>, window_params = [{transform_indices = #map}, {transform_indices = #map1}, {transform_indices = #map1}, {transform_indices = #map1}]} {
    %mul3A = arith.constant 2 : i32
    %mul3A_0 = arith.muli %arg1, %mul3A : i32
    %add3A = arith.addi %mul3A_0, %arg0 : i32
    %mul3A_1 = arith.constant 616 : i32
    %mul3A_2 = arith.muli %add3A, %mul3A_1 : i32
    tpu.enqueue_dma source(%arg4 : memref<77x768xf32, #tpu.memory_space<hbm>>) target(%arg13 : memref<77x768xf32, #tpu.memory_space<vmem>>) target_semaphore(%arg20 : memref<!tpu.dma_semaphore, #tpu.memory_space<semaphore_mem>>)
    "tpu.region"() ({
      %run_scoped3A = tpu.sem_alloc : memref<!tpu.dma_semaphore, #tpu.memory_space<semaphore_mem>>
      %dma_start3A_67 = tpu.memref_slice %arg2[%mul3A_2] : memref<19712xi32, #tpu.memory_space<hbm>> -> memref<16xi32, #tpu.memory_space<hbm>>
      %dma_start3A_68 = tpu.memref_slice %arg2[%mul3A_2] : memref<19712xi32, #tpu.memory_space<hbm>> -> memref<16xi32, #tpu.memory_space<hbm>>
      tpu.enqueue_dma source(%dma_start3A_68 : memref<16xi32, #tpu.memory_space<hbm>>) target(%arg6 : memref<16xi32, #tpu.memory_space<vmem>>) target_semaphore(%run_scoped3A : memref<!tpu.dma_semaphore, #tpu.memory_space<semaphore_mem>>)
      %dma_wait3A_69 = tpu.memref_slice %arg2[%mul3A_2] : memref<19712xi32, #tpu.memory_space<hbm>> -> memref<16xi32, #tpu.memory_space<hbm>>
      %dma_wait3A_70 = tpu.memref_slice %arg2[%mul3A_2] : memref<19712xi32, #tpu.memory_space<hbm>> -> memref<16xi32, #tpu.memory_space<hbm>>
      tpu.wait_dma2 semaphore(%run_scoped3A : memref<!tpu.dma_semaphore, #tpu.memory_space<semaphore_mem>>) src(%dma_wait3A_70 : memref<16xi32, #tpu.memory_space<hbm>>) dst(%arg6 : memref<16xi32, #tpu.memory_space<vmem>>)
      tpu.yield
    }) : () -> ()
    %add3A_3 = arith.constant 16 : i32
    %add3A_4 = arith.addi %mul3A_2, %add3A_3 : i32
    "tpu.region"() ({
      %run_scoped3A = tpu.sem_alloc : memref<!tpu.dma_semaphore, #tpu.memory_space<semaphore_mem>>
      %dma_start3A_67 = tpu.memref_slice %arg2[%add3A_4] : memref<19712xi32, #tpu.memory_space<hbm>> -> memref<16xi32, #tpu.memory_space<hbm>>
      %dma_start3A_68 = tpu.memref_slice %arg2[%add3A_4] : memref<19712xi32, #tpu.memory_space<hbm>> -> memref<16xi32, #tpu.memory_space<hbm>>
      tpu.enqueue_dma source(%dma_start3A_68 : memref<16xi32, #tpu.memory_space<hbm>>) target(%arg7 : memref<16xi32, #tpu.memory_space<vmem>>) target_semaphore(%run_scoped3A : memref<!tpu.dma_semaphore, #tpu.memory_space<semaphore_mem>>)
      %dma_wait3A_69 = tpu.memref_slice %arg2[%add3A_4] : memref<19712xi32, #tpu.memory_space<hbm>> -> memref<16xi32, #tpu.memory_space<hbm>>
      %dma_wait3A_70 = tpu.memref_slice %arg2[%add3A_4] : memref<19712xi32, #tpu.memory_space<hbm>> -> memref<16xi32, #tpu.memory_space<hbm>>
      tpu.wait_dma2 semaphore(%run_scoped3A : memref<!tpu.dma_semaphore, #tpu.memory_space<semaphore_mem>>) src(%dma_wait3A_70 : memref<16xi32, #tpu.memory_space<hbm>>) dst(%arg7 : memref<16xi32, #tpu.memory_space<vmem>>)
      tpu.yield
    }) : () -> ()
    %dma_start3A = arith.constant 0 : i32
    %dma_start3A_5 = arith.constant 0 : i32
    %dma_start3A_6 = tpu.memref_slice %arg3[%dma_start3A, %dma_start3A_5] : memref<49408x768xf32, #tpu.memory_space<hbm>> -> memref<49408x768xf32, #tpu.memory_space<hbm>>
    tpu.enqueue_indirect_dma source(%dma_start3A_6 : memref<49408x768xf32, #tpu.memory_space<hbm>>) target(%arg9 : memref<16x768xf32, #tpu.memory_space<vmem>>) offsets(%arg6 : memref<16xi32, #tpu.memory_space<vmem>>) semaphore(%arg14 : memref<!tpu.dma_semaphore, #tpu.memory_space<semaphore_mem>>)
    %dma_start3A_7 = arith.constant 0 : i32
    %dma_start3A_8 = arith.constant 0 : i32
    %dma_start3A_9 = tpu.memref_slice %arg3[%dma_start3A_7, %dma_start3A_8] : memref<49408x768xf32, #tpu.memory_space<hbm>> -> memref<49408x768xf32, #tpu.memory_space<hbm>>
    tpu.enqueue_indirect_dma source(%dma_start3A_9 : memref<49408x768xf32, #tpu.memory_space<hbm>>) target(%arg10 : memref<16x768xf32, #tpu.memory_space<vmem>>) offsets(%arg7 : memref<16xi32, #tpu.memory_space<vmem>>) semaphore(%arg15 : memref<!tpu.dma_semaphore, #tpu.memory_space<semaphore_mem>>)
    tpu.wait_dma2 semaphore(%arg20 : memref<!tpu.dma_semaphore, #tpu.memory_space<semaphore_mem>>) src(%arg4 : memref<77x768xf32, #tpu.memory_space<hbm>>) dst(%arg13 : memref<77x768xf32, #tpu.memory_space<vmem>>)
    %scan3A = arith.constant 0 : i32
    %scan3A_10 = arith.constant 0 : i32
    %scan3A_11 = arith.constant 38 : i32
    %scan3A_12 = arith.addi %scan3A_10, %scan3A_11 : i32
    %scan3A_13 = arith.constant 1 : i32
    %scan3A_14 = scf.for %scan3A_67 = %scan3A_10 to %scan3A_12 step %scan3A_13 iter_args(%scan3A_68 = %scan3A) -> (i32)  : i32 {
      %rem3A = arith.constant 2 : i32
      %rem3A_69 = arith.remsi %scan3A_67, %rem3A : i32
      %eq3A = arith.constant 0 : i32
      %eq3A_70 = arith.cmpi eq, %rem3A_69, %eq3A : i32
      %convert_element_type3A = arith.extui %eq3A_70 : i1 to i32
      %cond3A = arith.constant 0 : i32
      %cond3A_71 = arith.cmpi ne, %convert_element_type3A, %cond3A : i32
      scf.if %cond3A_71 {
        %dma_wait3A_80 = arith.constant 0 : i32
        %dma_wait3A_81 = arith.constant 0 : i32
        %dma_wait3A_82 = tpu.memref_slice %arg3[%dma_wait3A_80, %dma_wait3A_81] : memref<49408x768xf32, #tpu.memory_space<hbm>> -> memref<49408x768xf32, #tpu.memory_space<hbm>>
        tpu.wait_indirect_dma semaphore(%arg14 : memref<!tpu.dma_semaphore, #tpu.memory_space<semaphore_mem>>) src(%dma_wait3A_82 : memref<49408x768xf32, #tpu.memory_space<hbm>>) dst(%arg9 : memref<16x768xf32, #tpu.memory_space<vmem>>)
        %le3A = arith.constant 35 : i32
        %le3A_83 = arith.cmpi sle, %scan3A_67, %le3A : i32
        %convert_element_type3A_84 = arith.extui %le3A_83 : i1 to i32
        %cond3A_85 = arith.constant 0 : i32
        %cond3A_86 = arith.cmpi ne, %convert_element_type3A_84, %cond3A_85 : i32
        scf.if %cond3A_86 {
          %add3A_106 = arith.constant 2 : i32
          %add3A_107 = arith.addi %scan3A_67, %add3A_106 : i32
          %mul3A_108 = arith.constant 16 : i32
          %mul3A_109 = arith.muli %add3A_107, %mul3A_108 : i32
          %add3A_110 = arith.addi %mul3A_2, %mul3A_109 : i32
          %dma_start3A_111 = tpu.memref_slice %arg2[%add3A_110] : memref<19712xi32, #tpu.memory_space<hbm>> -> memref<16xi32, #tpu.memory_space<hbm>>
          %dma_start3A_112 = tpu.memref_slice %arg2[%add3A_110] : memref<19712xi32, #tpu.memory_space<hbm>> -> memref<16xi32, #tpu.memory_space<hbm>>
          tpu.enqueue_dma source(%dma_start3A_112 : memref<16xi32, #tpu.memory_space<hbm>>) target(%arg6 : memref<16xi32, #tpu.memory_space<vmem>>) target_semaphore(%arg18 : memref<!tpu.dma_semaphore, #tpu.memory_space<semaphore_mem>>)
        } else {
        }
        %ge3A = arith.constant 2 : i32
        %ge3A_87 = arith.cmpi sge, %scan3A_67, %ge3A : i32
        %convert_element_type3A_88 = arith.extui %ge3A_87 : i1 to i32
        %cond3A_89 = arith.constant 0 : i32
        %cond3A_90 = arith.cmpi ne, %convert_element_type3A_88, %cond3A_89 : i32
        scf.if %cond3A_90 {
          %sub3A = arith.constant 2 : i32
          %sub3A_106 = arith.subi %scan3A_67, %sub3A : i32
          %mul3A_107 = arith.constant 16 : i32
          %mul3A_108 = arith.muli %sub3A_106, %mul3A_107 : i32
          %add3A_109 = arith.addi %mul3A_2, %mul3A_108 : i32
          %dma_wait3A_110 = arith.constant 0 : i32
          %dma_wait3A_111 = tpu.memref_slice %arg5[%add3A_109, %dma_wait3A_110] : memref<19712x768xf32, #tpu.memory_space<hbm>> -> memref<16x768xf32, #tpu.memory_space<hbm>>
          %dma_wait3A_112 = arith.constant 0 : i32
          %dma_wait3A_113 = tpu.memref_slice %arg5[%add3A_109, %dma_wait3A_112] : memref<19712x768xf32, #tpu.memory_space<hbm>> -> memref<16x768xf32, #tpu.memory_space<hbm>>
          tpu.wait_dma2 semaphore(%arg16 : memref<!tpu.dma_semaphore, #tpu.memory_space<semaphore_mem>>) src(%arg11 : memref<16x768xf32, #tpu.memory_space<vmem>>) dst(%dma_wait3A_113 : memref<16x768xf32, #tpu.memory_space<hbm>>)
        } else {
        }
        %parallel_loop3A_91 = arith.constant 0 : i32
        %parallel_loop3A_92 = arith.constant 16 : i32
        %parallel_loop3A_93 = arith.constant 1 : i32
        scf.for %parallel_loop3A_106 = %parallel_loop3A_91 to %parallel_loop3A_92 step %parallel_loop3A_93  : i32 {
          %parallel_loop3A_107 = arith.constant 16 : i32
          %parallel_loop3A_108 = arith.muli %scan3A_67, %parallel_loop3A_107 : i32
          %parallel_loop3A_109 = arith.addi %parallel_loop3A_108, %parallel_loop3A_106 : i32
          %parallel_loop3A_110 = arith.constant 77 : i32
          %parallel_loop3A_111 = arith.remsi %parallel_loop3A_109, %parallel_loop3A_110 : i32
          %parallel_loop3A_112 = arith.index_cast %parallel_loop3A_106 : i32 to index
          %parallel_loop3A_113 = arith.constant 0 : index
          %parallel_loop3A_114 = tpu.vector_load %arg9[%parallel_loop3A_112, %parallel_loop3A_113] {strides = array<i32>} : memref<16x768xf32, #tpu.memory_space<vmem>>, vector<1x16xf32>,
          %parallel_loop3A_115 = vector.shape_cast %parallel_loop3A_114 : vector<1x16xf32> to vector<16xf32>
          %parallel_loop3A_116 = arith.index_cast %parallel_loop3A_111 : i32 to index
          %parallel_loop3A_117 = arith.constant 0 : index
          %parallel_loop3A_118 = tpu.vector_load %arg13[%parallel_loop3A_116, %parallel_loop3A_117] {strides = array<i32>} : memref<77x768xf32, #tpu.memory_space<vmem>>, vector<1x16xf32>,
          %parallel_loop3A_119 = vector.shape_cast %parallel_loop3A_118 : vector<1x16xf32> to vector<16xf32>
          %parallel_loop3A_120 = arith.addf %parallel_loop3A_115, %parallel_loop3A_119 : vector<16xf32>
          %parallel_loop3A_121 = arith.index_cast %parallel_loop3A_106 : i32 to index
          %parallel_loop3A_122 = arith.constant 0 : index
          %parallel_loop3A_123 = tpu.vector_load %arg11[%parallel_loop3A_121, %parallel_loop3A_122] {strides = array<i32>} : memref<16x768xf32, #tpu.memory_space<vmem>>, vector<1x16xf32>,
          %parallel_loop3A_124 = vector.shape_cast %parallel_loop3A_123 : vector<1x16xf32> to vector<16xf32>
          %parallel_loop3A_125 = vector.shape_cast %parallel_loop3A_120 : vector<16xf32> to vector<1x16xf32>
          tpu.vector_store %arg11[%parallel_loop3A_121, %parallel_loop3A_122], %parallel_loop3A_125 {strides = array<i32>} : memref<16x768xf32, #tpu.memory_space<vmem>>, vector<1x16xf32>,
          %parallel_loop3A_126 = arith.index_cast %parallel_loop3A_106 : i32 to index
          %parallel_loop3A_127 = arith.constant 16 : index
          %parallel_loop3A_128 = tpu.vector_load %arg9[%parallel_loop3A_126, %parallel_loop3A_127] {strides = array<i32>} : memref<16x768xf32, #tpu.memory_space<vmem>>, vector<1x16xf32>,
          %parallel_loop3A_129 = vector.shape_cast %parallel_loop3A_128 : vector<1x16xf32> to vector<16xf32>
          %parallel_loop3A_130 = arith.index_cast %parallel_loop3A_111 : i32 to index
          %parallel_loop3A_131 = arith.constant 16 : index
          %parallel_loop3A_132 = tpu.vector_load %arg13[%parallel_loop3A_130, %parallel_loop3A_131] {strides = array<i32>} : memref<77x768xf32, #tpu.memory_space<vmem>>, vector<1x16xf32>,
          %parallel_loop3A_133 = vector.shape_cast %parallel_loop3A_132 : vector<1x16xf32> to vector<16xf32>
          %parallel_loop3A_134 = arith.addf %parallel_loop3A_129, %parallel_loop3A_133 : vector<16xf32>
          %parallel_loop3A_135 = arith.index_cast %parallel_loop3A_106 : i32 to index
          %parallel_loop3A_136 = arith.constant 16 : index
          %parallel_loop3A_137 = tpu.vector_load %arg11[%parallel_loop3A_135, %parallel_loop3A_136] {strides = array<i32>} : memref<16x768xf32, #tpu.memory_space<vmem>>, vector<1x16xf32>,
          %parallel_loop3A_138 = vector.shape_cast %parallel_loop3A_137 : vector<1x16xf32> to vector<16xf32>
          %parallel_loop3A_139 = vector.shape_cast %parallel_loop3A_134 : vector<16xf32> to vector<1x16xf32>
          tpu.vector_store %arg11[%parallel_loop3A_135, %parallel_loop3A_136], %parallel_loop3A_139 {strides = array<i32>} : memref<16x768xf32, #tpu.memory_space<vmem>>, vector<1x16xf32>,
          %parallel_loop3A_140 = arith.index_cast %parallel_loop3A_106 : i32 to index
          %parallel_loop3A_141 = arith.constant 32 : index
          %parallel_loop3A_142 = tpu.vector_load %arg9[%parallel_loop3A_140, %parallel_loop3A_141] {strides = array<i32>} : memref<16x768xf32, #tpu.memory_space<vmem>>, vector<1x16xf32>,
          %parallel_loop3A_143 = vector.shape_cast %parallel_loop3A_142 : vector<1x16xf32> to vector<16xf32>
          %parallel_loop3A_144 = arith.index_cast %parallel_loop3A_111 : i32 to index
          %parallel_loop3A_145 = arith.constant 32 : index
          %parallel_loop3A_146 = tpu.vector_load %arg13[%parallel_loop3A_144, %parallel_loop3A_145] {strides = array<i32>} : memref<77x768xf32, #tpu.memory_space<vmem>>, vector<1x16xf32>,
          %parallel_loop3A_147 = vector.shape_cast %parallel_loop3A_146 : vector<1x16xf32> to vector<16xf32>
          %parallel_loop3A_148 = arith.addf %parallel_loop3A_143, %parallel_loop3A_147 : vector<16xf32>
          %parallel_loop3A_149 = arith.index_cast %parallel_loop3A_106 : i32 to index
          %parallel_loop3A_150 = arith.constant 32 : index
          %parallel_loop3A_151 = tpu.vector_load %arg11[%parallel_loop3A_149, %parallel_loop3A_150] {strides = array<i32>} : memref<16x768xf32, #tpu.memory_space<vmem>>, vector<1x16xf32>,
          %parallel_loop3A_152 = vector.shape_cast %parallel_loop3A_151 : vector<1x16xf32> to vector<16xf32>
          %parallel_loop3A_153 = vector.shape_cast %parallel_loop3A_148 : vector<16xf32> to vector<1x16xf32>
          tpu.vector_store %arg11[%parallel_loop3A_149, %parallel_loop3A_150], %parallel_loop3A_153 {strides = array<i32>} : memref<16x768xf32, #tpu.memory_space<vmem>>, vector<1x16xf32>,
          %parallel_loop3A_154 = arith.index_cast %parallel_loop3A_106 : i32 to index
          %parallel_loop3A_155 = arith.constant 48 : index
          %parallel_loop3A_156 = tpu.vector_load %arg9[%parallel_loop3A_154, %parallel_loop3A_155] {strides = array<i32>} : memref<16x768xf32, #tpu.memory_space<vmem>>, vector<1x16xf32>,
          %parallel_loop3A_157 = vector.shape_cast %parallel_loop3A_156 : vector<1x16xf32> to vector<16xf32>
          %parallel_loop3A_158 = arith.index_cast %parallel_loop3A_111 : i32 to index
          %parallel_loop3A_159 = arith.constant 48 : index
          %parallel_loop3A_160 = tpu.vector_load %arg13[%parallel_loop3A_158, %parallel_loop3A_159] {strides = array<i32>} : memref<77x768xf32, #tpu.memory_space<vmem>>, vector<1x16xf32>,
          %parallel_loop3A_161 = vector.shape_cast %parallel_loop3A_160 : vector<1x16xf32> to vector<16xf32>
          %parallel_loop3A_162 = arith.addf %parallel_loop3A_157, %parallel_loop3A_161 : vector<16xf32>
          %parallel_loop3A_163 = arith.index_cast %parallel_loop3A_106 : i32 to index
          %parallel_loop3A_164 = arith.constant 48 : index
          %parallel_loop3A_165 = tpu.vector_load %arg11[%parallel_loop3A_163, %parallel_loop3A_164] {strides = array<i32>} : memref<16x768xf32, #tpu.memory_space<vmem>>, vector<1x16xf32>,
          %parallel_loop3A_166 = vector.shape_cast %parallel_loop3A_165 : vector<1x16xf32> to vector<16xf32>
          %parallel_loop3A_167 = vector.shape_cast %parallel_loop3A_162 : vector<16xf32> to vector<1x16xf32>
          tpu.vector_store %arg11[%parallel_loop3A_163, %parallel_loop3A_164], %parallel_loop3A_167 {strides = array<i32>} : memref<16x768xf32, #tpu.memory_space<vmem>>, vector<1x16xf32>,
          %parallel_loop3A_168 = arith.index_cast %parallel_loop3A_106 : i32 to index
          %parallel_loop3A_169 = arith.constant 64 : index
          %parallel_loop3A_170 = tpu.vector_load %arg9[%parallel_loop3A_168, %parallel_loop3A_169] {strides = array<i32>} : memref<16x768xf32, #tpu.memory_space<vmem>>, vector<1x16xf32>,
          %parallel_loop3A_171 = vector.shape_cast %parallel_loop3A_170 : vector<1x16xf32> to vector<16xf32>
          %parallel_loop3A_172 = arith.index_cast %parallel_loop3A_111 : i32 to index
          %parallel_loop3A_173 = arith.constant 64 : index
          %parallel_loop3A_174 = tpu.vector_load %arg13[%parallel_loop3A_172, %parallel_loop3A_173] {strides = array<i32>} : memref<77x768xf32, #tpu.memory_space<vmem>>, vector<1x16xf32>,
          %parallel_loop3A_175 = vector.shape_cast %parallel_loop3A_174 : vector<1x16xf32> to vector<16xf32>
          %parallel_loop3A_176 = arith.addf %parallel_loop3A_171, %parallel_loop3A_175 : vector<16xf32>
          %parallel_loop3A_177 = arith.index_cast %parallel_loop3A_106 : i32 to index
          %parallel_loop3A_178 = arith.constant 64 : index
          %parallel_loop3A_179 = tpu.vector_load %arg11[%parallel_loop3A_177, %parallel_loop3A_178] {strides = array<i32>} : memref<16x768xf32, #tpu.memory_space<vmem>>, vector<1x16xf32>,
          %parallel_loop3A_180 = vector.shape_cast %parallel_loop3A_179 : vector<1x16xf32> to vector<16xf32>
          %parallel_loop3A_181 = vector.shape_cast %parallel_loop3A_176 : vector<16xf32> to vector<1x16xf32>
          tpu.vector_store %arg11[%parallel_loop3A_177, %parallel_loop3A_178], %parallel_loop3A_181 {strides = array<i32>} : memref<16x768xf32, #tpu.memory_space<vmem>>, vector<1x16xf32>,
          %parallel_loop3A_182 = arith.index_cast %parallel_loop3A_106 : i32 to index
          %parallel_loop3A_183 = arith.constant 80 : index
          %parallel_loop3A_184 = tpu.vector_load %arg9[%parallel_loop3A_182, %parallel_loop3A_183] {strides = array<i32>} : memref<16x768xf32, #tpu.memory_space<vmem>>, vector<1x16xf32>,
          %parallel_loop3A_185 = vector.shape_cast %parallel_loop3A_184 : vector<1x16xf32> to vector<16xf32>
          %parallel_loop3A_186 = arith.index_cast %parallel_loop3A_111 : i32 to index
          %parallel_loop3A_187 = arith.constant 80 : index
          %parallel_loop3A_188 = tpu.vector_load %arg13[%parallel_loop3A_186, %parallel_loop3A_187] {strides = array<i32>} : memref<77x768xf32, #tpu.memory_space<vmem>>, vector<1x16xf32>,
          %parallel_loop3A_189 = vector.shape_cast %parallel_loop3A_188 : vector<1x16xf32> to vector<16xf32>
          %parallel_loop3A_190 = arith.addf %parallel_loop3A_185, %parallel_loop3A_189 : vector<16xf32>
          %parallel_loop3A_191 = arith.index_cast %parallel_loop3A_106 : i32 to index
          %parallel_loop3A_192 = arith.constant 80 : index
          %parallel_loop3A_193 = tpu.vector_load %arg11[%parallel_loop3A_191, %parallel_loop3A_192] {strides = array<i32>} : memref<16x768xf32, #tpu.memory_space<vmem>>, vector<1x16xf32>,
          %parallel_loop3A_194 = vector.shape_cast %parallel_loop3A_193 : vector<1x16xf32> to vector<16xf32>
          %parallel_loop3A_195 = vector.shape_cast %parallel_loop3A_190 : vector<16xf32> to vector<1x16xf32>
          tpu.vector_store %arg11[%parallel_loop3A_191, %parallel_loop3A_192], %parallel_loop3A_195 {strides = array<i32>} : memref<16x768xf32, #tpu.memory_space<vmem>>, vector<1x16xf32>,
          %parallel_loop3A_196 = arith.index_cast %parallel_loop3A_106 : i32 to index
          %parallel_loop3A_197 = arith.constant 96 : index
          %parallel_loop3A_198 = tpu.vector_load %arg9[%parallel_loop3A_196, %parallel_loop3A_197] {strides = array<i32>} : memref<16x768xf32, #tpu.memory_space<vmem>>, vector<1x16xf32>,
          %parallel_loop3A_199 = vector.shape_cast %parallel_loop3A_198 : vector<1x16xf32> to vector<16xf32>
          %parallel_loop3A_200 = arith.index_cast %parallel_loop3A_111 : i32 to index
          %parallel_loop3A_201 = arith.constant 96 : index
          %parallel_loop3A_202 = tpu.vector_load %arg13[%parallel_loop3A_200, %parallel_loop3A_201] {strides = array<i32>} : memref<77x768xf32, #tpu.memory_space<vmem>>, vector<1x16xf32>,
          %parallel_loop3A_203 = vector.shape_cast %parallel_loop3A_202 : vector<1x16xf32> to vector<16xf32>
          %parallel_loop3A_204 = arith.addf %parallel_loop3A_199, %parallel_loop3A_203 : vector<16xf32>
          %parallel_loop3A_205 = arith.index_cast %parallel_loop3A_106 : i32 to index
          %parallel_loop3A_206 = arith.constant 96 : index
          %parallel_loop3A_207 = tpu.vector_load %arg11[%parallel_loop3A_205, %parallel_loop3A_206] {strides = array<i32>} : memref<16x768xf32, #tpu.memory_space<vmem>>, vector<1x16xf32>,
          %parallel_loop3A_208 = vector.shape_cast %parallel_loop3A_207 : vector<1x16xf32> to vector<16xf32>
          %parallel_loop3A_209 = vector.shape_cast %parallel_loop3A_204 : vector<16xf32> to vector<1x16xf32>
          tpu.vector_store %arg11[%parallel_loop3A_205, %parallel_loop3A_206], %parallel_loop3A_209 {strides = array<i32>} : memref<16x768xf32, #tpu.memory_space<vmem>>, vector<1x16xf32>,
          %parallel_loop3A_210 = arith.index_cast %parallel_loop3A_106 : i32 to index
          %parallel_loop3A_211 = arith.constant 112 : index
          %parallel_loop3A_212 = tpu.vector_load %arg9[%parallel_loop3A_210, %parallel_loop3A_211] {strides = array<i32>} : memref<16x768xf32, #tpu.memory_space<vmem>>, vector<1x16xf32>,
          %parallel_loop3A_213 = vector.shape_cast %parallel_loop3A_212 : vector<1x16xf32> to vector<16xf32>
          %parallel_loop3A_214 = arith.index_cast %parallel_loop3A_111 : i32 to index
          %parallel_loop3A_215 = arith.constant 112 : index
          %parallel_loop3A_216 = tpu.vector_load %arg13[%parallel_loop3A_214, %parallel_loop3A_215] {strides = array<i32>} : memref<77x768xf32, #tpu.memory_space<vmem>>, vector<1x16xf32>,
          %parallel_loop3A_217 = vector.shape_cast %parallel_loop3A_216 : vector<1x16xf32> to vector<16xf32>
          %parallel_loop3A_218 = arith.addf %parallel_loop3A_213, %parallel_loop3A_217 : vector<16xf32>
          %parallel_loop3A_219 = arith.index_cast %parallel_loop3A_106 : i32 to index
          %parallel_loop3A_220 = arith.constant 112 : index
          %parallel_loop3A_221 = tpu.vector_load %arg11[%parallel_loop3A_219, %parallel_loop3A_220] {strides = array<i32>} : memref<16x768xf32, #tpu.memory_space<vmem>>, vector<1x16xf32>,
          %parallel_loop3A_222 = vector.shape_cast %parallel_loop3A_221 : vector<1x16xf32> to vector<16xf32>
          %parallel_loop3A_223 = vector.shape_cast %parallel_loop3A_218 : vector<16xf32> to vector<1x16xf32>
          tpu.vector_store %arg11[%parallel_loop3A_219, %parallel_loop3A_220], %parallel_loop3A_223 {strides = array<i32>} : memref<16x768xf32, #tpu.memory_space<vmem>>, vector<1x16xf32>,
          %parallel_loop3A_224 = arith.index_cast %parallel_loop3A_106 : i32 to index
          %parallel_loop3A_225 = arith.constant 128 : index
          %parallel_loop3A_226 = tpu.vector_load %arg9[%parallel_loop3A_224, %parallel_loop3A_225] {strides = array<i32>} : memref<16x768xf32, #tpu.memory_space<vmem>>, vector<1x16xf32>,
          %parallel_loop3A_227 = vector.shape_cast %parallel_loop3A_226 : vector<1x16xf32> to vector<16xf32>
          %parallel_loop3A_228 = arith.index_cast %parallel_loop3A_111 : i32 to index
          %parallel_loop3A_229 = arith.constant 128 : index
          %parallel_loop3A_230 = tpu.vector_load %arg13[%parallel_loop3A_228, %parallel_loop3A_229] {strides = array<i32>} : memref<77x768xf32, #tpu.memory_space<vmem>>, vector<1x16xf32>,
          %parallel_loop3A_231 = vector.shape_cast %parallel_loop3A_230 : vector<1x16xf32> to vector<16xf32>
          %parallel_loop3A_232 = arith.addf %parallel_loop3A_227, %parallel_loop3A_231 : vector<16xf32>
          %parallel_loop3A_233 = arith.index_cast %parallel_loop3A_106 : i32 to index
          %parallel_loop3A_234 = arith.constant 128 : index
          %parallel_loop3A_235 = tpu.vector_load %arg11[%parallel_loop3A_233, %parallel_loop3A_234] {strides = array<i32>} : memref<16x768xf32, #tpu.memory_space<vmem>>, vector<1x16xf32>,
          %parallel_loop3A_236 = vector.shape_cast %parallel_loop3A_235 : vector<1x16xf32> to vector<16xf32>
          %parallel_loop3A_237 = vector.shape_cast %parallel_loop3A_232 : vector<16xf32> to vector<1x16xf32>
          tpu.vector_store %arg11[%parallel_loop3A_233, %parallel_loop3A_234], %parallel_loop3A_237 {strides = array<i32>} : memref<16x768xf32, #tpu.memory_space<vmem>>, vector<1x16xf32>,
          %parallel_loop3A_238 = arith.index_cast %parallel_loop3A_106 : i32 to index
          %parallel_loop3A_239 = arith.constant 144 : index
          %parallel_loop3A_240 = tpu.vector_load %arg9[%parallel_loop3A_238, %parallel_loop3A_239] {strides = array<i32>} : memref<16x768xf32, #tpu.memory_space<vmem>>, vector<1x16xf32>,
          %parallel_loop3A_241 = vector.shape_cast %parallel_loop3A_240 : vector<1x16xf32> to vector<16xf32>
          %parallel_loop3A_242 = arith.index_cast %parallel_loop3A_111 : i32 to index
          %parallel_loop3A_243 = arith.constant 144 : index
          %parallel_loop3A_244 = tpu.vector_load %arg13[%parallel_loop3A_242, %parallel_loop3A_243] {strides = array<i32>} : memref<77x768xf32, #tpu.memory_space<vmem>>, vector<1x16xf32>,
          %parallel_loop3A_245 = vector.shape_cast %parallel_loop3A_244 : vector<1x16xf32> to vector<16xf32>
          %parallel_loop3A_246 = arith.addf %parallel_loop3A_241, %parallel_loop3A_245 : vector<16xf32>
          %parallel_loop3A_247 = arith.index_cast %parallel_loop3A_106 : i32 to index
          %parallel_loop3A_248 = arith.constant 144 : index
          %parallel_loop3A_249 = tpu.vector_load %arg11[%parallel_loop3A_247, %parallel_loop3A_248] {strides = array<i32>} : memref<16x768xf32, #tpu.memory_space<vmem>>, vector<1x16xf32>,
          %parallel_loop3A_250 = vector.shape_cast %parallel_loop3A_249 : vector<1x16xf32> to vector<16xf32>
          %parallel_loop3A_251 = vector.shape_cast %parallel_loop3A_246 : vector<16xf32> to vector<1x16xf32>
          tpu.vector_store %arg11[%parallel_loop3A_247, %parallel_loop3A_248], %parallel_loop3A_251 {strides = array<i32>} : memref<16x768xf32, #tpu.memory_space<vmem>>, vector<1x16xf32>,
          %parallel_loop3A_252 = arith.index_cast %parallel_loop3A_106 : i32 to index
          %parallel_loop3A_253 = arith.constant 160 : index
          %parallel_loop3A_254 = tpu.vector_load %arg9[%parallel_loop3A_252, %parallel_loop3A_253] {strides = array<i32>} : memref<16x768xf32, #tpu.memory_space<vmem>>, vector<1x16xf32>,
          %parallel_loop3A_255 = vector.shape_cast %parallel_loop3A_254 : vector<1x16xf32> to vector<16xf32>
          %parallel_loop3A_256 = arith.index_cast %parallel_loop3A_111 : i32 to index
          %parallel_loop3A_257 = arith.constant 160 : index
          %parallel_loop3A_258 = tpu.vector_load %arg13[%parallel_loop3A_256, %parallel_loop3A_257] {strides = array<i32>} : memref<77x768xf32, #tpu.memory_space<vmem>>, vector<1x16xf32>,
          %parallel_loop3A_259 = vector.shape_cast %parallel_loop3A_258 : vector<1x16xf32> to vector<16xf32>
          %parallel_loop3A_260 = arith.addf %parallel_loop3A_255, %parallel_loop3A_259 : vector<16xf32>
          %parallel_loop3A_261 = arith.index_cast %parallel_loop3A_106 : i32 to index
          %parallel_loop3A_262 = arith.constant 160 : index
          %parallel_loop3A_263 = tpu.vector_load %arg11[%parallel_loop3A_261, %parallel_loop3A_262] {strides = array<i32>} : memref<16x768xf32, #tpu.memory_space<vmem>>, vector<1x16xf32>,
          %parallel_loop3A_264 = vector.shape_cast %parallel_loop3A_263 : vector<1x16xf32> to vector<16xf32>
          %parallel_loop3A_265 = vector.shape_cast %parallel_loop3A_260 : vector<16xf32> to vector<1x16xf32>
          tpu.vector_store %arg11[%parallel_loop3A_261, %parallel_loop3A_262], %parallel_loop3A_265 {strides = array<i32>} : memref<16x768xf32, #tpu.memory_space<vmem>>, vector<1x16xf32>,
          %parallel_loop3A_266 = arith.index_cast %parallel_loop3A_106 : i32 to index
          %parallel_loop3A_267 = arith.constant 176 : index
          %parallel_loop3A_268 = tpu.vector_load %arg9[%parallel_loop3A_266, %parallel_loop3A_267] {strides = array<i32>} : memref<16x768xf32, #tpu.memory_space<vmem>>, vector<1x16xf32>,
          %parallel_loop3A_269 = vector.shape_cast %parallel_loop3A_268 : vector<1x16xf32> to vector<16xf32>
          %parallel_loop3A_270 = arith.index_cast %parallel_loop3A_111 : i32 to index
          %parallel_loop3A_271 = arith.constant 176 : index
          %parallel_loop3A_272 = tpu.vector_load %arg13[%parallel_loop3A_270, %parallel_loop3A_271] {strides = array<i32>} : memref<77x768xf32, #tpu.memory_space<vmem>>, vector<1x16xf32>,
          %parallel_loop3A_273 = vector.shape_cast %parallel_loop3A_272 : vector<1x16xf32> to vector<16xf32>
          %parallel_loop3A_274 = arith.addf %parallel_loop3A_269, %parallel_loop3A_273 : vector<16xf32>
          %parallel_loop3A_275 = arith.index_cast %parallel_loop3A_106 : i32 to index
          %parallel_loop3A_276 = arith.constant 176 : index
          %parallel_loop3A_277 = tpu.vector_load %arg11[%parallel_loop3A_275, %parallel_loop3A_276] {strides = array<i32>} : memref<16x768xf32, #tpu.memory_space<vmem>>, vector<1x16xf32>,
          %parallel_loop3A_278 = vector.shape_cast %parallel_loop3A_277 : vector<1x16xf32> to vector<16xf32>
          %parallel_loop3A_279 = vector.shape_cast %parallel_loop3A_274 : vector<16xf32> to vector<1x16xf32>
          tpu.vector_store %arg11[%parallel_loop3A_275, %parallel_loop3A_276], %parallel_loop3A_279 {strides = array<i32>} : memref<16x768xf32, #tpu.memory_space<vmem>>, vector<1x16xf32>,
          %parallel_loop3A_280 = arith.index_cast %parallel_loop3A_106 : i32 to index
          %parallel_loop3A_281 = arith.constant 192 : index
          %parallel_loop3A_282 = tpu.vector_load %arg9[%parallel_loop3A_280, %parallel_loop3A_281] {strides = array<i32>} : memref<16x768xf32, #tpu.memory_space<vmem>>, vector<1x16xf32>,
          %parallel_loop3A_283 = vector.shape_cast %parallel_loop3A_282 : vector<1x16xf32> to vector<16xf32>
          %parallel_loop3A_284 = arith.index_cast %parallel_loop3A_111 : i32 to index
          %parallel_loop3A_285 = arith.constant 192 : index
          %parallel_loop3A_286 = tpu.vector_load %arg13[%parallel_loop3A_284, %parallel_loop3A_285] {strides = array<i32>} : memref<77x768xf32, #tpu.memory_space<vmem>>, vector<1x16xf32>,
          %parallel_loop3A_287 = vector.shape_cast %parallel_loop3A_286 : vector<1x16xf32> to vector<16xf32>
          %parallel_loop3A_288 = arith.addf %parallel_loop3A_283, %parallel_loop3A_287 : vector<16xf32>
          %parallel_loop3A_289 = arith.index_cast %parallel_loop3A_106 : i32 to index
          %parallel_loop3A_290 = arith.constant 192 : index
          %parallel_loop3A_291 = tpu.vector_load %arg11[%parallel_loop3A_289, %parallel_loop3A_290] {strides = array<i32>} : memref<16x768xf32, #tpu.memory_space<vmem>>, vector<1x16xf32>,
          %parallel_loop3A_292 = vector.shape_cast %parallel_loop3A_291 : vector<1x16xf32> to vector<16xf32>
          %parallel_loop3A_293 = vector.shape_cast %parallel_loop3A_288 : vector<16xf32> to vector<1x16xf32>
          tpu.vector_store %arg11[%parallel_loop3A_289, %parallel_loop3A_290], %parallel_loop3A_293 {strides = array<i32>} : memref<16x768xf32, #tpu.memory_space<vmem>>, vector<1x16xf32>,
          %parallel_loop3A_294 = arith.index_cast %parallel_loop3A_106 : i32 to index
          %parallel_loop3A_295 = arith.constant 208 : index
          %parallel_loop3A_296 = tpu.vector_load %arg9[%parallel_loop3A_294, %parallel_loop3A_295] {strides = array<i32>} : memref<16x768xf32, #tpu.memory_space<vmem>>, vector<1x16xf32>,
          %parallel_loop3A_297 = vector.shape_cast %parallel_loop3A_296 : vector<1x16xf32> to vector<16xf32>
          %parallel_loop3A_298 = arith.index_cast %parallel_loop3A_111 : i32 to index
          %parallel_loop3A_299 = arith.constant 208 : index
          %parallel_loop3A_300 = tpu.vector_load %arg13[%parallel_loop3A_298, %parallel_loop3A_299] {strides = array<i32>} : memref<77x768xf32, #tpu.memory_space<vmem>>, vector<1x16xf32>,
          %parallel_loop3A_301 = vector.shape_cast %parallel_loop3A_300 : vector<1x16xf32> to vector<16xf32>
          %parallel_loop3A_302 = arith.addf %parallel_loop3A_297, %parallel_loop3A_301 : vector<16xf32>
          %parallel_loop3A_303 = arith.index_cast %parallel_loop3A_106 : i32 to index
          %parallel_loop3A_304 = arith.constant 208 : index
          %parallel_loop3A_305 = tpu.vector_load %arg11[%parallel_loop3A_303, %parallel_loop3A_304] {strides = array<i32>} : memref<16x768xf32, #tpu.memory_space<vmem>>, vector<1x16xf32>,
          %parallel_loop3A_306 = vector.shape_cast %parallel_loop3A_305 : vector<1x16xf32> to vector<16xf32>
          %parallel_loop3A_307 = vector.shape_cast %parallel_loop3A_302 : vector<16xf32> to vector<1x16xf32>
          tpu.vector_store %arg11[%parallel_loop3A_303, %parallel_loop3A_304], %parallel_loop3A_307 {strides = array<i32>} : memref<16x768xf32, #tpu.memory_space<vmem>>, vector<1x16xf32>,
          %parallel_loop3A_308 = arith.index_cast %parallel_loop3A_106 : i32 to index
          %parallel_loop3A_309 = arith.constant 224 : index
          %parallel_loop3A_310 = tpu.vector_load %arg9[%parallel_loop3A_308, %parallel_loop3A_309] {strides = array<i32>} : memref<16x768xf32, #tpu.memory_space<vmem>>, vector<1x16xf32>,
          %parallel_loop3A_311 = vector.shape_cast %parallel_loop3A_310 : vector<1x16xf32> to vector<16xf32>
          %parallel_loop3A_312 = arith.index_cast %parallel_loop3A_111 : i32 to index
          %parallel_loop3A_313 = arith.constant 224 : index
          %parallel_loop3A_314 = tpu.vector_load %arg13[%parallel_loop3A_312, %parallel_loop3A_313] {strides = array<i32>} : memref<77x768xf32, #tpu.memory_space<vmem>>, vector<1x16xf32>,
          %parallel_loop3A_315 = vector.shape_cast %parallel_loop3A_314 : vector<1x16xf32> to vector<16xf32>
          %parallel_loop3A_316 = arith.addf %parallel_loop3A_311, %parallel_loop3A_315 : vector<16xf32>
          %parallel_loop3A_317 = arith.index_cast %parallel_loop3A_106 : i32 to index
          %parallel_loop3A_318 = arith.constant 224 : index
          %parallel_loop3A_319 = tpu.vector_load %arg11[%parallel_loop3A_317, %parallel_loop3A_318] {strides = array<i32>} : memref<16x768xf32, #tpu.memory_space<vmem>>, vector<1x16xf32>,
          %parallel_loop3A_320 = vector.shape_cast %parallel_loop3A_319 : vector<1x16xf32> to vector<16xf32>
          %parallel_loop3A_321 = vector.shape_cast %parallel_loop3A_316 : vector<16xf32> to vector<1x16xf32>
          tpu.vector_store %arg11[%parallel_loop3A_317, %parallel_loop3A_318], %parallel_loop3A_321 {strides = array<i32>} : memref<16x768xf32, #tpu.memory_space<vmem>>, vector<1x16xf32>,
          %parallel_loop3A_322 = arith.index_cast %parallel_loop3A_106 : i32 to index
          %parallel_loop3A_323 = arith.constant 240 : index
          %parallel_loop3A_324 = tpu.vector_load %arg9[%parallel_loop3A_322, %parallel_loop3A_323] {strides = array<i32>} : memref<16x768xf32, #tpu.memory_space<vmem>>, vector<1x16xf32>,
          %parallel_loop3A_325 = vector.shape_cast %parallel_loop3A_324 : vector<1x16xf32> to vector<16xf32>
          %parallel_loop3A_326 = arith.index_cast %parallel_loop3A_111 : i32 to index
          %parallel_loop3A_327 = arith.constant 240 : index
          %parallel_loop3A_328 = tpu.vector_load %arg13[%parallel_loop3A_326, %parallel_loop3A_327] {strides = array<i32>} : memref<77x768xf32, #tpu.memory_space<vmem>>, vector<1x16xf32>,
          %parallel_loop3A_329 = vector.shape_cast %parallel_loop3A_328 : vector<1x16xf32> to vector<16xf32>
          %parallel_loop3A_330 = arith.addf %parallel_loop3A_325, %parallel_loop3A_329 : vector<16xf32>
          %parallel_loop3A_331 = arith.index_cast %parallel_loop3A_106 : i32 to index
          %parallel_loop3A_332 = arith.constant 240 : index
          %parallel_loop3A_333 = tpu.vector_load %arg11[%parallel_loop3A_331, %parallel_loop3A_332] {strides = array<i32>} : memref<16x768xf32, #tpu.memory_space<vmem>>, vector<1x16xf32>,
          %parallel_loop3A_334 = vector.shape_cast %parallel_loop3A_333 : vector<1x16xf32> to vector<16xf32>
          %parallel_loop3A_335 = vector.shape_cast %parallel_loop3A_330 : vector<16xf32> to vector<1x16xf32>
          tpu.vector_store %arg11[%parallel_loop3A_331, %parallel_loop3A_332], %parallel_loop3A_335 {strides = array<i32>} : memref<16x768xf32, #tpu.memory_space<vmem>>, vector<1x16xf32>,
          %parallel_loop3A_336 = arith.index_cast %parallel_loop3A_106 : i32 to index
          %parallel_loop3A_337 = arith.constant 256 : index
          %parallel_loop3A_338 = tpu.vector_load %arg9[%parallel_loop3A_336, %parallel_loop3A_337] {strides = array<i32>} : memref<16x768xf32, #tpu.memory_space<vmem>>, vector<1x16xf32>,
          %parallel_loop3A_339 = vector.shape_cast %parallel_loop3A_338 : vector<1x16xf32> to vector<16xf32>
          %parallel_loop3A_340 = arith.index_cast %parallel_loop3A_111 : i32 to index
          %parallel_loop3A_341 = arith.constant 256 : index
          %parallel_loop3A_342 = tpu.vector_load %arg13[%parallel_loop3A_340, %parallel_loop3A_341] {strides = array<i32>} : memref<77x768xf32, #tpu.memory_space<vmem>>, vector<1x16xf32>,
          %parallel_loop3A_343 = vector.shape_cast %parallel_loop3A_342 : vector<1x16xf32> to vector<16xf32>
          %parallel_loop3A_344 = arith.addf %parallel_loop3A_339, %parallel_loop3A_343 : vector<16xf32>
          %parallel_loop3A_345 = arith.index_cast %parallel_loop3A_106 : i32 to index
          %parallel_loop3A_346 = arith.constant 256 : index
          %parallel_loop3A_347 = tpu.vector_load %arg11[%parallel_loop3A_345, %parallel_loop3A_346] {strides = array<i32>} : memref<16x768xf32, #tpu.memory_space<vmem>>, vector<1x16xf32>,
          %parallel_loop3A_348 = vector.shape_cast %parallel_loop3A_347 : vector<1x16xf32> to vector<16xf32>
          %parallel_loop3A_349 = vector.shape_cast %parallel_loop3A_344 : vector<16xf32> to vector<1x16xf32>
          tpu.vector_store %arg11[%parallel_loop3A_345, %parallel_loop3A_346], %parallel_loop3A_349 {strides = array<i32>} : memref<16x768xf32, #tpu.memory_space<vmem>>, vector<1x16xf32>,
          %parallel_loop3A_350 = arith.index_cast %parallel_loop3A_106 : i32 to index
          %parallel_loop3A_351 = arith.constant 272 : index
          %parallel_loop3A_352 = tpu.vector_load %arg9[%parallel_loop3A_350, %parallel_loop3A_351] {strides = array<i32>} : memref<16x768xf32, #tpu.memory_space<vmem>>, vector<1x16xf32>,
          %parallel_loop3A_353 = vector.shape_cast %parallel_loop3A_352 : vector<1x16xf32> to vector<16xf32>
          %parallel_loop3A_354 = arith.index_cast %parallel_loop3A_111 : i32 to index
          %parallel_loop3A_355 = arith.constant 272 : index
          %parallel_loop3A_356 = tpu.vector_load %arg13[%parallel_loop3A_354, %parallel_loop3A_355] {strides = array<i32>} : memref<77x768xf32, #tpu.memory_space<vmem>>, vector<1x16xf32>,
          %parallel_loop3A_357 = vector.shape_cast %parallel_loop3A_356 : vector<1x16xf32> to vector<16xf32>
          %parallel_loop3A_358 = arith.addf %parallel_loop3A_353, %parallel_loop3A_357 : vector<16xf32>
          %parallel_loop3A_359 = arith.index_cast %parallel_loop3A_106 : i32 to index
          %parallel_loop3A_360 = arith.constant 272 : index
          %parallel_loop3A_361 = tpu.vector_load %arg11[%parallel_loop3A_359, %parallel_loop3A_360] {strides = array<i32>} : memref<16x768xf32, #tpu.memory_space<vmem>>, vector<1x16xf32>,
          %parallel_loop3A_362 = vector.shape_cast %parallel_loop3A_361 : vector<1x16xf32> to vector<16xf32>
          %parallel_loop3A_363 = vector.shape_cast %parallel_loop3A_358 : vector<16xf32> to vector<1x16xf32>
          tpu.vector_store %arg11[%parallel_loop3A_359, %parallel_loop3A_360], %parallel_loop3A_363 {strides = array<i32>} : memref<16x768xf32, #tpu.memory_space<vmem>>, vector<1x16xf32>,
          %parallel_loop3A_364 = arith.index_cast %parallel_loop3A_106 : i32 to index
          %parallel_loop3A_365 = arith.constant 288 : index
          %parallel_loop3A_366 = tpu.vector_load %arg9[%parallel_loop3A_364, %parallel_loop3A_365] {strides = array<i32>} : memref<16x768xf32, #tpu.memory_space<vmem>>, vector<1x16xf32>,
          %parallel_loop3A_367 = vector.shape_cast %parallel_loop3A_366 : vector<1x16xf32> to vector<16xf32>
          %parallel_loop3A_368 = arith.index_cast %parallel_loop3A_111 : i32 to index
          %parallel_loop3A_369 = arith.constant 288 : index
          %parallel_loop3A_370 = tpu.vector_load %arg13[%parallel_loop3A_368, %parallel_loop3A_369] {strides = array<i32>} : memref<77x768xf32, #tpu.memory_space<vmem>>, vector<1x16xf32>,
          %parallel_loop3A_371 = vector.shape_cast %parallel_loop3A_370 : vector<1x16xf32> to vector<16xf32>
          %parallel_loop3A_372 = arith.addf %parallel_loop3A_367, %parallel_loop3A_371 : vector<16xf32>
          %parallel_loop3A_373 = arith.index_cast %parallel_loop3A_106 : i32 to index
          %parallel_loop3A_374 = arith.constant 288 : index
          %parallel_loop3A_375 = tpu.vector_load %arg11[%parallel_loop3A_373, %parallel_loop3A_374] {strides = array<i32>} : memref<16x768xf32, #tpu.memory_space<vmem>>, vector<1x16xf32>,
          %parallel_loop3A_376 = vector.shape_cast %parallel_loop3A_375 : vector<1x16xf32> to vector<16xf32>
          %parallel_loop3A_377 = vector.shape_cast %parallel_loop3A_372 : vector<16xf32> to vector<1x16xf32>
          tpu.vector_store %arg11[%parallel_loop3A_373, %parallel_loop3A_374], %parallel_loop3A_377 {strides = array<i32>} : memref<16x768xf32, #tpu.memory_space<vmem>>, vector<1x16xf32>,
          %parallel_loop3A_378 = arith.index_cast %parallel_loop3A_106 : i32 to index
          %parallel_loop3A_379 = arith.constant 304 : index
          %parallel_loop3A_380 = tpu.vector_load %arg9[%parallel_loop3A_378, %parallel_loop3A_379] {strides = array<i32>} : memref<16x768xf32, #tpu.memory_space<vmem>>, vector<1x16xf32>,
          %parallel_loop3A_381 = vector.shape_cast %parallel_loop3A_380 : vector<1x16xf32> to vector<16xf32>
          %parallel_loop3A_382 = arith.index_cast %parallel_loop3A_111 : i32 to index
          %parallel_loop3A_383 = arith.constant 304 : index
          %parallel_loop3A_384 = tpu.vector_load %arg13[%parallel_loop3A_382, %parallel_loop3A_383] {strides = array<i32>} : memref<77x768xf32, #tpu.memory_space<vmem>>, vector<1x16xf32>,
          %parallel_loop3A_385 = vector.shape_cast %parallel_loop3A_384 : vector<1x16xf32> to vector<16xf32>
          %parallel_loop3A_386 = arith.addf %parallel_loop3A_381, %parallel_loop3A_385 : vector<16xf32>
          %parallel_loop3A_387 = arith.index_cast %parallel_loop3A_106 : i32 to index
          %parallel_loop3A_388 = arith.constant 304 : index
          %parallel_loop3A_389 = tpu.vector_load %arg11[%parallel_loop3A_387, %parallel_loop3A_388] {strides = array<i32>} : memref<16x768xf32, #tpu.memory_space<vmem>>, vector<1x16xf32>,
          %parallel_loop3A_390 = vector.shape_cast %parallel_loop3A_389 : vector<1x16xf32> to vector<16xf32>
          %parallel_loop3A_391 = vector.shape_cast %parallel_loop3A_386 : vector<16xf32> to vector<1x16xf32>
          tpu.vector_store %arg11[%parallel_loop3A_387, %parallel_loop3A_388], %parallel_loop3A_391 {strides = array<i32>} : memref<16x768xf32, #tpu.memory_space<vmem>>, vector<1x16xf32>,
          %parallel_loop3A_392 = arith.index_cast %parallel_loop3A_106 : i32 to index
          %parallel_loop3A_393 = arith.constant 320 : index
          %parallel_loop3A_394 = tpu.vector_load %arg9[%parallel_loop3A_392, %parallel_loop3A_393] {strides = array<i32>} : memref<16x768xf32, #tpu.memory_space<vmem>>, vector<1x16xf32>,
          %parallel_loop3A_395 = vector.shape_cast %parallel_loop3A_394 : vector<1x16xf32> to vector<16xf32>
          %parallel_loop3A_396 = arith.index_cast %parallel_loop3A_111 : i32 to index
          %parallel_loop3A_397 = arith.constant 320 : index
          %parallel_loop3A_398 = tpu.vector_load %arg13[%parallel_loop3A_396, %parallel_loop3A_397] {strides = array<i32>} : memref<77x768xf32, #tpu.memory_space<vmem>>, vector<1x16xf32>,
          %parallel_loop3A_399 = vector.shape_cast %parallel_loop3A_398 : vector<1x16xf32> to vector<16xf32>
          %parallel_loop3A_400 = arith.addf %parallel_loop3A_395, %parallel_loop3A_399 : vector<16xf32>
          %parallel_loop3A_401 = arith.index_cast %parallel_loop3A_106 : i32 to index
          %parallel_loop3A_402 = arith.constant 320 : index
          %parallel_loop3A_403 = tpu.vector_load %arg11[%parallel_loop3A_401, %parallel_loop3A_402] {strides = array<i32>} : memref<16x768xf32, #tpu.memory_space<vmem>>, vector<1x16xf32>,
          %parallel_loop3A_404 = vector.shape_cast %parallel_loop3A_403 : vector<1x16xf32> to vector<16xf32>
          %parallel_loop3A_405 = vector.shape_cast %parallel_loop3A_400 : vector<16xf32> to vector<1x16xf32>
          tpu.vector_store %arg11[%parallel_loop3A_401, %parallel_loop3A_402], %parallel_loop3A_405 {strides = array<i32>} : memref<16x768xf32, #tpu.memory_space<vmem>>, vector<1x16xf32>,
          %parallel_loop3A_406 = arith.index_cast %parallel_loop3A_106 : i32 to index
          %parallel_loop3A_407 = arith.constant 336 : index
          %parallel_loop3A_408 = tpu.vector_load %arg9[%parallel_loop3A_406, %parallel_loop3A_407] {strides = array<i32>} : memref<16x768xf32, #tpu.memory_space<vmem>>, vector<1x16xf32>,
          %parallel_loop3A_409 = vector.shape_cast %parallel_loop3A_408 : vector<1x16xf32> to vector<16xf32>
          %parallel_loop3A_410 = arith.index_cast %parallel_loop3A_111 : i32 to index
          %parallel_loop3A_411 = arith.constant 336 : index
          %parallel_loop3A_412 = tpu.vector_load %arg13[%parallel_loop3A_410, %parallel_loop3A_411] {strides = array<i32>} : memref<77x768xf32, #tpu.memory_space<vmem>>, vector<1x16xf32>,
          %parallel_loop3A_413 = vector.shape_cast %parallel_loop3A_412 : vector<1x16xf32> to vector<16xf32>
          %parallel_loop3A_414 = arith.addf %parallel_loop3A_409, %parallel_loop3A_413 : vector<16xf32>
          %parallel_loop3A_415 = arith.index_cast %parallel_loop3A_106 : i32 to index
          %parallel_loop3A_416 = arith.constant 336 : index
          %parallel_loop3A_417 = tpu.vector_load %arg11[%parallel_loop3A_415, %parallel_loop3A_416] {strides = array<i32>} : memref<16x768xf32, #tpu.memory_space<vmem>>, vector<1x16xf32>,
          %parallel_loop3A_418 = vector.shape_cast %parallel_loop3A_417 : vector<1x16xf32> to vector<16xf32>
          %parallel_loop3A_419 = vector.shape_cast %parallel_loop3A_414 : vector<16xf32> to vector<1x16xf32>
          tpu.vector_store %arg11[%parallel_loop3A_415, %parallel_loop3A_416], %parallel_loop3A_419 {strides = array<i32>} : memref<16x768xf32, #tpu.memory_space<vmem>>, vector<1x16xf32>,
          %parallel_loop3A_420 = arith.index_cast %parallel_loop3A_106 : i32 to index
          %parallel_loop3A_421 = arith.constant 352 : index
          %parallel_loop3A_422 = tpu.vector_load %arg9[%parallel_loop3A_420, %parallel_loop3A_421] {strides = array<i32>} : memref<16x768xf32, #tpu.memory_space<vmem>>, vector<1x16xf32>,
          %parallel_loop3A_423 = vector.shape_cast %parallel_loop3A_422 : vector<1x16xf32> to vector<16xf32>
          %parallel_loop3A_424 = arith.index_cast %parallel_loop3A_111 : i32 to index
          %parallel_loop3A_425 = arith.constant 352 : index
          %parallel_loop3A_426 = tpu.vector_load %arg13[%parallel_loop3A_424, %parallel_loop3A_425] {strides = array<i32>} : memref<77x768xf32, #tpu.memory_space<vmem>>, vector<1x16xf32>,
          %parallel_loop3A_427 = vector.shape_cast %parallel_loop3A_426 : vector<1x16xf32> to vector<16xf32>
          %parallel_loop3A_428 = arith.addf %parallel_loop3A_423, %parallel_loop3A_427 : vector<16xf32>
          %parallel_loop3A_429 = arith.index_cast %parallel_loop3A_106 : i32 to index
          %parallel_loop3A_430 = arith.constant 352 : index
          %parallel_loop3A_431 = tpu.vector_load %arg11[%parallel_loop3A_429, %parallel_loop3A_430] {strides = array<i32>} : memref<16x768xf32, #tpu.memory_space<vmem>>, vector<1x16xf32>,
          %parallel_loop3A_432 = vector.shape_cast %parallel_loop3A_431 : vector<1x16xf32> to vector<16xf32>
          %parallel_loop3A_433 = vector.shape_cast %parallel_loop3A_428 : vector<16xf32> to vector<1x16xf32>
          tpu.vector_store %arg11[%parallel_loop3A_429, %parallel_loop3A_430], %parallel_loop3A_433 {strides = array<i32>} : memref<16x768xf32, #tpu.memory_space<vmem>>, vector<1x16xf32>,
          %parallel_loop3A_434 = arith.index_cast %parallel_loop3A_106 : i32 to index
          %parallel_loop3A_435 = arith.constant 368 : index
          %parallel_loop3A_436 = tpu.vector_load %arg9[%parallel_loop3A_434, %parallel_loop3A_435] {strides = array<i32>} : memref<16x768xf32, #tpu.memory_space<vmem>>, vector<1x16xf32>,
          %parallel_loop3A_437 = vector.shape_cast %parallel_loop3A_436 : vector<1x16xf32> to vector<16xf32>
          %parallel_loop3A_438 = arith.index_cast %parallel_loop3A_111 : i32 to index
          %parallel_loop3A_439 = arith.constant 368 : index
          %parallel_loop3A_440 = tpu.vector_load %arg13[%parallel_loop3A_438, %parallel_loop3A_439] {strides = array<i32>} : memref<77x768xf32, #tpu.memory_space<vmem>>, vector<1x16xf32>,
          %parallel_loop3A_441 = vector.shape_cast %parallel_loop3A_440 : vector<1x16xf32> to vector<16xf32>
          %parallel_loop3A_442 = arith.addf %parallel_loop3A_437, %parallel_loop3A_441 : vector<16xf32>
          %parallel_loop3A_443 = arith.index_cast %parallel_loop3A_106 : i32 to index
          %parallel_loop3A_444 = arith.constant 368 : index
          %parallel_loop3A_445 = tpu.vector_load %arg11[%parallel_loop3A_443, %parallel_loop3A_444] {strides = array<i32>} : memref<16x768xf32, #tpu.memory_space<vmem>>, vector<1x16xf32>,
          %parallel_loop3A_446 = vector.shape_cast %parallel_loop3A_445 : vector<1x16xf32> to vector<16xf32>
          %parallel_loop3A_447 = vector.shape_cast %parallel_loop3A_442 : vector<16xf32> to vector<1x16xf32>
          tpu.vector_store %arg11[%parallel_loop3A_443, %parallel_loop3A_444], %parallel_loop3A_447 {strides = array<i32>} : memref<16x768xf32, #tpu.memory_space<vmem>>, vector<1x16xf32>,
          %parallel_loop3A_448 = arith.index_cast %parallel_loop3A_106 : i32 to index
          %parallel_loop3A_449 = arith.constant 384 : index
          %parallel_loop3A_450 = tpu.vector_load %arg9[%parallel_loop3A_448, %parallel_loop3A_449] {strides = array<i32>} : memref<16x768xf32, #tpu.memory_space<vmem>>, vector<1x16xf32>,
          %parallel_loop3A_451 = vector.shape_cast %parallel_loop3A_450 : vector<1x16xf32> to vector<16xf32>
          %parallel_loop3A_452 = arith.index_cast %parallel_loop3A_111 : i32 to index
          %parallel_loop3A_453 = arith.constant 384 : index
          %parallel_loop3A_454 = tpu.vector_load %arg13[%parallel_loop3A_452, %parallel_loop3A_453] {strides = array<i32>} : memref<77x768xf32, #tpu.memory_space<vmem>>, vector<1x16xf32>,
          %parallel_loop3A_455 = vector.shape_cast %parallel_loop3A_454 : vector<1x16xf32> to vector<16xf32>
          %parallel_loop3A_456 = arith.addf %parallel_loop3A_451, %parallel_loop3A_455 : vector<16xf32>
          %parallel_loop3A_457 = arith.index_cast %parallel_loop3A_106 : i32 to index
          %parallel_loop3A_458 = arith.constant 384 : index
          %parallel_loop3A_459 = tpu.vector_load %arg11[%parallel_loop3A_457, %parallel_loop3A_458] {strides = array<i32>} : memref<16x768xf32, #tpu.memory_space<vmem>>, vector<1x16xf32>,
          %parallel_loop3A_460 = vector.shape_cast %parallel_loop3A_459 : vector<1x16xf32> to vector<16xf32>
          %parallel_loop3A_461 = vector.shape_cast %parallel_loop3A_456 : vector<16xf32> to vector<1x16xf32>
          tpu.vector_store %arg11[%parallel_loop3A_457, %parallel_loop3A_458], %parallel_loop3A_461 {strides = array<i32>} : memref<16x768xf32, #tpu.memory_space<vmem>>, vector<1x16xf32>,
          %parallel_loop3A_462 = arith.index_cast %parallel_loop3A_106 : i32 to index
          %parallel_loop3A_463 = arith.constant 400 : index
          %parallel_loop3A_464 = tpu.vector_load %arg9[%parallel_loop3A_462, %parallel_loop3A_463] {strides = array<i32>} : memref<16x768xf32, #tpu.memory_space<vmem>>, vector<1x16xf32>,
          %parallel_loop3A_465 = vector.shape_cast %parallel_loop3A_464 : vector<1x16xf32> to vector<16xf32>
          %parallel_loop3A_466 = arith.index_cast %parallel_loop3A_111 : i32 to index
          %parallel_loop3A_467 = arith.constant 400 : index
          %parallel_loop3A_468 = tpu.vector_load %arg13[%parallel_loop3A_466, %parallel_loop3A_467] {strides = array<i32>} : memref<77x768xf32, #tpu.memory_space<vmem>>, vector<1x16xf32>,
          %parallel_loop3A_469 = vector.shape_cast %parallel_loop3A_468 : vector<1x16xf32> to vector<16xf32>
          %parallel_loop3A_470 = arith.addf %parallel_loop3A_465, %parallel_loop3A_469 : vector<16xf32>
          %parallel_loop3A_471 = arith.index_cast %parallel_loop3A_106 : i32 to index
          %parallel_loop3A_472 = arith.constant 400 : index
          %parallel_loop3A_473 = tpu.vector_load %arg11[%parallel_loop3A_471, %parallel_loop3A_472] {strides = array<i32>} : memref<16x768xf32, #tpu.memory_space<vmem>>, vector<1x16xf32>,
          %parallel_loop3A_474 = vector.shape_cast %parallel_loop3A_473 : vector<1x16xf32> to vector<16xf32>
          %parallel_loop3A_475 = vector.shape_cast %parallel_loop3A_470 : vector<16xf32> to vector<1x16xf32>
          tpu.vector_store %arg11[%parallel_loop3A_471, %parallel_loop3A_472], %parallel_loop3A_475 {strides = array<i32>} : memref<16x768xf32, #tpu.memory_space<vmem>>, vector<1x16xf32>,
          %parallel_loop3A_476 = arith.index_cast %parallel_loop3A_106 : i32 to index
          %parallel_loop3A_477 = arith.constant 416 : index
          %parallel_loop3A_478 = tpu.vector_load %arg9[%parallel_loop3A_476, %parallel_loop3A_477] {strides = array<i32>} : memref<16x768xf32, #tpu.memory_space<vmem>>, vector<1x16xf32>,
          %parallel_loop3A_479 = vector.shape_cast %parallel_loop3A_478 : vector<1x16xf32> to vector<16xf32>
          %parallel_loop3A_480 = arith.index_cast %parallel_loop3A_111 : i32 to index
          %parallel_loop3A_481 = arith.constant 416 : index
          %parallel_loop3A_482 = tpu.vector_load %arg13[%parallel_loop3A_480, %parallel_loop3A_481] {strides = array<i32>} : memref<77x768xf32, #tpu.memory_space<vmem>>, vector<1x16xf32>,
          %parallel_loop3A_483 = vector.shape_cast %parallel_loop3A_482 : vector<1x16xf32> to vector<16xf32>
          %parallel_loop3A_484 = arith.addf %parallel_loop3A_479, %parallel_loop3A_483 : vector<16xf32>
          %parallel_loop3A_485 = arith.index_cast %parallel_loop3A_106 : i32 to index
          %parallel_loop3A_486 = arith.constant 416 : index
          %parallel_loop3A_487 = tpu.vector_load %arg11[%parallel_loop3A_485, %parallel_loop3A_486] {strides = array<i32>} : memref<16x768xf32, #tpu.memory_space<vmem>>, vector<1x16xf32>,
          %parallel_loop3A_488 = vector.shape_cast %parallel_loop3A_487 : vector<1x16xf32> to vector<16xf32>
          %parallel_loop3A_489 = vector.shape_cast %parallel_loop3A_484 : vector<16xf32> to vector<1x16xf32>
          tpu.vector_store %arg11[%parallel_loop3A_485, %parallel_loop3A_486], %parallel_loop3A_489 {strides = array<i32>} : memref<16x768xf32, #tpu.memory_space<vmem>>, vector<1x16xf32>,
          %parallel_loop3A_490 = arith.index_cast %parallel_loop3A_106 : i32 to index
          %parallel_loop3A_491 = arith.constant 432 : index
          %parallel_loop3A_492 = tpu.vector_load %arg9[%parallel_loop3A_490, %parallel_loop3A_491] {strides = array<i32>} : memref<16x768xf32, #tpu.memory_space<vmem>>, vector<1x16xf32>,
          %parallel_loop3A_493 = vector.shape_cast %parallel_loop3A_492 : vector<1x16xf32> to vector<16xf32>
          %parallel_loop3A_494 = arith.index_cast %parallel_loop3A_111 : i32 to index
          %parallel_loop3A_495 = arith.constant 432 : index
          %parallel_loop3A_496 = tpu.vector_load %arg13[%parallel_loop3A_494, %parallel_loop3A_495] {strides = array<i32>} : memref<77x768xf32, #tpu.memory_space<vmem>>, vector<1x16xf32>,
          %parallel_loop3A_497 = vector.shape_cast %parallel_loop3A_496 : vector<1x16xf32> to vector<16xf32>
          %parallel_loop3A_498 = arith.addf %parallel_loop3A_493, %parallel_loop3A_497 : vector<16xf32>
          %parallel_loop3A_499 = arith.index_cast %parallel_loop3A_106 : i32 to index
          %parallel_loop3A_500 = arith.constant 432 : index
          %parallel_loop3A_501 = tpu.vector_load %arg11[%parallel_loop3A_499, %parallel_loop3A_500] {strides = array<i32>} : memref<16x768xf32, #tpu.memory_space<vmem>>, vector<1x16xf32>,
          %parallel_loop3A_502 = vector.shape_cast %parallel_loop3A_501 : vector<1x16xf32> to vector<16xf32>
          %parallel_loop3A_503 = vector.shape_cast %parallel_loop3A_498 : vector<16xf32> to vector<1x16xf32>
          tpu.vector_store %arg11[%parallel_loop3A_499, %parallel_loop3A_500], %parallel_loop3A_503 {strides = array<i32>} : memref<16x768xf32, #tpu.memory_space<vmem>>, vector<1x16xf32>,
          %parallel_loop3A_504 = arith.index_cast %parallel_loop3A_106 : i32 to index
          %parallel_loop3A_505 = arith.constant 448 : index
          %parallel_loop3A_506 = tpu.vector_load %arg9[%parallel_loop3A_504, %parallel_loop3A_505] {strides = array<i32>} : memref<16x768xf32, #tpu.memory_space<vmem>>, vector<1x16xf32>,
          %parallel_loop3A_507 = vector.shape_cast %parallel_loop3A_506 : vector<1x16xf32> to vector<16xf32>
          %parallel_loop3A_508 = arith.index_cast %parallel_loop3A_111 : i32 to index
          %parallel_loop3A_509 = arith.constant 448 : index
          %parallel_loop3A_510 = tpu.vector_load %arg13[%parallel_loop3A_508, %parallel_loop3A_509] {strides = array<i32>} : memref<77x768xf32, #tpu.memory_space<vmem>>, vector<1x16xf32>,
          %parallel_loop3A_511 = vector.shape_cast %parallel_loop3A_510 : vector<1x16xf32> to vector<16xf32>
          %parallel_loop3A_512 = arith.addf %parallel_loop3A_507, %parallel_loop3A_511 : vector<16xf32>
          %parallel_loop3A_513 = arith.index_cast %parallel_loop3A_106 : i32 to index
          %parallel_loop3A_514 = arith.constant 448 : index
          %parallel_loop3A_515 = tpu.vector_load %arg11[%parallel_loop3A_513, %parallel_loop3A_514] {strides = array<i32>} : memref<16x768xf32, #tpu.memory_space<vmem>>, vector<1x16xf32>,
          %parallel_loop3A_516 = vector.shape_cast %parallel_loop3A_515 : vector<1x16xf32> to vector<16xf32>
          %parallel_loop3A_517 = vector.shape_cast %parallel_loop3A_512 : vector<16xf32> to vector<1x16xf32>
          tpu.vector_store %arg11[%parallel_loop3A_513, %parallel_loop3A_514], %parallel_loop3A_517 {strides = array<i32>} : memref<16x768xf32, #tpu.memory_space<vmem>>, vector<1x16xf32>,
          %parallel_loop3A_518 = arith.index_cast %parallel_loop3A_106 : i32 to index
          %parallel_loop3A_519 = arith.constant 464 : index
          %parallel_loop3A_520 = tpu.vector_load %arg9[%parallel_loop3A_518, %parallel_loop3A_519] {strides = array<i32>} : memref<16x768xf32, #tpu.memory_space<vmem>>, vector<1x16xf32>,
          %parallel_loop3A_521 = vector.shape_cast %parallel_loop3A_520 : vector<1x16xf32> to vector<16xf32>
          %parallel_loop3A_522 = arith.index_cast %parallel_loop3A_111 : i32 to index
          %parallel_loop3A_523 = arith.constant 464 : index
          %parallel_loop3A_524 = tpu.vector_load %arg13[%parallel_loop3A_522, %parallel_loop3A_523] {strides = array<i32>} : memref<77x768xf32, #tpu.memory_space<vmem>>, vector<1x16xf32>,
          %parallel_loop3A_525 = vector.shape_cast %parallel_loop3A_524 : vector<1x16xf32> to vector<16xf32>
          %parallel_loop3A_526 = arith.addf %parallel_loop3A_521, %parallel_loop3A_525 : vector<16xf32>
          %parallel_loop3A_527 = arith.index_cast %parallel_loop3A_106 : i32 to index
          %parallel_loop3A_528 = arith.constant 464 : index
          %parallel_loop3A_529 = tpu.vector_load %arg11[%parallel_loop3A_527, %parallel_loop3A_528] {strides = array<i32>} : memref<16x768xf32, #tpu.memory_space<vmem>>, vector<1x16xf32>,
          %parallel_loop3A_530 = vector.shape_cast %parallel_loop3A_529 : vector<1x16xf32> to vector<16xf32>
          %parallel_loop3A_531 = vector.shape_cast %parallel_loop3A_526 : vector<16xf32> to vector<1x16xf32>
          tpu.vector_store %arg11[%parallel_loop3A_527, %parallel_loop3A_528], %parallel_loop3A_531 {strides = array<i32>} : memref<16x768xf32, #tpu.memory_space<vmem>>, vector<1x16xf32>,
          %parallel_loop3A_532 = arith.index_cast %parallel_loop3A_106 : i32 to index
          %parallel_loop3A_533 = arith.constant 480 : index
          %parallel_loop3A_534 = tpu.vector_load %arg9[%parallel_loop3A_532, %parallel_loop3A_533] {strides = array<i32>} : memref<16x768xf32, #tpu.memory_space<vmem>>, vector<1x16xf32>,
          %parallel_loop3A_535 = vector.shape_cast %parallel_loop3A_534 : vector<1x16xf32> to vector<16xf32>
          %parallel_loop3A_536 = arith.index_cast %parallel_loop3A_111 : i32 to index
          %parallel_loop3A_537 = arith.constant 480 : index
          %parallel_loop3A_538 = tpu.vector_load %arg13[%parallel_loop3A_536, %parallel_loop3A_537] {strides = array<i32>} : memref<77x768xf32, #tpu.memory_space<vmem>>, vector<1x16xf32>,
          %parallel_loop3A_539 = vector.shape_cast %parallel_loop3A_538 : vector<1x16xf32> to vector<16xf32>
          %parallel_loop3A_540 = arith.addf %parallel_loop3A_535, %parallel_loop3A_539 : vector<16xf32>
          %parallel_loop3A_541 = arith.index_cast %parallel_loop3A_106 : i32 to index
          %parallel_loop3A_542 = arith.constant 480 : index
          %parallel_loop3A_543 = tpu.vector_load %arg11[%parallel_loop3A_541, %parallel_loop3A_542] {strides = array<i32>} : memref<16x768xf32, #tpu.memory_space<vmem>>, vector<1x16xf32>,
          %parallel_loop3A_544 = vector.shape_cast %parallel_loop3A_543 : vector<1x16xf32> to vector<16xf32>
          %parallel_loop3A_545 = vector.shape_cast %parallel_loop3A_540 : vector<16xf32> to vector<1x16xf32>
          tpu.vector_store %arg11[%parallel_loop3A_541, %parallel_loop3A_542], %parallel_loop3A_545 {strides = array<i32>} : memref<16x768xf32, #tpu.memory_space<vmem>>, vector<1x16xf32>,
          %parallel_loop3A_546 = arith.index_cast %parallel_loop3A_106 : i32 to index
          %parallel_loop3A_547 = arith.constant 496 : index
          %parallel_loop3A_548 = tpu.vector_load %arg9[%parallel_loop3A_546, %parallel_loop3A_547] {strides = array<i32>} : memref<16x768xf32, #tpu.memory_space<vmem>>, vector<1x16xf32>,
          %parallel_loop3A_549 = vector.shape_cast %parallel_loop3A_548 : vector<1x16xf32> to vector<16xf32>
          %parallel_loop3A_550 = arith.index_cast %parallel_loop3A_111 : i32 to index
          %parallel_loop3A_551 = arith.constant 496 : index
          %parallel_loop3A_552 = tpu.vector_load %arg13[%parallel_loop3A_550, %parallel_loop3A_551] {strides = array<i32>} : memref<77x768xf32, #tpu.memory_space<vmem>>, vector<1x16xf32>,
          %parallel_loop3A_553 = vector.shape_cast %parallel_loop3A_552 : vector<1x16xf32> to vector<16xf32>
          %parallel_loop3A_554 = arith.addf %parallel_loop3A_549, %parallel_loop3A_553 : vector<16xf32>
          %parallel_loop3A_555 = arith.index_cast %parallel_loop3A_106 : i32 to index
          %parallel_loop3A_556 = arith.constant 496 : index
          %parallel_loop3A_557 = tpu.vector_load %arg11[%parallel_loop3A_555, %parallel_loop3A_556] {strides = array<i32>} : memref<16x768xf32, #tpu.memory_space<vmem>>, vector<1x16xf32>,
          %parallel_loop3A_558 = vector.shape_cast %parallel_loop3A_557 : vector<1x16xf32> to vector<16xf32>
          %parallel_loop3A_559 = vector.shape_cast %parallel_loop3A_554 : vector<16xf32> to vector<1x16xf32>
          tpu.vector_store %arg11[%parallel_loop3A_555, %parallel_loop3A_556], %parallel_loop3A_559 {strides = array<i32>} : memref<16x768xf32, #tpu.memory_space<vmem>>, vector<1x16xf32>,
          %parallel_loop3A_560 = arith.index_cast %parallel_loop3A_106 : i32 to index
          %parallel_loop3A_561 = arith.constant 512 : index
          %parallel_loop3A_562 = tpu.vector_load %arg9[%parallel_loop3A_560, %parallel_loop3A_561] {strides = array<i32>} : memref<16x768xf32, #tpu.memory_space<vmem>>, vector<1x16xf32>,
          %parallel_loop3A_563 = vector.shape_cast %parallel_loop3A_562 : vector<1x16xf32> to vector<16xf32>
          %parallel_loop3A_564 = arith.index_cast %parallel_loop3A_111 : i32 to index
          %parallel_loop3A_565 = arith.constant 512 : index
          %parallel_loop3A_566 = tpu.vector_load %arg13[%parallel_loop3A_564, %parallel_loop3A_565] {strides = array<i32>} : memref<77x768xf32, #tpu.memory_space<vmem>>, vector<1x16xf32>,
          %parallel_loop3A_567 = vector.shape_cast %parallel_loop3A_566 : vector<1x16xf32> to vector<16xf32>
          %parallel_loop3A_568 = arith.addf %parallel_loop3A_563, %parallel_loop3A_567 : vector<16xf32>
          %parallel_loop3A_569 = arith.index_cast %parallel_loop3A_106 : i32 to index
          %parallel_loop3A_570 = arith.constant 512 : index
          %parallel_loop3A_571 = tpu.vector_load %arg11[%parallel_loop3A_569, %parallel_loop3A_570] {strides = array<i32>} : memref<16x768xf32, #tpu.memory_space<vmem>>, vector<1x16xf32>,
          %parallel_loop3A_572 = vector.shape_cast %parallel_loop3A_571 : vector<1x16xf32> to vector<16xf32>
          %parallel_loop3A_573 = vector.shape_cast %parallel_loop3A_568 : vector<16xf32> to vector<1x16xf32>
          tpu.vector_store %arg11[%parallel_loop3A_569, %parallel_loop3A_570], %parallel_loop3A_573 {strides = array<i32>} : memref<16x768xf32, #tpu.memory_space<vmem>>, vector<1x16xf32>,
          %parallel_loop3A_574 = arith.index_cast %parallel_loop3A_106 : i32 to index
          %parallel_loop3A_575 = arith.constant 528 : index
          %parallel_loop3A_576 = tpu.vector_load %arg9[%parallel_loop3A_574, %parallel_loop3A_575] {strides = array<i32>} : memref<16x768xf32, #tpu.memory_space<vmem>>, vector<1x16xf32>,
          %parallel_loop3A_577 = vector.shape_cast %parallel_loop3A_576 : vector<1x16xf32> to vector<16xf32>
          %parallel_loop3A_578 = arith.index_cast %parallel_loop3A_111 : i32 to index
          %parallel_loop3A_579 = arith.constant 528 : index
          %parallel_loop3A_580 = tpu.vector_load %arg13[%parallel_loop3A_578, %parallel_loop3A_579] {strides = array<i32>} : memref<77x768xf32, #tpu.memory_space<vmem>>, vector<1x16xf32>,
          %parallel_loop3A_581 = vector.shape_cast %parallel_loop3A_580 : vector<1x16xf32> to vector<16xf32>
          %parallel_loop3A_582 = arith.addf %parallel_loop3A_577, %parallel_loop3A_581 : vector<16xf32>
          %parallel_loop3A_583 = arith.index_cast %parallel_loop3A_106 : i32 to index
          %parallel_loop3A_584 = arith.constant 528 : index
          %parallel_loop3A_585 = tpu.vector_load %arg11[%parallel_loop3A_583, %parallel_loop3A_584] {strides = array<i32>} : memref<16x768xf32, #tpu.memory_space<vmem>>, vector<1x16xf32>,
          %parallel_loop3A_586 = vector.shape_cast %parallel_loop3A_585 : vector<1x16xf32> to vector<16xf32>
          %parallel_loop3A_587 = vector.shape_cast %parallel_loop3A_582 : vector<16xf32> to vector<1x16xf32>
          tpu.vector_store %arg11[%parallel_loop3A_583, %parallel_loop3A_584], %parallel_loop3A_587 {strides = array<i32>} : memref<16x768xf32, #tpu.memory_space<vmem>>, vector<1x16xf32>,
          %parallel_loop3A_588 = arith.index_cast %parallel_loop3A_106 : i32 to index
          %parallel_loop3A_589 = arith.constant 544 : index
          %parallel_loop3A_590 = tpu.vector_load %arg9[%parallel_loop3A_588, %parallel_loop3A_589] {strides = array<i32>} : memref<16x768xf32, #tpu.memory_space<vmem>>, vector<1x16xf32>,
          %parallel_loop3A_591 = vector.shape_cast %parallel_loop3A_590 : vector<1x16xf32> to vector<16xf32>
          %parallel_loop3A_592 = arith.index_cast %parallel_loop3A_111 : i32 to index
          %parallel_loop3A_593 = arith.constant 544 : index
          %parallel_loop3A_594 = tpu.vector_load %arg13[%parallel_loop3A_592, %parallel_loop3A_593] {strides = array<i32>} : memref<77x768xf32, #tpu.memory_space<vmem>>, vector<1x16xf32>,
          %parallel_loop3A_595 = vector.shape_cast %parallel_loop3A_594 : vector<1x16xf32> to vector<16xf32>
          %parallel_loop3A_596 = arith.addf %parallel_loop3A_591, %parallel_loop3A_595 : vector<16xf32>
          %parallel_loop3A_597 = arith.index_cast %parallel_loop3A_106 : i32 to index
          %parallel_loop3A_598 = arith.constant 544 : index
          %parallel_loop3A_599 = tpu.vector_load %arg11[%parallel_loop3A_597, %parallel_loop3A_598] {strides = array<i32>} : memref<16x768xf32, #tpu.memory_space<vmem>>, vector<1x16xf32>,
          %parallel_loop3A_600 = vector.shape_cast %parallel_loop3A_599 : vector<1x16xf32> to vector<16xf32>
          %parallel_loop3A_601 = vector.shape_cast %parallel_loop3A_596 : vector<16xf32> to vector<1x16xf32>
          tpu.vector_store %arg11[%parallel_loop3A_597, %parallel_loop3A_598], %parallel_loop3A_601 {strides = array<i32>} : memref<16x768xf32, #tpu.memory_space<vmem>>, vector<1x16xf32>,
          %parallel_loop3A_602 = arith.index_cast %parallel_loop3A_106 : i32 to index
          %parallel_loop3A_603 = arith.constant 560 : index
          %parallel_loop3A_604 = tpu.vector_load %arg9[%parallel_loop3A_602, %parallel_loop3A_603] {strides = array<i32>} : memref<16x768xf32, #tpu.memory_space<vmem>>, vector<1x16xf32>,
          %parallel_loop3A_605 = vector.shape_cast %parallel_loop3A_604 : vector<1x16xf32> to vector<16xf32>
          %parallel_loop3A_606 = arith.index_cast %parallel_loop3A_111 : i32 to index
          %parallel_loop3A_607 = arith.constant 560 : index
          %parallel_loop3A_608 = tpu.vector_load %arg13[%parallel_loop3A_606, %parallel_loop3A_607] {strides = array<i32>} : memref<77x768xf32, #tpu.memory_space<vmem>>, vector<1x16xf32>,
          %parallel_loop3A_609 = vector.shape_cast %parallel_loop3A_608 : vector<1x16xf32> to vector<16xf32>
          %parallel_loop3A_610 = arith.addf %parallel_loop3A_605, %parallel_loop3A_609 : vector<16xf32>
          %parallel_loop3A_611 = arith.index_cast %parallel_loop3A_106 : i32 to index
          %parallel_loop3A_612 = arith.constant 560 : index
          %parallel_loop3A_613 = tpu.vector_load %arg11[%parallel_loop3A_611, %parallel_loop3A_612] {strides = array<i32>} : memref<16x768xf32, #tpu.memory_space<vmem>>, vector<1x16xf32>,
          %parallel_loop3A_614 = vector.shape_cast %parallel_loop3A_613 : vector<1x16xf32> to vector<16xf32>
          %parallel_loop3A_615 = vector.shape_cast %parallel_loop3A_610 : vector<16xf32> to vector<1x16xf32>
          tpu.vector_store %arg11[%parallel_loop3A_611, %parallel_loop3A_612], %parallel_loop3A_615 {strides = array<i32>} : memref<16x768xf32, #tpu.memory_space<vmem>>, vector<1x16xf32>,
          %parallel_loop3A_616 = arith.index_cast %parallel_loop3A_106 : i32 to index
          %parallel_loop3A_617 = arith.constant 576 : index
          %parallel_loop3A_618 = tpu.vector_load %arg9[%parallel_loop3A_616, %parallel_loop3A_617] {strides = array<i32>} : memref<16x768xf32, #tpu.memory_space<vmem>>, vector<1x16xf32>,
          %parallel_loop3A_619 = vector.shape_cast %parallel_loop3A_618 : vector<1x16xf32> to vector<16xf32>
          %parallel_loop3A_620 = arith.index_cast %parallel_loop3A_111 : i32 to index
          %parallel_loop3A_621 = arith.constant 576 : index
          %parallel_loop3A_622 = tpu.vector_load %arg13[%parallel_loop3A_620, %parallel_loop3A_621] {strides = array<i32>} : memref<77x768xf32, #tpu.memory_space<vmem>>, vector<1x16xf32>,
          %parallel_loop3A_623 = vector.shape_cast %parallel_loop3A_622 : vector<1x16xf32> to vector<16xf32>
          %parallel_loop3A_624 = arith.addf %parallel_loop3A_619, %parallel_loop3A_623 : vector<16xf32>
          %parallel_loop3A_625 = arith.index_cast %parallel_loop3A_106 : i32 to index
          %parallel_loop3A_626 = arith.constant 576 : index
          %parallel_loop3A_627 = tpu.vector_load %arg11[%parallel_loop3A_625, %parallel_loop3A_626] {strides = array<i32>} : memref<16x768xf32, #tpu.memory_space<vmem>>, vector<1x16xf32>,
          %parallel_loop3A_628 = vector.shape_cast %parallel_loop3A_627 : vector<1x16xf32> to vector<16xf32>
          %parallel_loop3A_629 = vector.shape_cast %parallel_loop3A_624 : vector<16xf32> to vector<1x16xf32>
          tpu.vector_store %arg11[%parallel_loop3A_625, %parallel_loop3A_626], %parallel_loop3A_629 {strides = array<i32>} : memref<16x768xf32, #tpu.memory_space<vmem>>, vector<1x16xf32>,
          %parallel_loop3A_630 = arith.index_cast %parallel_loop3A_106 : i32 to index
          %parallel_loop3A_631 = arith.constant 592 : index
          %parallel_loop3A_632 = tpu.vector_load %arg9[%parallel_loop3A_630, %parallel_loop3A_631] {strides = array<i32>} : memref<16x768xf32, #tpu.memory_space<vmem>>, vector<1x16xf32>,
          %parallel_loop3A_633 = vector.shape_cast %parallel_loop3A_632 : vector<1x16xf32> to vector<16xf32>
          %parallel_loop3A_634 = arith.index_cast %parallel_loop3A_111 : i32 to index
          %parallel_loop3A_635 = arith.constant 592 : index
          %parallel_loop3A_636 = tpu.vector_load %arg13[%parallel_loop3A_634, %parallel_loop3A_635] {strides = array<i32>} : memref<77x768xf32, #tpu.memory_space<vmem>>, vector<1x16xf32>,
          %parallel_loop3A_637 = vector.shape_cast %parallel_loop3A_636 : vector<1x16xf32> to vector<16xf32>
          %parallel_loop3A_638 = arith.addf %parallel_loop3A_633, %parallel_loop3A_637 : vector<16xf32>
          %parallel_loop3A_639 = arith.index_cast %parallel_loop3A_106 : i32 to index
          %parallel_loop3A_640 = arith.constant 592 : index
          %parallel_loop3A_641 = tpu.vector_load %arg11[%parallel_loop3A_639, %parallel_loop3A_640] {strides = array<i32>} : memref<16x768xf32, #tpu.memory_space<vmem>>, vector<1x16xf32>,
          %parallel_loop3A_642 = vector.shape_cast %parallel_loop3A_641 : vector<1x16xf32> to vector<16xf32>
          %parallel_loop3A_643 = vector.shape_cast %parallel_loop3A_638 : vector<16xf32> to vector<1x16xf32>
          tpu.vector_store %arg11[%parallel_loop3A_639, %parallel_loop3A_640], %parallel_loop3A_643 {strides = array<i32>} : memref<16x768xf32, #tpu.memory_space<vmem>>, vector<1x16xf32>,
          %parallel_loop3A_644 = arith.index_cast %parallel_loop3A_106 : i32 to index
          %parallel_loop3A_645 = arith.constant 608 : index
          %parallel_loop3A_646 = tpu.vector_load %arg9[%parallel_loop3A_644, %parallel_loop3A_645] {strides = array<i32>} : memref<16x768xf32, #tpu.memory_space<vmem>>, vector<1x16xf32>,
          %parallel_loop3A_647 = vector.shape_cast %parallel_loop3A_646 : vector<1x16xf32> to vector<16xf32>
          %parallel_loop3A_648 = arith.index_cast %parallel_loop3A_111 : i32 to index
          %parallel_loop3A_649 = arith.constant 608 : index
          %parallel_loop3A_650 = tpu.vector_load %arg13[%parallel_loop3A_648, %parallel_loop3A_649] {strides = array<i32>} : memref<77x768xf32, #tpu.memory_space<vmem>>, vector<1x16xf32>,
          %parallel_loop3A_651 = vector.shape_cast %parallel_loop3A_650 : vector<1x16xf32> to vector<16xf32>
          %parallel_loop3A_652 = arith.addf %parallel_loop3A_647, %parallel_loop3A_651 : vector<16xf32>
          %parallel_loop3A_653 = arith.index_cast %parallel_loop3A_106 : i32 to index
          %parallel_loop3A_654 = arith.constant 608 : index
          %parallel_loop3A_655 = tpu.vector_load %arg11[%parallel_loop3A_653, %parallel_loop3A_654] {strides = array<i32>} : memref<16x768xf32, #tpu.memory_space<vmem>>, vector<1x16xf32>,
          %parallel_loop3A_656 = vector.shape_cast %parallel_loop3A_655 : vector<1x16xf32> to vector<16xf32>
          %parallel_loop3A_657 = vector.shape_cast %parallel_loop3A_652 : vector<16xf32> to vector<1x16xf32>
          tpu.vector_store %arg11[%parallel_loop3A_653, %parallel_loop3A_654], %parallel_loop3A_657 {strides = array<i32>} : memref<16x768xf32, #tpu.memory_space<vmem>>, vector<1x16xf32>,
          %parallel_loop3A_658 = arith.index_cast %parallel_loop3A_106 : i32 to index
          %parallel_loop3A_659 = arith.constant 624 : index
          %parallel_loop3A_660 = tpu.vector_load %arg9[%parallel_loop3A_658, %parallel_loop3A_659] {strides = array<i32>} : memref<16x768xf32, #tpu.memory_space<vmem>>, vector<1x16xf32>,
          %parallel_loop3A_661 = vector.shape_cast %parallel_loop3A_660 : vector<1x16xf32> to vector<16xf32>
          %parallel_loop3A_662 = arith.index_cast %parallel_loop3A_111 : i32 to index
          %parallel_loop3A_663 = arith.constant 624 : index
          %parallel_loop3A_664 = tpu.vector_load %arg13[%parallel_loop3A_662, %parallel_loop3A_663] {strides = array<i32>} : memref<77x768xf32, #tpu.memory_space<vmem>>, vector<1x16xf32>,
          %parallel_loop3A_665 = vector.shape_cast %parallel_loop3A_664 : vector<1x16xf32> to vector<16xf32>
          %parallel_loop3A_666 = arith.addf %parallel_loop3A_661, %parallel_loop3A_665 : vector<16xf32>
          %parallel_loop3A_667 = arith.index_cast %parallel_loop3A_106 : i32 to index
          %parallel_loop3A_668 = arith.constant 624 : index
          %parallel_loop3A_669 = tpu.vector_load %arg11[%parallel_loop3A_667, %parallel_loop3A_668] {strides = array<i32>} : memref<16x768xf32, #tpu.memory_space<vmem>>, vector<1x16xf32>,
          %parallel_loop3A_670 = vector.shape_cast %parallel_loop3A_669 : vector<1x16xf32> to vector<16xf32>
          %parallel_loop3A_671 = vector.shape_cast %parallel_loop3A_666 : vector<16xf32> to vector<1x16xf32>
          tpu.vector_store %arg11[%parallel_loop3A_667, %parallel_loop3A_668], %parallel_loop3A_671 {strides = array<i32>} : memref<16x768xf32, #tpu.memory_space<vmem>>, vector<1x16xf32>,
          %parallel_loop3A_672 = arith.index_cast %parallel_loop3A_106 : i32 to index
          %parallel_loop3A_673 = arith.constant 640 : index
          %parallel_loop3A_674 = tpu.vector_load %arg9[%parallel_loop3A_672, %parallel_loop3A_673] {strides = array<i32>} : memref<16x768xf32, #tpu.memory_space<vmem>>, vector<1x16xf32>,
          %parallel_loop3A_675 = vector.shape_cast %parallel_loop3A_674 : vector<1x16xf32> to vector<16xf32>
          %parallel_loop3A_676 = arith.index_cast %parallel_loop3A_111 : i32 to index
          %parallel_loop3A_677 = arith.constant 640 : index
          %parallel_loop3A_678 = tpu.vector_load %arg13[%parallel_loop3A_676, %parallel_loop3A_677] {strides = array<i32>} : memref<77x768xf32, #tpu.memory_space<vmem>>, vector<1x16xf32>,
          %parallel_loop3A_679 = vector.shape_cast %parallel_loop3A_678 : vector<1x16xf32> to vector<16xf32>
          %parallel_loop3A_680 = arith.addf %parallel_loop3A_675, %parallel_loop3A_679 : vector<16xf32>
          %parallel_loop3A_681 = arith.index_cast %parallel_loop3A_106 : i32 to index
          %parallel_loop3A_682 = arith.constant 640 : index
          %parallel_loop3A_683 = tpu.vector_load %arg11[%parallel_loop3A_681, %parallel_loop3A_682] {strides = array<i32>} : memref<16x768xf32, #tpu.memory_space<vmem>>, vector<1x16xf32>,
          %parallel_loop3A_684 = vector.shape_cast %parallel_loop3A_683 : vector<1x16xf32> to vector<16xf32>
          %parallel_loop3A_685 = vector.shape_cast %parallel_loop3A_680 : vector<16xf32> to vector<1x16xf32>
          tpu.vector_store %arg11[%parallel_loop3A_681, %parallel_loop3A_682], %parallel_loop3A_685 {strides = array<i32>} : memref<16x768xf32, #tpu.memory_space<vmem>>, vector<1x16xf32>,
          %parallel_loop3A_686 = arith.index_cast %parallel_loop3A_106 : i32 to index
          %parallel_loop3A_687 = arith.constant 656 : index
          %parallel_loop3A_688 = tpu.vector_load %arg9[%parallel_loop3A_686, %parallel_loop3A_687] {strides = array<i32>} : memref<16x768xf32, #tpu.memory_space<vmem>>, vector<1x16xf32>,
          %parallel_loop3A_689 = vector.shape_cast %parallel_loop3A_688 : vector<1x16xf32> to vector<16xf32>
          %parallel_loop3A_690 = arith.index_cast %parallel_loop3A_111 : i32 to index
          %parallel_loop3A_691 = arith.constant 656 : index
          %parallel_loop3A_692 = tpu.vector_load %arg13[%parallel_loop3A_690, %parallel_loop3A_691] {strides = array<i32>} : memref<77x768xf32, #tpu.memory_space<vmem>>, vector<1x16xf32>,
          %parallel_loop3A_693 = vector.shape_cast %parallel_loop3A_692 : vector<1x16xf32> to vector<16xf32>
          %parallel_loop3A_694 = arith.addf %parallel_loop3A_689, %parallel_loop3A_693 : vector<16xf32>
          %parallel_loop3A_695 = arith.index_cast %parallel_loop3A_106 : i32 to index
          %parallel_loop3A_696 = arith.constant 656 : index
          %parallel_loop3A_697 = tpu.vector_load %arg11[%parallel_loop3A_695, %parallel_loop3A_696] {strides = array<i32>} : memref<16x768xf32, #tpu.memory_space<vmem>>, vector<1x16xf32>,
          %parallel_loop3A_698 = vector.shape_cast %parallel_loop3A_697 : vector<1x16xf32> to vector<16xf32>
          %parallel_loop3A_699 = vector.shape_cast %parallel_loop3A_694 : vector<16xf32> to vector<1x16xf32>
          tpu.vector_store %arg11[%parallel_loop3A_695, %parallel_loop3A_696], %parallel_loop3A_699 {strides = array<i32>} : memref<16x768xf32, #tpu.memory_space<vmem>>, vector<1x16xf32>,
          %parallel_loop3A_700 = arith.index_cast %parallel_loop3A_106 : i32 to index
          %parallel_loop3A_701 = arith.constant 672 : index
          %parallel_loop3A_702 = tpu.vector_load %arg9[%parallel_loop3A_700, %parallel_loop3A_701] {strides = array<i32>} : memref<16x768xf32, #tpu.memory_space<vmem>>, vector<1x16xf32>,
          %parallel_loop3A_703 = vector.shape_cast %parallel_loop3A_702 : vector<1x16xf32> to vector<16xf32>
          %parallel_loop3A_704 = arith.index_cast %parallel_loop3A_111 : i32 to index
          %parallel_loop3A_705 = arith.constant 672 : index
          %parallel_loop3A_706 = tpu.vector_load %arg13[%parallel_loop3A_704, %parallel_loop3A_705] {strides = array<i32>} : memref<77x768xf32, #tpu.memory_space<vmem>>, vector<1x16xf32>,
          %parallel_loop3A_707 = vector.shape_cast %parallel_loop3A_706 : vector<1x16xf32> to vector<16xf32>
          %parallel_loop3A_708 = arith.addf %parallel_loop3A_703, %parallel_loop3A_707 : vector<16xf32>
          %parallel_loop3A_709 = arith.index_cast %parallel_loop3A_106 : i32 to index
          %parallel_loop3A_710 = arith.constant 672 : index
          %parallel_loop3A_711 = tpu.vector_load %arg11[%parallel_loop3A_709, %parallel_loop3A_710] {strides = array<i32>} : memref<16x768xf32, #tpu.memory_space<vmem>>, vector<1x16xf32>,
          %parallel_loop3A_712 = vector.shape_cast %parallel_loop3A_711 : vector<1x16xf32> to vector<16xf32>
          %parallel_loop3A_713 = vector.shape_cast %parallel_loop3A_708 : vector<16xf32> to vector<1x16xf32>
          tpu.vector_store %arg11[%parallel_loop3A_709, %parallel_loop3A_710], %parallel_loop3A_713 {strides = array<i32>} : memref<16x768xf32, #tpu.memory_space<vmem>>, vector<1x16xf32>,
          %parallel_loop3A_714 = arith.index_cast %parallel_loop3A_106 : i32 to index
          %parallel_loop3A_715 = arith.constant 688 : index
          %parallel_loop3A_716 = tpu.vector_load %arg9[%parallel_loop3A_714, %parallel_loop3A_715] {strides = array<i32>} : memref<16x768xf32, #tpu.memory_space<vmem>>, vector<1x16xf32>,
          %parallel_loop3A_717 = vector.shape_cast %parallel_loop3A_716 : vector<1x16xf32> to vector<16xf32>
          %parallel_loop3A_718 = arith.index_cast %parallel_loop3A_111 : i32 to index
          %parallel_loop3A_719 = arith.constant 688 : index
          %parallel_loop3A_720 = tpu.vector_load %arg13[%parallel_loop3A_718, %parallel_loop3A_719] {strides = array<i32>} : memref<77x768xf32, #tpu.memory_space<vmem>>, vector<1x16xf32>,
          %parallel_loop3A_721 = vector.shape_cast %parallel_loop3A_720 : vector<1x16xf32> to vector<16xf32>
          %parallel_loop3A_722 = arith.addf %parallel_loop3A_717, %parallel_loop3A_721 : vector<16xf32>
          %parallel_loop3A_723 = arith.index_cast %parallel_loop3A_106 : i32 to index
          %parallel_loop3A_724 = arith.constant 688 : index
          %parallel_loop3A_725 = tpu.vector_load %arg11[%parallel_loop3A_723, %parallel_loop3A_724] {strides = array<i32>} : memref<16x768xf32, #tpu.memory_space<vmem>>, vector<1x16xf32>,
          %parallel_loop3A_726 = vector.shape_cast %parallel_loop3A_725 : vector<1x16xf32> to vector<16xf32>
          %parallel_loop3A_727 = vector.shape_cast %parallel_loop3A_722 : vector<16xf32> to vector<1x16xf32>
          tpu.vector_store %arg11[%parallel_loop3A_723, %parallel_loop3A_724], %parallel_loop3A_727 {strides = array<i32>} : memref<16x768xf32, #tpu.memory_space<vmem>>, vector<1x16xf32>,
          %parallel_loop3A_728 = arith.index_cast %parallel_loop3A_106 : i32 to index
          %parallel_loop3A_729 = arith.constant 704 : index
          %parallel_loop3A_730 = tpu.vector_load %arg9[%parallel_loop3A_728, %parallel_loop3A_729] {strides = array<i32>} : memref<16x768xf32, #tpu.memory_space<vmem>>, vector<1x16xf32>,
          %parallel_loop3A_731 = vector.shape_cast %parallel_loop3A_730 : vector<1x16xf32> to vector<16xf32>
          %parallel_loop3A_732 = arith.index_cast %parallel_loop3A_111 : i32 to index
          %parallel_loop3A_733 = arith.constant 704 : index
          %parallel_loop3A_734 = tpu.vector_load %arg13[%parallel_loop3A_732, %parallel_loop3A_733] {strides = array<i32>} : memref<77x768xf32, #tpu.memory_space<vmem>>, vector<1x16xf32>,
          %parallel_loop3A_735 = vector.shape_cast %parallel_loop3A_734 : vector<1x16xf32> to vector<16xf32>
          %parallel_loop3A_736 = arith.addf %parallel_loop3A_731, %parallel_loop3A_735 : vector<16xf32>
          %parallel_loop3A_737 = arith.index_cast %parallel_loop3A_106 : i32 to index
          %parallel_loop3A_738 = arith.constant 704 : index
          %parallel_loop3A_739 = tpu.vector_load %arg11[%parallel_loop3A_737, %parallel_loop3A_738] {strides = array<i32>} : memref<16x768xf32, #tpu.memory_space<vmem>>, vector<1x16xf32>,
          %parallel_loop3A_740 = vector.shape_cast %parallel_loop3A_739 : vector<1x16xf32> to vector<16xf32>
          %parallel_loop3A_741 = vector.shape_cast %parallel_loop3A_736 : vector<16xf32> to vector<1x16xf32>
          tpu.vector_store %arg11[%parallel_loop3A_737, %parallel_loop3A_738], %parallel_loop3A_741 {strides = array<i32>} : memref<16x768xf32, #tpu.memory_space<vmem>>, vector<1x16xf32>,
          %parallel_loop3A_742 = arith.index_cast %parallel_loop3A_106 : i32 to index
          %parallel_loop3A_743 = arith.constant 720 : index
          %parallel_loop3A_744 = tpu.vector_load %arg9[%parallel_loop3A_742, %parallel_loop3A_743] {strides = array<i32>} : memref<16x768xf32, #tpu.memory_space<vmem>>, vector<1x16xf32>,
          %parallel_loop3A_745 = vector.shape_cast %parallel_loop3A_744 : vector<1x16xf32> to vector<16xf32>
          %parallel_loop3A_746 = arith.index_cast %parallel_loop3A_111 : i32 to index
          %parallel_loop3A_747 = arith.constant 720 : index
          %parallel_loop3A_748 = tpu.vector_load %arg13[%parallel_loop3A_746, %parallel_loop3A_747] {strides = array<i32>} : memref<77x768xf32, #tpu.memory_space<vmem>>, vector<1x16xf32>,
          %parallel_loop3A_749 = vector.shape_cast %parallel_loop3A_748 : vector<1x16xf32> to vector<16xf32>
          %parallel_loop3A_750 = arith.addf %parallel_loop3A_745, %parallel_loop3A_749 : vector<16xf32>
          %parallel_loop3A_751 = arith.index_cast %parallel_loop3A_106 : i32 to index
          %parallel_loop3A_752 = arith.constant 720 : index
          %parallel_loop3A_753 = tpu.vector_load %arg11[%parallel_loop3A_751, %parallel_loop3A_752] {strides = array<i32>} : memref<16x768xf32, #tpu.memory_space<vmem>>, vector<1x16xf32>,
          %parallel_loop3A_754 = vector.shape_cast %parallel_loop3A_753 : vector<1x16xf32> to vector<16xf32>
          %parallel_loop3A_755 = vector.shape_cast %parallel_loop3A_750 : vector<16xf32> to vector<1x16xf32>
          tpu.vector_store %arg11[%parallel_loop3A_751, %parallel_loop3A_752], %parallel_loop3A_755 {strides = array<i32>} : memref<16x768xf32, #tpu.memory_space<vmem>>, vector<1x16xf32>,
          %parallel_loop3A_756 = arith.index_cast %parallel_loop3A_106 : i32 to index
          %parallel_loop3A_757 = arith.constant 736 : index
          %parallel_loop3A_758 = tpu.vector_load %arg9[%parallel_loop3A_756, %parallel_loop3A_757] {strides = array<i32>} : memref<16x768xf32, #tpu.memory_space<vmem>>, vector<1x16xf32>,
          %parallel_loop3A_759 = vector.shape_cast %parallel_loop3A_758 : vector<1x16xf32> to vector<16xf32>
          %parallel_loop3A_760 = arith.index_cast %parallel_loop3A_111 : i32 to index
          %parallel_loop3A_761 = arith.constant 736 : index
          %parallel_loop3A_762 = tpu.vector_load %arg13[%parallel_loop3A_760, %parallel_loop3A_761] {strides = array<i32>} : memref<77x768xf32, #tpu.memory_space<vmem>>, vector<1x16xf32>,
          %parallel_loop3A_763 = vector.shape_cast %parallel_loop3A_762 : vector<1x16xf32> to vector<16xf32>
          %parallel_loop3A_764 = arith.addf %parallel_loop3A_759, %parallel_loop3A_763 : vector<16xf32>
          %parallel_loop3A_765 = arith.index_cast %parallel_loop3A_106 : i32 to index
          %parallel_loop3A_766 = arith.constant 736 : index
          %parallel_loop3A_767 = tpu.vector_load %arg11[%parallel_loop3A_765, %parallel_loop3A_766] {strides = array<i32>} : memref<16x768xf32, #tpu.memory_space<vmem>>, vector<1x16xf32>,
          %parallel_loop3A_768 = vector.shape_cast %parallel_loop3A_767 : vector<1x16xf32> to vector<16xf32>
          %parallel_loop3A_769 = vector.shape_cast %parallel_loop3A_764 : vector<16xf32> to vector<1x16xf32>
          tpu.vector_store %arg11[%parallel_loop3A_765, %parallel_loop3A_766], %parallel_loop3A_769 {strides = array<i32>} : memref<16x768xf32, #tpu.memory_space<vmem>>, vector<1x16xf32>,
          %parallel_loop3A_770 = arith.index_cast %parallel_loop3A_106 : i32 to index
          %parallel_loop3A_771 = arith.constant 752 : index
          %parallel_loop3A_772 = tpu.vector_load %arg9[%parallel_loop3A_770, %parallel_loop3A_771] {strides = array<i32>} : memref<16x768xf32, #tpu.memory_space<vmem>>, vector<1x16xf32>,
          %parallel_loop3A_773 = vector.shape_cast %parallel_loop3A_772 : vector<1x16xf32> to vector<16xf32>
          %parallel_loop3A_774 = arith.index_cast %parallel_loop3A_111 : i32 to index
          %parallel_loop3A_775 = arith.constant 752 : index
          %parallel_loop3A_776 = tpu.vector_load %arg13[%parallel_loop3A_774, %parallel_loop3A_775] {strides = array<i32>} : memref<77x768xf32, #tpu.memory_space<vmem>>, vector<1x16xf32>,
          %parallel_loop3A_777 = vector.shape_cast %parallel_loop3A_776 : vector<1x16xf32> to vector<16xf32>
          %parallel_loop3A_778 = arith.addf %parallel_loop3A_773, %parallel_loop3A_777 : vector<16xf32>
          %parallel_loop3A_779 = arith.index_cast %parallel_loop3A_106 : i32 to index
          %parallel_loop3A_780 = arith.constant 752 : index
          %parallel_loop3A_781 = tpu.vector_load %arg11[%parallel_loop3A_779, %parallel_loop3A_780] {strides = array<i32>} : memref<16x768xf32, #tpu.memory_space<vmem>>, vector<1x16xf32>,
          %parallel_loop3A_782 = vector.shape_cast %parallel_loop3A_781 : vector<1x16xf32> to vector<16xf32>
          %parallel_loop3A_783 = vector.shape_cast %parallel_loop3A_778 : vector<16xf32> to vector<1x16xf32>
          tpu.vector_store %arg11[%parallel_loop3A_779, %parallel_loop3A_780], %parallel_loop3A_783 {strides = array<i32>} : memref<16x768xf32, #tpu.memory_space<vmem>>, vector<1x16xf32>,
        } {sc.loop_unroll_factor = 1 : i64, sc.parallel_access}
        %le3A_94 = arith.constant 35 : i32
        %le3A_95 = arith.cmpi sle, %scan3A_67, %le3A_94 : i32
        %convert_element_type3A_96 = arith.extui %le3A_95 : i1 to i32
        %cond3A_97 = arith.constant 0 : i32
        %cond3A_98 = arith.cmpi ne, %convert_element_type3A_96, %cond3A_97 : i32
        scf.if %cond3A_98 {
          %add3A_106 = arith.constant 2 : i32
          %add3A_107 = arith.addi %scan3A_67, %add3A_106 : i32
          %mul3A_108 = arith.constant 16 : i32
          %mul3A_109 = arith.muli %add3A_107, %mul3A_108 : i32
          %add3A_110 = arith.addi %mul3A_2, %mul3A_109 : i32
          %dma_wait3A_111 = tpu.memref_slice %arg2[%add3A_110] : memref<19712xi32, #tpu.memory_space<hbm>> -> memref<16xi32, #tpu.memory_space<hbm>>
          %dma_wait3A_112 = tpu.memref_slice %arg2[%add3A_110] : memref<19712xi32, #tpu.memory_space<hbm>> -> memref<16xi32, #tpu.memory_space<hbm>>
          tpu.wait_dma2 semaphore(%arg18 : memref<!tpu.dma_semaphore, #tpu.memory_space<semaphore_mem>>) src(%dma_wait3A_112 : memref<16xi32, #tpu.memory_space<hbm>>) dst(%arg6 : memref<16xi32, #tpu.memory_space<vmem>>)
          %dma_start3A_113 = arith.constant 0 : i32
          %dma_start3A_114 = arith.constant 0 : i32
          %dma_start3A_115 = tpu.memref_slice %arg3[%dma_start3A_113, %dma_start3A_114] : memref<49408x768xf32, #tpu.memory_space<hbm>> -> memref<49408x768xf32, #tpu.memory_space<hbm>>
          tpu.enqueue_indirect_dma source(%dma_start3A_115 : memref<49408x768xf32, #tpu.memory_space<hbm>>) target(%arg9 : memref<16x768xf32, #tpu.memory_space<vmem>>) offsets(%arg6 : memref<16xi32, #tpu.memory_space<vmem>>) semaphore(%arg14 : memref<!tpu.dma_semaphore, #tpu.memory_space<semaphore_mem>>)
        } else {
        }
        %mul3A_99 = arith.constant 16 : i32
        %mul3A_100 = arith.muli %scan3A_67, %mul3A_99 : i32
        %add3A_101 = arith.addi %mul3A_2, %mul3A_100 : i32
        %dma_start3A_102 = arith.constant 0 : i32
        %dma_start3A_103 = tpu.memref_slice %arg5[%add3A_101, %dma_start3A_102] : memref<19712x768xf32, #tpu.memory_space<hbm>> -> memref<16x768xf32, #tpu.memory_space<hbm>>
        %dma_start3A_104 = arith.constant 0 : i32
        %dma_start3A_105 = tpu.memref_slice %arg5[%add3A_101, %dma_start3A_104] : memref<19712x768xf32, #tpu.memory_space<hbm>> -> memref<16x768xf32, #tpu.memory_space<hbm>>
        tpu.enqueue_dma source(%arg11 : memref<16x768xf32, #tpu.memory_space<vmem>>) target(%dma_start3A_105 : memref<16x768xf32, #tpu.memory_space<hbm>>) target_semaphore(%arg16 : memref<!tpu.dma_semaphore, #tpu.memory_space<semaphore_mem>>)
      } else {
      }
      %rem3A_72 = arith.constant 2 : i32
      %rem3A_73 = arith.remsi %scan3A_67, %rem3A_72 : i32
      %eq3A_74 = arith.constant 1 : i32
      %eq3A_75 = arith.cmpi eq, %rem3A_73, %eq3A_74 : i32
      %convert_element_type3A_76 = arith.extui %eq3A_75 : i1 to i32
      %cond3A_77 = arith.constant 0 : i32
      %cond3A_78 = arith.cmpi ne, %convert_element_type3A_76, %cond3A_77 : i32
      scf.if %cond3A_78 {
        %dma_wait3A_80 = arith.constant 0 : i32
        %dma_wait3A_81 = arith.constant 0 : i32
        %dma_wait3A_82 = tpu.memref_slice %arg3[%dma_wait3A_80, %dma_wait3A_81] : memref<49408x768xf32, #tpu.memory_space<hbm>> -> memref<49408x768xf32, #tpu.memory_space<hbm>>
        tpu.wait_indirect_dma semaphore(%arg15 : memref<!tpu.dma_semaphore, #tpu.memory_space<semaphore_mem>>) src(%dma_wait3A_82 : memref<49408x768xf32, #tpu.memory_space<hbm>>) dst(%arg10 : memref<16x768xf32, #tpu.memory_space<vmem>>)
        %le3A = arith.constant 35 : i32
        %le3A_83 = arith.cmpi sle, %scan3A_67, %le3A : i32
        %convert_element_type3A_84 = arith.extui %le3A_83 : i1 to i32
        %cond3A_85 = arith.constant 0 : i32
        %cond3A_86 = arith.cmpi ne, %convert_element_type3A_84, %cond3A_85 : i32
        scf.if %cond3A_86 {
          %add3A_106 = arith.constant 2 : i32
          %add3A_107 = arith.addi %scan3A_67, %add3A_106 : i32
          %mul3A_108 = arith.constant 16 : i32
          %mul3A_109 = arith.muli %add3A_107, %mul3A_108 : i32
          %add3A_110 = arith.addi %mul3A_2, %mul3A_109 : i32
          %dma_start3A_111 = tpu.memref_slice %arg2[%add3A_110] : memref<19712xi32, #tpu.memory_space<hbm>> -> memref<16xi32, #tpu.memory_space<hbm>>
          %dma_start3A_112 = tpu.memref_slice %arg2[%add3A_110] : memref<19712xi32, #tpu.memory_space<hbm>> -> memref<16xi32, #tpu.memory_space<hbm>>
          tpu.enqueue_dma source(%dma_start3A_112 : memref<16xi32, #tpu.memory_space<hbm>>) target(%arg7 : memref<16xi32, #tpu.memory_space<vmem>>) target_semaphore(%arg19 : memref<!tpu.dma_semaphore, #tpu.memory_space<semaphore_mem>>)
        } else {
        }
        %ge3A = arith.constant 2 : i32
        %ge3A_87 = arith.cmpi sge, %scan3A_67, %ge3A : i32
        %convert_element_type3A_88 = arith.extui %ge3A_87 : i1 to i32
        %cond3A_89 = arith.constant 0 : i32
        %cond3A_90 = arith.cmpi ne, %convert_element_type3A_88, %cond3A_89 : i32
        scf.if %cond3A_90 {
          %sub3A = arith.constant 2 : i32
          %sub3A_106 = arith.subi %scan3A_67, %sub3A : i32
          %mul3A_107 = arith.constant 16 : i32
          %mul3A_108 = arith.muli %sub3A_106, %mul3A_107 : i32
          %add3A_109 = arith.addi %mul3A_2, %mul3A_108 : i32
          %dma_wait3A_110 = arith.constant 0 : i32
          %dma_wait3A_111 = tpu.memref_slice %arg5[%add3A_109, %dma_wait3A_110] : memref<19712x768xf32, #tpu.memory_space<hbm>> -> memref<16x768xf32, #tpu.memory_space<hbm>>
          %dma_wait3A_112 = arith.constant 0 : i32
          %dma_wait3A_113 = tpu.memref_slice %arg5[%add3A_109, %dma_wait3A_112] : memref<19712x768xf32, #tpu.memory_space<hbm>> -> memref<16x768xf32, #tpu.memory_space<hbm>>
          tpu.wait_dma2 semaphore(%arg17 : memref<!tpu.dma_semaphore, #tpu.memory_space<semaphore_mem>>) src(%arg12 : memref<16x768xf32, #tpu.memory_space<vmem>>) dst(%dma_wait3A_113 : memref<16x768xf32, #tpu.memory_space<hbm>>)
        } else {
        }
        %parallel_loop3A_91 = arith.constant 0 : i32
        %parallel_loop3A_92 = arith.constant 16 : i32
        %parallel_loop3A_93 = arith.constant 1 : i32
        scf.for %parallel_loop3A_106 = %parallel_loop3A_91 to %parallel_loop3A_92 step %parallel_loop3A_93  : i32 {
          %parallel_loop3A_107 = arith.constant 16 : i32
          %parallel_loop3A_108 = arith.muli %scan3A_67, %parallel_loop3A_107 : i32
          %parallel_loop3A_109 = arith.addi %parallel_loop3A_108, %parallel_loop3A_106 : i32
          %parallel_loop3A_110 = arith.constant 77 : i32
          %parallel_loop3A_111 = arith.remsi %parallel_loop3A_109, %parallel_loop3A_110 : i32
          %parallel_loop3A_112 = arith.index_cast %parallel_loop3A_106 : i32 to index
          %parallel_loop3A_113 = arith.constant 0 : index
          %parallel_loop3A_114 = tpu.vector_load %arg10[%parallel_loop3A_112, %parallel_loop3A_113] {strides = array<i32>} : memref<16x768xf32, #tpu.memory_space<vmem>>, vector<1x16xf32>,
          %parallel_loop3A_115 = vector.shape_cast %parallel_loop3A_114 : vector<1x16xf32> to vector<16xf32>
          %parallel_loop3A_116 = arith.index_cast %parallel_loop3A_111 : i32 to index
          %parallel_loop3A_117 = arith.constant 0 : index
          %parallel_loop3A_118 = tpu.vector_load %arg13[%parallel_loop3A_116, %parallel_loop3A_117] {strides = array<i32>} : memref<77x768xf32, #tpu.memory_space<vmem>>, vector<1x16xf32>,
          %parallel_loop3A_119 = vector.shape_cast %parallel_loop3A_118 : vector<1x16xf32> to vector<16xf32>
          %parallel_loop3A_120 = arith.addf %parallel_loop3A_115, %parallel_loop3A_119 : vector<16xf32>
          %parallel_loop3A_121 = arith.index_cast %parallel_loop3A_106 : i32 to index
          %parallel_loop3A_122 = arith.constant 0 : index
          %parallel_loop3A_123 = tpu.vector_load %arg12[%parallel_loop3A_121, %parallel_loop3A_122] {strides = array<i32>} : memref<16x768xf32, #tpu.memory_space<vmem>>, vector<1x16xf32>,
          %parallel_loop3A_124 = vector.shape_cast %parallel_loop3A_123 : vector<1x16xf32> to vector<16xf32>
          %parallel_loop3A_125 = vector.shape_cast %parallel_loop3A_120 : vector<16xf32> to vector<1x16xf32>
          tpu.vector_store %arg12[%parallel_loop3A_121, %parallel_loop3A_122], %parallel_loop3A_125 {strides = array<i32>} : memref<16x768xf32, #tpu.memory_space<vmem>>, vector<1x16xf32>,
          %parallel_loop3A_126 = arith.index_cast %parallel_loop3A_106 : i32 to index
          %parallel_loop3A_127 = arith.constant 16 : index
          %parallel_loop3A_128 = tpu.vector_load %arg10[%parallel_loop3A_126, %parallel_loop3A_127] {strides = array<i32>} : memref<16x768xf32, #tpu.memory_space<vmem>>, vector<1x16xf32>,
          %parallel_loop3A_129 = vector.shape_cast %parallel_loop3A_128 : vector<1x16xf32> to vector<16xf32>
          %parallel_loop3A_130 = arith.index_cast %parallel_loop3A_111 : i32 to index
          %parallel_loop3A_131 = arith.constant 16 : index
          %parallel_loop3A_132 = tpu.vector_load %arg13[%parallel_loop3A_130, %parallel_loop3A_131] {strides = array<i32>} : memref<77x768xf32, #tpu.memory_space<vmem>>, vector<1x16xf32>,
          %parallel_loop3A_133 = vector.shape_cast %parallel_loop3A_132 : vector<1x16xf32> to vector<16xf32>
          %parallel_loop3A_134 = arith.addf %parallel_loop3A_129, %parallel_loop3A_133 : vector<16xf32>
          %parallel_loop3A_135 = arith.index_cast %parallel_loop3A_106 : i32 to index
          %parallel_loop3A_136 = arith.constant 16 : index
          %parallel_loop3A_137 = tpu.vector_load %arg12[%parallel_loop3A_135, %parallel_loop3A_136] {strides = array<i32>} : memref<16x768xf32, #tpu.memory_space<vmem>>, vector<1x16xf32>,
          %parallel_loop3A_138 = vector.shape_cast %parallel_loop3A_137 : vector<1x16xf32> to vector<16xf32>
          %parallel_loop3A_139 = vector.shape_cast %parallel_loop3A_134 : vector<16xf32> to vector<1x16xf32>
          tpu.vector_store %arg12[%parallel_loop3A_135, %parallel_loop3A_136], %parallel_loop3A_139 {strides = array<i32>} : memref<16x768xf32, #tpu.memory_space<vmem>>, vector<1x16xf32>,
          %parallel_loop3A_140 = arith.index_cast %parallel_loop3A_106 : i32 to index
          %parallel_loop3A_141 = arith.constant 32 : index
          %parallel_loop3A_142 = tpu.vector_load %arg10[%parallel_loop3A_140, %parallel_loop3A_141] {strides = array<i32>} : memref<16x768xf32, #tpu.memory_space<vmem>>, vector<1x16xf32>,
          %parallel_loop3A_143 = vector.shape_cast %parallel_loop3A_142 : vector<1x16xf32> to vector<16xf32>
          %parallel_loop3A_144 = arith.index_cast %parallel_loop3A_111 : i32 to index
          %parallel_loop3A_145 = arith.constant 32 : index
          %parallel_loop3A_146 = tpu.vector_load %arg13[%parallel_loop3A_144, %parallel_loop3A_145] {strides = array<i32>} : memref<77x768xf32, #tpu.memory_space<vmem>>, vector<1x16xf32>,
          %parallel_loop3A_147 = vector.shape_cast %parallel_loop3A_146 : vector<1x16xf32> to vector<16xf32>
          %parallel_loop3A_148 = arith.addf %parallel_loop3A_143, %parallel_loop3A_147 : vector<16xf32>
          %parallel_loop3A_149 = arith.index_cast %parallel_loop3A_106 : i32 to index
          %parallel_loop3A_150 = arith.constant 32 : index
          %parallel_loop3A_151 = tpu.vector_load %arg12[%parallel_loop3A_149, %parallel_loop3A_150] {strides = array<i32>} : memref<16x768xf32, #tpu.memory_space<vmem>>, vector<1x16xf32>,
          %parallel_loop3A_152 = vector.shape_cast %parallel_loop3A_151 : vector<1x16xf32> to vector<16xf32>
          %parallel_loop3A_153 = vector.shape_cast %parallel_loop3A_148 : vector<16xf32> to vector<1x16xf32>
          tpu.vector_store %arg12[%parallel_loop3A_149, %parallel_loop3A_150], %parallel_loop3A_153 {strides = array<i32>} : memref<16x768xf32, #tpu.memory_space<vmem>>, vector<1x16xf32>,
          %parallel_loop3A_154 = arith.index_cast %parallel_loop3A_106 : i32 to index
          %parallel_loop3A_155 = arith.constant 48 : index
          %parallel_loop3A_156 = tpu.vector_load %arg10[%parallel_loop3A_154, %parallel_loop3A_155] {strides = array<i32>} : memref<16x768xf32, #tpu.memory_space<vmem>>, vector<1x16xf32>,
          %parallel_loop3A_157 = vector.shape_cast %parallel_loop3A_156 : vector<1x16xf32> to vector<16xf32>
          %parallel_loop3A_158 = arith.index_cast %parallel_loop3A_111 : i32 to index
          %parallel_loop3A_159 = arith.constant 48 : index
          %parallel_loop3A_160 = tpu.vector_load %arg13[%parallel_loop3A_158, %parallel_loop3A_159] {strides = array<i32>} : memref<77x768xf32, #tpu.memory_space<vmem>>, vector<1x16xf32>,
          %parallel_loop3A_161 = vector.shape_cast %parallel_loop3A_160 : vector<1x16xf32> to vector<16xf32>
          %parallel_loop3A_162 = arith.addf %parallel_loop3A_157, %parallel_loop3A_161 : vector<16xf32>
          %parallel_loop3A_163 = arith.index_cast %parallel_loop3A_106 : i32 to index
          %parallel_loop3A_164 = arith.constant 48 : index
          %parallel_loop3A_165 = tpu.vector_load %arg12[%parallel_loop3A_163, %parallel_loop3A_164] {strides = array<i32>} : memref<16x768xf32, #tpu.memory_space<vmem>>, vector<1x16xf32>,
          %parallel_loop3A_166 = vector.shape_cast %parallel_loop3A_165 : vector<1x16xf32> to vector<16xf32>
          %parallel_loop3A_167 = vector.shape_cast %parallel_loop3A_162 : vector<16xf32> to vector<1x16xf32>
          tpu.vector_store %arg12[%parallel_loop3A_163, %parallel_loop3A_164], %parallel_loop3A_167 {strides = array<i32>} : memref<16x768xf32, #tpu.memory_space<vmem>>, vector<1x16xf32>,
          %parallel_loop3A_168 = arith.index_cast %parallel_loop3A_106 : i32 to index
          %parallel_loop3A_169 = arith.constant 64 : index
          %parallel_loop3A_170 = tpu.vector_load %arg10[%parallel_loop3A_168, %parallel_loop3A_169] {strides = array<i32>} : memref<16x768xf32, #tpu.memory_space<vmem>>, vector<1x16xf32>,
          %parallel_loop3A_171 = vector.shape_cast %parallel_loop3A_170 : vector<1x16xf32> to vector<16xf32>
          %parallel_loop3A_172 = arith.index_cast %parallel_loop3A_111 : i32 to index
          %parallel_loop3A_173 = arith.constant 64 : index
          %parallel_loop3A_174 = tpu.vector_load %arg13[%parallel_loop3A_172, %parallel_loop3A_173] {strides = array<i32>} : memref<77x768xf32, #tpu.memory_space<vmem>>, vector<1x16xf32>,
          %parallel_loop3A_175 = vector.shape_cast %parallel_loop3A_174 : vector<1x16xf32> to vector<16xf32>
          %parallel_loop3A_176 = arith.addf %parallel_loop3A_171, %parallel_loop3A_175 : vector<16xf32>
          %parallel_loop3A_177 = arith.index_cast %parallel_loop3A_106 : i32 to index
          %parallel_loop3A_178 = arith.constant 64 : index
          %parallel_loop3A_179 = tpu.vector_load %arg12[%parallel_loop3A_177, %parallel_loop3A_178] {strides = array<i32>} : memref<16x768xf32, #tpu.memory_space<vmem>>, vector<1x16xf32>,
          %parallel_loop3A_180 = vector.shape_cast %parallel_loop3A_179 : vector<1x16xf32> to vector<16xf32>
          %parallel_loop3A_181 = vector.shape_cast %parallel_loop3A_176 : vector<16xf32> to vector<1x16xf32>
          tpu.vector_store %arg12[%parallel_loop3A_177, %parallel_loop3A_178], %parallel_loop3A_181 {strides = array<i32>} : memref<16x768xf32, #tpu.memory_space<vmem>>, vector<1x16xf32>,
          %parallel_loop3A_182 = arith.index_cast %parallel_loop3A_106 : i32 to index
          %parallel_loop3A_183 = arith.constant 80 : index
          %parallel_loop3A_184 = tpu.vector_load %arg10[%parallel_loop3A_182, %parallel_loop3A_183] {strides = array<i32>} : memref<16x768xf32, #tpu.memory_space<vmem>>, vector<1x16xf32>,
          %parallel_loop3A_185 = vector.shape_cast %parallel_loop3A_184 : vector<1x16xf32> to vector<16xf32>
          %parallel_loop3A_186 = arith.index_cast %parallel_loop3A_111 : i32 to index
          %parallel_loop3A_187 = arith.constant 80 : index
          %parallel_loop3A_188 = tpu.vector_load %arg13[%parallel_loop3A_186, %parallel_loop3A_187] {strides = array<i32>} : memref<77x768xf32, #tpu.memory_space<vmem>>, vector<1x16xf32>,
          %parallel_loop3A_189 = vector.shape_cast %parallel_loop3A_188 : vector<1x16xf32> to vector<16xf32>
          %parallel_loop3A_190 = arith.addf %parallel_loop3A_185, %parallel_loop3A_189 : vector<16xf32>
          %parallel_loop3A_191 = arith.index_cast %parallel_loop3A_106 : i32 to index
          %parallel_loop3A_192 = arith.constant 80 : index
          %parallel_loop3A_193 = tpu.vector_load %arg12[%parallel_loop3A_191, %parallel_loop3A_192] {strides = array<i32>} : memref<16x768xf32, #tpu.memory_space<vmem>>, vector<1x16xf32>,
          %parallel_loop3A_194 = vector.shape_cast %parallel_loop3A_193 : vector<1x16xf32> to vector<16xf32>
          %parallel_loop3A_195 = vector.shape_cast %parallel_loop3A_190 : vector<16xf32> to vector<1x16xf32>
          tpu.vector_store %arg12[%parallel_loop3A_191, %parallel_loop3A_192], %parallel_loop3A_195 {strides = array<i32>} : memref<16x768xf32, #tpu.memory_space<vmem>>, vector<1x16xf32>,
          %parallel_loop3A_196 = arith.index_cast %parallel_loop3A_106 : i32 to index
          %parallel_loop3A_197 = arith.constant 96 : index
          %parallel_loop3A_198 = tpu.vector_load %arg10[%parallel_loop3A_196, %parallel_loop3A_197] {strides = array<i32>} : memref<16x768xf32, #tpu.memory_space<vmem>>, vector<1x16xf32>,
          %parallel_loop3A_199 = vector.shape_cast %parallel_loop3A_198 : vector<1x16xf32> to vector<16xf32>
          %parallel_loop3A_200 = arith.index_cast %parallel_loop3A_111 : i32 to index
          %parallel_loop3A_201 = arith.constant 96 : index
          %parallel_loop3A_202 = tpu.vector_load %arg13[%parallel_loop3A_200, %parallel_loop3A_201] {strides = array<i32>} : memref<77x768xf32, #tpu.memory_space<vmem>>, vector<1x16xf32>,
          %parallel_loop3A_203 = vector.shape_cast %parallel_loop3A_202 : vector<1x16xf32> to vector<16xf32>
          %parallel_loop3A_204 = arith.addf %parallel_loop3A_199, %parallel_loop3A_203 : vector<16xf32>
          %parallel_loop3A_205 = arith.index_cast %parallel_loop3A_106 : i32 to index
          %parallel_loop3A_206 = arith.constant 96 : index
          %parallel_loop3A_207 = tpu.vector_load %arg12[%parallel_loop3A_205, %parallel_loop3A_206] {strides = array<i32>} : memref<16x768xf32, #tpu.memory_space<vmem>>, vector<1x16xf32>,
          %parallel_loop3A_208 = vector.shape_cast %parallel_loop3A_207 : vector<1x16xf32> to vector<16xf32>
          %parallel_loop3A_209 = vector.shape_cast %parallel_loop3A_204 : vector<16xf32> to vector<1x16xf32>
          tpu.vector_store %arg12[%parallel_loop3A_205, %parallel_loop3A_206], %parallel_loop3A_209 {strides = array<i32>} : memref<16x768xf32, #tpu.memory_space<vmem>>, vector<1x16xf32>,
          %parallel_loop3A_210 = arith.index_cast %parallel_loop3A_106 : i32 to index
          %parallel_loop3A_211 = arith.constant 112 : index
          %parallel_loop3A_212 = tpu.vector_load %arg10[%parallel_loop3A_210, %parallel_loop3A_211] {strides = array<i32>} : memref<16x768xf32, #tpu.memory_space<vmem>>, vector<1x16xf32>,
          %parallel_loop3A_213 = vector.shape_cast %parallel_loop3A_212 : vector<1x16xf32> to vector<16xf32>
          %parallel_loop3A_214 = arith.index_cast %parallel_loop3A_111 : i32 to index
          %parallel_loop3A_215 = arith.constant 112 : index
          %parallel_loop3A_216 = tpu.vector_load %arg13[%parallel_loop3A_214, %parallel_loop3A_215] {strides = array<i32>} : memref<77x768xf32, #tpu.memory_space<vmem>>, vector<1x16xf32>,
          %parallel_loop3A_217 = vector.shape_cast %parallel_loop3A_216 : vector<1x16xf32> to vector<16xf32>
          %parallel_loop3A_218 = arith.addf %parallel_loop3A_213, %parallel_loop3A_217 : vector<16xf32>
          %parallel_loop3A_219 = arith.index_cast %parallel_loop3A_106 : i32 to index
          %parallel_loop3A_220 = arith.constant 112 : index
          %parallel_loop3A_221 = tpu.vector_load %arg12[%parallel_loop3A_219, %parallel_loop3A_220] {strides = array<i32>} : memref<16x768xf32, #tpu.memory_space<vmem>>, vector<1x16xf32>,
          %parallel_loop3A_222 = vector.shape_cast %parallel_loop3A_221 : vector<1x16xf32> to vector<16xf32>
          %parallel_loop3A_223 = vector.shape_cast %parallel_loop3A_218 : vector<16xf32> to vector<1x16xf32>
          tpu.vector_store %arg12[%parallel_loop3A_219, %parallel_loop3A_220], %parallel_loop3A_223 {strides = array<i32>} : memref<16x768xf32, #tpu.memory_space<vmem>>, vector<1x16xf32>,
          %parallel_loop3A_224 = arith.index_cast %parallel_loop3A_106 : i32 to index
          %parallel_loop3A_225 = arith.constant 128 : index
          %parallel_loop3A_226 = tpu.vector_load %arg10[%parallel_loop3A_224, %parallel_loop3A_225] {strides = array<i32>} : memref<16x768xf32, #tpu.memory_space<vmem>>, vector<1x16xf32>,
          %parallel_loop3A_227 = vector.shape_cast %parallel_loop3A_226 : vector<1x16xf32> to vector<16xf32>
          %parallel_loop3A_228 = arith.index_cast %parallel_loop3A_111 : i32 to index
          %parallel_loop3A_229 = arith.constant 128 : index
          %parallel_loop3A_230 = tpu.vector_load %arg13[%parallel_loop3A_228, %parallel_loop3A_229] {strides = array<i32>} : memref<77x768xf32, #tpu.memory_space<vmem>>, vector<1x16xf32>,
          %parallel_loop3A_231 = vector.shape_cast %parallel_loop3A_230 : vector<1x16xf32> to vector<16xf32>
          %parallel_loop3A_232 = arith.addf %parallel_loop3A_227, %parallel_loop3A_231 : vector<16xf32>
          %parallel_loop3A_233 = arith.index_cast %parallel_loop3A_106 : i32 to index
          %parallel_loop3A_234 = arith.constant 128 : index
          %parallel_loop3A_235 = tpu.vector_load %arg12[%parallel_loop3A_233, %parallel_loop3A_234] {strides = array<i32>} : memref<16x768xf32, #tpu.memory_space<vmem>>, vector<1x16xf32>,
          %parallel_loop3A_236 = vector.shape_cast %parallel_loop3A_235 : vector<1x16xf32> to vector<16xf32>
          %parallel_loop3A_237 = vector.shape_cast %parallel_loop3A_232 : vector<16xf32> to vector<1x16xf32>
          tpu.vector_store %arg12[%parallel_loop3A_233, %parallel_loop3A_234], %parallel_loop3A_237 {strides = array<i32>} : memref<16x768xf32, #tpu.memory_space<vmem>>, vector<1x16xf32>,
          %parallel_loop3A_238 = arith.index_cast %parallel_loop3A_106 : i32 to index
          %parallel_loop3A_239 = arith.constant 144 : index
          %parallel_loop3A_240 = tpu.vector_load %arg10[%parallel_loop3A_238, %parallel_loop3A_239] {strides = array<i32>} : memref<16x768xf32, #tpu.memory_space<vmem>>, vector<1x16xf32>,
          %parallel_loop3A_241 = vector.shape_cast %parallel_loop3A_240 : vector<1x16xf32> to vector<16xf32>
          %parallel_loop3A_242 = arith.index_cast %parallel_loop3A_111 : i32 to index
          %parallel_loop3A_243 = arith.constant 144 : index
          %parallel_loop3A_244 = tpu.vector_load %arg13[%parallel_loop3A_242, %parallel_loop3A_243] {strides = array<i32>} : memref<77x768xf32, #tpu.memory_space<vmem>>, vector<1x16xf32>,
          %parallel_loop3A_245 = vector.shape_cast %parallel_loop3A_244 : vector<1x16xf32> to vector<16xf32>
          %parallel_loop3A_246 = arith.addf %parallel_loop3A_241, %parallel_loop3A_245 : vector<16xf32>
          %parallel_loop3A_247 = arith.index_cast %parallel_loop3A_106 : i32 to index
          %parallel_loop3A_248 = arith.constant 144 : index
          %parallel_loop3A_249 = tpu.vector_load %arg12[%parallel_loop3A_247, %parallel_loop3A_248] {strides = array<i32>} : memref<16x768xf32, #tpu.memory_space<vmem>>, vector<1x16xf32>,
          %parallel_loop3A_250 = vector.shape_cast %parallel_loop3A_249 : vector<1x16xf32> to vector<16xf32>
          %parallel_loop3A_251 = vector.shape_cast %parallel_loop3A_246 : vector<16xf32> to vector<1x16xf32>
          tpu.vector_store %arg12[%parallel_loop3A_247, %parallel_loop3A_248], %parallel_loop3A_251 {strides = array<i32>} : memref<16x768xf32, #tpu.memory_space<vmem>>, vector<1x16xf32>,
          %parallel_loop3A_252 = arith.index_cast %parallel_loop3A_106 : i32 to index
          %parallel_loop3A_253 = arith.constant 160 : index
          %parallel_loop3A_254 = tpu.vector_load %arg10[%parallel_loop3A_252, %parallel_loop3A_253] {strides = array<i32>} : memref<16x768xf32, #tpu.memory_space<vmem>>, vector<1x16xf32>,
          %parallel_loop3A_255 = vector.shape_cast %parallel_loop3A_254 : vector<1x16xf32> to vector<16xf32>
          %parallel_loop3A_256 = arith.index_cast %parallel_loop3A_111 : i32 to index
          %parallel_loop3A_257 = arith.constant 160 : index
          %parallel_loop3A_258 = tpu.vector_load %arg13[%parallel_loop3A_256, %parallel_loop3A_257] {strides = array<i32>} : memref<77x768xf32, #tpu.memory_space<vmem>>, vector<1x16xf32>,
          %parallel_loop3A_259 = vector.shape_cast %parallel_loop3A_258 : vector<1x16xf32> to vector<16xf32>
          %parallel_loop3A_260 = arith.addf %parallel_loop3A_255, %parallel_loop3A_259 : vector<16xf32>
          %parallel_loop3A_261 = arith.index_cast %parallel_loop3A_106 : i32 to index
          %parallel_loop3A_262 = arith.constant 160 : index
          %parallel_loop3A_263 = tpu.vector_load %arg12[%parallel_loop3A_261, %parallel_loop3A_262] {strides = array<i32>} : memref<16x768xf32, #tpu.memory_space<vmem>>, vector<1x16xf32>,
          %parallel_loop3A_264 = vector.shape_cast %parallel_loop3A_263 : vector<1x16xf32> to vector<16xf32>
          %parallel_loop3A_265 = vector.shape_cast %parallel_loop3A_260 : vector<16xf32> to vector<1x16xf32>
          tpu.vector_store %arg12[%parallel_loop3A_261, %parallel_loop3A_262], %parallel_loop3A_265 {strides = array<i32>} : memref<16x768xf32, #tpu.memory_space<vmem>>, vector<1x16xf32>,
          %parallel_loop3A_266 = arith.index_cast %parallel_loop3A_106 : i32 to index
          %parallel_loop3A_267 = arith.constant 176 : index
          %parallel_loop3A_268 = tpu.vector_load %arg10[%parallel_loop3A_266, %parallel_loop3A_267] {strides = array<i32>} : memref<16x768xf32, #tpu.memory_space<vmem>>, vector<1x16xf32>,
          %parallel_loop3A_269 = vector.shape_cast %parallel_loop3A_268 : vector<1x16xf32> to vector<16xf32>
          %parallel_loop3A_270 = arith.index_cast %parallel_loop3A_111 : i32 to index
          %parallel_loop3A_271 = arith.constant 176 : index
          %parallel_loop3A_272 = tpu.vector_load %arg13[%parallel_loop3A_270, %parallel_loop3A_271] {strides = array<i32>} : memref<77x768xf32, #tpu.memory_space<vmem>>, vector<1x16xf32>,
          %parallel_loop3A_273 = vector.shape_cast %parallel_loop3A_272 : vector<1x16xf32> to vector<16xf32>
          %parallel_loop3A_274 = arith.addf %parallel_loop3A_269, %parallel_loop3A_273 : vector<16xf32>
          %parallel_loop3A_275 = arith.index_cast %parallel_loop3A_106 : i32 to index
          %parallel_loop3A_276 = arith.constant 176 : index
          %parallel_loop3A_277 = tpu.vector_load %arg12[%parallel_loop3A_275, %parallel_loop3A_276] {strides = array<i32>} : memref<16x768xf32, #tpu.memory_space<vmem>>, vector<1x16xf32>,
          %parallel_loop3A_278 = vector.shape_cast %parallel_loop3A_277 : vector<1x16xf32> to vector<16xf32>
          %parallel_loop3A_279 = vector.shape_cast %parallel_loop3A_274 : vector<16xf32> to vector<1x16xf32>
          tpu.vector_store %arg12[%parallel_loop3A_275, %parallel_loop3A_276], %parallel_loop3A_279 {strides = array<i32>} : memref<16x768xf32, #tpu.memory_space<vmem>>, vector<1x16xf32>,
          %parallel_loop3A_280 = arith.index_cast %parallel_loop3A_106 : i32 to index
          %parallel_loop3A_281 = arith.constant 192 : index
          %parallel_loop3A_282 = tpu.vector_load %arg10[%parallel_loop3A_280, %parallel_loop3A_281] {strides = array<i32>} : memref<16x768xf32, #tpu.memory_space<vmem>>, vector<1x16xf32>,
          %parallel_loop3A_283 = vector.shape_cast %parallel_loop3A_282 : vector<1x16xf32> to vector<16xf32>
          %parallel_loop3A_284 = arith.index_cast %parallel_loop3A_111 : i32 to index
          %parallel_loop3A_285 = arith.constant 192 : index
          %parallel_loop3A_286 = tpu.vector_load %arg13[%parallel_loop3A_284, %parallel_loop3A_285] {strides = array<i32>} : memref<77x768xf32, #tpu.memory_space<vmem>>, vector<1x16xf32>,
          %parallel_loop3A_287 = vector.shape_cast %parallel_loop3A_286 : vector<1x16xf32> to vector<16xf32>
          %parallel_loop3A_288 = arith.addf %parallel_loop3A_283, %parallel_loop3A_287 : vector<16xf32>
          %parallel_loop3A_289 = arith.index_cast %parallel_loop3A_106 : i32 to index
          %parallel_loop3A_290 = arith.constant 192 : index
          %parallel_loop3A_291 = tpu.vector_load %arg12[%parallel_loop3A_289, %parallel_loop3A_290] {strides = array<i32>} : memref<16x768xf32, #tpu.memory_space<vmem>>, vector<1x16xf32>,
          %parallel_loop3A_292 = vector.shape_cast %parallel_loop3A_291 : vector<1x16xf32> to vector<16xf32>
          %parallel_loop3A_293 = vector.shape_cast %parallel_loop3A_288 : vector<16xf32> to vector<1x16xf32>
          tpu.vector_store %arg12[%parallel_loop3A_289, %parallel_loop3A_290], %parallel_loop3A_293 {strides = array<i32>} : memref<16x768xf32, #tpu.memory_space<vmem>>, vector<1x16xf32>,
          %parallel_loop3A_294 = arith.index_cast %parallel_loop3A_106 : i32 to index
          %parallel_loop3A_295 = arith.constant 208 : index
          %parallel_loop3A_296 = tpu.vector_load %arg10[%parallel_loop3A_294, %parallel_loop3A_295] {strides = array<i32>} : memref<16x768xf32, #tpu.memory_space<vmem>>, vector<1x16xf32>,
          %parallel_loop3A_297 = vector.shape_cast %parallel_loop3A_296 : vector<1x16xf32> to vector<16xf32>
          %parallel_loop3A_298 = arith.index_cast %parallel_loop3A_111 : i32 to index
          %parallel_loop3A_299 = arith.constant 208 : index
          %parallel_loop3A_300 = tpu.vector_load %arg13[%parallel_loop3A_298, %parallel_loop3A_299] {strides = array<i32>} : memref<77x768xf32, #tpu.memory_space<vmem>>, vector<1x16xf32>,
          %parallel_loop3A_301 = vector.shape_cast %parallel_loop3A_300 : vector<1x16xf32> to vector<16xf32>
          %parallel_loop3A_302 = arith.addf %parallel_loop3A_297, %parallel_loop3A_301 : vector<16xf32>
          %parallel_loop3A_303 = arith.index_cast %parallel_loop3A_106 : i32 to index
          %parallel_loop3A_304 = arith.constant 208 : index
          %parallel_loop3A_305 = tpu.vector_load %arg12[%parallel_loop3A_303, %parallel_loop3A_304] {strides = array<i32>} : memref<16x768xf32, #tpu.memory_space<vmem>>, vector<1x16xf32>,
          %parallel_loop3A_306 = vector.shape_cast %parallel_loop3A_305 : vector<1x16xf32> to vector<16xf32>
          %parallel_loop3A_307 = vector.shape_cast %parallel_loop3A_302 : vector<16xf32> to vector<1x16xf32>
          tpu.vector_store %arg12[%parallel_loop3A_303, %parallel_loop3A_304], %parallel_loop3A_307 {strides = array<i32>} : memref<16x768xf32, #tpu.memory_space<vmem>>, vector<1x16xf32>,
          %parallel_loop3A_308 = arith.index_cast %parallel_loop3A_106 : i32 to index
          %parallel_loop3A_309 = arith.constant 224 : index
          %parallel_loop3A_310 = tpu.vector_load %arg10[%parallel_loop3A_308, %parallel_loop3A_309] {strides = array<i32>} : memref<16x768xf32, #tpu.memory_space<vmem>>, vector<1x16xf32>,
          %parallel_loop3A_311 = vector.shape_cast %parallel_loop3A_310 : vector<1x16xf32> to vector<16xf32>
          %parallel_loop3A_312 = arith.index_cast %parallel_loop3A_111 : i32 to index
          %parallel_loop3A_313 = arith.constant 224 : index
          %parallel_loop3A_314 = tpu.vector_load %arg13[%parallel_loop3A_312, %parallel_loop3A_313] {strides = array<i32>} : memref<77x768xf32, #tpu.memory_space<vmem>>, vector<1x16xf32>,
          %parallel_loop3A_315 = vector.shape_cast %parallel_loop3A_314 : vector<1x16xf32> to vector<16xf32>
          %parallel_loop3A_316 = arith.addf %parallel_loop3A_311, %parallel_loop3A_315 : vector<16xf32>
          %parallel_loop3A_317 = arith.index_cast %parallel_loop3A_106 : i32 to index
          %parallel_loop3A_318 = arith.constant 224 : index
          %parallel_loop3A_319 = tpu.vector_load %arg12[%parallel_loop3A_317, %parallel_loop3A_318] {strides = array<i32>} : memref<16x768xf32, #tpu.memory_space<vmem>>, vector<1x16xf32>,
          %parallel_loop3A_320 = vector.shape_cast %parallel_loop3A_319 : vector<1x16xf32> to vector<16xf32>
          %parallel_loop3A_321 = vector.shape_cast %parallel_loop3A_316 : vector<16xf32> to vector<1x16xf32>
          tpu.vector_store %arg12[%parallel_loop3A_317, %parallel_loop3A_318], %parallel_loop3A_321 {strides = array<i32>} : memref<16x768xf32, #tpu.memory_space<vmem>>, vector<1x16xf32>,
          %parallel_loop3A_322 = arith.index_cast %parallel_loop3A_106 : i32 to index
          %parallel_loop3A_323 = arith.constant 240 : index
          %parallel_loop3A_324 = tpu.vector_load %arg10[%parallel_loop3A_322, %parallel_loop3A_323] {strides = array<i32>} : memref<16x768xf32, #tpu.memory_space<vmem>>, vector<1x16xf32>,
          %parallel_loop3A_325 = vector.shape_cast %parallel_loop3A_324 : vector<1x16xf32> to vector<16xf32>
          %parallel_loop3A_326 = arith.index_cast %parallel_loop3A_111 : i32 to index
          %parallel_loop3A_327 = arith.constant 240 : index
          %parallel_loop3A_328 = tpu.vector_load %arg13[%parallel_loop3A_326, %parallel_loop3A_327] {strides = array<i32>} : memref<77x768xf32, #tpu.memory_space<vmem>>, vector<1x16xf32>,
          %parallel_loop3A_329 = vector.shape_cast %parallel_loop3A_328 : vector<1x16xf32> to vector<16xf32>
          %parallel_loop3A_330 = arith.addf %parallel_loop3A_325, %parallel_loop3A_329 : vector<16xf32>
          %parallel_loop3A_331 = arith.index_cast %parallel_loop3A_106 : i32 to index
          %parallel_loop3A_332 = arith.constant 240 : index
          %parallel_loop3A_333 = tpu.vector_load %arg12[%parallel_loop3A_331, %parallel_loop3A_332] {strides = array<i32>} : memref<16x768xf32, #tpu.memory_space<vmem>>, vector<1x16xf32>,
          %parallel_loop3A_334 = vector.shape_cast %parallel_loop3A_333 : vector<1x16xf32> to vector<16xf32>
          %parallel_loop3A_335 = vector.shape_cast %parallel_loop3A_330 : vector<16xf32> to vector<1x16xf32>
          tpu.vector_store %arg12[%parallel_loop3A_331, %parallel_loop3A_332], %parallel_loop3A_335 {strides = array<i32>} : memref<16x768xf32, #tpu.memory_space<vmem>>, vector<1x16xf32>,
          %parallel_loop3A_336 = arith.index_cast %parallel_loop3A_106 : i32 to index
          %parallel_loop3A_337 = arith.constant 256 : index
          %parallel_loop3A_338 = tpu.vector_load %arg10[%parallel_loop3A_336, %parallel_loop3A_337] {strides = array<i32>} : memref<16x768xf32, #tpu.memory_space<vmem>>, vector<1x16xf32>,
          %parallel_loop3A_339 = vector.shape_cast %parallel_loop3A_338 : vector<1x16xf32> to vector<16xf32>
          %parallel_loop3A_340 = arith.index_cast %parallel_loop3A_111 : i32 to index
          %parallel_loop3A_341 = arith.constant 256 : index
          %parallel_loop3A_342 = tpu.vector_load %arg13[%parallel_loop3A_340, %parallel_loop3A_341] {strides = array<i32>} : memref<77x768xf32, #tpu.memory_space<vmem>>, vector<1x16xf32>,
          %parallel_loop3A_343 = vector.shape_cast %parallel_loop3A_342 : vector<1x16xf32> to vector<16xf32>
          %parallel_loop3A_344 = arith.addf %parallel_loop3A_339, %parallel_loop3A_343 : vector<16xf32>
          %parallel_loop3A_345 = arith.index_cast %parallel_loop3A_106 : i32 to index
          %parallel_loop3A_346 = arith.constant 256 : index
          %parallel_loop3A_347 = tpu.vector_load %arg12[%parallel_loop3A_345, %parallel_loop3A_346] {strides = array<i32>} : memref<16x768xf32, #tpu.memory_space<vmem>>, vector<1x16xf32>,
          %parallel_loop3A_348 = vector.shape_cast %parallel_loop3A_347 : vector<1x16xf32> to vector<16xf32>
          %parallel_loop3A_349 = vector.shape_cast %parallel_loop3A_344 : vector<16xf32> to vector<1x16xf32>
          tpu.vector_store %arg12[%parallel_loop3A_345, %parallel_loop3A_346], %parallel_loop3A_349 {strides = array<i32>} : memref<16x768xf32, #tpu.memory_space<vmem>>, vector<1x16xf32>,
          %parallel_loop3A_350 = arith.index_cast %parallel_loop3A_106 : i32 to index
          %parallel_loop3A_351 = arith.constant 272 : index
          %parallel_loop3A_352 = tpu.vector_load %arg10[%parallel_loop3A_350, %parallel_loop3A_351] {strides = array<i32>} : memref<16x768xf32, #tpu.memory_space<vmem>>, vector<1x16xf32>,
          %parallel_loop3A_353 = vector.shape_cast %parallel_loop3A_352 : vector<1x16xf32> to vector<16xf32>
          %parallel_loop3A_354 = arith.index_cast %parallel_loop3A_111 : i32 to index
          %parallel_loop3A_355 = arith.constant 272 : index
          %parallel_loop3A_356 = tpu.vector_load %arg13[%parallel_loop3A_354, %parallel_loop3A_355] {strides = array<i32>} : memref<77x768xf32, #tpu.memory_space<vmem>>, vector<1x16xf32>,
          %parallel_loop3A_357 = vector.shape_cast %parallel_loop3A_356 : vector<1x16xf32> to vector<16xf32>
          %parallel_loop3A_358 = arith.addf %parallel_loop3A_353, %parallel_loop3A_357 : vector<16xf32>
          %parallel_loop3A_359 = arith.index_cast %parallel_loop3A_106 : i32 to index
          %parallel_loop3A_360 = arith.constant 272 : index
          %parallel_loop3A_361 = tpu.vector_load %arg12[%parallel_loop3A_359, %parallel_loop3A_360] {strides = array<i32>} : memref<16x768xf32, #tpu.memory_space<vmem>>, vector<1x16xf32>,
          %parallel_loop3A_362 = vector.shape_cast %parallel_loop3A_361 : vector<1x16xf32> to vector<16xf32>
          %parallel_loop3A_363 = vector.shape_cast %parallel_loop3A_358 : vector<16xf32> to vector<1x16xf32>
          tpu.vector_store %arg12[%parallel_loop3A_359, %parallel_loop3A_360], %parallel_loop3A_363 {strides = array<i32>} : memref<16x768xf32, #tpu.memory_space<vmem>>, vector<1x16xf32>,
          %parallel_loop3A_364 = arith.index_cast %parallel_loop3A_106 : i32 to index
          %parallel_loop3A_365 = arith.constant 288 : index
          %parallel_loop3A_366 = tpu.vector_load %arg10[%parallel_loop3A_364, %parallel_loop3A_365] {strides = array<i32>} : memref<16x768xf32, #tpu.memory_space<vmem>>, vector<1x16xf32>,
          %parallel_loop3A_367 = vector.shape_cast %parallel_loop3A_366 : vector<1x16xf32> to vector<16xf32>
          %parallel_loop3A_368 = arith.index_cast %parallel_loop3A_111 : i32 to index
          %parallel_loop3A_369 = arith.constant 288 : index
          %parallel_loop3A_370 = tpu.vector_load %arg13[%parallel_loop3A_368, %parallel_loop3A_369] {strides = array<i32>} : memref<77x768xf32, #tpu.memory_space<vmem>>, vector<1x16xf32>,
          %parallel_loop3A_371 = vector.shape_cast %parallel_loop3A_370 : vector<1x16xf32> to vector<16xf32>
          %parallel_loop3A_372 = arith.addf %parallel_loop3A_367, %parallel_loop3A_371 : vector<16xf32>
          %parallel_loop3A_373 = arith.index_cast %parallel_loop3A_106 : i32 to index
          %parallel_loop3A_374 = arith.constant 288 : index
          %parallel_loop3A_375 = tpu.vector_load %arg12[%parallel_loop3A_373, %parallel_loop3A_374] {strides = array<i32>} : memref<16x768xf32, #tpu.memory_space<vmem>>, vector<1x16xf32>,
          %parallel_loop3A_376 = vector.shape_cast %parallel_loop3A_375 : vector<1x16xf32> to vector<16xf32>
          %parallel_loop3A_377 = vector.shape_cast %parallel_loop3A_372 : vector<16xf32> to vector<1x16xf32>
          tpu.vector_store %arg12[%parallel_loop3A_373, %parallel_loop3A_374], %parallel_loop3A_377 {strides = array<i32>} : memref<16x768xf32, #tpu.memory_space<vmem>>, vector<1x16xf32>,
          %parallel_loop3A_378 = arith.index_cast %parallel_loop3A_106 : i32 to index
          %parallel_loop3A_379 = arith.constant 304 : index
          %parallel_loop3A_380 = tpu.vector_load %arg10[%parallel_loop3A_378, %parallel_loop3A_379] {strides = array<i32>} : memref<16x768xf32, #tpu.memory_space<vmem>>, vector<1x16xf32>,
          %parallel_loop3A_381 = vector.shape_cast %parallel_loop3A_380 : vector<1x16xf32> to vector<16xf32>
          %parallel_loop3A_382 = arith.index_cast %parallel_loop3A_111 : i32 to index
          %parallel_loop3A_383 = arith.constant 304 : index
          %parallel_loop3A_384 = tpu.vector_load %arg13[%parallel_loop3A_382, %parallel_loop3A_383] {strides = array<i32>} : memref<77x768xf32, #tpu.memory_space<vmem>>, vector<1x16xf32>,
          %parallel_loop3A_385 = vector.shape_cast %parallel_loop3A_384 : vector<1x16xf32> to vector<16xf32>
          %parallel_loop3A_386 = arith.addf %parallel_loop3A_381, %parallel_loop3A_385 : vector<16xf32>
          %parallel_loop3A_387 = arith.index_cast %parallel_loop3A_106 : i32 to index
          %parallel_loop3A_388 = arith.constant 304 : index
          %parallel_loop3A_389 = tpu.vector_load %arg12[%parallel_loop3A_387, %parallel_loop3A_388] {strides = array<i32>} : memref<16x768xf32, #tpu.memory_space<vmem>>, vector<1x16xf32>,
          %parallel_loop3A_390 = vector.shape_cast %parallel_loop3A_389 : vector<1x16xf32> to vector<16xf32>
          %parallel_loop3A_391 = vector.shape_cast %parallel_loop3A_386 : vector<16xf32> to vector<1x16xf32>
          tpu.vector_store %arg12[%parallel_loop3A_387, %parallel_loop3A_388], %parallel_loop3A_391 {strides = array<i32>} : memref<16x768xf32, #tpu.memory_space<vmem>>, vector<1x16xf32>,
          %parallel_loop3A_392 = arith.index_cast %parallel_loop3A_106 : i32 to index
          %parallel_loop3A_393 = arith.constant 320 : index
          %parallel_loop3A_394 = tpu.vector_load %arg10[%parallel_loop3A_392, %parallel_loop3A_393] {strides = array<i32>} : memref<16x768xf32, #tpu.memory_space<vmem>>, vector<1x16xf32>,
          %parallel_loop3A_395 = vector.shape_cast %parallel_loop3A_394 : vector<1x16xf32> to vector<16xf32>
          %parallel_loop3A_396 = arith.index_cast %parallel_loop3A_111 : i32 to index
          %parallel_loop3A_397 = arith.constant 320 : index
          %parallel_loop3A_398 = tpu.vector_load %arg13[%parallel_loop3A_396, %parallel_loop3A_397] {strides = array<i32>} : memref<77x768xf32, #tpu.memory_space<vmem>>, vector<1x16xf32>,
          %parallel_loop3A_399 = vector.shape_cast %parallel_loop3A_398 : vector<1x16xf32> to vector<16xf32>
          %parallel_loop3A_400 = arith.addf %parallel_loop3A_395, %parallel_loop3A_399 : vector<16xf32>
          %parallel_loop3A_401 = arith.index_cast %parallel_loop3A_106 : i32 to index
          %parallel_loop3A_402 = arith.constant 320 : index
          %parallel_loop3A_403 = tpu.vector_load %arg12[%parallel_loop3A_401, %parallel_loop3A_402] {strides = array<i32>} : memref<16x768xf32, #tpu.memory_space<vmem>>, vector<1x16xf32>,
          %parallel_loop3A_404 = vector.shape_cast %parallel_loop3A_403 : vector<1x16xf32> to vector<16xf32>
          %parallel_loop3A_405 = vector.shape_cast %parallel_loop3A_400 : vector<16xf32> to vector<1x16xf32>
          tpu.vector_store %arg12[%parallel_loop3A_401, %parallel_loop3A_402], %parallel_loop3A_405 {strides = array<i32>} : memref<16x768xf32, #tpu.memory_space<vmem>>, vector<1x16xf32>,
          %parallel_loop3A_406 = arith.index_cast %parallel_loop3A_106 : i32 to index
          %parallel_loop3A_407 = arith.constant 336 : index
          %parallel_loop3A_408 = tpu.vector_load %arg10[%parallel_loop3A_406, %parallel_loop3A_407] {strides = array<i32>} : memref<16x768xf32, #tpu.memory_space<vmem>>, vector<1x16xf32>,
          %parallel_loop3A_409 = vector.shape_cast %parallel_loop3A_408 : vector<1x16xf32> to vector<16xf32>
          %parallel_loop3A_410 = arith.index_cast %parallel_loop3A_111 : i32 to index
          %parallel_loop3A_411 = arith.constant 336 : index
          %parallel_loop3A_412 = tpu.vector_load %arg13[%parallel_loop3A_410, %parallel_loop3A_411] {strides = array<i32>} : memref<77x768xf32, #tpu.memory_space<vmem>>, vector<1x16xf32>,
          %parallel_loop3A_413 = vector.shape_cast %parallel_loop3A_412 : vector<1x16xf32> to vector<16xf32>
          %parallel_loop3A_414 = arith.addf %parallel_loop3A_409, %parallel_loop3A_413 : vector<16xf32>
          %parallel_loop3A_415 = arith.index_cast %parallel_loop3A_106 : i32 to index
          %parallel_loop3A_416 = arith.constant 336 : index
          %parallel_loop3A_417 = tpu.vector_load %arg12[%parallel_loop3A_415, %parallel_loop3A_416] {strides = array<i32>} : memref<16x768xf32, #tpu.memory_space<vmem>>, vector<1x16xf32>,
          %parallel_loop3A_418 = vector.shape_cast %parallel_loop3A_417 : vector<1x16xf32> to vector<16xf32>
          %parallel_loop3A_419 = vector.shape_cast %parallel_loop3A_414 : vector<16xf32> to vector<1x16xf32>
          tpu.vector_store %arg12[%parallel_loop3A_415, %parallel_loop3A_416], %parallel_loop3A_419 {strides = array<i32>} : memref<16x768xf32, #tpu.memory_space<vmem>>, vector<1x16xf32>,
          %parallel_loop3A_420 = arith.index_cast %parallel_loop3A_106 : i32 to index
          %parallel_loop3A_421 = arith.constant 352 : index
          %parallel_loop3A_422 = tpu.vector_load %arg10[%parallel_loop3A_420, %parallel_loop3A_421] {strides = array<i32>} : memref<16x768xf32, #tpu.memory_space<vmem>>, vector<1x16xf32>,
          %parallel_loop3A_423 = vector.shape_cast %parallel_loop3A_422 : vector<1x16xf32> to vector<16xf32>
          %parallel_loop3A_424 = arith.index_cast %parallel_loop3A_111 : i32 to index
          %parallel_loop3A_425 = arith.constant 352 : index
          %parallel_loop3A_426 = tpu.vector_load %arg13[%parallel_loop3A_424, %parallel_loop3A_425] {strides = array<i32>} : memref<77x768xf32, #tpu.memory_space<vmem>>, vector<1x16xf32>,
          %parallel_loop3A_427 = vector.shape_cast %parallel_loop3A_426 : vector<1x16xf32> to vector<16xf32>
          %parallel_loop3A_428 = arith.addf %parallel_loop3A_423, %parallel_loop3A_427 : vector<16xf32>
          %parallel_loop3A_429 = arith.index_cast %parallel_loop3A_106 : i32 to index
          %parallel_loop3A_430 = arith.constant 352 : index
          %parallel_loop3A_431 = tpu.vector_load %arg12[%parallel_loop3A_429, %parallel_loop3A_430] {strides = array<i32>} : memref<16x768xf32, #tpu.memory_space<vmem>>, vector<1x16xf32>,
          %parallel_loop3A_432 = vector.shape_cast %parallel_loop3A_431 : vector<1x16xf32> to vector<16xf32>
          %parallel_loop3A_433 = vector.shape_cast %parallel_loop3A_428 : vector<16xf32> to vector<1x16xf32>
          tpu.vector_store %arg12[%parallel_loop3A_429, %parallel_loop3A_430], %parallel_loop3A_433 {strides = array<i32>} : memref<16x768xf32, #tpu.memory_space<vmem>>, vector<1x16xf32>,
          %parallel_loop3A_434 = arith.index_cast %parallel_loop3A_106 : i32 to index
          %parallel_loop3A_435 = arith.constant 368 : index
          %parallel_loop3A_436 = tpu.vector_load %arg10[%parallel_loop3A_434, %parallel_loop3A_435] {strides = array<i32>} : memref<16x768xf32, #tpu.memory_space<vmem>>, vector<1x16xf32>,
          %parallel_loop3A_437 = vector.shape_cast %parallel_loop3A_436 : vector<1x16xf32> to vector<16xf32>
          %parallel_loop3A_438 = arith.index_cast %parallel_loop3A_111 : i32 to index
          %parallel_loop3A_439 = arith.constant 368 : index
          %parallel_loop3A_440 = tpu.vector_load %arg13[%parallel_loop3A_438, %parallel_loop3A_439] {strides = array<i32>} : memref<77x768xf32, #tpu.memory_space<vmem>>, vector<1x16xf32>,
          %parallel_loop3A_441 = vector.shape_cast %parallel_loop3A_440 : vector<1x16xf32> to vector<16xf32>
          %parallel_loop3A_442 = arith.addf %parallel_loop3A_437, %parallel_loop3A_441 : vector<16xf32>
          %parallel_loop3A_443 = arith.index_cast %parallel_loop3A_106 : i32 to index
          %parallel_loop3A_444 = arith.constant 368 : index
          %parallel_loop3A_445 = tpu.vector_load %arg12[%parallel_loop3A_443, %parallel_loop3A_444] {strides = array<i32>} : memref<16x768xf32, #tpu.memory_space<vmem>>, vector<1x16xf32>,
          %parallel_loop3A_446 = vector.shape_cast %parallel_loop3A_445 : vector<1x16xf32> to vector<16xf32>
          %parallel_loop3A_447 = vector.shape_cast %parallel_loop3A_442 : vector<16xf32> to vector<1x16xf32>
          tpu.vector_store %arg12[%parallel_loop3A_443, %parallel_loop3A_444], %parallel_loop3A_447 {strides = array<i32>} : memref<16x768xf32, #tpu.memory_space<vmem>>, vector<1x16xf32>,
          %parallel_loop3A_448 = arith.index_cast %parallel_loop3A_106 : i32 to index
          %parallel_loop3A_449 = arith.constant 384 : index
          %parallel_loop3A_450 = tpu.vector_load %arg10[%parallel_loop3A_448, %parallel_loop3A_449] {strides = array<i32>} : memref<16x768xf32, #tpu.memory_space<vmem>>, vector<1x16xf32>,
          %parallel_loop3A_451 = vector.shape_cast %parallel_loop3A_450 : vector<1x16xf32> to vector<16xf32>
          %parallel_loop3A_452 = arith.index_cast %parallel_loop3A_111 : i32 to index
          %parallel_loop3A_453 = arith.constant 384 : index
          %parallel_loop3A_454 = tpu.vector_load %arg13[%parallel_loop3A_452, %parallel_loop3A_453] {strides = array<i32>} : memref<77x768xf32, #tpu.memory_space<vmem>>, vector<1x16xf32>,
          %parallel_loop3A_455 = vector.shape_cast %parallel_loop3A_454 : vector<1x16xf32> to vector<16xf32>
          %parallel_loop3A_456 = arith.addf %parallel_loop3A_451, %parallel_loop3A_455 : vector<16xf32>
          %parallel_loop3A_457 = arith.index_cast %parallel_loop3A_106 : i32 to index
          %parallel_loop3A_458 = arith.constant 384 : index
          %parallel_loop3A_459 = tpu.vector_load %arg12[%parallel_loop3A_457, %parallel_loop3A_458] {strides = array<i32>} : memref<16x768xf32, #tpu.memory_space<vmem>>, vector<1x16xf32>,
          %parallel_loop3A_460 = vector.shape_cast %parallel_loop3A_459 : vector<1x16xf32> to vector<16xf32>
          %parallel_loop3A_461 = vector.shape_cast %parallel_loop3A_456 : vector<16xf32> to vector<1x16xf32>
          tpu.vector_store %arg12[%parallel_loop3A_457, %parallel_loop3A_458], %parallel_loop3A_461 {strides = array<i32>} : memref<16x768xf32, #tpu.memory_space<vmem>>, vector<1x16xf32>,
          %parallel_loop3A_462 = arith.index_cast %parallel_loop3A_106 : i32 to index
          %parallel_loop3A_463 = arith.constant 400 : index
          %parallel_loop3A_464 = tpu.vector_load %arg10[%parallel_loop3A_462, %parallel_loop3A_463] {strides = array<i32>} : memref<16x768xf32, #tpu.memory_space<vmem>>, vector<1x16xf32>,
          %parallel_loop3A_465 = vector.shape_cast %parallel_loop3A_464 : vector<1x16xf32> to vector<16xf32>
          %parallel_loop3A_466 = arith.index_cast %parallel_loop3A_111 : i32 to index
          %parallel_loop3A_467 = arith.constant 400 : index
          %parallel_loop3A_468 = tpu.vector_load %arg13[%parallel_loop3A_466, %parallel_loop3A_467] {strides = array<i32>} : memref<77x768xf32, #tpu.memory_space<vmem>>, vector<1x16xf32>,
          %parallel_loop3A_469 = vector.shape_cast %parallel_loop3A_468 : vector<1x16xf32> to vector<16xf32>
          %parallel_loop3A_470 = arith.addf %parallel_loop3A_465, %parallel_loop3A_469 : vector<16xf32>
          %parallel_loop3A_471 = arith.index_cast %parallel_loop3A_106 : i32 to index
          %parallel_loop3A_472 = arith.constant 400 : index
          %parallel_loop3A_473 = tpu.vector_load %arg12[%parallel_loop3A_471, %parallel_loop3A_472] {strides = array<i32>} : memref<16x768xf32, #tpu.memory_space<vmem>>, vector<1x16xf32>,
          %parallel_loop3A_474 = vector.shape_cast %parallel_loop3A_473 : vector<1x16xf32> to vector<16xf32>
          %parallel_loop3A_475 = vector.shape_cast %parallel_loop3A_470 : vector<16xf32> to vector<1x16xf32>
          tpu.vector_store %arg12[%parallel_loop3A_471, %parallel_loop3A_472], %parallel_loop3A_475 {strides = array<i32>} : memref<16x768xf32, #tpu.memory_space<vmem>>, vector<1x16xf32>,
          %parallel_loop3A_476 = arith.index_cast %parallel_loop3A_106 : i32 to index
          %parallel_loop3A_477 = arith.constant 416 : index
          %parallel_loop3A_478 = tpu.vector_load %arg10[%parallel_loop3A_476, %parallel_loop3A_477] {strides = array<i32>} : memref<16x768xf32, #tpu.memory_space<vmem>>, vector<1x16xf32>,
          %parallel_loop3A_479 = vector.shape_cast %parallel_loop3A_478 : vector<1x16xf32> to vector<16xf32>
          %parallel_loop3A_480 = arith.index_cast %parallel_loop3A_111 : i32 to index
          %parallel_loop3A_481 = arith.constant 416 : index
          %parallel_loop3A_482 = tpu.vector_load %arg13[%parallel_loop3A_480, %parallel_loop3A_481] {strides = array<i32>} : memref<77x768xf32, #tpu.memory_space<vmem>>, vector<1x16xf32>,
          %parallel_loop3A_483 = vector.shape_cast %parallel_loop3A_482 : vector<1x16xf32> to vector<16xf32>
          %parallel_loop3A_484 = arith.addf %parallel_loop3A_479, %parallel_loop3A_483 : vector<16xf32>
          %parallel_loop3A_485 = arith.index_cast %parallel_loop3A_106 : i32 to index
          %parallel_loop3A_486 = arith.constant 416 : index
          %parallel_loop3A_487 = tpu.vector_load %arg12[%parallel_loop3A_485, %parallel_loop3A_486] {strides = array<i32>} : memref<16x768xf32, #tpu.memory_space<vmem>>, vector<1x16xf32>,
          %parallel_loop3A_488 = vector.shape_cast %parallel_loop3A_487 : vector<1x16xf32> to vector<16xf32>
          %parallel_loop3A_489 = vector.shape_cast %parallel_loop3A_484 : vector<16xf32> to vector<1x16xf32>
          tpu.vector_store %arg12[%parallel_loop3A_485, %parallel_loop3A_486], %parallel_loop3A_489 {strides = array<i32>} : memref<16x768xf32, #tpu.memory_space<vmem>>, vector<1x16xf32>,
          %parallel_loop3A_490 = arith.index_cast %parallel_loop3A_106 : i32 to index
          %parallel_loop3A_491 = arith.constant 432 : index
          %parallel_loop3A_492 = tpu.vector_load %arg10[%parallel_loop3A_490, %parallel_loop3A_491] {strides = array<i32>} : memref<16x768xf32, #tpu.memory_space<vmem>>, vector<1x16xf32>,
          %parallel_loop3A_493 = vector.shape_cast %parallel_loop3A_492 : vector<1x16xf32> to vector<16xf32>
          %parallel_loop3A_494 = arith.index_cast %parallel_loop3A_111 : i32 to index
          %parallel_loop3A_495 = arith.constant 432 : index
          %parallel_loop3A_496 = tpu.vector_load %arg13[%parallel_loop3A_494, %parallel_loop3A_495] {strides = array<i32>} : memref<77x768xf32, #tpu.memory_space<vmem>>, vector<1x16xf32>,
          %parallel_loop3A_497 = vector.shape_cast %parallel_loop3A_496 : vector<1x16xf32> to vector<16xf32>
          %parallel_loop3A_498 = arith.addf %parallel_loop3A_493, %parallel_loop3A_497 : vector<16xf32>
          %parallel_loop3A_499 = arith.index_cast %parallel_loop3A_106 : i32 to index
          %parallel_loop3A_500 = arith.constant 432 : index
          %parallel_loop3A_501 = tpu.vector_load %arg12[%parallel_loop3A_499, %parallel_loop3A_500] {strides = array<i32>} : memref<16x768xf32, #tpu.memory_space<vmem>>, vector<1x16xf32>,
          %parallel_loop3A_502 = vector.shape_cast %parallel_loop3A_501 : vector<1x16xf32> to vector<16xf32>
          %parallel_loop3A_503 = vector.shape_cast %parallel_loop3A_498 : vector<16xf32> to vector<1x16xf32>
          tpu.vector_store %arg12[%parallel_loop3A_499, %parallel_loop3A_500], %parallel_loop3A_503 {strides = array<i32>} : memref<16x768xf32, #tpu.memory_space<vmem>>, vector<1x16xf32>,
          %parallel_loop3A_504 = arith.index_cast %parallel_loop3A_106 : i32 to index
          %parallel_loop3A_505 = arith.constant 448 : index
          %parallel_loop3A_506 = tpu.vector_load %arg10[%parallel_loop3A_504, %parallel_loop3A_505] {strides = array<i32>} : memref<16x768xf32, #tpu.memory_space<vmem>>, vector<1x16xf32>,
          %parallel_loop3A_507 = vector.shape_cast %parallel_loop3A_506 : vector<1x16xf32> to vector<16xf32>
          %parallel_loop3A_508 = arith.index_cast %parallel_loop3A_111 : i32 to index
          %parallel_loop3A_509 = arith.constant 448 : index
          %parallel_loop3A_510 = tpu.vector_load %arg13[%parallel_loop3A_508, %parallel_loop3A_509] {strides = array<i32>} : memref<77x768xf32, #tpu.memory_space<vmem>>, vector<1x16xf32>,
          %parallel_loop3A_511 = vector.shape_cast %parallel_loop3A_510 : vector<1x16xf32> to vector<16xf32>
          %parallel_loop3A_512 = arith.addf %parallel_loop3A_507, %parallel_loop3A_511 : vector<16xf32>
          %parallel_loop3A_513 = arith.index_cast %parallel_loop3A_106 : i32 to index
          %parallel_loop3A_514 = arith.constant 448 : index
          %parallel_loop3A_515 = tpu.vector_load %arg12[%parallel_loop3A_513, %parallel_loop3A_514] {strides = array<i32>} : memref<16x768xf32, #tpu.memory_space<vmem>>, vector<1x16xf32>,
          %parallel_loop3A_516 = vector.shape_cast %parallel_loop3A_515 : vector<1x16xf32> to vector<16xf32>
          %parallel_loop3A_517 = vector.shape_cast %parallel_loop3A_512 : vector<16xf32> to vector<1x16xf32>
          tpu.vector_store %arg12[%parallel_loop3A_513, %parallel_loop3A_514], %parallel_loop3A_517 {strides = array<i32>} : memref<16x768xf32, #tpu.memory_space<vmem>>, vector<1x16xf32>,
          %parallel_loop3A_518 = arith.index_cast %parallel_loop3A_106 : i32 to index
          %parallel_loop3A_519 = arith.constant 464 : index
          %parallel_loop3A_520 = tpu.vector_load %arg10[%parallel_loop3A_518, %parallel_loop3A_519] {strides = array<i32>} : memref<16x768xf32, #tpu.memory_space<vmem>>, vector<1x16xf32>,
          %parallel_loop3A_521 = vector.shape_cast %parallel_loop3A_520 : vector<1x16xf32> to vector<16xf32>
          %parallel_loop3A_522 = arith.index_cast %parallel_loop3A_111 : i32 to index
          %parallel_loop3A_523 = arith.constant 464 : index
          %parallel_loop3A_524 = tpu.vector_load %arg13[%parallel_loop3A_522, %parallel_loop3A_523] {strides = array<i32>} : memref<77x768xf32, #tpu.memory_space<vmem>>, vector<1x16xf32>,
          %parallel_loop3A_525 = vector.shape_cast %parallel_loop3A_524 : vector<1x16xf32> to vector<16xf32>
          %parallel_loop3A_526 = arith.addf %parallel_loop3A_521, %parallel_loop3A_525 : vector<16xf32>
          %parallel_loop3A_527 = arith.index_cast %parallel_loop3A_106 : i32 to index
          %parallel_loop3A_528 = arith.constant 464 : index
          %parallel_loop3A_529 = tpu.vector_load %arg12[%parallel_loop3A_527, %parallel_loop3A_528] {strides = array<i32>} : memref<16x768xf32, #tpu.memory_space<vmem>>, vector<1x16xf32>,
          %parallel_loop3A_530 = vector.shape_cast %parallel_loop3A_529 : vector<1x16xf32> to vector<16xf32>
          %parallel_loop3A_531 = vector.shape_cast %parallel_loop3A_526 : vector<16xf32> to vector<1x16xf32>
          tpu.vector_store %arg12[%parallel_loop3A_527, %parallel_loop3A_528], %parallel_loop3A_531 {strides = array<i32>} : memref<16x768xf32, #tpu.memory_space<vmem>>, vector<1x16xf32>,
          %parallel_loop3A_532 = arith.index_cast %parallel_loop3A_106 : i32 to index
          %parallel_loop3A_533 = arith.constant 480 : index
          %parallel_loop3A_534 = tpu.vector_load %arg10[%parallel_loop3A_532, %parallel_loop3A_533] {strides = array<i32>} : memref<16x768xf32, #tpu.memory_space<vmem>>, vector<1x16xf32>,
          %parallel_loop3A_535 = vector.shape_cast %parallel_loop3A_534 : vector<1x16xf32> to vector<16xf32>
          %parallel_loop3A_536 = arith.index_cast %parallel_loop3A_111 : i32 to index
          %parallel_loop3A_537 = arith.constant 480 : index
          %parallel_loop3A_538 = tpu.vector_load %arg13[%parallel_loop3A_536, %parallel_loop3A_537] {strides = array<i32>} : memref<77x768xf32, #tpu.memory_space<vmem>>, vector<1x16xf32>,
          %parallel_loop3A_539 = vector.shape_cast %parallel_loop3A_538 : vector<1x16xf32> to vector<16xf32>
          %parallel_loop3A_540 = arith.addf %parallel_loop3A_535, %parallel_loop3A_539 : vector<16xf32>
          %parallel_loop3A_541 = arith.index_cast %parallel_loop3A_106 : i32 to index
          %parallel_loop3A_542 = arith.constant 480 : index
          %parallel_loop3A_543 = tpu.vector_load %arg12[%parallel_loop3A_541, %parallel_loop3A_542] {strides = array<i32>} : memref<16x768xf32, #tpu.memory_space<vmem>>, vector<1x16xf32>,
          %parallel_loop3A_544 = vector.shape_cast %parallel_loop3A_543 : vector<1x16xf32> to vector<16xf32>
          %parallel_loop3A_545 = vector.shape_cast %parallel_loop3A_540 : vector<16xf32> to vector<1x16xf32>
          tpu.vector_store %arg12[%parallel_loop3A_541, %parallel_loop3A_542], %parallel_loop3A_545 {strides = array<i32>} : memref<16x768xf32, #tpu.memory_space<vmem>>, vector<1x16xf32>,
          %parallel_loop3A_546 = arith.index_cast %parallel_loop3A_106 : i32 to index
          %parallel_loop3A_547 = arith.constant 496 : index
          %parallel_loop3A_548 = tpu.vector_load %arg10[%parallel_loop3A_546, %parallel_loop3A_547] {strides = array<i32>} : memref<16x768xf32, #tpu.memory_space<vmem>>, vector<1x16xf32>,
          %parallel_loop3A_549 = vector.shape_cast %parallel_loop3A_548 : vector<1x16xf32> to vector<16xf32>
          %parallel_loop3A_550 = arith.index_cast %parallel_loop3A_111 : i32 to index
          %parallel_loop3A_551 = arith.constant 496 : index
          %parallel_loop3A_552 = tpu.vector_load %arg13[%parallel_loop3A_550, %parallel_loop3A_551] {strides = array<i32>} : memref<77x768xf32, #tpu.memory_space<vmem>>, vector<1x16xf32>,
          %parallel_loop3A_553 = vector.shape_cast %parallel_loop3A_552 : vector<1x16xf32> to vector<16xf32>
          %parallel_loop3A_554 = arith.addf %parallel_loop3A_549, %parallel_loop3A_553 : vector<16xf32>
          %parallel_loop3A_555 = arith.index_cast %parallel_loop3A_106 : i32 to index
          %parallel_loop3A_556 = arith.constant 496 : index
          %parallel_loop3A_557 = tpu.vector_load %arg12[%parallel_loop3A_555, %parallel_loop3A_556] {strides = array<i32>} : memref<16x768xf32, #tpu.memory_space<vmem>>, vector<1x16xf32>,
          %parallel_loop3A_558 = vector.shape_cast %parallel_loop3A_557 : vector<1x16xf32> to vector<16xf32>
          %parallel_loop3A_559 = vector.shape_cast %parallel_loop3A_554 : vector<16xf32> to vector<1x16xf32>
          tpu.vector_store %arg12[%parallel_loop3A_555, %parallel_loop3A_556], %parallel_loop3A_559 {strides = array<i32>} : memref<16x768xf32, #tpu.memory_space<vmem>>, vector<1x16xf32>,
          %parallel_loop3A_560 = arith.index_cast %parallel_loop3A_106 : i32 to index
          %parallel_loop3A_561 = arith.constant 512 : index
          %parallel_loop3A_562 = tpu.vector_load %arg10[%parallel_loop3A_560, %parallel_loop3A_561] {strides = array<i32>} : memref<16x768xf32, #tpu.memory_space<vmem>>, vector<1x16xf32>,
          %parallel_loop3A_563 = vector.shape_cast %parallel_loop3A_562 : vector<1x16xf32> to vector<16xf32>
          %parallel_loop3A_564 = arith.index_cast %parallel_loop3A_111 : i32 to index
          %parallel_loop3A_565 = arith.constant 512 : index
          %parallel_loop3A_566 = tpu.vector_load %arg13[%parallel_loop3A_564, %parallel_loop3A_565] {strides = array<i32>} : memref<77x768xf32, #tpu.memory_space<vmem>>, vector<1x16xf32>,
          %parallel_loop3A_567 = vector.shape_cast %parallel_loop3A_566 : vector<1x16xf32> to vector<16xf32>
          %parallel_loop3A_568 = arith.addf %parallel_loop3A_563, %parallel_loop3A_567 : vector<16xf32>
          %parallel_loop3A_569 = arith.index_cast %parallel_loop3A_106 : i32 to index
          %parallel_loop3A_570 = arith.constant 512 : index
          %parallel_loop3A_571 = tpu.vector_load %arg12[%parallel_loop3A_569, %parallel_loop3A_570] {strides = array<i32>} : memref<16x768xf32, #tpu.memory_space<vmem>>, vector<1x16xf32>,
          %parallel_loop3A_572 = vector.shape_cast %parallel_loop3A_571 : vector<1x16xf32> to vector<16xf32>
          %parallel_loop3A_573 = vector.shape_cast %parallel_loop3A_568 : vector<16xf32> to vector<1x16xf32>
          tpu.vector_store %arg12[%parallel_loop3A_569, %parallel_loop3A_570], %parallel_loop3A_573 {strides = array<i32>} : memref<16x768xf32, #tpu.memory_space<vmem>>, vector<1x16xf32>,
          %parallel_loop3A_574 = arith.index_cast %parallel_loop3A_106 : i32 to index
          %parallel_loop3A_575 = arith.constant 528 : index
          %parallel_loop3A_576 = tpu.vector_load %arg10[%parallel_loop3A_574, %parallel_loop3A_575] {strides = array<i32>} : memref<16x768xf32, #tpu.memory_space<vmem>>, vector<1x16xf32>,
          %parallel_loop3A_577 = vector.shape_cast %parallel_loop3A_576 : vector<1x16xf32> to vector<16xf32>
          %parallel_loop3A_578 = arith.index_cast %parallel_loop3A_111 : i32 to index
          %parallel_loop3A_579 = arith.constant 528 : index
          %parallel_loop3A_580 = tpu.vector_load %arg13[%parallel_loop3A_578, %parallel_loop3A_579] {strides = array<i32>} : memref<77x768xf32, #tpu.memory_space<vmem>>, vector<1x16xf32>,
          %parallel_loop3A_581 = vector.shape_cast %parallel_loop3A_580 : vector<1x16xf32> to vector<16xf32>
          %parallel_loop3A_582 = arith.addf %parallel_loop3A_577, %parallel_loop3A_581 : vector<16xf32>
          %parallel_loop3A_583 = arith.index_cast %parallel_loop3A_106 : i32 to index
          %parallel_loop3A_584 = arith.constant 528 : index
          %parallel_loop3A_585 = tpu.vector_load %arg12[%parallel_loop3A_583, %parallel_loop3A_584] {strides = array<i32>} : memref<16x768xf32, #tpu.memory_space<vmem>>, vector<1x16xf32>,
          %parallel_loop3A_586 = vector.shape_cast %parallel_loop3A_585 : vector<1x16xf32> to vector<16xf32>
          %parallel_loop3A_587 = vector.shape_cast %parallel_loop3A_582 : vector<16xf32> to vector<1x16xf32>
          tpu.vector_store %arg12[%parallel_loop3A_583, %parallel_loop3A_584], %parallel_loop3A_587 {strides = array<i32>} : memref<16x768xf32, #tpu.memory_space<vmem>>, vector<1x16xf32>,
          %parallel_loop3A_588 = arith.index_cast %parallel_loop3A_106 : i32 to index
          %parallel_loop3A_589 = arith.constant 544 : index
          %parallel_loop3A_590 = tpu.vector_load %arg10[%parallel_loop3A_588, %parallel_loop3A_589] {strides = array<i32>} : memref<16x768xf32, #tpu.memory_space<vmem>>, vector<1x16xf32>,
          %parallel_loop3A_591 = vector.shape_cast %parallel_loop3A_590 : vector<1x16xf32> to vector<16xf32>
          %parallel_loop3A_592 = arith.index_cast %parallel_loop3A_111 : i32 to index
          %parallel_loop3A_593 = arith.constant 544 : index
          %parallel_loop3A_594 = tpu.vector_load %arg13[%parallel_loop3A_592, %parallel_loop3A_593] {strides = array<i32>} : memref<77x768xf32, #tpu.memory_space<vmem>>, vector<1x16xf32>,
          %parallel_loop3A_595 = vector.shape_cast %parallel_loop3A_594 : vector<1x16xf32> to vector<16xf32>
          %parallel_loop3A_596 = arith.addf %parallel_loop3A_591, %parallel_loop3A_595 : vector<16xf32>
          %parallel_loop3A_597 = arith.index_cast %parallel_loop3A_106 : i32 to index
          %parallel_loop3A_598 = arith.constant 544 : index
          %parallel_loop3A_599 = tpu.vector_load %arg12[%parallel_loop3A_597, %parallel_loop3A_598] {strides = array<i32>} : memref<16x768xf32, #tpu.memory_space<vmem>>, vector<1x16xf32>,
          %parallel_loop3A_600 = vector.shape_cast %parallel_loop3A_599 : vector<1x16xf32> to vector<16xf32>
          %parallel_loop3A_601 = vector.shape_cast %parallel_loop3A_596 : vector<16xf32> to vector<1x16xf32>
          tpu.vector_store %arg12[%parallel_loop3A_597, %parallel_loop3A_598], %parallel_loop3A_601 {strides = array<i32>} : memref<16x768xf32, #tpu.memory_space<vmem>>, vector<1x16xf32>,
          %parallel_loop3A_602 = arith.index_cast %parallel_loop3A_106 : i32 to index
          %parallel_loop3A_603 = arith.constant 560 : index
          %parallel_loop3A_604 = tpu.vector_load %arg10[%parallel_loop3A_602, %parallel_loop3A_603] {strides = array<i32>} : memref<16x768xf32, #tpu.memory_space<vmem>>, vector<1x16xf32>,
          %parallel_loop3A_605 = vector.shape_cast %parallel_loop3A_604 : vector<1x16xf32> to vector<16xf32>
          %parallel_loop3A_606 = arith.index_cast %parallel_loop3A_111 : i32 to index
          %parallel_loop3A_607 = arith.constant 560 : index
          %parallel_loop3A_608 = tpu.vector_load %arg13[%parallel_loop3A_606, %parallel_loop3A_607] {strides = array<i32>} : memref<77x768xf32, #tpu.memory_space<vmem>>, vector<1x16xf32>,
          %parallel_loop3A_609 = vector.shape_cast %parallel_loop3A_608 : vector<1x16xf32> to vector<16xf32>
          %parallel_loop3A_610 = arith.addf %parallel_loop3A_605, %parallel_loop3A_609 : vector<16xf32>
          %parallel_loop3A_611 = arith.index_cast %parallel_loop3A_106 : i32 to index
          %parallel_loop3A_612 = arith.constant 560 : index
          %parallel_loop3A_613 = tpu.vector_load %arg12[%parallel_loop3A_611, %parallel_loop3A_612] {strides = array<i32>} : memref<16x768xf32, #tpu.memory_space<vmem>>, vector<1x16xf32>,
          %parallel_loop3A_614 = vector.shape_cast %parallel_loop3A_613 : vector<1x16xf32> to vector<16xf32>
          %parallel_loop3A_615 = vector.shape_cast %parallel_loop3A_610 : vector<16xf32> to vector<1x16xf32>
          tpu.vector_store %arg12[%parallel_loop3A_611, %parallel_loop3A_612], %parallel_loop3A_615 {strides = array<i32>} : memref<16x768xf32, #tpu.memory_space<vmem>>, vector<1x16xf32>,
          %parallel_loop3A_616 = arith.index_cast %parallel_loop3A_106 : i32 to index
          %parallel_loop3A_617 = arith.constant 576 : index
          %parallel_loop3A_618 = tpu.vector_load %arg10[%parallel_loop3A_616, %parallel_loop3A_617] {strides = array<i32>} : memref<16x768xf32, #tpu.memory_space<vmem>>, vector<1x16xf32>,
          %parallel_loop3A_619 = vector.shape_cast %parallel_loop3A_618 : vector<1x16xf32> to vector<16xf32>
          %parallel_loop3A_620 = arith.index_cast %parallel_loop3A_111 : i32 to index
          %parallel_loop3A_621 = arith.constant 576 : index
          %parallel_loop3A_622 = tpu.vector_load %arg13[%parallel_loop3A_620, %parallel_loop3A_621] {strides = array<i32>} : memref<77x768xf32, #tpu.memory_space<vmem>>, vector<1x16xf32>,
          %parallel_loop3A_623 = vector.shape_cast %parallel_loop3A_622 : vector<1x16xf32> to vector<16xf32>
          %parallel_loop3A_624 = arith.addf %parallel_loop3A_619, %parallel_loop3A_623 : vector<16xf32>
          %parallel_loop3A_625 = arith.index_cast %parallel_loop3A_106 : i32 to index
          %parallel_loop3A_626 = arith.constant 576 : index
          %parallel_loop3A_627 = tpu.vector_load %arg12[%parallel_loop3A_625, %parallel_loop3A_626] {strides = array<i32>} : memref<16x768xf32, #tpu.memory_space<vmem>>, vector<1x16xf32>,
          %parallel_loop3A_628 = vector.shape_cast %parallel_loop3A_627 : vector<1x16xf32> to vector<16xf32>
          %parallel_loop3A_629 = vector.shape_cast %parallel_loop3A_624 : vector<16xf32> to vector<1x16xf32>
          tpu.vector_store %arg12[%parallel_loop3A_625, %parallel_loop3A_626], %parallel_loop3A_629 {strides = array<i32>} : memref<16x768xf32, #tpu.memory_space<vmem>>, vector<1x16xf32>,
          %parallel_loop3A_630 = arith.index_cast %parallel_loop3A_106 : i32 to index
          %parallel_loop3A_631 = arith.constant 592 : index
          %parallel_loop3A_632 = tpu.vector_load %arg10[%parallel_loop3A_630, %parallel_loop3A_631] {strides = array<i32>} : memref<16x768xf32, #tpu.memory_space<vmem>>, vector<1x16xf32>,
          %parallel_loop3A_633 = vector.shape_cast %parallel_loop3A_632 : vector<1x16xf32> to vector<16xf32>
          %parallel_loop3A_634 = arith.index_cast %parallel_loop3A_111 : i32 to index
          %parallel_loop3A_635 = arith.constant 592 : index
          %parallel_loop3A_636 = tpu.vector_load %arg13[%parallel_loop3A_634, %parallel_loop3A_635] {strides = array<i32>} : memref<77x768xf32, #tpu.memory_space<vmem>>, vector<1x16xf32>,
          %parallel_loop3A_637 = vector.shape_cast %parallel_loop3A_636 : vector<1x16xf32> to vector<16xf32>
          %parallel_loop3A_638 = arith.addf %parallel_loop3A_633, %parallel_loop3A_637 : vector<16xf32>
          %parallel_loop3A_639 = arith.index_cast %parallel_loop3A_106 : i32 to index
          %parallel_loop3A_640 = arith.constant 592 : index
          %parallel_loop3A_641 = tpu.vector_load %arg12[%parallel_loop3A_639, %parallel_loop3A_640] {strides = array<i32>} : memref<16x768xf32, #tpu.memory_space<vmem>>, vector<1x16xf32>,
          %parallel_loop3A_642 = vector.shape_cast %parallel_loop3A_641 : vector<1x16xf32> to vector<16xf32>
          %parallel_loop3A_643 = vector.shape_cast %parallel_loop3A_638 : vector<16xf32> to vector<1x16xf32>
          tpu.vector_store %arg12[%parallel_loop3A_639, %parallel_loop3A_640], %parallel_loop3A_643 {strides = array<i32>} : memref<16x768xf32, #tpu.memory_space<vmem>>, vector<1x16xf32>,
          %parallel_loop3A_644 = arith.index_cast %parallel_loop3A_106 : i32 to index
          %parallel_loop3A_645 = arith.constant 608 : index
          %parallel_loop3A_646 = tpu.vector_load %arg10[%parallel_loop3A_644, %parallel_loop3A_645] {strides = array<i32>} : memref<16x768xf32, #tpu.memory_space<vmem>>, vector<1x16xf32>,
          %parallel_loop3A_647 = vector.shape_cast %parallel_loop3A_646 : vector<1x16xf32> to vector<16xf32>
          %parallel_loop3A_648 = arith.index_cast %parallel_loop3A_111 : i32 to index
          %parallel_loop3A_649 = arith.constant 608 : index
          %parallel_loop3A_650 = tpu.vector_load %arg13[%parallel_loop3A_648, %parallel_loop3A_649] {strides = array<i32>} : memref<77x768xf32, #tpu.memory_space<vmem>>, vector<1x16xf32>,
          %parallel_loop3A_651 = vector.shape_cast %parallel_loop3A_650 : vector<1x16xf32> to vector<16xf32>
          %parallel_loop3A_652 = arith.addf %parallel_loop3A_647, %parallel_loop3A_651 : vector<16xf32>
          %parallel_loop3A_653 = arith.index_cast %parallel_loop3A_106 : i32 to index
          %parallel_loop3A_654 = arith.constant 608 : index
          %parallel_loop3A_655 = tpu.vector_load %arg12[%parallel_loop3A_653, %parallel_loop3A_654] {strides = array<i32>} : memref<16x768xf32, #tpu.memory_space<vmem>>, vector<1x16xf32>,
          %parallel_loop3A_656 = vector.shape_cast %parallel_loop3A_655 : vector<1x16xf32> to vector<16xf32>
          %parallel_loop3A_657 = vector.shape_cast %parallel_loop3A_652 : vector<16xf32> to vector<1x16xf32>
          tpu.vector_store %arg12[%parallel_loop3A_653, %parallel_loop3A_654], %parallel_loop3A_657 {strides = array<i32>} : memref<16x768xf32, #tpu.memory_space<vmem>>, vector<1x16xf32>,
          %parallel_loop3A_658 = arith.index_cast %parallel_loop3A_106 : i32 to index
          %parallel_loop3A_659 = arith.constant 624 : index
          %parallel_loop3A_660 = tpu.vector_load %arg10[%parallel_loop3A_658, %parallel_loop3A_659] {strides = array<i32>} : memref<16x768xf32, #tpu.memory_space<vmem>>, vector<1x16xf32>,
          %parallel_loop3A_661 = vector.shape_cast %parallel_loop3A_660 : vector<1x16xf32> to vector<16xf32>
          %parallel_loop3A_662 = arith.index_cast %parallel_loop3A_111 : i32 to index
          %parallel_loop3A_663 = arith.constant 624 : index
          %parallel_loop3A_664 = tpu.vector_load %arg13[%parallel_loop3A_662, %parallel_loop3A_663] {strides = array<i32>} : memref<77x768xf32, #tpu.memory_space<vmem>>, vector<1x16xf32>,
          %parallel_loop3A_665 = vector.shape_cast %parallel_loop3A_664 : vector<1x16xf32> to vector<16xf32>
          %parallel_loop3A_666 = arith.addf %parallel_loop3A_661, %parallel_loop3A_665 : vector<16xf32>
          %parallel_loop3A_667 = arith.index_cast %parallel_loop3A_106 : i32 to index
          %parallel_loop3A_668 = arith.constant 624 : index
          %parallel_loop3A_669 = tpu.vector_load %arg12[%parallel_loop3A_667, %parallel_loop3A_668] {strides = array<i32>} : memref<16x768xf32, #tpu.memory_space<vmem>>, vector<1x16xf32>,
          %parallel_loop3A_670 = vector.shape_cast %parallel_loop3A_669 : vector<1x16xf32> to vector<16xf32>
          %parallel_loop3A_671 = vector.shape_cast %parallel_loop3A_666 : vector<16xf32> to vector<1x16xf32>
          tpu.vector_store %arg12[%parallel_loop3A_667, %parallel_loop3A_668], %parallel_loop3A_671 {strides = array<i32>} : memref<16x768xf32, #tpu.memory_space<vmem>>, vector<1x16xf32>,
          %parallel_loop3A_672 = arith.index_cast %parallel_loop3A_106 : i32 to index
          %parallel_loop3A_673 = arith.constant 640 : index
          %parallel_loop3A_674 = tpu.vector_load %arg10[%parallel_loop3A_672, %parallel_loop3A_673] {strides = array<i32>} : memref<16x768xf32, #tpu.memory_space<vmem>>, vector<1x16xf32>,
          %parallel_loop3A_675 = vector.shape_cast %parallel_loop3A_674 : vector<1x16xf32> to vector<16xf32>
          %parallel_loop3A_676 = arith.index_cast %parallel_loop3A_111 : i32 to index
          %parallel_loop3A_677 = arith.constant 640 : index
          %parallel_loop3A_678 = tpu.vector_load %arg13[%parallel_loop3A_676, %parallel_loop3A_677] {strides = array<i32>} : memref<77x768xf32, #tpu.memory_space<vmem>>, vector<1x16xf32>,
          %parallel_loop3A_679 = vector.shape_cast %parallel_loop3A_678 : vector<1x16xf32> to vector<16xf32>
          %parallel_loop3A_680 = arith.addf %parallel_loop3A_675, %parallel_loop3A_679 : vector<16xf32>
          %parallel_loop3A_681 = arith.index_cast %parallel_loop3A_106 : i32 to index
          %parallel_loop3A_682 = arith.constant 640 : index
          %parallel_loop3A_683 = tpu.vector_load %arg12[%parallel_loop3A_681, %parallel_loop3A_682] {strides = array<i32>} : memref<16x768xf32, #tpu.memory_space<vmem>>, vector<1x16xf32>,
          %parallel_loop3A_684 = vector.shape_cast %parallel_loop3A_683 : vector<1x16xf32> to vector<16xf32>
          %parallel_loop3A_685 = vector.shape_cast %parallel_loop3A_680 : vector<16xf32> to vector<1x16xf32>
          tpu.vector_store %arg12[%parallel_loop3A_681, %parallel_loop3A_682], %parallel_loop3A_685 {strides = array<i32>} : memref<16x768xf32, #tpu.memory_space<vmem>>, vector<1x16xf32>,
          %parallel_loop3A_686 = arith.index_cast %parallel_loop3A_106 : i32 to index
          %parallel_loop3A_687 = arith.constant 656 : index
          %parallel_loop3A_688 = tpu.vector_load %arg10[%parallel_loop3A_686, %parallel_loop3A_687] {strides = array<i32>} : memref<16x768xf32, #tpu.memory_space<vmem>>, vector<1x16xf32>,
          %parallel_loop3A_689 = vector.shape_cast %parallel_loop3A_688 : vector<1x16xf32> to vector<16xf32>
          %parallel_loop3A_690 = arith.index_cast %parallel_loop3A_111 : i32 to index
          %parallel_loop3A_691 = arith.constant 656 : index
          %parallel_loop3A_692 = tpu.vector_load %arg13[%parallel_loop3A_690, %parallel_loop3A_691] {strides = array<i32>} : memref<77x768xf32, #tpu.memory_space<vmem>>, vector<1x16xf32>,
          %parallel_loop3A_693 = vector.shape_cast %parallel_loop3A_692 : vector<1x16xf32> to vector<16xf32>
          %parallel_loop3A_694 = arith.addf %parallel_loop3A_689, %parallel_loop3A_693 : vector<16xf32>
          %parallel_loop3A_695 = arith.index_cast %parallel_loop3A_106 : i32 to index
          %parallel_loop3A_696 = arith.constant 656 : index
          %parallel_loop3A_697 = tpu.vector_load %arg12[%parallel_loop3A_695, %parallel_loop3A_696] {strides = array<i32>} : memref<16x768xf32, #tpu.memory_space<vmem>>, vector<1x16xf32>,
          %parallel_loop3A_698 = vector.shape_cast %parallel_loop3A_697 : vector<1x16xf32> to vector<16xf32>
          %parallel_loop3A_699 = vector.shape_cast %parallel_loop3A_694 : vector<16xf32> to vector<1x16xf32>
          tpu.vector_store %arg12[%parallel_loop3A_695, %parallel_loop3A_696], %parallel_loop3A_699 {strides = array<i32>} : memref<16x768xf32, #tpu.memory_space<vmem>>, vector<1x16xf32>,
          %parallel_loop3A_700 = arith.index_cast %parallel_loop3A_106 : i32 to index
          %parallel_loop3A_701 = arith.constant 672 : index
          %parallel_loop3A_702 = tpu.vector_load %arg10[%parallel_loop3A_700, %parallel_loop3A_701] {strides = array<i32>} : memref<16x768xf32, #tpu.memory_space<vmem>>, vector<1x16xf32>,
          %parallel_loop3A_703 = vector.shape_cast %parallel_loop3A_702 : vector<1x16xf32> to vector<16xf32>
          %parallel_loop3A_704 = arith.index_cast %parallel_loop3A_111 : i32 to index
          %parallel_loop3A_705 = arith.constant 672 : index
          %parallel_loop3A_706 = tpu.vector_load %arg13[%parallel_loop3A_704, %parallel_loop3A_705] {strides = array<i32>} : memref<77x768xf32, #tpu.memory_space<vmem>>, vector<1x16xf32>,
          %parallel_loop3A_707 = vector.shape_cast %parallel_loop3A_706 : vector<1x16xf32> to vector<16xf32>
          %parallel_loop3A_708 = arith.addf %parallel_loop3A_703, %parallel_loop3A_707 : vector<16xf32>
          %parallel_loop3A_709 = arith.index_cast %parallel_loop3A_106 : i32 to index
          %parallel_loop3A_710 = arith.constant 672 : index
          %parallel_loop3A_711 = tpu.vector_load %arg12[%parallel_loop3A_709, %parallel_loop3A_710] {strides = array<i32>} : memref<16x768xf32, #tpu.memory_space<vmem>>, vector<1x16xf32>,
          %parallel_loop3A_712 = vector.shape_cast %parallel_loop3A_711 : vector<1x16xf32> to vector<16xf32>
          %parallel_loop3A_713 = vector.shape_cast %parallel_loop3A_708 : vector<16xf32> to vector<1x16xf32>
          tpu.vector_store %arg12[%parallel_loop3A_709, %parallel_loop3A_710], %parallel_loop3A_713 {strides = array<i32>} : memref<16x768xf32, #tpu.memory_space<vmem>>, vector<1x16xf32>,
          %parallel_loop3A_714 = arith.index_cast %parallel_loop3A_106 : i32 to index
          %parallel_loop3A_715 = arith.constant 688 : index
          %parallel_loop3A_716 = tpu.vector_load %arg10[%parallel_loop3A_714, %parallel_loop3A_715] {strides = array<i32>} : memref<16x768xf32, #tpu.memory_space<vmem>>, vector<1x16xf32>,
          %parallel_loop3A_717 = vector.shape_cast %parallel_loop3A_716 : vector<1x16xf32> to vector<16xf32>
          %parallel_loop3A_718 = arith.index_cast %parallel_loop3A_111 : i32 to index
          %parallel_loop3A_719 = arith.constant 688 : index
          %parallel_loop3A_720 = tpu.vector_load %arg13[%parallel_loop3A_718, %parallel_loop3A_719] {strides = array<i32>} : memref<77x768xf32, #tpu.memory_space<vmem>>, vector<1x16xf32>,
          %parallel_loop3A_721 = vector.shape_cast %parallel_loop3A_720 : vector<1x16xf32> to vector<16xf32>
          %parallel_loop3A_722 = arith.addf %parallel_loop3A_717, %parallel_loop3A_721 : vector<16xf32>
          %parallel_loop3A_723 = arith.index_cast %parallel_loop3A_106 : i32 to index
          %parallel_loop3A_724 = arith.constant 688 : index
          %parallel_loop3A_725 = tpu.vector_load %arg12[%parallel_loop3A_723, %parallel_loop3A_724] {strides = array<i32>} : memref<16x768xf32, #tpu.memory_space<vmem>>, vector<1x16xf32>,
          %parallel_loop3A_726 = vector.shape_cast %parallel_loop3A_725 : vector<1x16xf32> to vector<16xf32>
          %parallel_loop3A_727 = vector.shape_cast %parallel_loop3A_722 : vector<16xf32> to vector<1x16xf32>
          tpu.vector_store %arg12[%parallel_loop3A_723, %parallel_loop3A_724], %parallel_loop3A_727 {strides = array<i32>} : memref<16x768xf32, #tpu.memory_space<vmem>>, vector<1x16xf32>,
          %parallel_loop3A_728 = arith.index_cast %parallel_loop3A_106 : i32 to index
          %parallel_loop3A_729 = arith.constant 704 : index
          %parallel_loop3A_730 = tpu.vector_load %arg10[%parallel_loop3A_728, %parallel_loop3A_729] {strides = array<i32>} : memref<16x768xf32, #tpu.memory_space<vmem>>, vector<1x16xf32>,
          %parallel_loop3A_731 = vector.shape_cast %parallel_loop3A_730 : vector<1x16xf32> to vector<16xf32>
          %parallel_loop3A_732 = arith.index_cast %parallel_loop3A_111 : i32 to index
          %parallel_loop3A_733 = arith.constant 704 : index
          %parallel_loop3A_734 = tpu.vector_load %arg13[%parallel_loop3A_732, %parallel_loop3A_733] {strides = array<i32>} : memref<77x768xf32, #tpu.memory_space<vmem>>, vector<1x16xf32>,
          %parallel_loop3A_735 = vector.shape_cast %parallel_loop3A_734 : vector<1x16xf32> to vector<16xf32>
          %parallel_loop3A_736 = arith.addf %parallel_loop3A_731, %parallel_loop3A_735 : vector<16xf32>
          %parallel_loop3A_737 = arith.index_cast %parallel_loop3A_106 : i32 to index
          %parallel_loop3A_738 = arith.constant 704 : index
          %parallel_loop3A_739 = tpu.vector_load %arg12[%parallel_loop3A_737, %parallel_loop3A_738] {strides = array<i32>} : memref<16x768xf32, #tpu.memory_space<vmem>>, vector<1x16xf32>,
          %parallel_loop3A_740 = vector.shape_cast %parallel_loop3A_739 : vector<1x16xf32> to vector<16xf32>
          %parallel_loop3A_741 = vector.shape_cast %parallel_loop3A_736 : vector<16xf32> to vector<1x16xf32>
          tpu.vector_store %arg12[%parallel_loop3A_737, %parallel_loop3A_738], %parallel_loop3A_741 {strides = array<i32>} : memref<16x768xf32, #tpu.memory_space<vmem>>, vector<1x16xf32>,
          %parallel_loop3A_742 = arith.index_cast %parallel_loop3A_106 : i32 to index
          %parallel_loop3A_743 = arith.constant 720 : index
          %parallel_loop3A_744 = tpu.vector_load %arg10[%parallel_loop3A_742, %parallel_loop3A_743] {strides = array<i32>} : memref<16x768xf32, #tpu.memory_space<vmem>>, vector<1x16xf32>,
          %parallel_loop3A_745 = vector.shape_cast %parallel_loop3A_744 : vector<1x16xf32> to vector<16xf32>
          %parallel_loop3A_746 = arith.index_cast %parallel_loop3A_111 : i32 to index
          %parallel_loop3A_747 = arith.constant 720 : index
          %parallel_loop3A_748 = tpu.vector_load %arg13[%parallel_loop3A_746, %parallel_loop3A_747] {strides = array<i32>} : memref<77x768xf32, #tpu.memory_space<vmem>>, vector<1x16xf32>,
          %parallel_loop3A_749 = vector.shape_cast %parallel_loop3A_748 : vector<1x16xf32> to vector<16xf32>
          %parallel_loop3A_750 = arith.addf %parallel_loop3A_745, %parallel_loop3A_749 : vector<16xf32>
          %parallel_loop3A_751 = arith.index_cast %parallel_loop3A_106 : i32 to index
          %parallel_loop3A_752 = arith.constant 720 : index
          %parallel_loop3A_753 = tpu.vector_load %arg12[%parallel_loop3A_751, %parallel_loop3A_752] {strides = array<i32>} : memref<16x768xf32, #tpu.memory_space<vmem>>, vector<1x16xf32>,
          %parallel_loop3A_754 = vector.shape_cast %parallel_loop3A_753 : vector<1x16xf32> to vector<16xf32>
          %parallel_loop3A_755 = vector.shape_cast %parallel_loop3A_750 : vector<16xf32> to vector<1x16xf32>
          tpu.vector_store %arg12[%parallel_loop3A_751, %parallel_loop3A_752], %parallel_loop3A_755 {strides = array<i32>} : memref<16x768xf32, #tpu.memory_space<vmem>>, vector<1x16xf32>,
          %parallel_loop3A_756 = arith.index_cast %parallel_loop3A_106 : i32 to index
          %parallel_loop3A_757 = arith.constant 736 : index
          %parallel_loop3A_758 = tpu.vector_load %arg10[%parallel_loop3A_756, %parallel_loop3A_757] {strides = array<i32>} : memref<16x768xf32, #tpu.memory_space<vmem>>, vector<1x16xf32>,
          %parallel_loop3A_759 = vector.shape_cast %parallel_loop3A_758 : vector<1x16xf32> to vector<16xf32>
          %parallel_loop3A_760 = arith.index_cast %parallel_loop3A_111 : i32 to index
          %parallel_loop3A_761 = arith.constant 736 : index
          %parallel_loop3A_762 = tpu.vector_load %arg13[%parallel_loop3A_760, %parallel_loop3A_761] {strides = array<i32>} : memref<77x768xf32, #tpu.memory_space<vmem>>, vector<1x16xf32>,
          %parallel_loop3A_763 = vector.shape_cast %parallel_loop3A_762 : vector<1x16xf32> to vector<16xf32>
          %parallel_loop3A_764 = arith.addf %parallel_loop3A_759, %parallel_loop3A_763 : vector<16xf32>
          %parallel_loop3A_765 = arith.index_cast %parallel_loop3A_106 : i32 to index
          %parallel_loop3A_766 = arith.constant 736 : index
          %parallel_loop3A_767 = tpu.vector_load %arg12[%parallel_loop3A_765, %parallel_loop3A_766] {strides = array<i32>} : memref<16x768xf32, #tpu.memory_space<vmem>>, vector<1x16xf32>,
          %parallel_loop3A_768 = vector.shape_cast %parallel_loop3A_767 : vector<1x16xf32> to vector<16xf32>
          %parallel_loop3A_769 = vector.shape_cast %parallel_loop3A_764 : vector<16xf32> to vector<1x16xf32>
          tpu.vector_store %arg12[%parallel_loop3A_765, %parallel_loop3A_766], %parallel_loop3A_769 {strides = array<i32>} : memref<16x768xf32, #tpu.memory_space<vmem>>, vector<1x16xf32>,
          %parallel_loop3A_770 = arith.index_cast %parallel_loop3A_106 : i32 to index
          %parallel_loop3A_771 = arith.constant 752 : index
          %parallel_loop3A_772 = tpu.vector_load %arg10[%parallel_loop3A_770, %parallel_loop3A_771] {strides = array<i32>} : memref<16x768xf32, #tpu.memory_space<vmem>>, vector<1x16xf32>,
          %parallel_loop3A_773 = vector.shape_cast %parallel_loop3A_772 : vector<1x16xf32> to vector<16xf32>
          %parallel_loop3A_774 = arith.index_cast %parallel_loop3A_111 : i32 to index
          %parallel_loop3A_775 = arith.constant 752 : index
          %parallel_loop3A_776 = tpu.vector_load %arg13[%parallel_loop3A_774, %parallel_loop3A_775] {strides = array<i32>} : memref<77x768xf32, #tpu.memory_space<vmem>>, vector<1x16xf32>,
          %parallel_loop3A_777 = vector.shape_cast %parallel_loop3A_776 : vector<1x16xf32> to vector<16xf32>
          %parallel_loop3A_778 = arith.addf %parallel_loop3A_773, %parallel_loop3A_777 : vector<16xf32>
          %parallel_loop3A_779 = arith.index_cast %parallel_loop3A_106 : i32 to index
          %parallel_loop3A_780 = arith.constant 752 : index
          %parallel_loop3A_781 = tpu.vector_load %arg12[%parallel_loop3A_779, %parallel_loop3A_780] {strides = array<i32>} : memref<16x768xf32, #tpu.memory_space<vmem>>, vector<1x16xf32>,
          %parallel_loop3A_782 = vector.shape_cast %parallel_loop3A_781 : vector<1x16xf32> to vector<16xf32>
          %parallel_loop3A_783 = vector.shape_cast %parallel_loop3A_778 : vector<16xf32> to vector<1x16xf32>
          tpu.vector_store %arg12[%parallel_loop3A_779, %parallel_loop3A_780], %parallel_loop3A_783 {strides = array<i32>} : memref<16x768xf32, #tpu.memory_space<vmem>>, vector<1x16xf32>,
        } {sc.loop_unroll_factor = 1 : i64, sc.parallel_access}
        %le3A_94 = arith.constant 35 : i32
        %le3A_95 = arith.cmpi sle, %scan3A_67, %le3A_94 : i32
        %convert_element_type3A_96 = arith.extui %le3A_95 : i1 to i32
        %cond3A_97 = arith.constant 0 : i32
        %cond3A_98 = arith.cmpi ne, %convert_element_type3A_96, %cond3A_97 : i32
        scf.if %cond3A_98 {
          %add3A_106 = arith.constant 2 : i32
          %add3A_107 = arith.addi %scan3A_67, %add3A_106 : i32
          %mul3A_108 = arith.constant 16 : i32
          %mul3A_109 = arith.muli %add3A_107, %mul3A_108 : i32
          %add3A_110 = arith.addi %mul3A_2, %mul3A_109 : i32
          %dma_wait3A_111 = tpu.memref_slice %arg2[%add3A_110] : memref<19712xi32, #tpu.memory_space<hbm>> -> memref<16xi32, #tpu.memory_space<hbm>>
          %dma_wait3A_112 = tpu.memref_slice %arg2[%add3A_110] : memref<19712xi32, #tpu.memory_space<hbm>> -> memref<16xi32, #tpu.memory_space<hbm>>
          tpu.wait_dma2 semaphore(%arg19 : memref<!tpu.dma_semaphore, #tpu.memory_space<semaphore_mem>>) src(%dma_wait3A_112 : memref<16xi32, #tpu.memory_space<hbm>>) dst(%arg7 : memref<16xi32, #tpu.memory_space<vmem>>)
          %dma_start3A_113 = arith.constant 0 : i32
          %dma_start3A_114 = arith.constant 0 : i32
          %dma_start3A_115 = tpu.memref_slice %arg3[%dma_start3A_113, %dma_start3A_114] : memref<49408x768xf32, #tpu.memory_space<hbm>> -> memref<49408x768xf32, #tpu.memory_space<hbm>>
          tpu.enqueue_indirect_dma source(%dma_start3A_115 : memref<49408x768xf32, #tpu.memory_space<hbm>>) target(%arg10 : memref<16x768xf32, #tpu.memory_space<vmem>>) offsets(%arg7 : memref<16xi32, #tpu.memory_space<vmem>>) semaphore(%arg15 : memref<!tpu.dma_semaphore, #tpu.memory_space<semaphore_mem>>)
        } else {
        }
        %mul3A_99 = arith.constant 16 : i32
        %mul3A_100 = arith.muli %scan3A_67, %mul3A_99 : i32
        %add3A_101 = arith.addi %mul3A_2, %mul3A_100 : i32
        %dma_start3A_102 = arith.constant 0 : i32
        %dma_start3A_103 = tpu.memref_slice %arg5[%add3A_101, %dma_start3A_102] : memref<19712x768xf32, #tpu.memory_space<hbm>> -> memref<16x768xf32, #tpu.memory_space<hbm>>
        %dma_start3A_104 = arith.constant 0 : i32
        %dma_start3A_105 = tpu.memref_slice %arg5[%add3A_101, %dma_start3A_104] : memref<19712x768xf32, #tpu.memory_space<hbm>> -> memref<16x768xf32, #tpu.memory_space<hbm>>
        tpu.enqueue_dma source(%arg12 : memref<16x768xf32, #tpu.memory_space<vmem>>) target(%dma_start3A_105 : memref<16x768xf32, #tpu.memory_space<hbm>>) target_semaphore(%arg17 : memref<!tpu.dma_semaphore, #tpu.memory_space<semaphore_mem>>)
      } else {
      }
      %scan3A_79 = arith.constant 0 : i32
      scf.yield %scan3A_79 : i32
    }
    %scan3A_15 = arith.constant 38 : i32
    %add3A_16 = arith.constant 608 : i32
    %add3A_17 = arith.addi %mul3A_2, %add3A_16 : i32
    "tpu.region"() ({
      %run_scoped3A = tpu.sem_alloc : memref<!tpu.dma_semaphore, #tpu.memory_space<semaphore_mem>>
      %dma_start3A_67 = tpu.memref_slice %arg2[%add3A_17] : memref<19712xi32, #tpu.memory_space<hbm>> -> memref<8xi32, #tpu.memory_space<hbm>>
      %dma_start3A_68 = tpu.memref_slice %arg2[%add3A_17] : memref<19712xi32, #tpu.memory_space<hbm>> -> memref<8xi32, #tpu.memory_space<hbm>>
      tpu.enqueue_dma source(%dma_start3A_68 : memref<8xi32, #tpu.memory_space<hbm>>) target(%arg8 : memref<8xi32, #tpu.memory_space<vmem>>) target_semaphore(%run_scoped3A : memref<!tpu.dma_semaphore, #tpu.memory_space<semaphore_mem>>)
      %dma_wait3A_69 = tpu.memref_slice %arg2[%add3A_17] : memref<19712xi32, #tpu.memory_space<hbm>> -> memref<8xi32, #tpu.memory_space<hbm>>
      %dma_wait3A_70 = tpu.memref_slice %arg2[%add3A_17] : memref<19712xi32, #tpu.memory_space<hbm>> -> memref<8xi32, #tpu.memory_space<hbm>>
      tpu.wait_dma2 semaphore(%run_scoped3A : memref<!tpu.dma_semaphore, #tpu.memory_space<semaphore_mem>>) src(%dma_wait3A_70 : memref<8xi32, #tpu.memory_space<hbm>>) dst(%arg8 : memref<8xi32, #tpu.memory_space<vmem>>)
      tpu.yield
    }) : () -> ()
    %dma_start3A_18 = arith.constant 0 : i32
    %dma_start3A_19 = arith.constant 0 : i32
    %dma_start3A_20 = tpu.memref_slice %arg9[%dma_start3A_18, %dma_start3A_19] : memref<16x768xf32, #tpu.memory_space<vmem>> -> memref<8x768xf32, #tpu.memory_space<vmem>>
    %dma_start3A_21 = arith.constant 0 : i32
    %dma_start3A_22 = arith.constant 0 : i32
    %dma_start3A_23 = tpu.memref_slice %arg3[%dma_start3A_21, %dma_start3A_22] : memref<49408x768xf32, #tpu.memory_space<hbm>> -> memref<49408x768xf32, #tpu.memory_space<hbm>>
    tpu.enqueue_indirect_dma source(%dma_start3A_23 : memref<49408x768xf32, #tpu.memory_space<hbm>>) target(%dma_start3A_20 : memref<8x768xf32, #tpu.memory_space<vmem>>) offsets(%arg8 : memref<8xi32, #tpu.memory_space<vmem>>) semaphore(%arg14 : memref<!tpu.dma_semaphore, #tpu.memory_space<semaphore_mem>>)
    %dma_wait3A = arith.constant 0 : i32
    %dma_wait3A_24 = arith.constant 0 : i32
    %dma_wait3A_25 = tpu.memref_slice %arg9[%dma_wait3A, %dma_wait3A_24] : memref<16x768xf32, #tpu.memory_space<vmem>> -> memref<8x768xf32, #tpu.memory_space<vmem>>
    %dma_wait3A_26 = arith.constant 0 : i32
    %dma_wait3A_27 = arith.constant 0 : i32
    %dma_wait3A_28 = tpu.memref_slice %arg3[%dma_wait3A_26, %dma_wait3A_27] : memref<49408x768xf32, #tpu.memory_space<hbm>> -> memref<49408x768xf32, #tpu.memory_space<hbm>>
    tpu.wait_indirect_dma semaphore(%arg14 : memref<!tpu.dma_semaphore, #tpu.memory_space<semaphore_mem>>) src(%dma_wait3A_28 : memref<49408x768xf32, #tpu.memory_space<hbm>>) dst(%dma_wait3A_25 : memref<8x768xf32, #tpu.memory_space<vmem>>)
    %add3A_29 = arith.constant 576 : i32
    %add3A_30 = arith.addi %mul3A_2, %add3A_29 : i32
    %dma_wait3A_31 = arith.constant 0 : i32
    %dma_wait3A_32 = tpu.memref_slice %arg5[%add3A_30, %dma_wait3A_31] : memref<19712x768xf32, #tpu.memory_space<hbm>> -> memref<16x768xf32, #tpu.memory_space<hbm>>
    %dma_wait3A_33 = arith.constant 0 : i32
    %dma_wait3A_34 = tpu.memref_slice %arg5[%add3A_30, %dma_wait3A_33] : memref<19712x768xf32, #tpu.memory_space<hbm>> -> memref<16x768xf32, #tpu.memory_space<hbm>>
    tpu.wait_dma2 semaphore(%arg16 : memref<!tpu.dma_semaphore, #tpu.memory_space<semaphore_mem>>) src(%arg11 : memref<16x768xf32, #tpu.memory_space<vmem>>) dst(%dma_wait3A_34 : memref<16x768xf32, #tpu.memory_space<hbm>>)
    %parallel_loop3A = arith.constant 0 : i32
    %parallel_loop3A_35 = arith.constant 8 : i32
    %parallel_loop3A_36 = arith.constant 1 : i32
    scf.for %parallel_loop3A_67 = %parallel_loop3A to %parallel_loop3A_35 step %parallel_loop3A_36  : i32 {
      %parallel_loop3A_68 = arith.constant 608 : i32
      %parallel_loop3A_69 = arith.addi %parallel_loop3A_68, %parallel_loop3A_67 : i32
      %parallel_loop3A_70 = arith.constant 77 : i32
      %parallel_loop3A_71 = arith.remsi %parallel_loop3A_69, %parallel_loop3A_70 : i32
      %parallel_loop3A_72 = arith.index_cast %parallel_loop3A_67 : i32 to index
      %parallel_loop3A_73 = arith.constant 0 : index
      %parallel_loop3A_74 = tpu.vector_load %arg9[%parallel_loop3A_72, %parallel_loop3A_73] {strides = array<i32>} : memref<16x768xf32, #tpu.memory_space<vmem>>, vector<1x16xf32>,
      %parallel_loop3A_75 = vector.shape_cast %parallel_loop3A_74 : vector<1x16xf32> to vector<16xf32>
      %parallel_loop3A_76 = arith.index_cast %parallel_loop3A_71 : i32 to index
      %parallel_loop3A_77 = arith.constant 0 : index
      %parallel_loop3A_78 = tpu.vector_load %arg13[%parallel_loop3A_76, %parallel_loop3A_77] {strides = array<i32>} : memref<77x768xf32, #tpu.memory_space<vmem>>, vector<1x16xf32>,
      %parallel_loop3A_79 = vector.shape_cast %parallel_loop3A_78 : vector<1x16xf32> to vector<16xf32>
      %parallel_loop3A_80 = arith.addf %parallel_loop3A_75, %parallel_loop3A_79 : vector<16xf32>
      %parallel_loop3A_81 = arith.index_cast %parallel_loop3A_67 : i32 to index
      %parallel_loop3A_82 = arith.constant 0 : index
      %parallel_loop3A_83 = tpu.vector_load %arg11[%parallel_loop3A_81, %parallel_loop3A_82] {strides = array<i32>} : memref<16x768xf32, #tpu.memory_space<vmem>>, vector<1x16xf32>,
      %parallel_loop3A_84 = vector.shape_cast %parallel_loop3A_83 : vector<1x16xf32> to vector<16xf32>
      %parallel_loop3A_85 = vector.shape_cast %parallel_loop3A_80 : vector<16xf32> to vector<1x16xf32>
      tpu.vector_store %arg11[%parallel_loop3A_81, %parallel_loop3A_82], %parallel_loop3A_85 {strides = array<i32>} : memref<16x768xf32, #tpu.memory_space<vmem>>, vector<1x16xf32>,
      %parallel_loop3A_86 = arith.index_cast %parallel_loop3A_67 : i32 to index
      %parallel_loop3A_87 = arith.constant 16 : index
      %parallel_loop3A_88 = tpu.vector_load %arg9[%parallel_loop3A_86, %parallel_loop3A_87] {strides = array<i32>} : memref<16x768xf32, #tpu.memory_space<vmem>>, vector<1x16xf32>,
      %parallel_loop3A_89 = vector.shape_cast %parallel_loop3A_88 : vector<1x16xf32> to vector<16xf32>
      %parallel_loop3A_90 = arith.index_cast %parallel_loop3A_71 : i32 to index
      %parallel_loop3A_91 = arith.constant 16 : index
      %parallel_loop3A_92 = tpu.vector_load %arg13[%parallel_loop3A_90, %parallel_loop3A_91] {strides = array<i32>} : memref<77x768xf32, #tpu.memory_space<vmem>>, vector<1x16xf32>,
      %parallel_loop3A_93 = vector.shape_cast %parallel_loop3A_92 : vector<1x16xf32> to vector<16xf32>
      %parallel_loop3A_94 = arith.addf %parallel_loop3A_89, %parallel_loop3A_93 : vector<16xf32>
      %parallel_loop3A_95 = arith.index_cast %parallel_loop3A_67 : i32 to index
      %parallel_loop3A_96 = arith.constant 16 : index
      %parallel_loop3A_97 = tpu.vector_load %arg11[%parallel_loop3A_95, %parallel_loop3A_96] {strides = array<i32>} : memref<16x768xf32, #tpu.memory_space<vmem>>, vector<1x16xf32>,
      %parallel_loop3A_98 = vector.shape_cast %parallel_loop3A_97 : vector<1x16xf32> to vector<16xf32>
      %parallel_loop3A_99 = vector.shape_cast %parallel_loop3A_94 : vector<16xf32> to vector<1x16xf32>
      tpu.vector_store %arg11[%parallel_loop3A_95, %parallel_loop3A_96], %parallel_loop3A_99 {strides = array<i32>} : memref<16x768xf32, #tpu.memory_space<vmem>>, vector<1x16xf32>,
      %parallel_loop3A_100 = arith.index_cast %parallel_loop3A_67 : i32 to index
      %parallel_loop3A_101 = arith.constant 32 : index
      %parallel_loop3A_102 = tpu.vector_load %arg9[%parallel_loop3A_100, %parallel_loop3A_101] {strides = array<i32>} : memref<16x768xf32, #tpu.memory_space<vmem>>, vector<1x16xf32>,
      %parallel_loop3A_103 = vector.shape_cast %parallel_loop3A_102 : vector<1x16xf32> to vector<16xf32>
      %parallel_loop3A_104 = arith.index_cast %parallel_loop3A_71 : i32 to index
      %parallel_loop3A_105 = arith.constant 32 : index
      %parallel_loop3A_106 = tpu.vector_load %arg13[%parallel_loop3A_104, %parallel_loop3A_105] {strides = array<i32>} : memref<77x768xf32, #tpu.memory_space<vmem>>, vector<1x16xf32>,
      %parallel_loop3A_107 = vector.shape_cast %parallel_loop3A_106 : vector<1x16xf32> to vector<16xf32>
      %parallel_loop3A_108 = arith.addf %parallel_loop3A_103, %parallel_loop3A_107 : vector<16xf32>
      %parallel_loop3A_109 = arith.index_cast %parallel_loop3A_67 : i32 to index
      %parallel_loop3A_110 = arith.constant 32 : index
      %parallel_loop3A_111 = tpu.vector_load %arg11[%parallel_loop3A_109, %parallel_loop3A_110] {strides = array<i32>} : memref<16x768xf32, #tpu.memory_space<vmem>>, vector<1x16xf32>,
      %parallel_loop3A_112 = vector.shape_cast %parallel_loop3A_111 : vector<1x16xf32> to vector<16xf32>
      %parallel_loop3A_113 = vector.shape_cast %parallel_loop3A_108 : vector<16xf32> to vector<1x16xf32>
      tpu.vector_store %arg11[%parallel_loop3A_109, %parallel_loop3A_110], %parallel_loop3A_113 {strides = array<i32>} : memref<16x768xf32, #tpu.memory_space<vmem>>, vector<1x16xf32>,
      %parallel_loop3A_114 = arith.index_cast %parallel_loop3A_67 : i32 to index
      %parallel_loop3A_115 = arith.constant 48 : index
      %parallel_loop3A_116 = tpu.vector_load %arg9[%parallel_loop3A_114, %parallel_loop3A_115] {strides = array<i32>} : memref<16x768xf32, #tpu.memory_space<vmem>>, vector<1x16xf32>,
      %parallel_loop3A_117 = vector.shape_cast %parallel_loop3A_116 : vector<1x16xf32> to vector<16xf32>
      %parallel_loop3A_118 = arith.index_cast %parallel_loop3A_71 : i32 to index
      %parallel_loop3A_119 = arith.constant 48 : index
      %parallel_loop3A_120 = tpu.vector_load %arg13[%parallel_loop3A_118, %parallel_loop3A_119] {strides = array<i32>} : memref<77x768xf32, #tpu.memory_space<vmem>>, vector<1x16xf32>,
      %parallel_loop3A_121 = vector.shape_cast %parallel_loop3A_120 : vector<1x16xf32> to vector<16xf32>
      %parallel_loop3A_122 = arith.addf %parallel_loop3A_117, %parallel_loop3A_121 : vector<16xf32>
      %parallel_loop3A_123 = arith.index_cast %parallel_loop3A_67 : i32 to index
      %parallel_loop3A_124 = arith.constant 48 : index
      %parallel_loop3A_125 = tpu.vector_load %arg11[%parallel_loop3A_123, %parallel_loop3A_124] {strides = array<i32>} : memref<16x768xf32, #tpu.memory_space<vmem>>, vector<1x16xf32>,
      %parallel_loop3A_126 = vector.shape_cast %parallel_loop3A_125 : vector<1x16xf32> to vector<16xf32>
      %parallel_loop3A_127 = vector.shape_cast %parallel_loop3A_122 : vector<16xf32> to vector<1x16xf32>
      tpu.vector_store %arg11[%parallel_loop3A_123, %parallel_loop3A_124], %parallel_loop3A_127 {strides = array<i32>} : memref<16x768xf32, #tpu.memory_space<vmem>>, vector<1x16xf32>,
      %parallel_loop3A_128 = arith.index_cast %parallel_loop3A_67 : i32 to index
      %parallel_loop3A_129 = arith.constant 64 : index
      %parallel_loop3A_130 = tpu.vector_load %arg9[%parallel_loop3A_128, %parallel_loop3A_129] {strides = array<i32>} : memref<16x768xf32, #tpu.memory_space<vmem>>, vector<1x16xf32>,
      %parallel_loop3A_131 = vector.shape_cast %parallel_loop3A_130 : vector<1x16xf32> to vector<16xf32>
      %parallel_loop3A_132 = arith.index_cast %parallel_loop3A_71 : i32 to index
      %parallel_loop3A_133 = arith.constant 64 : index
      %parallel_loop3A_134 = tpu.vector_load %arg13[%parallel_loop3A_132, %parallel_loop3A_133] {strides = array<i32>} : memref<77x768xf32, #tpu.memory_space<vmem>>, vector<1x16xf32>,
      %parallel_loop3A_135 = vector.shape_cast %parallel_loop3A_134 : vector<1x16xf32> to vector<16xf32>
      %parallel_loop3A_136 = arith.addf %parallel_loop3A_131, %parallel_loop3A_135 : vector<16xf32>
      %parallel_loop3A_137 = arith.index_cast %parallel_loop3A_67 : i32 to index
      %parallel_loop3A_138 = arith.constant 64 : index
      %parallel_loop3A_139 = tpu.vector_load %arg11[%parallel_loop3A_137, %parallel_loop3A_138] {strides = array<i32>} : memref<16x768xf32, #tpu.memory_space<vmem>>, vector<1x16xf32>,
      %parallel_loop3A_140 = vector.shape_cast %parallel_loop3A_139 : vector<1x16xf32> to vector<16xf32>
      %parallel_loop3A_141 = vector.shape_cast %parallel_loop3A_136 : vector<16xf32> to vector<1x16xf32>
      tpu.vector_store %arg11[%parallel_loop3A_137, %parallel_loop3A_138], %parallel_loop3A_141 {strides = array<i32>} : memref<16x768xf32, #tpu.memory_space<vmem>>, vector<1x16xf32>,
      %parallel_loop3A_142 = arith.index_cast %parallel_loop3A_67 : i32 to index
      %parallel_loop3A_143 = arith.constant 80 : index
      %parallel_loop3A_144 = tpu.vector_load %arg9[%parallel_loop3A_142, %parallel_loop3A_143] {strides = array<i32>} : memref<16x768xf32, #tpu.memory_space<vmem>>, vector<1x16xf32>,
      %parallel_loop3A_145 = vector.shape_cast %parallel_loop3A_144 : vector<1x16xf32> to vector<16xf32>
      %parallel_loop3A_146 = arith.index_cast %parallel_loop3A_71 : i32 to index
      %parallel_loop3A_147 = arith.constant 80 : index
      %parallel_loop3A_148 = tpu.vector_load %arg13[%parallel_loop3A_146, %parallel_loop3A_147] {strides = array<i32>} : memref<77x768xf32, #tpu.memory_space<vmem>>, vector<1x16xf32>,
      %parallel_loop3A_149 = vector.shape_cast %parallel_loop3A_148 : vector<1x16xf32> to vector<16xf32>
      %parallel_loop3A_150 = arith.addf %parallel_loop3A_145, %parallel_loop3A_149 : vector<16xf32>
      %parallel_loop3A_151 = arith.index_cast %parallel_loop3A_67 : i32 to index
      %parallel_loop3A_152 = arith.constant 80 : index
      %parallel_loop3A_153 = tpu.vector_load %arg11[%parallel_loop3A_151, %parallel_loop3A_152] {strides = array<i32>} : memref<16x768xf32, #tpu.memory_space<vmem>>, vector<1x16xf32>,
      %parallel_loop3A_154 = vector.shape_cast %parallel_loop3A_153 : vector<1x16xf32> to vector<16xf32>
      %parallel_loop3A_155 = vector.shape_cast %parallel_loop3A_150 : vector<16xf32> to vector<1x16xf32>
      tpu.vector_store %arg11[%parallel_loop3A_151, %parallel_loop3A_152], %parallel_loop3A_155 {strides = array<i32>} : memref<16x768xf32, #tpu.memory_space<vmem>>, vector<1x16xf32>,
      %parallel_loop3A_156 = arith.index_cast %parallel_loop3A_67 : i32 to index
      %parallel_loop3A_157 = arith.constant 96 : index
      %parallel_loop3A_158 = tpu.vector_load %arg9[%parallel_loop3A_156, %parallel_loop3A_157] {strides = array<i32>} : memref<16x768xf32, #tpu.memory_space<vmem>>, vector<1x16xf32>,
      %parallel_loop3A_159 = vector.shape_cast %parallel_loop3A_158 : vector<1x16xf32> to vector<16xf32>
      %parallel_loop3A_160 = arith.index_cast %parallel_loop3A_71 : i32 to index
      %parallel_loop3A_161 = arith.constant 96 : index
      %parallel_loop3A_162 = tpu.vector_load %arg13[%parallel_loop3A_160, %parallel_loop3A_161] {strides = array<i32>} : memref<77x768xf32, #tpu.memory_space<vmem>>, vector<1x16xf32>,
      %parallel_loop3A_163 = vector.shape_cast %parallel_loop3A_162 : vector<1x16xf32> to vector<16xf32>
      %parallel_loop3A_164 = arith.addf %parallel_loop3A_159, %parallel_loop3A_163 : vector<16xf32>
      %parallel_loop3A_165 = arith.index_cast %parallel_loop3A_67 : i32 to index
      %parallel_loop3A_166 = arith.constant 96 : index
      %parallel_loop3A_167 = tpu.vector_load %arg11[%parallel_loop3A_165, %parallel_loop3A_166] {strides = array<i32>} : memref<16x768xf32, #tpu.memory_space<vmem>>, vector<1x16xf32>,
      %parallel_loop3A_168 = vector.shape_cast %parallel_loop3A_167 : vector<1x16xf32> to vector<16xf32>
      %parallel_loop3A_169 = vector.shape_cast %parallel_loop3A_164 : vector<16xf32> to vector<1x16xf32>
      tpu.vector_store %arg11[%parallel_loop3A_165, %parallel_loop3A_166], %parallel_loop3A_169 {strides = array<i32>} : memref<16x768xf32, #tpu.memory_space<vmem>>, vector<1x16xf32>,
      %parallel_loop3A_170 = arith.index_cast %parallel_loop3A_67 : i32 to index
      %parallel_loop3A_171 = arith.constant 112 : index
      %parallel_loop3A_172 = tpu.vector_load %arg9[%parallel_loop3A_170, %parallel_loop3A_171] {strides = array<i32>} : memref<16x768xf32, #tpu.memory_space<vmem>>, vector<1x16xf32>,
      %parallel_loop3A_173 = vector.shape_cast %parallel_loop3A_172 : vector<1x16xf32> to vector<16xf32>
      %parallel_loop3A_174 = arith.index_cast %parallel_loop3A_71 : i32 to index
      %parallel_loop3A_175 = arith.constant 112 : index
      %parallel_loop3A_176 = tpu.vector_load %arg13[%parallel_loop3A_174, %parallel_loop3A_175] {strides = array<i32>} : memref<77x768xf32, #tpu.memory_space<vmem>>, vector<1x16xf32>,
      %parallel_loop3A_177 = vector.shape_cast %parallel_loop3A_176 : vector<1x16xf32> to vector<16xf32>
      %parallel_loop3A_178 = arith.addf %parallel_loop3A_173, %parallel_loop3A_177 : vector<16xf32>
      %parallel_loop3A_179 = arith.index_cast %parallel_loop3A_67 : i32 to index
      %parallel_loop3A_180 = arith.constant 112 : index
      %parallel_loop3A_181 = tpu.vector_load %arg11[%parallel_loop3A_179, %parallel_loop3A_180] {strides = array<i32>} : memref<16x768xf32, #tpu.memory_space<vmem>>, vector<1x16xf32>,
      %parallel_loop3A_182 = vector.shape_cast %parallel_loop3A_181 : vector<1x16xf32> to vector<16xf32>
      %parallel_loop3A_183 = vector.shape_cast %parallel_loop3A_178 : vector<16xf32> to vector<1x16xf32>
      tpu.vector_store %arg11[%parallel_loop3A_179, %parallel_loop3A_180], %parallel_loop3A_183 {strides = array<i32>} : memref<16x768xf32, #tpu.memory_space<vmem>>, vector<1x16xf32>,
      %parallel_loop3A_184 = arith.index_cast %parallel_loop3A_67 : i32 to index
      %parallel_loop3A_185 = arith.constant 128 : index
      %parallel_loop3A_186 = tpu.vector_load %arg9[%parallel_loop3A_184, %parallel_loop3A_185] {strides = array<i32>} : memref<16x768xf32, #tpu.memory_space<vmem>>, vector<1x16xf32>,
      %parallel_loop3A_187 = vector.shape_cast %parallel_loop3A_186 : vector<1x16xf32> to vector<16xf32>
      %parallel_loop3A_188 = arith.index_cast %parallel_loop3A_71 : i32 to index
      %parallel_loop3A_189 = arith.constant 128 : index
      %parallel_loop3A_190 = tpu.vector_load %arg13[%parallel_loop3A_188, %parallel_loop3A_189] {strides = array<i32>} : memref<77x768xf32, #tpu.memory_space<vmem>>, vector<1x16xf32>,
      %parallel_loop3A_191 = vector.shape_cast %parallel_loop3A_190 : vector<1x16xf32> to vector<16xf32>
      %parallel_loop3A_192 = arith.addf %parallel_loop3A_187, %parallel_loop3A_191 : vector<16xf32>
      %parallel_loop3A_193 = arith.index_cast %parallel_loop3A_67 : i32 to index
      %parallel_loop3A_194 = arith.constant 128 : index
      %parallel_loop3A_195 = tpu.vector_load %arg11[%parallel_loop3A_193, %parallel_loop3A_194] {strides = array<i32>} : memref<16x768xf32, #tpu.memory_space<vmem>>, vector<1x16xf32>,
      %parallel_loop3A_196 = vector.shape_cast %parallel_loop3A_195 : vector<1x16xf32> to vector<16xf32>
      %parallel_loop3A_197 = vector.shape_cast %parallel_loop3A_192 : vector<16xf32> to vector<1x16xf32>
      tpu.vector_store %arg11[%parallel_loop3A_193, %parallel_loop3A_194], %parallel_loop3A_197 {strides = array<i32>} : memref<16x768xf32, #tpu.memory_space<vmem>>, vector<1x16xf32>,
      %parallel_loop3A_198 = arith.index_cast %parallel_loop3A_67 : i32 to index
      %parallel_loop3A_199 = arith.constant 144 : index
      %parallel_loop3A_200 = tpu.vector_load %arg9[%parallel_loop3A_198, %parallel_loop3A_199] {strides = array<i32>} : memref<16x768xf32, #tpu.memory_space<vmem>>, vector<1x16xf32>,
      %parallel_loop3A_201 = vector.shape_cast %parallel_loop3A_200 : vector<1x16xf32> to vector<16xf32>
      %parallel_loop3A_202 = arith.index_cast %parallel_loop3A_71 : i32 to index
      %parallel_loop3A_203 = arith.constant 144 : index
      %parallel_loop3A_204 = tpu.vector_load %arg13[%parallel_loop3A_202, %parallel_loop3A_203] {strides = array<i32>} : memref<77x768xf32, #tpu.memory_space<vmem>>, vector<1x16xf32>,
      %parallel_loop3A_205 = vector.shape_cast %parallel_loop3A_204 : vector<1x16xf32> to vector<16xf32>
      %parallel_loop3A_206 = arith.addf %parallel_loop3A_201, %parallel_loop3A_205 : vector<16xf32>
      %parallel_loop3A_207 = arith.index_cast %parallel_loop3A_67 : i32 to index
      %parallel_loop3A_208 = arith.constant 144 : index
      %parallel_loop3A_209 = tpu.vector_load %arg11[%parallel_loop3A_207, %parallel_loop3A_208] {strides = array<i32>} : memref<16x768xf32, #tpu.memory_space<vmem>>, vector<1x16xf32>,
      %parallel_loop3A_210 = vector.shape_cast %parallel_loop3A_209 : vector<1x16xf32> to vector<16xf32>
      %parallel_loop3A_211 = vector.shape_cast %parallel_loop3A_206 : vector<16xf32> to vector<1x16xf32>
      tpu.vector_store %arg11[%parallel_loop3A_207, %parallel_loop3A_208], %parallel_loop3A_211 {strides = array<i32>} : memref<16x768xf32, #tpu.memory_space<vmem>>, vector<1x16xf32>,
      %parallel_loop3A_212 = arith.index_cast %parallel_loop3A_67 : i32 to index
      %parallel_loop3A_213 = arith.constant 160 : index
      %parallel_loop3A_214 = tpu.vector_load %arg9[%parallel_loop3A_212, %parallel_loop3A_213] {strides = array<i32>} : memref<16x768xf32, #tpu.memory_space<vmem>>, vector<1x16xf32>,
      %parallel_loop3A_215 = vector.shape_cast %parallel_loop3A_214 : vector<1x16xf32> to vector<16xf32>
      %parallel_loop3A_216 = arith.index_cast %parallel_loop3A_71 : i32 to index
      %parallel_loop3A_217 = arith.constant 160 : index
      %parallel_loop3A_218 = tpu.vector_load %arg13[%parallel_loop3A_216, %parallel_loop3A_217] {strides = array<i32>} : memref<77x768xf32, #tpu.memory_space<vmem>>, vector<1x16xf32>,
      %parallel_loop3A_219 = vector.shape_cast %parallel_loop3A_218 : vector<1x16xf32> to vector<16xf32>
      %parallel_loop3A_220 = arith.addf %parallel_loop3A_215, %parallel_loop3A_219 : vector<16xf32>
      %parallel_loop3A_221 = arith.index_cast %parallel_loop3A_67 : i32 to index
      %parallel_loop3A_222 = arith.constant 160 : index
      %parallel_loop3A_223 = tpu.vector_load %arg11[%parallel_loop3A_221, %parallel_loop3A_222] {strides = array<i32>} : memref<16x768xf32, #tpu.memory_space<vmem>>, vector<1x16xf32>,
      %parallel_loop3A_224 = vector.shape_cast %parallel_loop3A_223 : vector<1x16xf32> to vector<16xf32>
      %parallel_loop3A_225 = vector.shape_cast %parallel_loop3A_220 : vector<16xf32> to vector<1x16xf32>
      tpu.vector_store %arg11[%parallel_loop3A_221, %parallel_loop3A_222], %parallel_loop3A_225 {strides = array<i32>} : memref<16x768xf32, #tpu.memory_space<vmem>>, vector<1x16xf32>,
      %parallel_loop3A_226 = arith.index_cast %parallel_loop3A_67 : i32 to index
      %parallel_loop3A_227 = arith.constant 176 : index
      %parallel_loop3A_228 = tpu.vector_load %arg9[%parallel_loop3A_226, %parallel_loop3A_227] {strides = array<i32>} : memref<16x768xf32, #tpu.memory_space<vmem>>, vector<1x16xf32>,
      %parallel_loop3A_229 = vector.shape_cast %parallel_loop3A_228 : vector<1x16xf32> to vector<16xf32>
      %parallel_loop3A_230 = arith.index_cast %parallel_loop3A_71 : i32 to index
      %parallel_loop3A_231 = arith.constant 176 : index
      %parallel_loop3A_232 = tpu.vector_load %arg13[%parallel_loop3A_230, %parallel_loop3A_231] {strides = array<i32>} : memref<77x768xf32, #tpu.memory_space<vmem>>, vector<1x16xf32>,
      %parallel_loop3A_233 = vector.shape_cast %parallel_loop3A_232 : vector<1x16xf32> to vector<16xf32>
      %parallel_loop3A_234 = arith.addf %parallel_loop3A_229, %parallel_loop3A_233 : vector<16xf32>
      %parallel_loop3A_235 = arith.index_cast %parallel_loop3A_67 : i32 to index
      %parallel_loop3A_236 = arith.constant 176 : index
      %parallel_loop3A_237 = tpu.vector_load %arg11[%parallel_loop3A_235, %parallel_loop3A_236] {strides = array<i32>} : memref<16x768xf32, #tpu.memory_space<vmem>>, vector<1x16xf32>,
      %parallel_loop3A_238 = vector.shape_cast %parallel_loop3A_237 : vector<1x16xf32> to vector<16xf32>
      %parallel_loop3A_239 = vector.shape_cast %parallel_loop3A_234 : vector<16xf32> to vector<1x16xf32>
      tpu.vector_store %arg11[%parallel_loop3A_235, %parallel_loop3A_236], %parallel_loop3A_239 {strides = array<i32>} : memref<16x768xf32, #tpu.memory_space<vmem>>, vector<1x16xf32>,
      %parallel_loop3A_240 = arith.index_cast %parallel_loop3A_67 : i32 to index
      %parallel_loop3A_241 = arith.constant 192 : index
      %parallel_loop3A_242 = tpu.vector_load %arg9[%parallel_loop3A_240, %parallel_loop3A_241] {strides = array<i32>} : memref<16x768xf32, #tpu.memory_space<vmem>>, vector<1x16xf32>,
      %parallel_loop3A_243 = vector.shape_cast %parallel_loop3A_242 : vector<1x16xf32> to vector<16xf32>
      %parallel_loop3A_244 = arith.index_cast %parallel_loop3A_71 : i32 to index
      %parallel_loop3A_245 = arith.constant 192 : index
      %parallel_loop3A_246 = tpu.vector_load %arg13[%parallel_loop3A_244, %parallel_loop3A_245] {strides = array<i32>} : memref<77x768xf32, #tpu.memory_space<vmem>>, vector<1x16xf32>,
      %parallel_loop3A_247 = vector.shape_cast %parallel_loop3A_246 : vector<1x16xf32> to vector<16xf32>
      %parallel_loop3A_248 = arith.addf %parallel_loop3A_243, %parallel_loop3A_247 : vector<16xf32>
      %parallel_loop3A_249 = arith.index_cast %parallel_loop3A_67 : i32 to index
      %parallel_loop3A_250 = arith.constant 192 : index
      %parallel_loop3A_251 = tpu.vector_load %arg11[%parallel_loop3A_249, %parallel_loop3A_250] {strides = array<i32>} : memref<16x768xf32, #tpu.memory_space<vmem>>, vector<1x16xf32>,
      %parallel_loop3A_252 = vector.shape_cast %parallel_loop3A_251 : vector<1x16xf32> to vector<16xf32>
      %parallel_loop3A_253 = vector.shape_cast %parallel_loop3A_248 : vector<16xf32> to vector<1x16xf32>
      tpu.vector_store %arg11[%parallel_loop3A_249, %parallel_loop3A_250], %parallel_loop3A_253 {strides = array<i32>} : memref<16x768xf32, #tpu.memory_space<vmem>>, vector<1x16xf32>,
      %parallel_loop3A_254 = arith.index_cast %parallel_loop3A_67 : i32 to index
      %parallel_loop3A_255 = arith.constant 208 : index
      %parallel_loop3A_256 = tpu.vector_load %arg9[%parallel_loop3A_254, %parallel_loop3A_255] {strides = array<i32>} : memref<16x768xf32, #tpu.memory_space<vmem>>, vector<1x16xf32>,
      %parallel_loop3A_257 = vector.shape_cast %parallel_loop3A_256 : vector<1x16xf32> to vector<16xf32>
      %parallel_loop3A_258 = arith.index_cast %parallel_loop3A_71 : i32 to index
      %parallel_loop3A_259 = arith.constant 208 : index
      %parallel_loop3A_260 = tpu.vector_load %arg13[%parallel_loop3A_258, %parallel_loop3A_259] {strides = array<i32>} : memref<77x768xf32, #tpu.memory_space<vmem>>, vector<1x16xf32>,
      %parallel_loop3A_261 = vector.shape_cast %parallel_loop3A_260 : vector<1x16xf32> to vector<16xf32>
      %parallel_loop3A_262 = arith.addf %parallel_loop3A_257, %parallel_loop3A_261 : vector<16xf32>
      %parallel_loop3A_263 = arith.index_cast %parallel_loop3A_67 : i32 to index
      %parallel_loop3A_264 = arith.constant 208 : index
      %parallel_loop3A_265 = tpu.vector_load %arg11[%parallel_loop3A_263, %parallel_loop3A_264] {strides = array<i32>} : memref<16x768xf32, #tpu.memory_space<vmem>>, vector<1x16xf32>,
      %parallel_loop3A_266 = vector.shape_cast %parallel_loop3A_265 : vector<1x16xf32> to vector<16xf32>
      %parallel_loop3A_267 = vector.shape_cast %parallel_loop3A_262 : vector<16xf32> to vector<1x16xf32>
      tpu.vector_store %arg11[%parallel_loop3A_263, %parallel_loop3A_264], %parallel_loop3A_267 {strides = array<i32>} : memref<16x768xf32, #tpu.memory_space<vmem>>, vector<1x16xf32>,
      %parallel_loop3A_268 = arith.index_cast %parallel_loop3A_67 : i32 to index
      %parallel_loop3A_269 = arith.constant 224 : index
      %parallel_loop3A_270 = tpu.vector_load %arg9[%parallel_loop3A_268, %parallel_loop3A_269] {strides = array<i32>} : memref<16x768xf32, #tpu.memory_space<vmem>>, vector<1x16xf32>,
      %parallel_loop3A_271 = vector.shape_cast %parallel_loop3A_270 : vector<1x16xf32> to vector<16xf32>
      %parallel_loop3A_272 = arith.index_cast %parallel_loop3A_71 : i32 to index
      %parallel_loop3A_273 = arith.constant 224 : index
      %parallel_loop3A_274 = tpu.vector_load %arg13[%parallel_loop3A_272, %parallel_loop3A_273] {strides = array<i32>} : memref<77x768xf32, #tpu.memory_space<vmem>>, vector<1x16xf32>,
      %parallel_loop3A_275 = vector.shape_cast %parallel_loop3A_274 : vector<1x16xf32> to vector<16xf32>
      %parallel_loop3A_276 = arith.addf %parallel_loop3A_271, %parallel_loop3A_275 : vector<16xf32>
      %parallel_loop3A_277 = arith.index_cast %parallel_loop3A_67 : i32 to index
      %parallel_loop3A_278 = arith.constant 224 : index
      %parallel_loop3A_279 = tpu.vector_load %arg11[%parallel_loop3A_277, %parallel_loop3A_278] {strides = array<i32>} : memref<16x768xf32, #tpu.memory_space<vmem>>, vector<1x16xf32>,
      %parallel_loop3A_280 = vector.shape_cast %parallel_loop3A_279 : vector<1x16xf32> to vector<16xf32>
      %parallel_loop3A_281 = vector.shape_cast %parallel_loop3A_276 : vector<16xf32> to vector<1x16xf32>
      tpu.vector_store %arg11[%parallel_loop3A_277, %parallel_loop3A_278], %parallel_loop3A_281 {strides = array<i32>} : memref<16x768xf32, #tpu.memory_space<vmem>>, vector<1x16xf32>,
      %parallel_loop3A_282 = arith.index_cast %parallel_loop3A_67 : i32 to index
      %parallel_loop3A_283 = arith.constant 240 : index
      %parallel_loop3A_284 = tpu.vector_load %arg9[%parallel_loop3A_282, %parallel_loop3A_283] {strides = array<i32>} : memref<16x768xf32, #tpu.memory_space<vmem>>, vector<1x16xf32>,
      %parallel_loop3A_285 = vector.shape_cast %parallel_loop3A_284 : vector<1x16xf32> to vector<16xf32>
      %parallel_loop3A_286 = arith.index_cast %parallel_loop3A_71 : i32 to index
      %parallel_loop3A_287 = arith.constant 240 : index
      %parallel_loop3A_288 = tpu.vector_load %arg13[%parallel_loop3A_286, %parallel_loop3A_287] {strides = array<i32>} : memref<77x768xf32, #tpu.memory_space<vmem>>, vector<1x16xf32>,
      %parallel_loop3A_289 = vector.shape_cast %parallel_loop3A_288 : vector<1x16xf32> to vector<16xf32>
      %parallel_loop3A_290 = arith.addf %parallel_loop3A_285, %parallel_loop3A_289 : vector<16xf32>
      %parallel_loop3A_291 = arith.index_cast %parallel_loop3A_67 : i32 to index
      %parallel_loop3A_292 = arith.constant 240 : index
      %parallel_loop3A_293 = tpu.vector_load %arg11[%parallel_loop3A_291, %parallel_loop3A_292] {strides = array<i32>} : memref<16x768xf32, #tpu.memory_space<vmem>>, vector<1x16xf32>,
      %parallel_loop3A_294 = vector.shape_cast %parallel_loop3A_293 : vector<1x16xf32> to vector<16xf32>
      %parallel_loop3A_295 = vector.shape_cast %parallel_loop3A_290 : vector<16xf32> to vector<1x16xf32>
      tpu.vector_store %arg11[%parallel_loop3A_291, %parallel_loop3A_292], %parallel_loop3A_295 {strides = array<i32>} : memref<16x768xf32, #tpu.memory_space<vmem>>, vector<1x16xf32>,
      %parallel_loop3A_296 = arith.index_cast %parallel_loop3A_67 : i32 to index
      %parallel_loop3A_297 = arith.constant 256 : index
      %parallel_loop3A_298 = tpu.vector_load %arg9[%parallel_loop3A_296, %parallel_loop3A_297] {strides = array<i32>} : memref<16x768xf32, #tpu.memory_space<vmem>>, vector<1x16xf32>,
      %parallel_loop3A_299 = vector.shape_cast %parallel_loop3A_298 : vector<1x16xf32> to vector<16xf32>
      %parallel_loop3A_300 = arith.index_cast %parallel_loop3A_71 : i32 to index
      %parallel_loop3A_301 = arith.constant 256 : index
      %parallel_loop3A_302 = tpu.vector_load %arg13[%parallel_loop3A_300, %parallel_loop3A_301] {strides = array<i32>} : memref<77x768xf32, #tpu.memory_space<vmem>>, vector<1x16xf32>,
      %parallel_loop3A_303 = vector.shape_cast %parallel_loop3A_302 : vector<1x16xf32> to vector<16xf32>
      %parallel_loop3A_304 = arith.addf %parallel_loop3A_299, %parallel_loop3A_303 : vector<16xf32>
      %parallel_loop3A_305 = arith.index_cast %parallel_loop3A_67 : i32 to index
      %parallel_loop3A_306 = arith.constant 256 : index
      %parallel_loop3A_307 = tpu.vector_load %arg11[%parallel_loop3A_305, %parallel_loop3A_306] {strides = array<i32>} : memref<16x768xf32, #tpu.memory_space<vmem>>, vector<1x16xf32>,
      %parallel_loop3A_308 = vector.shape_cast %parallel_loop3A_307 : vector<1x16xf32> to vector<16xf32>
      %parallel_loop3A_309 = vector.shape_cast %parallel_loop3A_304 : vector<16xf32> to vector<1x16xf32>
      tpu.vector_store %arg11[%parallel_loop3A_305, %parallel_loop3A_306], %parallel_loop3A_309 {strides = array<i32>} : memref<16x768xf32, #tpu.memory_space<vmem>>, vector<1x16xf32>,
      %parallel_loop3A_310 = arith.index_cast %parallel_loop3A_67 : i32 to index
      %parallel_loop3A_311 = arith.constant 272 : index
      %parallel_loop3A_312 = tpu.vector_load %arg9[%parallel_loop3A_310, %parallel_loop3A_311] {strides = array<i32>} : memref<16x768xf32, #tpu.memory_space<vmem>>, vector<1x16xf32>,
      %parallel_loop3A_313 = vector.shape_cast %parallel_loop3A_312 : vector<1x16xf32> to vector<16xf32>
      %parallel_loop3A_314 = arith.index_cast %parallel_loop3A_71 : i32 to index
      %parallel_loop3A_315 = arith.constant 272 : index
      %parallel_loop3A_316 = tpu.vector_load %arg13[%parallel_loop3A_314, %parallel_loop3A_315] {strides = array<i32>} : memref<77x768xf32, #tpu.memory_space<vmem>>, vector<1x16xf32>,
      %parallel_loop3A_317 = vector.shape_cast %parallel_loop3A_316 : vector<1x16xf32> to vector<16xf32>
      %parallel_loop3A_318 = arith.addf %parallel_loop3A_313, %parallel_loop3A_317 : vector<16xf32>
      %parallel_loop3A_319 = arith.index_cast %parallel_loop3A_67 : i32 to index
      %parallel_loop3A_320 = arith.constant 272 : index
      %parallel_loop3A_321 = tpu.vector_load %arg11[%parallel_loop3A_319, %parallel_loop3A_320] {strides = array<i32>} : memref<16x768xf32, #tpu.memory_space<vmem>>, vector<1x16xf32>,
      %parallel_loop3A_322 = vector.shape_cast %parallel_loop3A_321 : vector<1x16xf32> to vector<16xf32>
      %parallel_loop3A_323 = vector.shape_cast %parallel_loop3A_318 : vector<16xf32> to vector<1x16xf32>
      tpu.vector_store %arg11[%parallel_loop3A_319, %parallel_loop3A_320], %parallel_loop3A_323 {strides = array<i32>} : memref<16x768xf32, #tpu.memory_space<vmem>>, vector<1x16xf32>,
      %parallel_loop3A_324 = arith.index_cast %parallel_loop3A_67 : i32 to index
      %parallel_loop3A_325 = arith.constant 288 : index
      %parallel_loop3A_326 = tpu.vector_load %arg9[%parallel_loop3A_324, %parallel_loop3A_325] {strides = array<i32>} : memref<16x768xf32, #tpu.memory_space<vmem>>, vector<1x16xf32>,
      %parallel_loop3A_327 = vector.shape_cast %parallel_loop3A_326 : vector<1x16xf32> to vector<16xf32>
      %parallel_loop3A_328 = arith.index_cast %parallel_loop3A_71 : i32 to index
      %parallel_loop3A_329 = arith.constant 288 : index
      %parallel_loop3A_330 = tpu.vector_load %arg13[%parallel_loop3A_328, %parallel_loop3A_329] {strides = array<i32>} : memref<77x768xf32, #tpu.memory_space<vmem>>, vector<1x16xf32>,
      %parallel_loop3A_331 = vector.shape_cast %parallel_loop3A_330 : vector<1x16xf32> to vector<16xf32>
      %parallel_loop3A_332 = arith.addf %parallel_loop3A_327, %parallel_loop3A_331 : vector<16xf32>
      %parallel_loop3A_333 = arith.index_cast %parallel_loop3A_67 : i32 to index
      %parallel_loop3A_334 = arith.constant 288 : index
      %parallel_loop3A_335 = tpu.vector_load %arg11[%parallel_loop3A_333, %parallel_loop3A_334] {strides = array<i32>} : memref<16x768xf32, #tpu.memory_space<vmem>>, vector<1x16xf32>,
      %parallel_loop3A_336 = vector.shape_cast %parallel_loop3A_335 : vector<1x16xf32> to vector<16xf32>
      %parallel_loop3A_337 = vector.shape_cast %parallel_loop3A_332 : vector<16xf32> to vector<1x16xf32>
      tpu.vector_store %arg11[%parallel_loop3A_333, %parallel_loop3A_334], %parallel_loop3A_337 {strides = array<i32>} : memref<16x768xf32, #tpu.memory_space<vmem>>, vector<1x16xf32>,
      %parallel_loop3A_338 = arith.index_cast %parallel_loop3A_67 : i32 to index
      %parallel_loop3A_339 = arith.constant 304 : index
      %parallel_loop3A_340 = tpu.vector_load %arg9[%parallel_loop3A_338, %parallel_loop3A_339] {strides = array<i32>} : memref<16x768xf32, #tpu.memory_space<vmem>>, vector<1x16xf32>,
      %parallel_loop3A_341 = vector.shape_cast %parallel_loop3A_340 : vector<1x16xf32> to vector<16xf32>
      %parallel_loop3A_342 = arith.index_cast %parallel_loop3A_71 : i32 to index
      %parallel_loop3A_343 = arith.constant 304 : index
      %parallel_loop3A_344 = tpu.vector_load %arg13[%parallel_loop3A_342, %parallel_loop3A_343] {strides = array<i32>} : memref<77x768xf32, #tpu.memory_space<vmem>>, vector<1x16xf32>,
      %parallel_loop3A_345 = vector.shape_cast %parallel_loop3A_344 : vector<1x16xf32> to vector<16xf32>
      %parallel_loop3A_346 = arith.addf %parallel_loop3A_341, %parallel_loop3A_345 : vector<16xf32>
      %parallel_loop3A_347 = arith.index_cast %parallel_loop3A_67 : i32 to index
      %parallel_loop3A_348 = arith.constant 304 : index
      %parallel_loop3A_349 = tpu.vector_load %arg11[%parallel_loop3A_347, %parallel_loop3A_348] {strides = array<i32>} : memref<16x768xf32, #tpu.memory_space<vmem>>, vector<1x16xf32>,
      %parallel_loop3A_350 = vector.shape_cast %parallel_loop3A_349 : vector<1x16xf32> to vector<16xf32>
      %parallel_loop3A_351 = vector.shape_cast %parallel_loop3A_346 : vector<16xf32> to vector<1x16xf32>
      tpu.vector_store %arg11[%parallel_loop3A_347, %parallel_loop3A_348], %parallel_loop3A_351 {strides = array<i32>} : memref<16x768xf32, #tpu.memory_space<vmem>>, vector<1x16xf32>,
      %parallel_loop3A_352 = arith.index_cast %parallel_loop3A_67 : i32 to index
      %parallel_loop3A_353 = arith.constant 320 : index
      %parallel_loop3A_354 = tpu.vector_load %arg9[%parallel_loop3A_352, %parallel_loop3A_353] {strides = array<i32>} : memref<16x768xf32, #tpu.memory_space<vmem>>, vector<1x16xf32>,
      %parallel_loop3A_355 = vector.shape_cast %parallel_loop3A_354 : vector<1x16xf32> to vector<16xf32>
      %parallel_loop3A_356 = arith.index_cast %parallel_loop3A_71 : i32 to index
      %parallel_loop3A_357 = arith.constant 320 : index
      %parallel_loop3A_358 = tpu.vector_load %arg13[%parallel_loop3A_356, %parallel_loop3A_357] {strides = array<i32>} : memref<77x768xf32, #tpu.memory_space<vmem>>, vector<1x16xf32>,
      %parallel_loop3A_359 = vector.shape_cast %parallel_loop3A_358 : vector<1x16xf32> to vector<16xf32>
      %parallel_loop3A_360 = arith.addf %parallel_loop3A_355, %parallel_loop3A_359 : vector<16xf32>
      %parallel_loop3A_361 = arith.index_cast %parallel_loop3A_67 : i32 to index
      %parallel_loop3A_362 = arith.constant 320 : index
      %parallel_loop3A_363 = tpu.vector_load %arg11[%parallel_loop3A_361, %parallel_loop3A_362] {strides = array<i32>} : memref<16x768xf32, #tpu.memory_space<vmem>>, vector<1x16xf32>,
      %parallel_loop3A_364 = vector.shape_cast %parallel_loop3A_363 : vector<1x16xf32> to vector<16xf32>
      %parallel_loop3A_365 = vector.shape_cast %parallel_loop3A_360 : vector<16xf32> to vector<1x16xf32>
      tpu.vector_store %arg11[%parallel_loop3A_361, %parallel_loop3A_362], %parallel_loop3A_365 {strides = array<i32>} : memref<16x768xf32, #tpu.memory_space<vmem>>, vector<1x16xf32>,
      %parallel_loop3A_366 = arith.index_cast %parallel_loop3A_67 : i32 to index
      %parallel_loop3A_367 = arith.constant 336 : index
      %parallel_loop3A_368 = tpu.vector_load %arg9[%parallel_loop3A_366, %parallel_loop3A_367] {strides = array<i32>} : memref<16x768xf32, #tpu.memory_space<vmem>>, vector<1x16xf32>,
      %parallel_loop3A_369 = vector.shape_cast %parallel_loop3A_368 : vector<1x16xf32> to vector<16xf32>
      %parallel_loop3A_370 = arith.index_cast %parallel_loop3A_71 : i32 to index
      %parallel_loop3A_371 = arith.constant 336 : index
      %parallel_loop3A_372 = tpu.vector_load %arg13[%parallel_loop3A_370, %parallel_loop3A_371] {strides = array<i32>} : memref<77x768xf32, #tpu.memory_space<vmem>>, vector<1x16xf32>,
      %parallel_loop3A_373 = vector.shape_cast %parallel_loop3A_372 : vector<1x16xf32> to vector<16xf32>
      %parallel_loop3A_374 = arith.addf %parallel_loop3A_369, %parallel_loop3A_373 : vector<16xf32>
      %parallel_loop3A_375 = arith.index_cast %parallel_loop3A_67 : i32 to index
      %parallel_loop3A_376 = arith.constant 336 : index
      %parallel_loop3A_377 = tpu.vector_load %arg11[%parallel_loop3A_375, %parallel_loop3A_376] {strides = array<i32>} : memref<16x768xf32, #tpu.memory_space<vmem>>, vector<1x16xf32>,
      %parallel_loop3A_378 = vector.shape_cast %parallel_loop3A_377 : vector<1x16xf32> to vector<16xf32>
      %parallel_loop3A_379 = vector.shape_cast %parallel_loop3A_374 : vector<16xf32> to vector<1x16xf32>
      tpu.vector_store %arg11[%parallel_loop3A_375, %parallel_loop3A_376], %parallel_loop3A_379 {strides = array<i32>} : memref<16x768xf32, #tpu.memory_space<vmem>>, vector<1x16xf32>,
      %parallel_loop3A_380 = arith.index_cast %parallel_loop3A_67 : i32 to index
      %parallel_loop3A_381 = arith.constant 352 : index
      %parallel_loop3A_382 = tpu.vector_load %arg9[%parallel_loop3A_380, %parallel_loop3A_381] {strides = array<i32>} : memref<16x768xf32, #tpu.memory_space<vmem>>, vector<1x16xf32>,
      %parallel_loop3A_383 = vector.shape_cast %parallel_loop3A_382 : vector<1x16xf32> to vector<16xf32>
      %parallel_loop3A_384 = arith.index_cast %parallel_loop3A_71 : i32 to index
      %parallel_loop3A_385 = arith.constant 352 : index
      %parallel_loop3A_386 = tpu.vector_load %arg13[%parallel_loop3A_384, %parallel_loop3A_385] {strides = array<i32>} : memref<77x768xf32, #tpu.memory_space<vmem>>, vector<1x16xf32>,
      %parallel_loop3A_387 = vector.shape_cast %parallel_loop3A_386 : vector<1x16xf32> to vector<16xf32>
      %parallel_loop3A_388 = arith.addf %parallel_loop3A_383, %parallel_loop3A_387 : vector<16xf32>
      %parallel_loop3A_389 = arith.index_cast %parallel_loop3A_67 : i32 to index
      %parallel_loop3A_390 = arith.constant 352 : index
      %parallel_loop3A_391 = tpu.vector_load %arg11[%parallel_loop3A_389, %parallel_loop3A_390] {strides = array<i32>} : memref<16x768xf32, #tpu.memory_space<vmem>>, vector<1x16xf32>,
      %parallel_loop3A_392 = vector.shape_cast %parallel_loop3A_391 : vector<1x16xf32> to vector<16xf32>
      %parallel_loop3A_393 = vector.shape_cast %parallel_loop3A_388 : vector<16xf32> to vector<1x16xf32>
      tpu.vector_store %arg11[%parallel_loop3A_389, %parallel_loop3A_390], %parallel_loop3A_393 {strides = array<i32>} : memref<16x768xf32, #tpu.memory_space<vmem>>, vector<1x16xf32>,
      %parallel_loop3A_394 = arith.index_cast %parallel_loop3A_67 : i32 to index
      %parallel_loop3A_395 = arith.constant 368 : index
      %parallel_loop3A_396 = tpu.vector_load %arg9[%parallel_loop3A_394, %parallel_loop3A_395] {strides = array<i32>} : memref<16x768xf32, #tpu.memory_space<vmem>>, vector<1x16xf32>,
      %parallel_loop3A_397 = vector.shape_cast %parallel_loop3A_396 : vector<1x16xf32> to vector<16xf32>
      %parallel_loop3A_398 = arith.index_cast %parallel_loop3A_71 : i32 to index
      %parallel_loop3A_399 = arith.constant 368 : index
      %parallel_loop3A_400 = tpu.vector_load %arg13[%parallel_loop3A_398, %parallel_loop3A_399] {strides = array<i32>} : memref<77x768xf32, #tpu.memory_space<vmem>>, vector<1x16xf32>,
      %parallel_loop3A_401 = vector.shape_cast %parallel_loop3A_400 : vector<1x16xf32> to vector<16xf32>
      %parallel_loop3A_402 = arith.addf %parallel_loop3A_397, %parallel_loop3A_401 : vector<16xf32>
      %parallel_loop3A_403 = arith.index_cast %parallel_loop3A_67 : i32 to index
      %parallel_loop3A_404 = arith.constant 368 : index
      %parallel_loop3A_405 = tpu.vector_load %arg11[%parallel_loop3A_403, %parallel_loop3A_404] {strides = array<i32>} : memref<16x768xf32, #tpu.memory_space<vmem>>, vector<1x16xf32>,
      %parallel_loop3A_406 = vector.shape_cast %parallel_loop3A_405 : vector<1x16xf32> to vector<16xf32>
      %parallel_loop3A_407 = vector.shape_cast %parallel_loop3A_402 : vector<16xf32> to vector<1x16xf32>
      tpu.vector_store %arg11[%parallel_loop3A_403, %parallel_loop3A_404], %parallel_loop3A_407 {strides = array<i32>} : memref<16x768xf32, #tpu.memory_space<vmem>>, vector<1x16xf32>,
      %parallel_loop3A_408 = arith.index_cast %parallel_loop3A_67 : i32 to index
      %parallel_loop3A_409 = arith.constant 384 : index
      %parallel_loop3A_410 = tpu.vector_load %arg9[%parallel_loop3A_408, %parallel_loop3A_409] {strides = array<i32>} : memref<16x768xf32, #tpu.memory_space<vmem>>, vector<1x16xf32>,
      %parallel_loop3A_411 = vector.shape_cast %parallel_loop3A_410 : vector<1x16xf32> to vector<16xf32>
      %parallel_loop3A_412 = arith.index_cast %parallel_loop3A_71 : i32 to index
      %parallel_loop3A_413 = arith.constant 384 : index
      %parallel_loop3A_414 = tpu.vector_load %arg13[%parallel_loop3A_412, %parallel_loop3A_413] {strides = array<i32>} : memref<77x768xf32, #tpu.memory_space<vmem>>, vector<1x16xf32>,
      %parallel_loop3A_415 = vector.shape_cast %parallel_loop3A_414 : vector<1x16xf32> to vector<16xf32>
      %parallel_loop3A_416 = arith.addf %parallel_loop3A_411, %parallel_loop3A_415 : vector<16xf32>
      %parallel_loop3A_417 = arith.index_cast %parallel_loop3A_67 : i32 to index
      %parallel_loop3A_418 = arith.constant 384 : index
      %parallel_loop3A_419 = tpu.vector_load %arg11[%parallel_loop3A_417, %parallel_loop3A_418] {strides = array<i32>} : memref<16x768xf32, #tpu.memory_space<vmem>>, vector<1x16xf32>,
      %parallel_loop3A_420 = vector.shape_cast %parallel_loop3A_419 : vector<1x16xf32> to vector<16xf32>
      %parallel_loop3A_421 = vector.shape_cast %parallel_loop3A_416 : vector<16xf32> to vector<1x16xf32>
      tpu.vector_store %arg11[%parallel_loop3A_417, %parallel_loop3A_418], %parallel_loop3A_421 {strides = array<i32>} : memref<16x768xf32, #tpu.memory_space<vmem>>, vector<1x16xf32>,
      %parallel_loop3A_422 = arith.index_cast %parallel_loop3A_67 : i32 to index
      %parallel_loop3A_423 = arith.constant 400 : index
      %parallel_loop3A_424 = tpu.vector_load %arg9[%parallel_loop3A_422, %parallel_loop3A_423] {strides = array<i32>} : memref<16x768xf32, #tpu.memory_space<vmem>>, vector<1x16xf32>,
      %parallel_loop3A_425 = vector.shape_cast %parallel_loop3A_424 : vector<1x16xf32> to vector<16xf32>
      %parallel_loop3A_426 = arith.index_cast %parallel_loop3A_71 : i32 to index
      %parallel_loop3A_427 = arith.constant 400 : index
      %parallel_loop3A_428 = tpu.vector_load %arg13[%parallel_loop3A_426, %parallel_loop3A_427] {strides = array<i32>} : memref<77x768xf32, #tpu.memory_space<vmem>>, vector<1x16xf32>,
      %parallel_loop3A_429 = vector.shape_cast %parallel_loop3A_428 : vector<1x16xf32> to vector<16xf32>
      %parallel_loop3A_430 = arith.addf %parallel_loop3A_425, %parallel_loop3A_429 : vector<16xf32>
      %parallel_loop3A_431 = arith.index_cast %parallel_loop3A_67 : i32 to index
      %parallel_loop3A_432 = arith.constant 400 : index
      %parallel_loop3A_433 = tpu.vector_load %arg11[%parallel_loop3A_431, %parallel_loop3A_432] {strides = array<i32>} : memref<16x768xf32, #tpu.memory_space<vmem>>, vector<1x16xf32>,
      %parallel_loop3A_434 = vector.shape_cast %parallel_loop3A_433 : vector<1x16xf32> to vector<16xf32>
      %parallel_loop3A_435 = vector.shape_cast %parallel_loop3A_430 : vector<16xf32> to vector<1x16xf32>
      tpu.vector_store %arg11[%parallel_loop3A_431, %parallel_loop3A_432], %parallel_loop3A_435 {strides = array<i32>} : memref<16x768xf32, #tpu.memory_space<vmem>>, vector<1x16xf32>,
      %parallel_loop3A_436 = arith.index_cast %parallel_loop3A_67 : i32 to index
      %parallel_loop3A_437 = arith.constant 416 : index
      %parallel_loop3A_438 = tpu.vector_load %arg9[%parallel_loop3A_436, %parallel_loop3A_437] {strides = array<i32>} : memref<16x768xf32, #tpu.memory_space<vmem>>, vector<1x16xf32>,
      %parallel_loop3A_439 = vector.shape_cast %parallel_loop3A_438 : vector<1x16xf32> to vector<16xf32>
      %parallel_loop3A_440 = arith.index_cast %parallel_loop3A_71 : i32 to index
      %parallel_loop3A_441 = arith.constant 416 : index
      %parallel_loop3A_442 = tpu.vector_load %arg13[%parallel_loop3A_440, %parallel_loop3A_441] {strides = array<i32>} : memref<77x768xf32, #tpu.memory_space<vmem>>, vector<1x16xf32>,
      %parallel_loop3A_443 = vector.shape_cast %parallel_loop3A_442 : vector<1x16xf32> to vector<16xf32>
      %parallel_loop3A_444 = arith.addf %parallel_loop3A_439, %parallel_loop3A_443 : vector<16xf32>
      %parallel_loop3A_445 = arith.index_cast %parallel_loop3A_67 : i32 to index
      %parallel_loop3A_446 = arith.constant 416 : index
      %parallel_loop3A_447 = tpu.vector_load %arg11[%parallel_loop3A_445, %parallel_loop3A_446] {strides = array<i32>} : memref<16x768xf32, #tpu.memory_space<vmem>>, vector<1x16xf32>,
      %parallel_loop3A_448 = vector.shape_cast %parallel_loop3A_447 : vector<1x16xf32> to vector<16xf32>
      %parallel_loop3A_449 = vector.shape_cast %parallel_loop3A_444 : vector<16xf32> to vector<1x16xf32>
      tpu.vector_store %arg11[%parallel_loop3A_445, %parallel_loop3A_446], %parallel_loop3A_449 {strides = array<i32>} : memref<16x768xf32, #tpu.memory_space<vmem>>, vector<1x16xf32>,
      %parallel_loop3A_450 = arith.index_cast %parallel_loop3A_67 : i32 to index
      %parallel_loop3A_451 = arith.constant 432 : index
      %parallel_loop3A_452 = tpu.vector_load %arg9[%parallel_loop3A_450, %parallel_loop3A_451] {strides = array<i32>} : memref<16x768xf32, #tpu.memory_space<vmem>>, vector<1x16xf32>,
      %parallel_loop3A_453 = vector.shape_cast %parallel_loop3A_452 : vector<1x16xf32> to vector<16xf32>
      %parallel_loop3A_454 = arith.index_cast %parallel_loop3A_71 : i32 to index
      %parallel_loop3A_455 = arith.constant 432 : index
      %parallel_loop3A_456 = tpu.vector_load %arg13[%parallel_loop3A_454, %parallel_loop3A_455] {strides = array<i32>} : memref<77x768xf32, #tpu.memory_space<vmem>>, vector<1x16xf32>,
      %parallel_loop3A_457 = vector.shape_cast %parallel_loop3A_456 : vector<1x16xf32> to vector<16xf32>
      %parallel_loop3A_458 = arith.addf %parallel_loop3A_453, %parallel_loop3A_457 : vector<16xf32>
      %parallel_loop3A_459 = arith.index_cast %parallel_loop3A_67 : i32 to index
      %parallel_loop3A_460 = arith.constant 432 : index
      %parallel_loop3A_461 = tpu.vector_load %arg11[%parallel_loop3A_459, %parallel_loop3A_460] {strides = array<i32>} : memref<16x768xf32, #tpu.memory_space<vmem>>, vector<1x16xf32>,
      %parallel_loop3A_462 = vector.shape_cast %parallel_loop3A_461 : vector<1x16xf32> to vector<16xf32>
      %parallel_loop3A_463 = vector.shape_cast %parallel_loop3A_458 : vector<16xf32> to vector<1x16xf32>
      tpu.vector_store %arg11[%parallel_loop3A_459, %parallel_loop3A_460], %parallel_loop3A_463 {strides = array<i32>} : memref<16x768xf32, #tpu.memory_space<vmem>>, vector<1x16xf32>,
      %parallel_loop3A_464 = arith.index_cast %parallel_loop3A_67 : i32 to index
      %parallel_loop3A_465 = arith.constant 448 : index
      %parallel_loop3A_466 = tpu.vector_load %arg9[%parallel_loop3A_464, %parallel_loop3A_465] {strides = array<i32>} : memref<16x768xf32, #tpu.memory_space<vmem>>, vector<1x16xf32>,
      %parallel_loop3A_467 = vector.shape_cast %parallel_loop3A_466 : vector<1x16xf32> to vector<16xf32>
      %parallel_loop3A_468 = arith.index_cast %parallel_loop3A_71 : i32 to index
      %parallel_loop3A_469 = arith.constant 448 : index
      %parallel_loop3A_470 = tpu.vector_load %arg13[%parallel_loop3A_468, %parallel_loop3A_469] {strides = array<i32>} : memref<77x768xf32, #tpu.memory_space<vmem>>, vector<1x16xf32>,
      %parallel_loop3A_471 = vector.shape_cast %parallel_loop3A_470 : vector<1x16xf32> to vector<16xf32>
      %parallel_loop3A_472 = arith.addf %parallel_loop3A_467, %parallel_loop3A_471 : vector<16xf32>
      %parallel_loop3A_473 = arith.index_cast %parallel_loop3A_67 : i32 to index
      %parallel_loop3A_474 = arith.constant 448 : index
      %parallel_loop3A_475 = tpu.vector_load %arg11[%parallel_loop3A_473, %parallel_loop3A_474] {strides = array<i32>} : memref<16x768xf32, #tpu.memory_space<vmem>>, vector<1x16xf32>,
      %parallel_loop3A_476 = vector.shape_cast %parallel_loop3A_475 : vector<1x16xf32> to vector<16xf32>
      %parallel_loop3A_477 = vector.shape_cast %parallel_loop3A_472 : vector<16xf32> to vector<1x16xf32>
      tpu.vector_store %arg11[%parallel_loop3A_473, %parallel_loop3A_474], %parallel_loop3A_477 {strides = array<i32>} : memref<16x768xf32, #tpu.memory_space<vmem>>, vector<1x16xf32>,
      %parallel_loop3A_478 = arith.index_cast %parallel_loop3A_67 : i32 to index
      %parallel_loop3A_479 = arith.constant 464 : index
      %parallel_loop3A_480 = tpu.vector_load %arg9[%parallel_loop3A_478, %parallel_loop3A_479] {strides = array<i32>} : memref<16x768xf32, #tpu.memory_space<vmem>>, vector<1x16xf32>,
      %parallel_loop3A_481 = vector.shape_cast %parallel_loop3A_480 : vector<1x16xf32> to vector<16xf32>
      %parallel_loop3A_482 = arith.index_cast %parallel_loop3A_71 : i32 to index
      %parallel_loop3A_483 = arith.constant 464 : index
      %parallel_loop3A_484 = tpu.vector_load %arg13[%parallel_loop3A_482, %parallel_loop3A_483] {strides = array<i32>} : memref<77x768xf32, #tpu.memory_space<vmem>>, vector<1x16xf32>,
      %parallel_loop3A_485 = vector.shape_cast %parallel_loop3A_484 : vector<1x16xf32> to vector<16xf32>
      %parallel_loop3A_486 = arith.addf %parallel_loop3A_481, %parallel_loop3A_485 : vector<16xf32>
      %parallel_loop3A_487 = arith.index_cast %parallel_loop3A_67 : i32 to index
      %parallel_loop3A_488 = arith.constant 464 : index
      %parallel_loop3A_489 = tpu.vector_load %arg11[%parallel_loop3A_487, %parallel_loop3A_488] {strides = array<i32>} : memref<16x768xf32, #tpu.memory_space<vmem>>, vector<1x16xf32>,
      %parallel_loop3A_490 = vector.shape_cast %parallel_loop3A_489 : vector<1x16xf32> to vector<16xf32>
      %parallel_loop3A_491 = vector.shape_cast %parallel_loop3A_486 : vector<16xf32> to vector<1x16xf32>
      tpu.vector_store %arg11[%parallel_loop3A_487, %parallel_loop3A_488], %parallel_loop3A_491 {strides = array<i32>} : memref<16x768xf32, #tpu.memory_space<vmem>>, vector<1x16xf32>,
      %parallel_loop3A_492 = arith.index_cast %parallel_loop3A_67 : i32 to index
      %parallel_loop3A_493 = arith.constant 480 : index
      %parallel_loop3A_494 = tpu.vector_load %arg9[%parallel_loop3A_492, %parallel_loop3A_493] {strides = array<i32>} : memref<16x768xf32, #tpu.memory_space<vmem>>, vector<1x16xf32>,
      %parallel_loop3A_495 = vector.shape_cast %parallel_loop3A_494 : vector<1x16xf32> to vector<16xf32>
      %parallel_loop3A_496 = arith.index_cast %parallel_loop3A_71 : i32 to index
      %parallel_loop3A_497 = arith.constant 480 : index
      %parallel_loop3A_498 = tpu.vector_load %arg13[%parallel_loop3A_496, %parallel_loop3A_497] {strides = array<i32>} : memref<77x768xf32, #tpu.memory_space<vmem>>, vector<1x16xf32>,
      %parallel_loop3A_499 = vector.shape_cast %parallel_loop3A_498 : vector<1x16xf32> to vector<16xf32>
      %parallel_loop3A_500 = arith.addf %parallel_loop3A_495, %parallel_loop3A_499 : vector<16xf32>
      %parallel_loop3A_501 = arith.index_cast %parallel_loop3A_67 : i32 to index
      %parallel_loop3A_502 = arith.constant 480 : index
      %parallel_loop3A_503 = tpu.vector_load %arg11[%parallel_loop3A_501, %parallel_loop3A_502] {strides = array<i32>} : memref<16x768xf32, #tpu.memory_space<vmem>>, vector<1x16xf32>,
      %parallel_loop3A_504 = vector.shape_cast %parallel_loop3A_503 : vector<1x16xf32> to vector<16xf32>
      %parallel_loop3A_505 = vector.shape_cast %parallel_loop3A_500 : vector<16xf32> to vector<1x16xf32>
      tpu.vector_store %arg11[%parallel_loop3A_501, %parallel_loop3A_502], %parallel_loop3A_505 {strides = array<i32>} : memref<16x768xf32, #tpu.memory_space<vmem>>, vector<1x16xf32>,
      %parallel_loop3A_506 = arith.index_cast %parallel_loop3A_67 : i32 to index
      %parallel_loop3A_507 = arith.constant 496 : index
      %parallel_loop3A_508 = tpu.vector_load %arg9[%parallel_loop3A_506, %parallel_loop3A_507] {strides = array<i32>} : memref<16x768xf32, #tpu.memory_space<vmem>>, vector<1x16xf32>,
      %parallel_loop3A_509 = vector.shape_cast %parallel_loop3A_508 : vector<1x16xf32> to vector<16xf32>
      %parallel_loop3A_510 = arith.index_cast %parallel_loop3A_71 : i32 to index
      %parallel_loop3A_511 = arith.constant 496 : index
      %parallel_loop3A_512 = tpu.vector_load %arg13[%parallel_loop3A_510, %parallel_loop3A_511] {strides = array<i32>} : memref<77x768xf32, #tpu.memory_space<vmem>>, vector<1x16xf32>,
      %parallel_loop3A_513 = vector.shape_cast %parallel_loop3A_512 : vector<1x16xf32> to vector<16xf32>
      %parallel_loop3A_514 = arith.addf %parallel_loop3A_509, %parallel_loop3A_513 : vector<16xf32>
      %parallel_loop3A_515 = arith.index_cast %parallel_loop3A_67 : i32 to index
      %parallel_loop3A_516 = arith.constant 496 : index
      %parallel_loop3A_517 = tpu.vector_load %arg11[%parallel_loop3A_515, %parallel_loop3A_516] {strides = array<i32>} : memref<16x768xf32, #tpu.memory_space<vmem>>, vector<1x16xf32>,
      %parallel_loop3A_518 = vector.shape_cast %parallel_loop3A_517 : vector<1x16xf32> to vector<16xf32>
      %parallel_loop3A_519 = vector.shape_cast %parallel_loop3A_514 : vector<16xf32> to vector<1x16xf32>
      tpu.vector_store %arg11[%parallel_loop3A_515, %parallel_loop3A_516], %parallel_loop3A_519 {strides = array<i32>} : memref<16x768xf32, #tpu.memory_space<vmem>>, vector<1x16xf32>,
      %parallel_loop3A_520 = arith.index_cast %parallel_loop3A_67 : i32 to index
      %parallel_loop3A_521 = arith.constant 512 : index
      %parallel_loop3A_522 = tpu.vector_load %arg9[%parallel_loop3A_520, %parallel_loop3A_521] {strides = array<i32>} : memref<16x768xf32, #tpu.memory_space<vmem>>, vector<1x16xf32>,
      %parallel_loop3A_523 = vector.shape_cast %parallel_loop3A_522 : vector<1x16xf32> to vector<16xf32>
      %parallel_loop3A_524 = arith.index_cast %parallel_loop3A_71 : i32 to index
      %parallel_loop3A_525 = arith.constant 512 : index
      %parallel_loop3A_526 = tpu.vector_load %arg13[%parallel_loop3A_524, %parallel_loop3A_525] {strides = array<i32>} : memref<77x768xf32, #tpu.memory_space<vmem>>, vector<1x16xf32>,
      %parallel_loop3A_527 = vector.shape_cast %parallel_loop3A_526 : vector<1x16xf32> to vector<16xf32>
      %parallel_loop3A_528 = arith.addf %parallel_loop3A_523, %parallel_loop3A_527 : vector<16xf32>
      %parallel_loop3A_529 = arith.index_cast %parallel_loop3A_67 : i32 to index
      %parallel_loop3A_530 = arith.constant 512 : index
      %parallel_loop3A_531 = tpu.vector_load %arg11[%parallel_loop3A_529, %parallel_loop3A_530] {strides = array<i32>} : memref<16x768xf32, #tpu.memory_space<vmem>>, vector<1x16xf32>,
      %parallel_loop3A_532 = vector.shape_cast %parallel_loop3A_531 : vector<1x16xf32> to vector<16xf32>
      %parallel_loop3A_533 = vector.shape_cast %parallel_loop3A_528 : vector<16xf32> to vector<1x16xf32>
      tpu.vector_store %arg11[%parallel_loop3A_529, %parallel_loop3A_530], %parallel_loop3A_533 {strides = array<i32>} : memref<16x768xf32, #tpu.memory_space<vmem>>, vector<1x16xf32>,
      %parallel_loop3A_534 = arith.index_cast %parallel_loop3A_67 : i32 to index
      %parallel_loop3A_535 = arith.constant 528 : index
      %parallel_loop3A_536 = tpu.vector_load %arg9[%parallel_loop3A_534, %parallel_loop3A_535] {strides = array<i32>} : memref<16x768xf32, #tpu.memory_space<vmem>>, vector<1x16xf32>,
      %parallel_loop3A_537 = vector.shape_cast %parallel_loop3A_536 : vector<1x16xf32> to vector<16xf32>
      %parallel_loop3A_538 = arith.index_cast %parallel_loop3A_71 : i32 to index
      %parallel_loop3A_539 = arith.constant 528 : index
      %parallel_loop3A_540 = tpu.vector_load %arg13[%parallel_loop3A_538, %parallel_loop3A_539] {strides = array<i32>} : memref<77x768xf32, #tpu.memory_space<vmem>>, vector<1x16xf32>,
      %parallel_loop3A_541 = vector.shape_cast %parallel_loop3A_540 : vector<1x16xf32> to vector<16xf32>
      %parallel_loop3A_542 = arith.addf %parallel_loop3A_537, %parallel_loop3A_541 : vector<16xf32>
      %parallel_loop3A_543 = arith.index_cast %parallel_loop3A_67 : i32 to index
      %parallel_loop3A_544 = arith.constant 528 : index
      %parallel_loop3A_545 = tpu.vector_load %arg11[%parallel_loop3A_543, %parallel_loop3A_544] {strides = array<i32>} : memref<16x768xf32, #tpu.memory_space<vmem>>, vector<1x16xf32>,
      %parallel_loop3A_546 = vector.shape_cast %parallel_loop3A_545 : vector<1x16xf32> to vector<16xf32>
      %parallel_loop3A_547 = vector.shape_cast %parallel_loop3A_542 : vector<16xf32> to vector<1x16xf32>
      tpu.vector_store %arg11[%parallel_loop3A_543, %parallel_loop3A_544], %parallel_loop3A_547 {strides = array<i32>} : memref<16x768xf32, #tpu.memory_space<vmem>>, vector<1x16xf32>,
      %parallel_loop3A_548 = arith.index_cast %parallel_loop3A_67 : i32 to index
      %parallel_loop3A_549 = arith.constant 544 : index
      %parallel_loop3A_550 = tpu.vector_load %arg9[%parallel_loop3A_548, %parallel_loop3A_549] {strides = array<i32>} : memref<16x768xf32, #tpu.memory_space<vmem>>, vector<1x16xf32>,
      %parallel_loop3A_551 = vector.shape_cast %parallel_loop3A_550 : vector<1x16xf32> to vector<16xf32>
      %parallel_loop3A_552 = arith.index_cast %parallel_loop3A_71 : i32 to index
      %parallel_loop3A_553 = arith.constant 544 : index
      %parallel_loop3A_554 = tpu.vector_load %arg13[%parallel_loop3A_552, %parallel_loop3A_553] {strides = array<i32>} : memref<77x768xf32, #tpu.memory_space<vmem>>, vector<1x16xf32>,
      %parallel_loop3A_555 = vector.shape_cast %parallel_loop3A_554 : vector<1x16xf32> to vector<16xf32>
      %parallel_loop3A_556 = arith.addf %parallel_loop3A_551, %parallel_loop3A_555 : vector<16xf32>
      %parallel_loop3A_557 = arith.index_cast %parallel_loop3A_67 : i32 to index
      %parallel_loop3A_558 = arith.constant 544 : index
      %parallel_loop3A_559 = tpu.vector_load %arg11[%parallel_loop3A_557, %parallel_loop3A_558] {strides = array<i32>} : memref<16x768xf32, #tpu.memory_space<vmem>>, vector<1x16xf32>,
      %parallel_loop3A_560 = vector.shape_cast %parallel_loop3A_559 : vector<1x16xf32> to vector<16xf32>
      %parallel_loop3A_561 = vector.shape_cast %parallel_loop3A_556 : vector<16xf32> to vector<1x16xf32>
      tpu.vector_store %arg11[%parallel_loop3A_557, %parallel_loop3A_558], %parallel_loop3A_561 {strides = array<i32>} : memref<16x768xf32, #tpu.memory_space<vmem>>, vector<1x16xf32>,
      %parallel_loop3A_562 = arith.index_cast %parallel_loop3A_67 : i32 to index
      %parallel_loop3A_563 = arith.constant 560 : index
      %parallel_loop3A_564 = tpu.vector_load %arg9[%parallel_loop3A_562, %parallel_loop3A_563] {strides = array<i32>} : memref<16x768xf32, #tpu.memory_space<vmem>>, vector<1x16xf32>,
      %parallel_loop3A_565 = vector.shape_cast %parallel_loop3A_564 : vector<1x16xf32> to vector<16xf32>
      %parallel_loop3A_566 = arith.index_cast %parallel_loop3A_71 : i32 to index
      %parallel_loop3A_567 = arith.constant 560 : index
      %parallel_loop3A_568 = tpu.vector_load %arg13[%parallel_loop3A_566, %parallel_loop3A_567] {strides = array<i32>} : memref<77x768xf32, #tpu.memory_space<vmem>>, vector<1x16xf32>,
      %parallel_loop3A_569 = vector.shape_cast %parallel_loop3A_568 : vector<1x16xf32> to vector<16xf32>
      %parallel_loop3A_570 = arith.addf %parallel_loop3A_565, %parallel_loop3A_569 : vector<16xf32>
      %parallel_loop3A_571 = arith.index_cast %parallel_loop3A_67 : i32 to index
      %parallel_loop3A_572 = arith.constant 560 : index
      %parallel_loop3A_573 = tpu.vector_load %arg11[%parallel_loop3A_571, %parallel_loop3A_572] {strides = array<i32>} : memref<16x768xf32, #tpu.memory_space<vmem>>, vector<1x16xf32>,
      %parallel_loop3A_574 = vector.shape_cast %parallel_loop3A_573 : vector<1x16xf32> to vector<16xf32>
      %parallel_loop3A_575 = vector.shape_cast %parallel_loop3A_570 : vector<16xf32> to vector<1x16xf32>
      tpu.vector_store %arg11[%parallel_loop3A_571, %parallel_loop3A_572], %parallel_loop3A_575 {strides = array<i32>} : memref<16x768xf32, #tpu.memory_space<vmem>>, vector<1x16xf32>,
      %parallel_loop3A_576 = arith.index_cast %parallel_loop3A_67 : i32 to index
      %parallel_loop3A_577 = arith.constant 576 : index
      %parallel_loop3A_578 = tpu.vector_load %arg9[%parallel_loop3A_576, %parallel_loop3A_577] {strides = array<i32>} : memref<16x768xf32, #tpu.memory_space<vmem>>, vector<1x16xf32>,
      %parallel_loop3A_579 = vector.shape_cast %parallel_loop3A_578 : vector<1x16xf32> to vector<16xf32>
      %parallel_loop3A_580 = arith.index_cast %parallel_loop3A_71 : i32 to index
      %parallel_loop3A_581 = arith.constant 576 : index
      %parallel_loop3A_582 = tpu.vector_load %arg13[%parallel_loop3A_580, %parallel_loop3A_581] {strides = array<i32>} : memref<77x768xf32, #tpu.memory_space<vmem>>, vector<1x16xf32>,
      %parallel_loop3A_583 = vector.shape_cast %parallel_loop3A_582 : vector<1x16xf32> to vector<16xf32>
      %parallel_loop3A_584 = arith.addf %parallel_loop3A_579, %parallel_loop3A_583 : vector<16xf32>
      %parallel_loop3A_585 = arith.index_cast %parallel_loop3A_67 : i32 to index
      %parallel_loop3A_586 = arith.constant 576 : index
      %parallel_loop3A_587 = tpu.vector_load %arg11[%parallel_loop3A_585, %parallel_loop3A_586] {strides = array<i32>} : memref<16x768xf32, #tpu.memory_space<vmem>>, vector<1x16xf32>,
      %parallel_loop3A_588 = vector.shape_cast %parallel_loop3A_587 : vector<1x16xf32> to vector<16xf32>
      %parallel_loop3A_589 = vector.shape_cast %parallel_loop3A_584 : vector<16xf32> to vector<1x16xf32>
      tpu.vector_store %arg11[%parallel_loop3A_585, %parallel_loop3A_586], %parallel_loop3A_589 {strides = array<i32>} : memref<16x768xf32, #tpu.memory_space<vmem>>, vector<1x16xf32>,
      %parallel_loop3A_590 = arith.index_cast %parallel_loop3A_67 : i32 to index
      %parallel_loop3A_591 = arith.constant 592 : index
      %parallel_loop3A_592 = tpu.vector_load %arg9[%parallel_loop3A_590, %parallel_loop3A_591] {strides = array<i32>} : memref<16x768xf32, #tpu.memory_space<vmem>>, vector<1x16xf32>,
      %parallel_loop3A_593 = vector.shape_cast %parallel_loop3A_592 : vector<1x16xf32> to vector<16xf32>
      %parallel_loop3A_594 = arith.index_cast %parallel_loop3A_71 : i32 to index
      %parallel_loop3A_595 = arith.constant 592 : index
      %parallel_loop3A_596 = tpu.vector_load %arg13[%parallel_loop3A_594, %parallel_loop3A_595] {strides = array<i32>} : memref<77x768xf32, #tpu.memory_space<vmem>>, vector<1x16xf32>,
      %parallel_loop3A_597 = vector.shape_cast %parallel_loop3A_596 : vector<1x16xf32> to vector<16xf32>
      %parallel_loop3A_598 = arith.addf %parallel_loop3A_593, %parallel_loop3A_597 : vector<16xf32>
      %parallel_loop3A_599 = arith.index_cast %parallel_loop3A_67 : i32 to index
      %parallel_loop3A_600 = arith.constant 592 : index
      %parallel_loop3A_601 = tpu.vector_load %arg11[%parallel_loop3A_599, %parallel_loop3A_600] {strides = array<i32>} : memref<16x768xf32, #tpu.memory_space<vmem>>, vector<1x16xf32>,
      %parallel_loop3A_602 = vector.shape_cast %parallel_loop3A_601 : vector<1x16xf32> to vector<16xf32>
      %parallel_loop3A_603 = vector.shape_cast %parallel_loop3A_598 : vector<16xf32> to vector<1x16xf32>
      tpu.vector_store %arg11[%parallel_loop3A_599, %parallel_loop3A_600], %parallel_loop3A_603 {strides = array<i32>} : memref<16x768xf32, #tpu.memory_space<vmem>>, vector<1x16xf32>,
      %parallel_loop3A_604 = arith.index_cast %parallel_loop3A_67 : i32 to index
      %parallel_loop3A_605 = arith.constant 608 : index
      %parallel_loop3A_606 = tpu.vector_load %arg9[%parallel_loop3A_604, %parallel_loop3A_605] {strides = array<i32>} : memref<16x768xf32, #tpu.memory_space<vmem>>, vector<1x16xf32>,
      %parallel_loop3A_607 = vector.shape_cast %parallel_loop3A_606 : vector<1x16xf32> to vector<16xf32>
      %parallel_loop3A_608 = arith.index_cast %parallel_loop3A_71 : i32 to index
      %parallel_loop3A_609 = arith.constant 608 : index
      %parallel_loop3A_610 = tpu.vector_load %arg13[%parallel_loop3A_608, %parallel_loop3A_609] {strides = array<i32>} : memref<77x768xf32, #tpu.memory_space<vmem>>, vector<1x16xf32>,
      %parallel_loop3A_611 = vector.shape_cast %parallel_loop3A_610 : vector<1x16xf32> to vector<16xf32>
      %parallel_loop3A_612 = arith.addf %parallel_loop3A_607, %parallel_loop3A_611 : vector<16xf32>
      %parallel_loop3A_613 = arith.index_cast %parallel_loop3A_67 : i32 to index
      %parallel_loop3A_614 = arith.constant 608 : index
      %parallel_loop3A_615 = tpu.vector_load %arg11[%parallel_loop3A_613, %parallel_loop3A_614] {strides = array<i32>} : memref<16x768xf32, #tpu.memory_space<vmem>>, vector<1x16xf32>,
      %parallel_loop3A_616 = vector.shape_cast %parallel_loop3A_615 : vector<1x16xf32> to vector<16xf32>
      %parallel_loop3A_617 = vector.shape_cast %parallel_loop3A_612 : vector<16xf32> to vector<1x16xf32>
      tpu.vector_store %arg11[%parallel_loop3A_613, %parallel_loop3A_614], %parallel_loop3A_617 {strides = array<i32>} : memref<16x768xf32, #tpu.memory_space<vmem>>, vector<1x16xf32>,
      %parallel_loop3A_618 = arith.index_cast %parallel_loop3A_67 : i32 to index
      %parallel_loop3A_619 = arith.constant 624 : index
      %parallel_loop3A_620 = tpu.vector_load %arg9[%parallel_loop3A_618, %parallel_loop3A_619] {strides = array<i32>} : memref<16x768xf32, #tpu.memory_space<vmem>>, vector<1x16xf32>,
      %parallel_loop3A_621 = vector.shape_cast %parallel_loop3A_620 : vector<1x16xf32> to vector<16xf32>
      %parallel_loop3A_622 = arith.index_cast %parallel_loop3A_71 : i32 to index
      %parallel_loop3A_623 = arith.constant 624 : index
      %parallel_loop3A_624 = tpu.vector_load %arg13[%parallel_loop3A_622, %parallel_loop3A_623] {strides = array<i32>} : memref<77x768xf32, #tpu.memory_space<vmem>>, vector<1x16xf32>,
      %parallel_loop3A_625 = vector.shape_cast %parallel_loop3A_624 : vector<1x16xf32> to vector<16xf32>
      %parallel_loop3A_626 = arith.addf %parallel_loop3A_621, %parallel_loop3A_625 : vector<16xf32>
      %parallel_loop3A_627 = arith.index_cast %parallel_loop3A_67 : i32 to index
      %parallel_loop3A_628 = arith.constant 624 : index
      %parallel_loop3A_629 = tpu.vector_load %arg11[%parallel_loop3A_627, %parallel_loop3A_628] {strides = array<i32>} : memref<16x768xf32, #tpu.memory_space<vmem>>, vector<1x16xf32>,
      %parallel_loop3A_630 = vector.shape_cast %parallel_loop3A_629 : vector<1x16xf32> to vector<16xf32>
      %parallel_loop3A_631 = vector.shape_cast %parallel_loop3A_626 : vector<16xf32> to vector<1x16xf32>
      tpu.vector_store %arg11[%parallel_loop3A_627, %parallel_loop3A_628], %parallel_loop3A_631 {strides = array<i32>} : memref<16x768xf32, #tpu.memory_space<vmem>>, vector<1x16xf32>,
      %parallel_loop3A_632 = arith.index_cast %parallel_loop3A_67 : i32 to index
      %parallel_loop3A_633 = arith.constant 640 : index
      %parallel_loop3A_634 = tpu.vector_load %arg9[%parallel_loop3A_632, %parallel_loop3A_633] {strides = array<i32>} : memref<16x768xf32, #tpu.memory_space<vmem>>, vector<1x16xf32>,
      %parallel_loop3A_635 = vector.shape_cast %parallel_loop3A_634 : vector<1x16xf32> to vector<16xf32>
      %parallel_loop3A_636 = arith.index_cast %parallel_loop3A_71 : i32 to index
      %parallel_loop3A_637 = arith.constant 640 : index
      %parallel_loop3A_638 = tpu.vector_load %arg13[%parallel_loop3A_636, %parallel_loop3A_637] {strides = array<i32>} : memref<77x768xf32, #tpu.memory_space<vmem>>, vector<1x16xf32>,
      %parallel_loop3A_639 = vector.shape_cast %parallel_loop3A_638 : vector<1x16xf32> to vector<16xf32>
      %parallel_loop3A_640 = arith.addf %parallel_loop3A_635, %parallel_loop3A_639 : vector<16xf32>
      %parallel_loop3A_641 = arith.index_cast %parallel_loop3A_67 : i32 to index
      %parallel_loop3A_642 = arith.constant 640 : index
      %parallel_loop3A_643 = tpu.vector_load %arg11[%parallel_loop3A_641, %parallel_loop3A_642] {strides = array<i32>} : memref<16x768xf32, #tpu.memory_space<vmem>>, vector<1x16xf32>,
      %parallel_loop3A_644 = vector.shape_cast %parallel_loop3A_643 : vector<1x16xf32> to vector<16xf32>
      %parallel_loop3A_645 = vector.shape_cast %parallel_loop3A_640 : vector<16xf32> to vector<1x16xf32>
      tpu.vector_store %arg11[%parallel_loop3A_641, %parallel_loop3A_642], %parallel_loop3A_645 {strides = array<i32>} : memref<16x768xf32, #tpu.memory_space<vmem>>, vector<1x16xf32>,
      %parallel_loop3A_646 = arith.index_cast %parallel_loop3A_67 : i32 to index
      %parallel_loop3A_647 = arith.constant 656 : index
      %parallel_loop3A_648 = tpu.vector_load %arg9[%parallel_loop3A_646, %parallel_loop3A_647] {strides = array<i32>} : memref<16x768xf32, #tpu.memory_space<vmem>>, vector<1x16xf32>,
      %parallel_loop3A_649 = vector.shape_cast %parallel_loop3A_648 : vector<1x16xf32> to vector<16xf32>
      %parallel_loop3A_650 = arith.index_cast %parallel_loop3A_71 : i32 to index
      %parallel_loop3A_651 = arith.constant 656 : index
      %parallel_loop3A_652 = tpu.vector_load %arg13[%parallel_loop3A_650, %parallel_loop3A_651] {strides = array<i32>} : memref<77x768xf32, #tpu.memory_space<vmem>>, vector<1x16xf32>,
      %parallel_loop3A_653 = vector.shape_cast %parallel_loop3A_652 : vector<1x16xf32> to vector<16xf32>
      %parallel_loop3A_654 = arith.addf %parallel_loop3A_649, %parallel_loop3A_653 : vector<16xf32>
      %parallel_loop3A_655 = arith.index_cast %parallel_loop3A_67 : i32 to index
      %parallel_loop3A_656 = arith.constant 656 : index
      %parallel_loop3A_657 = tpu.vector_load %arg11[%parallel_loop3A_655, %parallel_loop3A_656] {strides = array<i32>} : memref<16x768xf32, #tpu.memory_space<vmem>>, vector<1x16xf32>,
      %parallel_loop3A_658 = vector.shape_cast %parallel_loop3A_657 : vector<1x16xf32> to vector<16xf32>
      %parallel_loop3A_659 = vector.shape_cast %parallel_loop3A_654 : vector<16xf32> to vector<1x16xf32>
      tpu.vector_store %arg11[%parallel_loop3A_655, %parallel_loop3A_656], %parallel_loop3A_659 {strides = array<i32>} : memref<16x768xf32, #tpu.memory_space<vmem>>, vector<1x16xf32>,
      %parallel_loop3A_660 = arith.index_cast %parallel_loop3A_67 : i32 to index
      %parallel_loop3A_661 = arith.constant 672 : index
      %parallel_loop3A_662 = tpu.vector_load %arg9[%parallel_loop3A_660, %parallel_loop3A_661] {strides = array<i32>} : memref<16x768xf32, #tpu.memory_space<vmem>>, vector<1x16xf32>,
      %parallel_loop3A_663 = vector.shape_cast %parallel_loop3A_662 : vector<1x16xf32> to vector<16xf32>
      %parallel_loop3A_664 = arith.index_cast %parallel_loop3A_71 : i32 to index
      %parallel_loop3A_665 = arith.constant 672 : index
      %parallel_loop3A_666 = tpu.vector_load %arg13[%parallel_loop3A_664, %parallel_loop3A_665] {strides = array<i32>} : memref<77x768xf32, #tpu.memory_space<vmem>>, vector<1x16xf32>,
      %parallel_loop3A_667 = vector.shape_cast %parallel_loop3A_666 : vector<1x16xf32> to vector<16xf32>
      %parallel_loop3A_668 = arith.addf %parallel_loop3A_663, %parallel_loop3A_667 : vector<16xf32>
      %parallel_loop3A_669 = arith.index_cast %parallel_loop3A_67 : i32 to index
      %parallel_loop3A_670 = arith.constant 672 : index
      %parallel_loop3A_671 = tpu.vector_load %arg11[%parallel_loop3A_669, %parallel_loop3A_670] {strides = array<i32>} : memref<16x768xf32, #tpu.memory_space<vmem>>, vector<1x16xf32>,
      %parallel_loop3A_672 = vector.shape_cast %parallel_loop3A_671 : vector<1x16xf32> to vector<16xf32>
      %parallel_loop3A_673 = vector.shape_cast %parallel_loop3A_668 : vector<16xf32> to vector<1x16xf32>
      tpu.vector_store %arg11[%parallel_loop3A_669, %parallel_loop3A_670], %parallel_loop3A_673 {strides = array<i32>} : memref<16x768xf32, #tpu.memory_space<vmem>>, vector<1x16xf32>,
      %parallel_loop3A_674 = arith.index_cast %parallel_loop3A_67 : i32 to index
      %parallel_loop3A_675 = arith.constant 688 : index
      %parallel_loop3A_676 = tpu.vector_load %arg9[%parallel_loop3A_674, %parallel_loop3A_675] {strides = array<i32>} : memref<16x768xf32, #tpu.memory_space<vmem>>, vector<1x16xf32>,
      %parallel_loop3A_677 = vector.shape_cast %parallel_loop3A_676 : vector<1x16xf32> to vector<16xf32>
      %parallel_loop3A_678 = arith.index_cast %parallel_loop3A_71 : i32 to index
      %parallel_loop3A_679 = arith.constant 688 : index
      %parallel_loop3A_680 = tpu.vector_load %arg13[%parallel_loop3A_678, %parallel_loop3A_679] {strides = array<i32>} : memref<77x768xf32, #tpu.memory_space<vmem>>, vector<1x16xf32>,
      %parallel_loop3A_681 = vector.shape_cast %parallel_loop3A_680 : vector<1x16xf32> to vector<16xf32>
      %parallel_loop3A_682 = arith.addf %parallel_loop3A_677, %parallel_loop3A_681 : vector<16xf32>
      %parallel_loop3A_683 = arith.index_cast %parallel_loop3A_67 : i32 to index
      %parallel_loop3A_684 = arith.constant 688 : index
      %parallel_loop3A_685 = tpu.vector_load %arg11[%parallel_loop3A_683, %parallel_loop3A_684] {strides = array<i32>} : memref<16x768xf32, #tpu.memory_space<vmem>>, vector<1x16xf32>,
      %parallel_loop3A_686 = vector.shape_cast %parallel_loop3A_685 : vector<1x16xf32> to vector<16xf32>
      %parallel_loop3A_687 = vector.shape_cast %parallel_loop3A_682 : vector<16xf32> to vector<1x16xf32>
      tpu.vector_store %arg11[%parallel_loop3A_683, %parallel_loop3A_684], %parallel_loop3A_687 {strides = array<i32>} : memref<16x768xf32, #tpu.memory_space<vmem>>, vector<1x16xf32>,
      %parallel_loop3A_688 = arith.index_cast %parallel_loop3A_67 : i32 to index
      %parallel_loop3A_689 = arith.constant 704 : index
      %parallel_loop3A_690 = tpu.vector_load %arg9[%parallel_loop3A_688, %parallel_loop3A_689] {strides = array<i32>} : memref<16x768xf32, #tpu.memory_space<vmem>>, vector<1x16xf32>,
      %parallel_loop3A_691 = vector.shape_cast %parallel_loop3A_690 : vector<1x16xf32> to vector<16xf32>
      %parallel_loop3A_692 = arith.index_cast %parallel_loop3A_71 : i32 to index
      %parallel_loop3A_693 = arith.constant 704 : index
      %parallel_loop3A_694 = tpu.vector_load %arg13[%parallel_loop3A_692, %parallel_loop3A_693] {strides = array<i32>} : memref<77x768xf32, #tpu.memory_space<vmem>>, vector<1x16xf32>,
      %parallel_loop3A_695 = vector.shape_cast %parallel_loop3A_694 : vector<1x16xf32> to vector<16xf32>
      %parallel_loop3A_696 = arith.addf %parallel_loop3A_691, %parallel_loop3A_695 : vector<16xf32>
      %parallel_loop3A_697 = arith.index_cast %parallel_loop3A_67 : i32 to index
      %parallel_loop3A_698 = arith.constant 704 : index
      %parallel_loop3A_699 = tpu.vector_load %arg11[%parallel_loop3A_697, %parallel_loop3A_698] {strides = array<i32>} : memref<16x768xf32, #tpu.memory_space<vmem>>, vector<1x16xf32>,
      %parallel_loop3A_700 = vector.shape_cast %parallel_loop3A_699 : vector<1x16xf32> to vector<16xf32>
      %parallel_loop3A_701 = vector.shape_cast %parallel_loop3A_696 : vector<16xf32> to vector<1x16xf32>
      tpu.vector_store %arg11[%parallel_loop3A_697, %parallel_loop3A_698], %parallel_loop3A_701 {strides = array<i32>} : memref<16x768xf32, #tpu.memory_space<vmem>>, vector<1x16xf32>,
      %parallel_loop3A_702 = arith.index_cast %parallel_loop3A_67 : i32 to index
      %parallel_loop3A_703 = arith.constant 720 : index
      %parallel_loop3A_704 = tpu.vector_load %arg9[%parallel_loop3A_702, %parallel_loop3A_703] {strides = array<i32>} : memref<16x768xf32, #tpu.memory_space<vmem>>, vector<1x16xf32>,
      %parallel_loop3A_705 = vector.shape_cast %parallel_loop3A_704 : vector<1x16xf32> to vector<16xf32>
      %parallel_loop3A_706 = arith.index_cast %parallel_loop3A_71 : i32 to index
      %parallel_loop3A_707 = arith.constant 720 : index
      %parallel_loop3A_708 = tpu.vector_load %arg13[%parallel_loop3A_706, %parallel_loop3A_707] {strides = array<i32>} : memref<77x768xf32, #tpu.memory_space<vmem>>, vector<1x16xf32>,
      %parallel_loop3A_709 = vector.shape_cast %parallel_loop3A_708 : vector<1x16xf32> to vector<16xf32>
      %parallel_loop3A_710 = arith.addf %parallel_loop3A_705, %parallel_loop3A_709 : vector<16xf32>
      %parallel_loop3A_711 = arith.index_cast %parallel_loop3A_67 : i32 to index
      %parallel_loop3A_712 = arith.constant 720 : index
      %parallel_loop3A_713 = tpu.vector_load %arg11[%parallel_loop3A_711, %parallel_loop3A_712] {strides = array<i32>} : memref<16x768xf32, #tpu.memory_space<vmem>>, vector<1x16xf32>,
      %parallel_loop3A_714 = vector.shape_cast %parallel_loop3A_713 : vector<1x16xf32> to vector<16xf32>
      %parallel_loop3A_715 = vector.shape_cast %parallel_loop3A_710 : vector<16xf32> to vector<1x16xf32>
      tpu.vector_store %arg11[%parallel_loop3A_711, %parallel_loop3A_712], %parallel_loop3A_715 {strides = array<i32>} : memref<16x768xf32, #tpu.memory_space<vmem>>, vector<1x16xf32>,
      %parallel_loop3A_716 = arith.index_cast %parallel_loop3A_67 : i32 to index
      %parallel_loop3A_717 = arith.constant 736 : index
      %parallel_loop3A_718 = tpu.vector_load %arg9[%parallel_loop3A_716, %parallel_loop3A_717] {strides = array<i32>} : memref<16x768xf32, #tpu.memory_space<vmem>>, vector<1x16xf32>,
      %parallel_loop3A_719 = vector.shape_cast %parallel_loop3A_718 : vector<1x16xf32> to vector<16xf32>
      %parallel_loop3A_720 = arith.index_cast %parallel_loop3A_71 : i32 to index
      %parallel_loop3A_721 = arith.constant 736 : index
      %parallel_loop3A_722 = tpu.vector_load %arg13[%parallel_loop3A_720, %parallel_loop3A_721] {strides = array<i32>} : memref<77x768xf32, #tpu.memory_space<vmem>>, vector<1x16xf32>,
      %parallel_loop3A_723 = vector.shape_cast %parallel_loop3A_722 : vector<1x16xf32> to vector<16xf32>
      %parallel_loop3A_724 = arith.addf %parallel_loop3A_719, %parallel_loop3A_723 : vector<16xf32>
      %parallel_loop3A_725 = arith.index_cast %parallel_loop3A_67 : i32 to index
      %parallel_loop3A_726 = arith.constant 736 : index
      %parallel_loop3A_727 = tpu.vector_load %arg11[%parallel_loop3A_725, %parallel_loop3A_726] {strides = array<i32>} : memref<16x768xf32, #tpu.memory_space<vmem>>, vector<1x16xf32>,
      %parallel_loop3A_728 = vector.shape_cast %parallel_loop3A_727 : vector<1x16xf32> to vector<16xf32>
      %parallel_loop3A_729 = vector.shape_cast %parallel_loop3A_724 : vector<16xf32> to vector<1x16xf32>
      tpu.vector_store %arg11[%parallel_loop3A_725, %parallel_loop3A_726], %parallel_loop3A_729 {strides = array<i32>} : memref<16x768xf32, #tpu.memory_space<vmem>>, vector<1x16xf32>,
      %parallel_loop3A_730 = arith.index_cast %parallel_loop3A_67 : i32 to index
      %parallel_loop3A_731 = arith.constant 752 : index
      %parallel_loop3A_732 = tpu.vector_load %arg9[%parallel_loop3A_730, %parallel_loop3A_731] {strides = array<i32>} : memref<16x768xf32, #tpu.memory_space<vmem>>, vector<1x16xf32>,
      %parallel_loop3A_733 = vector.shape_cast %parallel_loop3A_732 : vector<1x16xf32> to vector<16xf32>
      %parallel_loop3A_734 = arith.index_cast %parallel_loop3A_71 : i32 to index
      %parallel_loop3A_735 = arith.constant 752 : index
      %parallel_loop3A_736 = tpu.vector_load %arg13[%parallel_loop3A_734, %parallel_loop3A_735] {strides = array<i32>} : memref<77x768xf32, #tpu.memory_space<vmem>>, vector<1x16xf32>,
      %parallel_loop3A_737 = vector.shape_cast %parallel_loop3A_736 : vector<1x16xf32> to vector<16xf32>
      %parallel_loop3A_738 = arith.addf %parallel_loop3A_733, %parallel_loop3A_737 : vector<16xf32>
      %parallel_loop3A_739 = arith.index_cast %parallel_loop3A_67 : i32 to index
      %parallel_loop3A_740 = arith.constant 752 : index
      %parallel_loop3A_741 = tpu.vector_load %arg11[%parallel_loop3A_739, %parallel_loop3A_740] {strides = array<i32>} : memref<16x768xf32, #tpu.memory_space<vmem>>, vector<1x16xf32>,
      %parallel_loop3A_742 = vector.shape_cast %parallel_loop3A_741 : vector<1x16xf32> to vector<16xf32>
      %parallel_loop3A_743 = vector.shape_cast %parallel_loop3A_738 : vector<16xf32> to vector<1x16xf32>
      tpu.vector_store %arg11[%parallel_loop3A_739, %parallel_loop3A_740], %parallel_loop3A_743 {strides = array<i32>} : memref<16x768xf32, #tpu.memory_space<vmem>>, vector<1x16xf32>,
    } {sc.loop_unroll_factor = 1 : i64, sc.parallel_access}
    %add3A_37 = arith.constant 608 : i32
    %add3A_38 = arith.addi %mul3A_2, %add3A_37 : i32
    %dma_start3A_39 = arith.constant 0 : i32
    %dma_start3A_40 = arith.constant 0 : i32
    %dma_start3A_41 = tpu.memref_slice %arg11[%dma_start3A_39, %dma_start3A_40] : memref<16x768xf32, #tpu.memory_space<vmem>> -> memref<8x768xf32, #tpu.memory_space<vmem>>
    %dma_start3A_42 = arith.constant 0 : i32
    %dma_start3A_43 = tpu.memref_slice %arg5[%add3A_38, %dma_start3A_42] : memref<19712x768xf32, #tpu.memory_space<hbm>> -> memref<8x768xf32, #tpu.memory_space<hbm>>
    %dma_start3A_44 = arith.constant 0 : i32
    %dma_start3A_45 = tpu.memref_slice %arg5[%add3A_38, %dma_start3A_44] : memref<19712x768xf32, #tpu.memory_space<hbm>> -> memref<8x768xf32, #tpu.memory_space<hbm>>
    %dma_start3A_46 = arith.constant 0 : i32
    %dma_start3A_47 = arith.constant 0 : i32
    %dma_start3A_48 = tpu.memref_slice %arg11[%dma_start3A_46, %dma_start3A_47] : memref<16x768xf32, #tpu.memory_space<vmem>> -> memref<8x768xf32, #tpu.memory_space<vmem>>
    tpu.enqueue_dma source(%dma_start3A_48 : memref<8x768xf32, #tpu.memory_space<vmem>>) target(%dma_start3A_45 : memref<8x768xf32, #tpu.memory_space<hbm>>) target_semaphore(%arg16 : memref<!tpu.dma_semaphore, #tpu.memory_space<semaphore_mem>>)
    %add3A_49 = arith.constant 592 : i32
    %add3A_50 = arith.addi %mul3A_2, %add3A_49 : i32
    %dma_wait3A_51 = arith.constant 0 : i32
    %dma_wait3A_52 = tpu.memref_slice %arg5[%add3A_50, %dma_wait3A_51] : memref<19712x768xf32, #tpu.memory_space<hbm>> -> memref<16x768xf32, #tpu.memory_space<hbm>>
    %dma_wait3A_53 = arith.constant 0 : i32
    %dma_wait3A_54 = tpu.memref_slice %arg5[%add3A_50, %dma_wait3A_53] : memref<19712x768xf32, #tpu.memory_space<hbm>> -> memref<16x768xf32, #tpu.memory_space<hbm>>
    tpu.wait_dma2 semaphore(%arg17 : memref<!tpu.dma_semaphore, #tpu.memory_space<semaphore_mem>>) src(%arg12 : memref<16x768xf32, #tpu.memory_space<vmem>>) dst(%dma_wait3A_54 : memref<16x768xf32, #tpu.memory_space<hbm>>)
    %add3A_55 = arith.constant 608 : i32
    %add3A_56 = arith.addi %mul3A_2, %add3A_55 : i32
    %dma_wait3A_57 = arith.constant 0 : i32
    %dma_wait3A_58 = arith.constant 0 : i32
    %dma_wait3A_59 = tpu.memref_slice %arg11[%dma_wait3A_57, %dma_wait3A_58] : memref<16x768xf32, #tpu.memory_space<vmem>> -> memref<8x768xf32, #tpu.memory_space<vmem>>
    %dma_wait3A_60 = arith.constant 0 : i32
    %dma_wait3A_61 = tpu.memref_slice %arg5[%add3A_56, %dma_wait3A_60] : memref<19712x768xf32, #tpu.memory_space<hbm>> -> memref<8x768xf32, #tpu.memory_space<hbm>>
    %dma_wait3A_62 = arith.constant 0 : i32
    %dma_wait3A_63 = tpu.memref_slice %arg5[%add3A_56, %dma_wait3A_62] : memref<19712x768xf32, #tpu.memory_space<hbm>> -> memref<8x768xf32, #tpu.memory_space<hbm>>
    %dma_wait3A_64 = arith.constant 0 : i32
    %dma_wait3A_65 = arith.constant 0 : i32
    %dma_wait3A_66 = tpu.memref_slice %arg11[%dma_wait3A_64, %dma_wait3A_65] : memref<16x768xf32, #tpu.memory_space<vmem>> -> memref<8x768xf32, #tpu.memory_space<vmem>>
    tpu.wait_dma2 semaphore(%arg16 : memref<!tpu.dma_semaphore, #tpu.memory_space<semaphore_mem>>) src(%dma_wait3A_66 : memref<8x768xf32, #tpu.memory_space<vmem>>) dst(%dma_wait3A_63 : memref<8x768xf32, #tpu.memory_space<hbm>>)
    return
  }
}

</mosaic_0001>

<sc_bundles>
// kernel: kernel.3.cloned.1.call-start
scs
__scs_entry_jumppad:
0x0: {  	(pc) =	sbr.rel $0x88, $3  }
0x1: {  	(tag) =	ssettag $0x0;
	lr =	simm.s32 $0x1  }
0x2: {  	[smem:$0x3F9E] =	sst lr;
	_ =	strace $0xD0000000  }
0x3: {  	_ = 	snop  }
0x4: {  	_ = 	snop  }
0x5: {  	_ = 	snop  }
0x6: {  	_ = 	snop  }
0x7: {  	_ = 	snop  }
__scs_overlays_trampoline_lowered:
0x8: {  	[smem:$0x3FAD] =	sst s0  }
0x9: {  	[smem:$0x3FAE] =	sst s1  }
0xa: {  	[smem:$0x3FAF] =	sst s2  }
0xb: {  	[smem:$0x3FB0] =	sst s3  }
0xc: {  	[smem:$0x3FB1] =	sst s4  }
0xd: {  	[smem:$0x3FB2] =	sst s5  }
0xe: {  	[smem:$0x3FB3] =	sst s6  }
0xf: {  	[smem:$0x3FB4] =	sst s7  }
0x10: {  	[smem:$0x3FB5] =	sst s8  }
0x11: {  	[smem:$0x3FB6] =	sst s9;
	s0 =	simm.s32 @!p0 $0x0  }
0x12: {  	s1 =	sld [smem:$0x3F9C];
	s0 =	simm.s32 @p0 $0x1  }
0x13: {  	[smem:$0x3FB7] =	sst s0;
	s0 =	simm.s32 @!p1 $0x0  }
0x14: {  	s2 =	sld [smem:$0x3F9B];
	s0 =	simm.s32 @p1 $0x1  }
0x15: {  	[smem:$0x3FB8] =	sst s0;
	s0 =	simm.s32 @!p2 $0x0  }
0x16: {  	s3 =	sld [smem:$0x3FDB];
	s0 =	simm.s32 @p2 $0x1  }
0x17: {  	s4 =	simm.s32 $0x1BF5;
	[smem:$0x3FBA] =	sst s0  }
0x18: {  	s0 =	sld [smem:$0x3F9D];
	_ =	swait.ge [sflag:s4], $0x0  }
0x19: {  	s7 =	sld [smem:$0x3F9E]  }
0x1a: {  	s8 =	sadd.s32 $0xFFFFE003, lr  }
0x1b: {  	s9 =	sadd.s32 $0xFFFFFEF7, lr;
	s5 =	simm.s32 $0xFFFFFFFF;
	p2 =	slt.u32 s8, $0xFFFFF086  }
0x1c: {  	p1 =	slt.u32 s9, $0xF7A;
	s5 =	simm.s32 @!p2 $0x0  }
0x1d: {  	s5 =	simm.s32 @p1 $0x1;
	p0 =	seq.s32 s7, s2  }
0x1e: {  	s7 =	smul.u32 @!p0 $0xF7A, s2;
	p2 =	seq.s32 @!p0 s5, $0x0  }
0x1f: {  	s9 =	smul.u32 $0xF7A, s1;
	s8 =	simm.s32 @!p0 $0x1BF5;
	p2 =	por !p2, p0  }
0x20: {  	[sflag:s8] =	ssyncset.s32 @!p0 $0xFFFFF086;
	s6 =	sadd.s32 @!p0 s3, s7;
	s7 =	simm.s32 @!p0 $0x108  }
0x21: {  	s3 =	sadd.s32 s3, s9;
	s6 =	sadd.s32 @!p0 $0x88, s6;
	s7 =	simm.s32 @p2 $0x1082  }
0x22: {  	[simem:s7], [sflag:s8] =	dma.local @!p0 [hbm:s6], $0xF7A  }
0x23: {  	s9 =	sor.u32 $0xD0000000, s2;
	s6 =	simm.s32 $0x108;
	_ =	swait.ge @!p0 [sflag:s8], $0x0  }
0x24: {  	s3 =	sadd.s32 $0x88, s3;
	s6 =	simm.s32 @!p1 $0x1082;
	[sflag:s4] =	ssyncset.s32 $0xFFFFF086  }
0x25: {  	[simem:s6], [sflag:s4] =	dma.local [hbm:s3], $0xF7A  }
0x26: {  	[smem:$0x3F9E] =	sst s1;
	(tag) =	ssettag s2;
	_ =	strace s9  }
0x27: {  	s1 =	sld [smem:$0x3FAE]  }
0x28: {  	s2 =	sld [smem:$0x3FAF]  }
0x29: {  	s4 =	sld [smem:$0x3FB1]  }
0x2a: {  	p0 =	seq.s32 s5, $0x0;
	s5 =	sld [smem:$0x3FB2]  }
0x2b: {  	s6 =	sld [smem:$0x3FB3]  }
0x2c: {  	s7 =	sld [smem:$0x3FB4]  }
0x2d: {  	s3 =	simm.s32 $0x108;
	s8 =	sld [smem:$0x3FB5]  }
0x2e: {  	s3 =	simm.s32 @!p0 $0x1082;
	s9 =	sld [smem:$0x3FB6]  }
0x2f: {  	lr =	sadd.s32 s0, s3;
	s0 =	sld [smem:$0x3FAD]  }
0x30: {  	s3 =	sld [smem:$0x3FB0]  }
0x31: {  	[smem:$0x3FB9] =	sst s10  }
0x32: {  	s10 =	sld [smem:$0x3FB7];
	_ =	sdelay $0x3  }
0x33: {  	p0 =	seq.s32 s10, $0x1;
	s10 =	sld [smem:$0x3FB9];
	_ =	sdelay $0x3  }
0x34: {  	[smem:$0x3FB9] =	sst s10  }
0x35: {  	s10 =	sld [smem:$0x3FB8];
	_ =	sdelay $0x3  }
0x36: {  	p1 =	seq.s32 s10, $0x1;
	s10 =	sld [smem:$0x3FB9];
	_ =	sdelay $0x3  }
0x37: {  	[smem:$0x3FB9] =	sst s10  }
0x38: {  	s10 =	sld [smem:$0x3FBA]  }
0x39: {  	_ = 	snop;
	(pc) =	sbr.ind lr, $3  }
0x3a: {  	_ = 	snop  }
0x3b: {  	_ = 	snop  }
0x3c: {  	p2 =	seq.s32 s10, $0x1;
	s10 =	sld [smem:$0x3FB9]  }
0x3d: {  	_ =	shalt  }
0x3e: {  	_ =	shalt  }
0x3f: {  	_ =	shalt  }
0x40: {  	_ =	shalt  }
0x41: {  	_ =	shalt  }
0x42: {  	_ =	shalt  }
0x43: {  	_ =	shalt  }
0x44: {  	_ =	shalt  }
0x45: {  	_ =	shalt  }
0x46: {  	_ =	shalt  }
0x47: {  	_ =	shalt  }
0x48: {  	_ =	shalt  }
0x49: {  	_ =	shalt  }
0x4a: {  	_ =	shalt  }
0x4b: {  	_ =	shalt  }
0x4c: {  	_ =	shalt  }
0x4d: {  	_ =	shalt  }
0x4e: {  	_ =	shalt  }
0x4f: {  	_ =	shalt  }
0x50: {  	_ =	shalt  }
0x51: {  	_ =	shalt  }
0x52: {  	_ =	shalt  }
0x53: {  	_ =	shalt  }
0x54: {  	_ =	shalt  }
0x55: {  	_ =	shalt  }
0x56: {  	_ =	shalt  }
0x57: {  	_ =	shalt  }
0x58: {  	_ =	shalt  }
0x59: {  	_ =	shalt  }
0x5a: {  	_ =	shalt  }
0x5b: {  	_ =	shalt  }
0x5c: {  	_ =	shalt  }
0x5d: {  	_ =	shalt  }
0x5e: {  	_ =	shalt  }
0x5f: {  	_ =	shalt  }
0x60: {  	_ =	shalt  }
0x61: {  	_ =	shalt  }
0x62: {  	_ =	shalt  }
0x63: {  	_ =	shalt  }
0x64: {  	_ =	shalt  }
0x65: {  	_ =	shalt  }
0x66: {  	_ =	shalt  }
0x67: {  	_ =	shalt  }
0x68: {  	_ =	shalt  }
0x69: {  	_ =	shalt  }
0x6a: {  	_ =	shalt  }
0x6b: {  	_ =	shalt  }
0x6c: {  	_ =	shalt  }
0x6d: {  	_ =	shalt  }
0x6e: {  	_ =	shalt  }
0x6f: {  	_ =	shalt  }
0x70: {  	_ =	shalt  }
0x71: {  	_ =	shalt  }
0x72: {  	_ =	shalt  }
0x73: {  	_ =	shalt  }
0x74: {  	_ =	shalt  }
0x75: {  	_ =	shalt  }
0x76: {  	_ =	shalt  }
0x77: {  	_ =	shalt  }
0x78: {  	_ =	shalt  }
0x79: {  	_ =	shalt  }
0x7a: {  	_ =	shalt  }
0x7b: {  	_ =	shalt  }
0x7c: {  	_ =	shalt  }
0x7d: {  	_ =	shalt  }
0x7e: {  	_ =	shalt  }
0x7f: {  	_ =	shalt  }
0x80: {  	_ =	shalt  }
0x81: {  	_ =	shalt  }
0x82: {  	_ =	shalt  }
0x83: {  	_ =	shalt  }
0x84: {  	_ =	shalt  }
0x85: {  	_ =	shalt  }
0x86: {  	_ =	shalt  }
0x87: {  	_ =	shalt  }
.Lfunc_end0:
.L_simem_size_0:
called_computation.1_lowered:
.L_overlay_start_0:
0x88: {  	s2 =	sld [smem:$0x3FD9]  }
0x89: {  	s3 =	sld [smem:$0x3FFE];
	_ =	sdelay $0x1  }
0x8a: {  	s1 =	srdreg.scid  }
0x8b: {  	s0 =	sand.u32 $0x1, s1  }
0x8c: {  	s17 =	sshll.u32 s0, $0xA;
	s2 =	sadd.s32 s3, s2  }
0x8d: {  	s2 =	sadd.s32 s2, s17  }
0x8e: {  	[smem:$0x3FC5] =	sst s2  }
0x8f: {  	_ = 	snop  }
0x90: {  	s2 =	sld [smem:$0x3FC8]  }
0x91: {  	s18 =	sld [smem:$0x3FC7]  }
0x92: {  	s4 =	sld [smem:$0x3FD0];
	(tm) =	ssettm $0x1  }
0x93: {  	s5 =	sld [smem:$0x3FFB];
	_ =	sdelay $0x3  }
0x94: {  	_ =	strace s5  }
0x95: {  	s5 =	sld [smem:$0x3FFC];
	_ =	sdelay $0x3  }
0x96: {  	_ =	strace s5  }
0x97: {  	s5 =	sld [smem:$0x3FFD];
	_ =	sdelay $0x3  }
0x98: {  	_ =	strace s5  }
0x99: {  	_ =	strace $0x8FFFFFFF  }
0x9a: {  	s19 =	sld [smem:$0x3FDB];
	_ =	sdelay $0x1  }
0x9b: {  	s6 =	simm.s32 $_scs_section_size  }
0x9c: {  	s7 =	simm.s32 $_size__tile_overlayer_lowered;
	s8 =	simm.s32 $_tile_overlayer_lowered  }
0x9d: {  	s22 =	simm.s32 $0x1BFF;
	s21 =	sshll.u32 s8, $0x1;
	s5 =	sadd.s32 s6, s19  }
0x9e: {  	s9 =	simm.s32 $0x0;
	s20 =	sshll.u32 s7, $0x1;
	s7 =	sadd.s32 s21, s5  }
0x9f: {  	[timem:s9], [sflag:s22] =	dma.local [hbm:s7], s20  }
0xa0: {  	_ =	swait.ge [sflag:s22], s20  }
0xa1: {  	s6 =	ssub.s32 $0x0, s20;
	[sflag:s22] =	ssyncset.done $0x0  }
0xa2: {  	[sflag:s22] =	ssyncadd.s32 s6;
	_ =	sdelay $0x1  }
0xa3: {  	s23 =	simm.s32 $0x1B8B  }
0xa4: {  	_ =	swait.ge [sflag:s23], $0x1  }
0xa5: {  	[sflag:s23] =	ssyncset.done $0x0  }
0xa6: {  	s25 =	simm.s32 $0x1B8E;
	s24 =	sld [smem:$0x3FFE];
	[sflag:s23] =	ssyncadd.s32 $0xFFFFFFFF  }
0xa7: {  	s26 =	simm.s32 $execute0_lowered;
	[smem:$0x3FD2] =	sst s25  }
0xa8: {  	s7 =	sshll.u32 s26, $0x1;
	_ =	strace $0x80000046;
	[dreg:$0x1] =	wrdreg $0xFFFFFFFF  }
0xa9: {  	s28 =	simm.s32 $_size_execute0_lowered;
	s5 =	sadd.s32 s5, s7;
	[dreg:$0x0] =	wrdreg $0x0  }
0xaa: {  	s7 =	sshll.u32 s28, $0x1;
	[dreg:$0x2] =	wrdreg s5  }
0xab: {  	[dreg:$0x3] =	wrdreg s7  }
0xac: {  	[dreg:$0x4] =	wrdreg $0xC0  }
0xad: {  	_ =	task [dreg:s9], $0x5FFFF  }
0xae: {  	[dreg:$0x1] =	wrdreg $0xFFFFFFFF  }
0xaf: {  	[dreg:$0x0] =	wrdreg $0x60  }
0xb0: {  	[dreg:$0x2] =	wrdreg s24  }
0xb1: {  	[dreg:$0x3] =	wrdreg s2  }
0xb2: {  	[dreg:$0x4] =	wrdreg s18  }
0xb3: {  	[dreg:$0x5] =	wrdreg s4  }
0xb4: {  	[dreg:$0x6] =	wrdreg $0x9  }
0xb5: {  	_ =	task.clear_ibuf [dreg:s9], $0x7FFFF;
	_ =	strace $0x90000046  }
0xb6: {  	s29 =	simm.s32 $0x9;
	_ =	strace $0x80000048  }
0xb7: {  	_ =	swait.ge [sflag:s29], $0x1  }
0xb8: {  	[sflag:s29] =	ssyncadd.s32 $0xFFFFFFFF  }
0xb9: {  	_ =	strace $0x90000048  }
0xba: {  	_ =	sfence  }
0xbb: {  	s30 =	sld [smem:$0x0];
	_ =	sdelay $0x2  }
0xbc: {  	s31 =	sshll.u32 s1, $0xD;
	s1 =	sshrl.u32 s1, $0x2  }
0xbd: {  	s3 =	sand.u32 $0x4000, s31;
	s1 =	sadd.s32 s1, s30  }
0xbe: {  	s0 =	sor.u32 s3, s0;
	s1 =	sshll.u32 s1, $0x11  }
0xbf: {  	s0 =	sor.u32 s1, s0  }
0xc0: {  	s0 =	sadd.s32 $0x8F2B, s0  }
0xc1: {  	[sflag:s0] =	ssyncadd.remote.s32 $0x1  }
0xc2: {  	_ =	sfence.sel $0xFFFF  }
0xc3: {  	[dreg:$0x0] =	wrdreg $0xFFFFFFFF;
	(pc) =	sbr.abs _section_cstart, $3  }
0xc4: {  	[dreg:$0x1] =	wrdreg $0xFFFFFFFF  }
0xc5: {  	_ =	task.clear_ibuf [dreg:s9], $0x2FFFF;
	_ =	strace $0x9FFFFFFF  }
0xc6: {  	(tm) =	ssettm $0x7FFFFFFF  }
0xc7: {  	_ =	shalt  }
tec
execute0_lowered:
.L_overlay_start_1:
0x0: {  	(tag) =	ssettag $0x1  }
0x1: {  	s0 =	rddreg [dreg:$0x0]  }
0x2: {  	s1 =	rddreg [dreg:$0x1];
	s2 =	srdreg.scid  }
0x3: {  	s3 =	stileid.u32;
	s4 =	rddreg [dreg:$0x3]  }
0x4: {  	s5 =	simm.s32 $0x0;
	s29 =	simm.s32 $0x980;
	s30 =	simm.s32 $0x1180  }
0x5: {  	s22 =	simm.s32 $0x1;
	s2 =	sand.u32 $0x1, s2;
	s3 =	sshll.u32 s3, $0x1  }
0x6: {  	[smem:$0x7FF] =	sst s5;
	s7 =	sadd.s32 $0x800, s0;
	s10 =	sadd.s32 $0x100, s1  }
0x7: {  	s11 =	sadd.s32 $0x200, s1;
	s3 =	sor.u32 s2, s3;
	s23 =	ssub.s32 $0x2, s2  }
0x8: {  	_ =	strace $0x80000047;
	s6 =	smul.u32 $0x268, s3;
	s25 =	sshrl.u32 s23, $0x1  }
0x9: {  	s3 =	simm.s32 $0x4;
	s0 =	ssub.s32 s23, s25;
	s25 =	simm.s32 $0x180  }
0xa: {  	s23 =	simm.s32 $0x3;
	s24 =	sshrl.u32 s6, $0x3;
	s0 =	smax.u32 s0, $0x1  }
0xb: {  	s8 =	sadd.s32 s7, s24;
	s2 =	sadd.s32 $0x4C, s24;
	[dreg:$0x9] =	wrdreg s0  }
0xc: {  	[dreg:$0x5] =	wrdreg s8;
	s26 =	sadd.s32 $0x2, s8;
	s28 =	smul.u32 $0x300, s2  }
0xd: {  	v2 =	vlaneseq.u32;
	s12 =	sadd.s32 $0x20, s6;
	s2 =	sadd.s32 s7, s2;
	[dreg:$0x6] =	wrdreg s26  }
0xe: {  	vm0 =	vmmov $0xffff;
	v1 =	vshrl.u32 v2, $0x3;
	s24 =	simm.s32 $0x8;
	[dreg:$0x7] =	wrdreg s2;
	s31 =	sadd.s32 s4, s28  }
0xf: {  	v0 =	vand.u32 $0x7, v2;
	v2 =	vor.u32 $0x8, v2;
	v1 =	vmul.u32 $0x8, v1;
	s0 =	simm.s32 $0x2;
	s8 =	simm.s32 $0x0;
	[dreg:$0x8] =	wrdreg s31  }
.LBB2_1:
0x10: {  	[dreg:$0xa] =	wrdreg s8  }
0x11: {  	s2 =	rddreg [dreg:$0x2];
	s13 =	simm.s32 $0xC180  }
0x12: {  	[tilespmem:s13], [sflag:$0x7] =	stream.linear.gather [hbm4b:s2+s5], $0xF000, $0x38;
	[tilespmem:$0x1B180] =	vst v63  }
0x13: {  	s14 =	rddreg [dreg:$0x5]  }
0x14: {  	[tilespmem:s5], [sflag:$0x8] =	stream.linear.gather [hbm4b:s14+s5], $0x10, $0x38;
	[tilespmem:$0x1B180] =	vst v63  }
0x15: {  	_ =	swait.ge [sflag:s24], $0x10  }
0x16: {  	[sflag:s24] =	ssyncset.done $0x0  }
0x17: {  	s16 =	simm.s32 $0x80;
	s15 =	rddreg [dreg:$0x6];
	[sflag:s24] =	ssyncadd.s32 $0xFFFFFFF0  }
0x18: {  	[tilespmem:s16], [sflag:$0x8] =	stream.linear.gather [hbm4b:s15+s5], $0x10, $0x38;
	[tilespmem:$0x1B180] =	vst v63  }
0x19: {  	_ =	swait.ge [sflag:s24], $0x10  }
0x1a: {  	[sflag:s24] =	ssyncset.done $0x0  }
0x1b: {  	[sflag:s24] =	ssyncadd.s32 $0xFFFFFFF0  }
0x1c: {  	v3 =	vld [tilespmem:$0x0];
	_ =	sdelay $0x4  }
0x1d: {  	v4 =	vshrl.u32 v3, $0x3  }
0x1e: {  	v4 =	vmul.u32 $0x30, v4  }
0x1f: {  	v3 =	vand.u32 $0x7, v3  }
0x20: {  	v3 =	vor.u32 v3, v4  }
0x21: {  	v4 =	vperm.xlane v3, v0;
	_ =	sdelay $0x1  }
0x22: {  	v4 =	vadd.s32 v1, v4;
	_ =	sdelay $0x3  }
0x23: {  	v3 =	vperm.xlane v3, v2  }
0x24: {  	[tilespmem:s25], [sflag:$0x1] =	stream.indirect_vreg.gather [hbm4b:s1+s5], $0x80, v4, vm0, $0xb8;
	[tilespmem:$0x1B180] =	vst v63  }
0x25: {  	v3 =	vadd.s32 v1, v3  }
0x26: {  	[tilespmem:s29], [sflag:$0x1] =	stream.indirect_vreg.gather [hbm4b:s10+s5], $0x80, v4, vm0, $0xb8;
	[tilespmem:$0x1B180] =	vst v63  }
0x27: {  	_ = 	snop  }
0x28: {  	[tilespmem:s30], [sflag:$0x1] =	stream.indirect_vreg.gather [hbm4b:s11+s5], $0x80, v4, vm0, $0xb8;
	[tilespmem:$0x1B180] =	vst v63  }
0x29: {  	s17 =	simm.s32 $0x1980  }
0x2a: {  	[tilespmem:s17], [sflag:$0x1] =	stream.indirect_vreg.gather [hbm4b:s1+s5], $0x80, v3, vm0, $0xb8;
	[tilespmem:$0x1B180] =	vst v63  }
0x2b: {  	s18 =	simm.s32 $0x2180  }
0x2c: {  	[tilespmem:s18], [sflag:$0x1] =	stream.indirect_vreg.gather [hbm4b:s10+s5], $0x80, v3, vm0, $0xb8;
	[tilespmem:$0x1B180] =	vst v63  }
0x2d: {  	s19 =	simm.s32 $0x2980  }
0x2e: {  	[tilespmem:s19], [sflag:$0x1] =	stream.indirect_vreg.gather [hbm4b:s11+s5], $0x80, v3, vm0, $0xb8;
	[tilespmem:$0x1B180] =	vst v63  }
0x2f: {  	v3 =	vld [tilespmem:$0x80];
	_ =	sdelay $0x4  }
0x30: {  	v63 =	vshrl.u32 v3, $0x3  }
0x31: {  	v4 =	vmul.u32 $0x30, v63  }
0x32: {  	v3 =	vand.u32 $0x7, v3  }
0x33: {  	v3 =	vor.u32 v3, v4  }
0x34: {  	v4 =	vperm.xlane v3, v0;
	_ =	sdelay $0x1  }
0x35: {  	v4 =	vadd.s32 v1, v4;
	_ =	sdelay $0x3  }
0x36: {  	s20 =	simm.s32 $0x3180;
	v3 =	vperm.xlane v3, v2  }
0x37: {  	[tilespmem:s20], [sflag:$0x2] =	stream.indirect_vreg.gather [hbm4b:s1+s5], $0x80, v4, vm0, $0xb8;
	[tilespmem:$0x1B180] =	vst v63  }
0x38: {  	s21 =	simm.s32 $0x3980;
	v3 =	vadd.s32 v1, v3  }
0x39: {  	[tilespmem:s21], [sflag:$0x2] =	stream.indirect_vreg.gather [hbm4b:s10+s5], $0x80, v4, vm0, $0xb8;
	[tilespmem:$0x1B180] =	vst v63  }
0x3a: {  	s24 =	simm.s32 $0x4180  }
0x3b: {  	[tilespmem:s24], [sflag:$0x2] =	stream.indirect_vreg.gather [hbm4b:s11+s5], $0x80, v4, vm0, $0xb8;
	[tilespmem:$0x1B180] =	vst v63  }
0x3c: {  	s25 =	simm.s32 $0x4980  }
0x3d: {  	[tilespmem:s25], [sflag:$0x2] =	stream.indirect_vreg.gather [hbm4b:s1+s5], $0x80, v3, vm0, $0xb8;
	[tilespmem:$0x1B180] =	vst v63  }
0x3e: {  	s26 =	simm.s32 $0x5180  }
0x3f: {  	[tilespmem:s26], [sflag:$0x2] =	stream.indirect_vreg.gather [hbm4b:s10+s5], $0x80, v3, vm0, $0xb8;
	[tilespmem:$0x1B180] =	vst v63  }
.Ltmp0:
0x40: {  	s31 =	simm.s32 $0x7;
	s30 =	simm.s32 $0x5980;
	(pc) =	sbr.rel .LBB2_2-.Ltmp0, $4  }
0x41: {  	[tilespmem:s30], [sflag:$0x2] =	stream.indirect_vreg.gather [hbm4b:s11+s5], $0x80, v3, vm0, $0xb8;
	[tilespmem:$0x1B180] =	vst v63  }
0x42: {  	_ =	swait.ge [sflag:s31], $0xF000  }
0x43: {  	s28 =	simm.s32 $0x0;
	[sflag:s31] =	ssyncset.done $0x0  }
0x44: {  	s29 =	simm.s32 $0x0;
	s26 =	simm.s32 $0x0;
	[sflag:s31] =	ssyncadd.s32 $0xFFFF1000  }
.LBB2_5:
0x45: {  	s2 =	ssub.s32 s28, s16  }
0x46: {  	s8 =	smul.u32 $0x2680, s25;
	s24 =	sshrl.u32 s17, $0x3;
	s2 =	sadd.s32 s2, s17  }
0x47: {  	s16 =	smul.u32 $0x1800, s24;
	s2 =	sshrl.u32 s2, $0x3  }
0x48: {  	s15 =	sadd.s32 $0x80, s15;
	s8 =	ssub.s32 s26, s8;
	s2 =	smul.u32 $0x6000, s2  }
0x49: {  	s8 =	sadd.s32 s8, s15;
	s15 =	sand.u32 $0x380, s15  }
0x4a: {  	s15 =	sor.u32 s15, s16;
	s8 =	sand.u32 $0x380, s8;
	s2 =	sshra.s32 s2, $0x2  }
0x4b: {  	v11 =	vld [tilespmem:s15+$0x180];
	s8 =	sor.u32 s8, s2  }
0x4c: {  	v12 =	vld [tilespmem:s8+$0xC180];
	_ =	sdelay $0x4  }
0x4d: {  	v11 =	vadd.f32 v12, v11;
	_ =	sdelay $0x1  }
0x4e: {  	v38 =	vld [tilespmem:s15+$0x190];
	[tilespmem:s15+$0x6180] =	vst v11  }
0x4f: {  	v39 =	vld [tilespmem:s8+$0xC190];
	_ =	sdelay $0x4  }
0x50: {  	v11 =	vadd.f32 v39, v38;
	_ =	sdelay $0x1  }
0x51: {  	v40 =	vld [tilespmem:s15+$0x1A0];
	[tilespmem:s15+$0x6190] =	vst v11  }
0x52: {  	v41 =	vld [tilespmem:s8+$0xC1A0];
	_ =	sdelay $0x4  }
0x53: {  	v11 =	vadd.f32 v41, v40;
	_ =	sdelay $0x1  }
0x54: {  	v42 =	vld [tilespmem:s15+$0x1B0];
	[tilespmem:s15+$0x61A0] =	vst v11  }
0x55: {  	v43 =	vld [tilespmem:s8+$0xC1B0];
	_ =	sdelay $0x4  }
0x56: {  	v11 =	vadd.f32 v43, v42;
	_ =	sdelay $0x1  }
0x57: {  	v44 =	vld [tilespmem:s15+$0x1C0];
	[tilespmem:s15+$0x61B0] =	vst v11  }
0x58: {  	v45 =	vld [tilespmem:s8+$0xC1C0];
	_ =	sdelay $0x4  }
0x59: {  	v11 =	vadd.f32 v45, v44;
	_ =	sdelay $0x1  }
0x5a: {  	v46 =	vld [tilespmem:s15+$0x1D0];
	[tilespmem:s15+$0x61C0] =	vst v11  }
0x5b: {  	v47 =	vld [tilespmem:s8+$0xC1D0];
	_ =	sdelay $0x4  }
0x5c: {  	v11 =	vadd.f32 v47, v46;
	_ =	sdelay $0x1  }
0x5d: {  	v48 =	vld [tilespmem:s15+$0x1E0];
	[tilespmem:s15+$0x61D0] =	vst v11  }
0x5e: {  	v49 =	vld [tilespmem:s8+$0xC1E0];
	_ =	sdelay $0x4  }
0x5f: {  	v11 =	vadd.f32 v49, v48;
	_ =	sdelay $0x1  }
0x60: {  	v50 =	vld [tilespmem:s15+$0x1F0];
	[tilespmem:s15+$0x61E0] =	vst v11  }
0x61: {  	v51 =	vld [tilespmem:s8+$0xC1F0];
	_ =	sdelay $0x4  }
0x62: {  	v11 =	vadd.f32 v51, v50;
	_ =	sdelay $0x1  }
0x63: {  	v52 =	vld [tilespmem:s15+$0x580];
	[tilespmem:s15+$0x61F0] =	vst v11  }
0x64: {  	v53 =	vld [tilespmem:s8+$0xC580];
	_ =	sdelay $0x4  }
0x65: {  	v11 =	vadd.f32 v53, v52;
	_ =	sdelay $0x1  }
0x66: {  	v54 =	vld [tilespmem:s15+$0x590];
	[tilespmem:s15+$0x6580] =	vst v11  }
0x67: {  	v55 =	vld [tilespmem:s8+$0xC590];
	_ =	sdelay $0x4  }
0x68: {  	v11 =	vadd.f32 v55, v54;
	_ =	sdelay $0x1  }
0x69: {  	v56 =	vld [tilespmem:s15+$0x5A0];
	[tilespmem:s15+$0x6590] =	vst v11  }
0x6a: {  	v57 =	vld [tilespmem:s8+$0xC5A0];
	_ =	sdelay $0x4  }
0x6b: {  	v11 =	vadd.f32 v57, v56  }
0x6c: {  	v58 =	vld [tilespmem:s14+$0xC5B0]  }
0x6d: {  	v59 =	vld [tilespmem:s15+$0x5B0];
	[tilespmem:s15+$0x65A0] =	vst v11  }
0x6e: {  	v13 =	vld [tilespmem:s8+$0xC5B0];
	_ =	sdelay $0x3  }
0x6f: {  	v10 =	vadd.f32 v58, v10  }
0x70: {  	v60 =	vld [tilespmem:s13+$0x5C0];
	v61 =	vadd.f32 v13, v59  }
0x71: {  	v63 =	vld [tilespmem:s15+$0x5C0];
	[tilespmem:s13+$0x65B0] =	vst v10  }
0x72: {  	v62 =	vld [tilespmem:s14+$0xC5C0];
	[tilespmem:s15+$0x65B0] =	vst v61  }
0x73: {  	v10 =	vld [tilespmem:s8+$0xC5C0];
	_ =	sdelay $0x3  }
0x74: {  	v11 =	vadd.f32 v62, v60  }
0x75: {  	v16 =	vld [tilespmem:s13+$0x5D0];
	v10 =	vadd.f32 v10, v63  }
0x76: {  	v17 =	vld [tilespmem:s15+$0x5D0];
	[tilespmem:s13+$0x65C0] =	vst v11  }
0x77: {  	v11 =	vld [tilespmem:s14+$0xC5D0];
	[tilespmem:s15+$0x65C0] =	vst v10  }
0x78: {  	v10 =	vld [tilespmem:s8+$0xC5D0];
	_ =	sdelay $0x3  }
0x79: {  	v11 =	vadd.f32 v11, v16  }
0x7a: {  	v18 =	vld [tilespmem:s13+$0x5E0];
	v10 =	vadd.f32 v10, v17  }
0x7b: {  	v19 =	vld [tilespmem:s15+$0x5E0];
	[tilespmem:s13+$0x65D0] =	vst v11  }
0x7c: {  	v11 =	vld [tilespmem:s14+$0xC5E0];
	[tilespmem:s15+$0x65D0] =	vst v10  }
0x7d: {  	v10 =	vld [tilespmem:s8+$0xC5E0];
	_ =	sdelay $0x3  }
0x7e: {  	v11 =	vadd.f32 v11, v18  }
0x7f: {  	v20 =	vld [tilespmem:s13+$0x5F0];
	v10 =	vadd.f32 v10, v19  }
0x80: {  	v21 =	vld [tilespmem:s15+$0x5F0];
	[tilespmem:s13+$0x65E0] =	vst v11  }
0x81: {  	v11 =	vld [tilespmem:s14+$0xC5F0];
	[tilespmem:s15+$0x65E0] =	vst v10  }
0x82: {  	v10 =	vld [tilespmem:s8+$0xC5F0];
	_ =	sdelay $0x3  }
0x83: {  	v11 =	vadd.f32 v11, v20  }
0x84: {  	v22 =	vld [tilespmem:s13+$0x980];
	v10 =	vadd.f32 v10, v21  }
0x85: {  	v23 =	vld [tilespmem:s15+$0x980];
	[tilespmem:s13+$0x65F0] =	vst v11  }
0x86: {  	v11 =	vld [tilespmem:s14+$0xC980];
	[tilespmem:s15+$0x65F0] =	vst v10  }
0x87: {  	v10 =	vld [tilespmem:s8+$0xC980];
	_ =	sdelay $0x3  }
0x88: {  	v11 =	vadd.f32 v11, v22  }
0x89: {  	v24 =	vld [tilespmem:s13+$0x990];
	v10 =	vadd.f32 v10, v23  }
0x8a: {  	v25 =	vld [tilespmem:s15+$0x990];
	[tilespmem:s13+$0x6980] =	vst v11  }
0x8b: {  	v11 =	vld [tilespmem:s14+$0xC990];
	[tilespmem:s15+$0x6980] =	vst v10  }
0x8c: {  	v10 =	vld [tilespmem:s8+$0xC990];
	_ =	sdelay $0x3  }
0x8d: {  	v11 =	vadd.f32 v11, v24  }
0x8e: {  	v26 =	vld [tilespmem:s13+$0x9A0];
	v10 =	vadd.f32 v10, v25  }
0x8f: {  	v27 =	vld [tilespmem:s15+$0x9A0];
	[tilespmem:s13+$0x6990] =	vst v11  }
0x90: {  	v11 =	vld [tilespmem:s14+$0xC9A0];
	[tilespmem:s15+$0x6990] =	vst v10  }
0x91: {  	v10 =	vld [tilespmem:s8+$0xC9A0];
	_ =	sdelay $0x3  }
0x92: {  	v11 =	vadd.f32 v11, v26  }
0x93: {  	v28 =	vld [tilespmem:s13+$0x9B0];
	v10 =	vadd.f32 v10, v27  }
0x94: {  	v29 =	vld [tilespmem:s15+$0x9B0];
	[tilespmem:s13+$0x69A0] =	vst v11  }
0x95: {  	v11 =	vld [tilespmem:s14+$0xC9B0];
	[tilespmem:s15+$0x69A0] =	vst v10  }
0x96: {  	v10 =	vld [tilespmem:s8+$0xC9B0];
	_ =	sdelay $0x3  }
0x97: {  	v11 =	vadd.f32 v11, v28  }
0x98: {  	v30 =	vld [tilespmem:s13+$0x9C0];
	v10 =	vadd.f32 v10, v29  }
0x99: {  	v31 =	vld [tilespmem:s15+$0x9C0];
	[tilespmem:s13+$0x69B0] =	vst v11  }
0x9a: {  	v11 =	vld [tilespmem:s14+$0xC9C0];
	[tilespmem:s15+$0x69B0] =	vst v10  }
0x9b: {  	v10 =	vld [tilespmem:s8+$0xC9C0];
	_ =	sdelay $0x3  }
0x9c: {  	v11 =	vadd.f32 v11, v30  }
0x9d: {  	v32 =	vld [tilespmem:s13+$0x9D0];
	v10 =	vadd.f32 v10, v31  }
0x9e: {  	v33 =	vld [tilespmem:s15+$0x9D0];
	[tilespmem:s13+$0x69C0] =	vst v11  }
0x9f: {  	v11 =	vld [tilespmem:s14+$0xC9D0];
	[tilespmem:s15+$0x69C0] =	vst v10  }
0xa0: {  	v10 =	vld [tilespmem:s8+$0xC9D0];
	_ =	sdelay $0x3  }
0xa1: {  	v11 =	vadd.f32 v11, v32  }
0xa2: {  	v34 =	vld [tilespmem:s13+$0x9E0];
	v10 =	vadd.f32 v10, v33  }
0xa3: {  	v35 =	vld [tilespmem:s15+$0x9E0];
	[tilespmem:s13+$0x69D0] =	vst v11  }
0xa4: {  	v11 =	vld [tilespmem:s14+$0xC9E0];
	[tilespmem:s15+$0x69D0] =	vst v10  }
0xa5: {  	v10 =	vld [tilespmem:s8+$0xC9E0];
	_ =	sdelay $0x3  }
0xa6: {  	[tilespmem:s21+$0x69E0] =	vst v9;
	v36 =	vld [tilespmem:s13+$0x9F0];
	v11 =	vadd.f32 v11, v34  }
0xa7: {  	v37 =	vld [tilespmem:s9+$0xC9F0];
	v10 =	vadd.f32 v10, v35  }
0xa8: {  	v38 =	vld [tilespmem:s15+$0x9F0];
	[tilespmem:s13+$0x69E0] =	vst v11  }
0xa9: {  	v11 =	vld [tilespmem:s14+$0xC9F0];
	[tilespmem:s15+$0x69E0] =	vst v10  }
0xaa: {  	v10 =	vld [tilespmem:s8+$0xC9F0];
	_ =	sdelay $0x1  }
0xab: {  	v8 =	vadd.f32 v37, v8  }
0xac: {  	v39 =	vld [tilespmem:s21+$0xD80]  }
0xad: {  	[tilespmem:s21+$0x69F0] =	vst v8;
	v40 =	vld [tilespmem:s13+$0xD80];
	v9 =	vadd.f32 v11, v36  }
0xae: {  	v41 =	vld [tilespmem:s9+$0xCD80];
	v42 =	vadd.f32 v10, v38  }
0xaf: {  	v44 =	vld [tilespmem:s15+$0xD80];
	[tilespmem:s13+$0x69F0] =	vst v9  }
0xb0: {  	v43 =	vld [tilespmem:s14+$0xCD80];
	[tilespmem:s15+$0x69F0] =	vst v42  }
0xb1: {  	v9 =	vld [tilespmem:s8+$0xCD80];
	_ =	sdelay $0x2  }
0xb2: {  	v45 =	vld [tilespmem:s21+$0xD90];
	v11 =	vadd.f32 v41, v39  }
0xb3: {  	v46 =	vld [tilespmem:s13+$0xD90];
	v8 =	vadd.f32 v43, v40  }
0xb4: {  	v49 =	vld [tilespmem:s15+$0xD90];
	[tilespmem:s21+$0x6D80] =	vst v11;
	v47 =	vadd.f32 v9, v44  }
0xb5: {  	v11 =	vld [tilespmem:s9+$0xCD90];
	[tilespmem:s13+$0x6D80] =	vst v8  }
0xb6: {  	v48 =	vld [tilespmem:s14+$0xCD90];
	[tilespmem:s15+$0x6D80] =	vst v47  }
0xb7: {  	v8 =	vld [tilespmem:s8+$0xCD90];
	_ =	sdelay $0x2  }
0xb8: {  	v50 =	vld [tilespmem:s21+$0xDA0];
	v11 =	vadd.f32 v11, v45  }
0xb9: {  	v51 =	vld [tilespmem:s13+$0xDA0];
	v9 =	vadd.f32 v48, v46  }
0xba: {  	v52 =	vld [tilespmem:s15+$0xDA0];
	[tilespmem:s21+$0x6D90] =	vst v11;
	v8 =	vadd.f32 v8, v49  }
0xbb: {  	v11 =	vld [tilespmem:s9+$0xCDA0];
	[tilespmem:s13+$0x6D90] =	vst v9  }
0xbc: {  	v9 =	vld [tilespmem:s14+$0xCDA0];
	[tilespmem:s15+$0x6D90] =	vst v8  }
0xbd: {  	v8 =	vld [tilespmem:s8+$0xCDA0];
	_ =	sdelay $0x2  }
0xbe: {  	v53 =	vld [tilespmem:s21+$0xDB0];
	v11 =	vadd.f32 v11, v50  }
0xbf: {  	v54 =	vld [tilespmem:s13+$0xDB0];
	v9 =	vadd.f32 v9, v51  }
0xc0: {  	v55 =	vld [tilespmem:s15+$0xDB0];
	[tilespmem:s21+$0x6DA0] =	vst v11;
	v8 =	vadd.f32 v8, v52  }
0xc1: {  	v11 =	vld [tilespmem:s9+$0xCDB0];
	[tilespmem:s13+$0x6DA0] =	vst v9  }
0xc2: {  	v9 =	vld [tilespmem:s14+$0xCDB0];
	[tilespmem:s15+$0x6DA0] =	vst v8  }
0xc3: {  	v8 =	vld [tilespmem:s8+$0xCDB0];
	_ =	sdelay $0x2  }
0xc4: {  	v58 =	vld [tilespmem:s15+$0xDC0];
	v11 =	vadd.f32 v11, v53  }
0xc5: {  	v56 =	vld [tilespmem:s21+$0xDC0];
	v9 =	vadd.f32 v9, v54  }
0xc6: {  	v57 =	vld [tilespmem:s13+$0xDC0];
	[tilespmem:s21+$0x6DB0] =	vst v11;
	v8 =	vadd.f32 v8, v55  }
0xc7: {  	v11 =	vld [tilespmem:s9+$0xCDC0];
	[tilespmem:s13+$0x6DB0] =	vst v9  }
0xc8: {  	v9 =	vld [tilespmem:s14+$0xCDC0];
	[tilespmem:s15+$0x6DB0] =	vst v8  }
0xc9: {  	v8 =	vld [tilespmem:s8+$0xCDC0];
	_ =	sdelay $0x2  }
0xca: {  	v60 =	vld [tilespmem:s13+$0xDD0];
	v11 =	vadd.f32 v11, v56  }
0xcb: {  	v59 =	vld [tilespmem:s21+$0xDD0];
	v9 =	vadd.f32 v9, v57  }
0xcc: {  	v61 =	vld [tilespmem:s15+$0xDD0];
	[tilespmem:s21+$0x6DC0] =	vst v11;
	v8 =	vadd.f32 v8, v58  }
0xcd: {  	v11 =	vld [tilespmem:s9+$0xCDD0];
	[tilespmem:s13+$0x6DC0] =	vst v9  }
0xce: {  	v9 =	vld [tilespmem:s14+$0xCDD0];
	[tilespmem:s15+$0x6DC0] =	vst v8  }
0xcf: {  	v8 =	vld [tilespmem:s8+$0xCDD0];
	_ =	sdelay $0x2  }
0xd0: {  	v62 =	vld [tilespmem:s21+$0xDE0];
	v11 =	vadd.f32 v11, v59  }
0xd1: {  	v16 =	vld [tilespmem:s15+$0xDE0];
	v9 =	vadd.f32 v9, v60  }
0xd2: {  	v63 =	vld [tilespmem:s13+$0xDE0];
	[tilespmem:s21+$0x6DD0] =	vst v11;
	v8 =	vadd.f32 v8, v61  }
0xd3: {  	v11 =	vld [tilespmem:s9+$0xCDE0];
	[tilespmem:s13+$0x6DD0] =	vst v9  }
0xd4: {  	v9 =	vld [tilespmem:s14+$0xCDE0];
	[tilespmem:s15+$0x6DD0] =	vst v8  }
0xd5: {  	v8 =	vld [tilespmem:s8+$0xCDE0];
	_ =	sdelay $0x2  }
0xd6: {  	v18 =	vld [tilespmem:s13+$0xDF0];
	v11 =	vadd.f32 v11, v62  }
0xd7: {  	v17 =	vld [tilespmem:s21+$0xDF0];
	v9 =	vadd.f32 v9, v63  }
0xd8: {  	v19 =	vld [tilespmem:s15+$0xDF0];
	[tilespmem:s21+$0x6DE0] =	vst v11;
	v8 =	vadd.f32 v8, v16  }
0xd9: {  	v11 =	vld [tilespmem:s9+$0xCDF0];
	[tilespmem:s13+$0x6DE0] =	vst v9  }
0xda: {  	v9 =	vld [tilespmem:s14+$0xCDF0];
	[tilespmem:s15+$0x6DE0] =	vst v8  }
0xdb: {  	v8 =	vld [tilespmem:s8+$0xCDF0];
	_ =	sdelay $0x2  }
0xdc: {  	v20 =	vld [tilespmem:s21+$0x1180];
	v11 =	vadd.f32 v11, v17  }
0xdd: {  	v22 =	vld [tilespmem:s15+$0x1180];
	v9 =	vadd.f32 v9, v18  }
0xde: {  	v21 =	vld [tilespmem:s13+$0x1180];
	[tilespmem:s21+$0x6DF0] =	vst v11;
	v8 =	vadd.f32 v8, v19  }
0xdf: {  	v11 =	vld [tilespmem:s9+$0xD180];
	[tilespmem:s13+$0x6DF0] =	vst v9  }
0xe0: {  	v9 =	vld [tilespmem:s14+$0xD180];
	[tilespmem:s15+$0x6DF0] =	vst v8  }
0xe1: {  	v8 =	vld [tilespmem:s8+$0xD180];
	_ =	sdelay $0x2  }
0xe2: {  	v24 =	vld [tilespmem:s13+$0x1190];
	v11 =	vadd.f32 v11, v20  }
0xe3: {  	v23 =	vld [tilespmem:s21+$0x1190];
	v9 =	vadd.f32 v9, v21  }
0xe4: {  	v25 =	vld [tilespmem:s15+$0x1190];
	[tilespmem:s21+$0x7180] =	vst v11;
	v8 =	vadd.f32 v8, v22  }
0xe5: {  	v11 =	vld [tilespmem:s9+$0xD190];
	[tilespmem:s13+$0x7180] =	vst v9  }
0xe6: {  	v9 =	vld [tilespmem:s14+$0xD190];
	[tilespmem:s15+$0x7180] =	vst v8  }
0xe7: {  	v8 =	vld [tilespmem:s8+$0xD190];
	_ =	sdelay $0x2  }
0xe8: {  	v26 =	vld [tilespmem:s21+$0x11A0];
	v11 =	vadd.f32 v11, v23  }
0xe9: {  	v28 =	vld [tilespmem:s15+$0x11A0];
	v9 =	vadd.f32 v9, v24  }
0xea: {  	v27 =	vld [tilespmem:s13+$0x11A0];
	[tilespmem:s21+$0x7190] =	vst v11;
	v8 =	vadd.f32 v8, v25  }
0xeb: {  	v11 =	vld [tilespmem:s9+$0xD1A0];
	[tilespmem:s13+$0x7190] =	vst v9  }
0xec: {  	v9 =	vld [tilespmem:s14+$0xD1A0];
	[tilespmem:s15+$0x7190] =	vst v8  }
0xed: {  	[tilespmem:s19+$0x71A0] =	vst v7;
	v29 =	vld [tilespmem:s8+$0xD1A0]  }
0xee: {  	v30 =	vld [tilespmem:s20+$0xD1B0]  }
0xef: {  	v32 =	vld [tilespmem:s21+$0x11B0]  }
0xf0: {  	v31 =	vld [tilespmem:s19+$0x11C0];
	v11 =	vadd.f32 v11, v26  }
0xf1: {  	v33 =	vld [tilespmem:s13+$0x11B0];
	v9 =	vadd.f32 v9, v27  }
0xf2: {  	v36 =	vld [tilespmem:s15+$0x11B0];
	[tilespmem:s21+$0x71A0] =	vst v11;
	v7 =	vadd.f32 v29, v28  }
0xf3: {  	v34 =	vld [tilespmem:s9+$0xD1B0];
	[tilespmem:s13+$0x71A0] =	vst v9  }
0xf4: {  	v35 =	vld [tilespmem:s14+$0xD1B0];
	[tilespmem:s15+$0x71A0] =	vst v7  }
0xf5: {  	v37 =	vld [tilespmem:s8+$0xD1B0]  }
0xf6: {  	v6 =	vadd.f32 v30, v6;
	v39 =	vld [tilespmem:s19+$0x11D0]  }
0xf7: {  	v41 =	vld [tilespmem:s13+$0x11C0]  }
0xf8: {  	[tilespmem:s19+$0x71B0] =	vst v6;
	v40 =	vld [tilespmem:s21+$0x11C0];
	v9 =	vadd.f32 v34, v32  }
0xf9: {  	v38 =	vld [tilespmem:s20+$0xD1C0];
	v8 =	vadd.f32 v35, v33  }
0xfa: {  	v44 =	vld [tilespmem:s15+$0x11C0];
	[tilespmem:s21+$0x71B0] =	vst v9;
	v6 =	vadd.f32 v37, v36  }
0xfb: {  	v42 =	vld [tilespmem:s9+$0xD1C0];
	[tilespmem:s13+$0x71B0] =	vst v8  }
0xfc: {  	v43 =	vld [tilespmem:s14+$0xD1C0];
	[tilespmem:s15+$0x71B0] =	vst v6  }
0xfd: {  	v6 =	vld [tilespmem:s8+$0xD1C0]  }
0xfe: {  	v45 =	vld [tilespmem:s19+$0x11E0]  }
0xff: {  	v50 =	vld [tilespmem:s15+$0x11D0];
	v7 =	vadd.f32 v38, v31  }
0x100: {  	v46 =	vld [tilespmem:s21+$0x11D0];
	v8 =	vadd.f32 v42, v40  }
0x101: {  	v47 =	vld [tilespmem:s13+$0x11D0];
	[tilespmem:s19+$0x71C0] =	vst v7;
	v9 =	vadd.f32 v43, v41  }
0x102: {  	[tilespmem:s21+$0x71C0] =	vst v8;
	v7 =	vld [tilespmem:s20+$0xD1D0];
	v6 =	vadd.f32 v6, v44  }
0x103: {  	v48 =	vld [tilespmem:s9+$0xD1D0];
	[tilespmem:s13+$0x71C0] =	vst v9  }
0x104: {  	v49 =	vld [tilespmem:s14+$0xD1D0];
	[tilespmem:s15+$0x71C0] =	vst v6  }
0x105: {  	v6 =	vld [tilespmem:s8+$0xD1D0]  }
0x106: {  	v53 =	vld [tilespmem:s13+$0x11E0]  }
0x107: {  	v51 =	vld [tilespmem:s19+$0x11F0];
	v7 =	vadd.f32 v7, v39  }
0x108: {  	v56 =	vld [tilespmem:s15+$0x11E0];
	v9 =	vadd.f32 v48, v46  }
0x109: {  	v52 =	vld [tilespmem:s21+$0x11E0];
	[tilespmem:s19+$0x71D0] =	vst v7;
	v8 =	vadd.f32 v49, v47  }
0x10a: {  	[tilespmem:s21+$0x71D0] =	vst v9;
	v7 =	vld [tilespmem:s20+$0xD1E0];
	v6 =	vadd.f32 v6, v50  }
0x10b: {  	v54 =	vld [tilespmem:s9+$0xD1E0];
	[tilespmem:s13+$0x71D0] =	vst v8  }
0x10c: {  	v55 =	vld [tilespmem:s14+$0xD1E0];
	[tilespmem:s15+$0x71D0] =	vst v6  }
0x10d: {  	v6 =	vld [tilespmem:s8+$0xD1E0]  }
0x10e: {  	v59 =	vld [tilespmem:s13+$0x11F0]  }
0x10f: {  	v57 =	vld [tilespmem:s19+$0x1580];
	v7 =	vadd.f32 v7, v45  }
0x110: {  	v62 =	vld [tilespmem:s15+$0x11F0];
	v8 =	vadd.f32 v54, v52  }
0x111: {  	v58 =	vld [tilespmem:s21+$0x11F0];
	[tilespmem:s19+$0x71E0] =	vst v7;
	v9 =	vadd.f32 v55, v53  }
0x112: {  	[tilespmem:s21+$0x71E0] =	vst v8;
	v7 =	vld [tilespmem:s20+$0xD1F0];
	v6 =	vadd.f32 v6, v56  }
0x113: {  	v60 =	vld [tilespmem:s9+$0xD1F0];
	[tilespmem:s13+$0x71E0] =	vst v9  }
0x114: {  	v61 =	vld [tilespmem:s14+$0xD1F0];
	[tilespmem:s15+$0x71E0] =	vst v6  }
0x115: {  	v6 =	vld [tilespmem:s8+$0xD1F0]  }
0x116: {  	v17 =	vld [tilespmem:s13+$0x1580]  }
0x117: {  	v63 =	vld [tilespmem:s19+$0x1590];
	v7 =	vadd.f32 v7, v51  }
0x118: {  	v20 =	vld [tilespmem:s15+$0x1580];
	v9 =	vadd.f32 v60, v58  }
0x119: {  	v16 =	vld [tilespmem:s21+$0x1580];
	[tilespmem:s19+$0x71F0] =	vst v7;
	v8 =	vadd.f32 v61, v59  }
0x11a: {  	[tilespmem:s21+$0x71F0] =	vst v9;
	v7 =	vld [tilespmem:s20+$0xD580];
	v6 =	vadd.f32 v6, v62  }
0x11b: {  	v18 =	vld [tilespmem:s9+$0xD580];
	[tilespmem:s13+$0x71F0] =	vst v8  }
0x11c: {  	v19 =	vld [tilespmem:s14+$0xD580];
	[tilespmem:s15+$0x71F0] =	vst v6  }
0x11d: {  	v6 =	vld [tilespmem:s8+$0xD580]  }
0x11e: {  	v23 =	vld [tilespmem:s13+$0x1590]  }
0x11f: {  	v21 =	vld [tilespmem:s19+$0x15A0];
	v7 =	vadd.f32 v7, v57  }
0x120: {  	v26 =	vld [tilespmem:s15+$0x1590];
	v8 =	vadd.f32 v18, v16  }
0x121: {  	v22 =	vld [tilespmem:s21+$0x1590];
	[tilespmem:s19+$0x7580] =	vst v7;
	v9 =	vadd.f32 v19, v17  }
0x122: {  	[tilespmem:s21+$0x7580] =	vst v8;
	v7 =	vld [tilespmem:s20+$0xD590];
	v6 =	vadd.f32 v6, v20  }
0x123: {  	v24 =	vld [tilespmem:s9+$0xD590];
	[tilespmem:s13+$0x7580] =	vst v9  }
0x124: {  	v25 =	vld [tilespmem:s14+$0xD590];
	[tilespmem:s15+$0x7580] =	vst v6  }
0x125: {  	v6 =	vld [tilespmem:s8+$0xD590]  }
0x126: {  	v27 =	vld [tilespmem:s19+$0x15B0]  }
0x127: {  	v32 =	vld [tilespmem:s15+$0x15A0];
	v7 =	vadd.f32 v7, v63  }
0x128: {  	v28 =	vld [tilespmem:s21+$0x15A0];
	v9 =	vadd.f32 v24, v22  }
0x129: {  	v29 =	vld [tilespmem:s13+$0x15A0];
	[tilespmem:s19+$0x7590] =	vst v7;
	v8 =	vadd.f32 v25, v23  }
0x12a: {  	[tilespmem:s21+$0x7590] =	vst v9;
	v7 =	vld [tilespmem:s20+$0xD5A0];
	v6 =	vadd.f32 v6, v26  }
0x12b: {  	v30 =	vld [tilespmem:s9+$0xD5A0];
	[tilespmem:s13+$0x7590] =	vst v8  }
0x12c: {  	v31 =	vld [tilespmem:s14+$0xD5A0];
	[tilespmem:s15+$0x7590] =	vst v6  }
0x12d: {  	v6 =	vld [tilespmem:s8+$0xD5A0]  }
0x12e: {  	v34 =	vld [tilespmem:s21+$0x15B0]  }
0x12f: {  	v33 =	vld [tilespmem:s19+$0x15C0];
	v7 =	vadd.f32 v7, v21  }
0x130: {  	v35 =	vld [tilespmem:s13+$0x15B0];
	v8 =	vadd.f32 v30, v28  }
0x131: {  	v38 =	vld [tilespmem:s15+$0x15B0];
	[tilespmem:s19+$0x75A0] =	vst v7;
	v9 =	vadd.f32 v31, v29  }
0x132: {  	[tilespmem:s21+$0x75A0] =	vst v8;
	v7 =	vld [tilespmem:s20+$0xD5B0];
	v6 =	vadd.f32 v6, v32  }
0x133: {  	v36 =	vld [tilespmem:s9+$0xD5B0];
	[tilespmem:s13+$0x75A0] =	vst v9  }
0x134: {  	v37 =	vld [tilespmem:s14+$0xD5B0];
	[tilespmem:s15+$0x75A0] =	vst v6  }
0x135: {  	v6 =	vld [tilespmem:s8+$0xD5B0]  }
0x136: {  	v40 =	vld [tilespmem:s21+$0x15C0]  }
0x137: {  	v41 =	vld [tilespmem:s13+$0x15C0];
	v7 =	vadd.f32 v7, v27  }
0x138: {  	v39 =	vld [tilespmem:s19+$0x15D0];
	v9 =	vadd.f32 v36, v34  }
0x139: {  	v44 =	vld [tilespmem:s15+$0x15C0];
	[tilespmem:s19+$0x75B0] =	vst v7;
	v8 =	vadd.f32 v37, v35  }
0x13a: {  	[tilespmem:s21+$0x75B0] =	vst v9;
	v7 =	vld [tilespmem:s20+$0xD5C0];
	v6 =	vadd.f32 v6, v38  }
0x13b: {  	v42 =	vld [tilespmem:s9+$0xD5C0];
	[tilespmem:s13+$0x75B0] =	vst v8  }
0x13c: {  	v43 =	vld [tilespmem:s14+$0xD5C0];
	[tilespmem:s15+$0x75B0] =	vst v6  }
0x13d: {  	v6 =	vld [tilespmem:s8+$0xD5C0]  }
0x13e: {  	v46 =	vld [tilespmem:s21+$0x15D0]  }
0x13f: {  	v47 =	vld [tilespmem:s13+$0x15D0];
	v7 =	vadd.f32 v7, v33  }
0x140: {  	v45 =	vld [tilespmem:s19+$0x15E0];
	v8 =	vadd.f32 v42, v40  }
0x141: {  	v50 =	vld [tilespmem:s15+$0x15D0];
	[tilespmem:s19+$0x75C0] =	vst v7;
	v9 =	vadd.f32 v43, v41  }
0x142: {  	[tilespmem:s21+$0x75C0] =	vst v8;
	v7 =	vld [tilespmem:s20+$0xD5D0];
	v6 =	vadd.f32 v6, v44  }
0x143: {  	v48 =	vld [tilespmem:s9+$0xD5D0];
	[tilespmem:s13+$0x75C0] =	vst v9  }
0x144: {  	v49 =	vld [tilespmem:s14+$0xD5D0];
	[tilespmem:s15+$0x75C0] =	vst v6  }
0x145: {  	v6 =	vld [tilespmem:s8+$0xD5D0]  }
0x146: {  	v52 =	vld [tilespmem:s21+$0x15E0]  }
0x147: {  	v53 =	vld [tilespmem:s13+$0x15E0];
	v7 =	vadd.f32 v7, v39  }
0x148: {  	v51 =	vld [tilespmem:s19+$0x15F0];
	v9 =	vadd.f32 v48, v46  }
0x149: {  	v56 =	vld [tilespmem:s15+$0x15E0];
	[tilespmem:s19+$0x75D0] =	vst v7;
	v8 =	vadd.f32 v49, v47  }
0x14a: {  	[tilespmem:s21+$0x75D0] =	vst v9;
	v7 =	vld [tilespmem:s20+$0xD5E0];
	v6 =	vadd.f32 v6, v50  }
0x14b: {  	v4 =	vadd.f32 v5, v4;
	v54 =	vld [tilespmem:s9+$0xD5E0];
	[tilespmem:s13+$0x75D0] =	vst v8  }
0x14c: {  	v55 =	vld [tilespmem:s14+$0xD5E0];
	[tilespmem:s15+$0x75D0] =	vst v6  }
0x14d: {  	[tilespmem:s31+$0x75E0] =	vst v4;
	v57 =	vld [tilespmem:s8+$0xD5E0]  }
0x14e: {  	v58 =	vld [tilespmem:s18+$0xD5F0]  }
0x14f: {  	v60 =	vld [tilespmem:s13+$0x15F0];
	v7 =	vadd.f32 v7, v45  }
0x150: {  	v59 =	vld [tilespmem:s21+$0x15F0];
	v8 =	vadd.f32 v54, v52  }
0x151: {  	v62 =	vld [tilespmem:s15+$0x15F0];
	[tilespmem:s19+$0x75E0] =	vst v7;
	v5 =	vadd.f32 v55, v53  }
0x152: {  	[tilespmem:s21+$0x75E0] =	vst v8;
	v7 =	vld [tilespmem:s20+$0xD5F0];
	v4 =	vadd.f32 v57, v56  }
0x153: {  	v61 =	vld [tilespmem:s9+$0xD5F0];
	[tilespmem:s13+$0x75E0] =	vst v5  }
0x154: {  	v5 =	vld [tilespmem:s14+$0xD5F0];
	[tilespmem:s15+$0x75E0] =	vst v4  }
0x155: {  	v4 =	vld [tilespmem:s8+$0xD5F0]  }
0x156: {  	v3 =	vadd.f32 v58, v3  }
0x157: {  	v63 =	vadd.f32 v7, v51  }
0x158: {  	[tilespmem:s31+$0x75F0] =	vst v3;
	v3 =	vadd.f32 v61, v59  }
0x159: {  	[tilespmem:s19+$0x75F0] =	vst v63;
	v5 =	vadd.f32 v5, v60  }
0x15a: {  	[tilespmem:s21+$0x75F0] =	vst v3;
	v3 =	vadd.f32 v4, v62  }
0x15b: {  	[tilespmem:s13+$0x75F0] =	vst v5  }
0x15c: {  	s2 =	simm.s32 @!p0 $0x5;
	[tilespmem:s15+$0x75F0] =	vst v3  }
0x15d: {  	_ =	swait.ge @!p0 [sflag:s2], $0x10  }
0x15e: {  	[sflag:s2] =	ssyncset.done @!p0 $0x0  }
0x15f: {  	[sflag:s2] =	ssyncadd.s32 @!p0 $0xFFFFFFF0  }
0x160: {  	v3 =	vld @!p0 [tilespmem:$0x0];
	_ =	sdelay $0x4  }
0x161: {  	v4 =	vshrl.u32 @!p0 v3, $0x3  }
0x162: {  	v4 =	vmul.u32 @!p0 $0x30, v4  }
0x163: {  	v5 =	vlaneseq.u32 @!p0;
	v3 =	vand.u32 @!p0 $0x7, v3  }
0x164: {  	v6 =	vshrl.u32 @!p0 v5, $0x3;
	v3 =	vor.u32 @!p0 v3, v4;
	v4 =	vand.u32 @!p0 $0x7, v5  }
0x165: {  	v6 =	vmul.u32 @!p0 $0x8, v6;
	v4 =	vperm.xlane @!p0 v3, v4;
	_ =	sdelay $0x1  }
0x166: {  	v4 =	vadd.s32 @!p0 v6, v4;
	_ =	sdelay $0x2  }
0x167: {  	v5 =	vor.u32 @!p0 $0x8, v5  }
0x168: {  	vm1 =	vmmov @!p0 $0xffff;
	s8 =	simm.s32 @!p0 $0x180;
	s2 =	simm.s32 @!p0 $0x0;
	v3 =	vperm.xlane @!p0 v3, v5  }
0x169: {  	[tilespmem:s8], [sflag:$0x1] =	stream.indirect_vreg.gather @!p0 [hbm4b:s1+s2], $0x80, v4, vm1, $0xb8;
	[tilespmem:$0x1B180] =	vst v63  }
0x16a: {  	v3 =	vadd.s32 @!p0 v6, v3;
	s8 =	simm.s32 @!p0 $0x980  }
0x16b: {  	[tilespmem:s8], [sflag:$0x1] =	stream.indirect_vreg.gather @!p0 [hbm4b:s10+s2], $0x80, v4, vm1, $0xb8;
	[tilespmem:$0x1B180] =	vst v63  }
0x16c: {  	s8 =	simm.s32 @!p0 $0x1180  }
0x16d: {  	[tilespmem:s8], [sflag:$0x1] =	stream.indirect_vreg.gather @!p0 [hbm4b:s11+s2], $0x80, v4, vm1, $0xb8;
	[tilespmem:$0x1B180] =	vst v63  }
0x16e: {  	s8 =	simm.s32 @!p0 $0x1980  }
0x16f: {  	[tilespmem:s8], [sflag:$0x1] =	stream.indirect_vreg.gather @!p0 [hbm4b:s1+s2], $0x80, v3, vm1, $0xb8;
	[tilespmem:$0x1B180] =	vst v63  }
0x170: {  	s25 =	sadd.s32 s6, s30;
	s8 =	simm.s32 @!p0 $0x2180  }
0x171: {  	[tilespmem:s8], [sflag:$0x1] =	stream.indirect_vreg.gather @!p0 [hbm4b:s10+s2], $0x80, v3, vm1, $0xb8;
	[tilespmem:$0x1B180] =	vst v63  }
0x172: {  	s8 =	sshrl.u32 s25, $0x3  }
0x173: {  	s9 =	simm.s32 @!p0 $0x2980;
	s8 =	smul.u32 $0x300, s8  }
0x174: {  	[tilespmem:s9], [sflag:$0x1] =	stream.indirect_vreg.gather @!p0 [hbm4b:s11+s2], $0x80, v3, vm1, $0xb8;
	[tilespmem:$0x1B180] =	vst v63  }
0x175: {  	s31 =	simm.s32 $0x6180;
	s30 =	sadd.s32 s4, s8  }
0x176: {  	[hbm4b:s30+s5] =	stream.linear.scatter [tilespmem:s31], [sflag:$0x3], $0x3000, $0x38;
	[tilespmem:$0x1B180] =	vst v63  }
.LBB2_9:
0x177: {  	s29 =	sadd.s32 $0x1, s29  }
0x178: {  	p0 =	sne.s32 s29, $0x26  }
.Ltmp1:
0x179: {  	_ = 	snop;
	(pc) =	sbr.rel @!p0 .LBB2_10-.Ltmp1, $2  }
0x17a: {  	_ =	sdelay $0x2  }
0x17b: {  	s28 =	sadd.s32 $0x10, s28;
	s26 =	sadd.s32 $0x800, s26  }
.LBB2_2:
0x17c: {  	s2 =	sand.u32 $0x1, s29  }
0x17d: {  	p2 =	seq.s32 s2, $0x1  }
.Ltmp2:
0x17e: {  	_ = 	snop;
	(pc) =	sbr.rel @!p2 .LBB2_3-.Ltmp2, $3  }
0x17f: {  	_ =	sdelay $0x1  }
0x180: {  	s30 =	sshll.u32 s29, $0x4;
	p0 =	sgt.u32 s29, $0x23  }
0x181: {  	s2 =	sadd.s32 @!p0 s30, s12;
	p1 =	slt.u32 @!p0 s29, $0x2  }
0x182: {  	_ =	swait.ge [sflag:s0], $0x3000;
	s2 =	sshrl.u32 @!p0 s2, $0x3  }
0x183: {  	s8 =	simm.s32 @!p0 $0x0;
	s9 =	simm.s32 @!p0 $0x80;
	[sflag:s0] =	ssyncset.done $0x0  }
0x184: {  	s20 =	smulhi.u32 $0x3531DEC1, s28;
	s2 =	sadd.s32 @!p0 s7, s2;
	[sflag:s0] =	ssyncadd.s32 $0xFFFFD000  }
0x185: {  	[tilespmem:s9], [sflag:$0x6] =	stream.linear.gather @!p0 [hbm4b:s2+s8], $0x10, $0x38;
	[tilespmem:$0x1B180] =	vst v63  }
0x186: {  	s2 =	sshrl.u32 s20, $0x4  }
0x187: {  	s21 =	smul.u32 $0x4D, s2;
	_ =	sdelay $0x1  }
0x188: {  	p1 =	por p0, !p1;
	s24 =	simm.s32 $0x0;
	s8 =	ssub.s32 s28, s21  }
0x189: {  	s13 =	simm.s32 $0x0;
	s2 =	smul.u32 $0x2680, s2;
	s8 =	sadd.s32 $0x0, s8  }
0x18a: {  	s13 =	sand.u32 $0x380, s13;
	s9 =	smul.u32 $0x1800, s24;
	s8 =	sshrl.u32 s8, $0x3  }
0x18b: {  	_ =	swait.ge @p1 [sflag:s3], $0x3000;
	s2 =	ssub.s32 s26, s2;
	s8 =	smul.u32 $0x6000, s8  }
0x18c: {  	[sflag:s3] =	ssyncset.done @p1 $0x0;
	s31 =	sor.u32 s13, s9;
	s2 =	sadd.s32 $0x0, s2  }
0x18d: {  	[sflag:s3] =	ssyncadd.s32 @p1 $0xFFFFD000;
	s2 =	sand.u32 $0x380, s2;
	s8 =	sshra.s32 s8, $0x2  }
0x18e: {  	v3 =	vld [tilespmem:s31+$0x3180];
	s18 =	sor.u32 s2, s8  }
0x18f: {  	v4 =	vld [tilespmem:s18+$0xC180];
	_ =	sdelay $0x4  }
0x190: {  	v3 =	vadd.f32 v4, v3;
	_ =	sdelay $0x1  }
0x191: {  	[tilespmem:s31+$0x9180] =	vst v3;
	v3 =	vld [tilespmem:s31+$0x3190]  }
0x192: {  	v4 =	vld [tilespmem:s18+$0xC190];
	_ =	sdelay $0x4  }
0x193: {  	v3 =	vadd.f32 v4, v3;
	_ =	sdelay $0x1  }
0x194: {  	[tilespmem:s31+$0x9190] =	vst v3;
	v3 =	vld [tilespmem:s31+$0x31A0]  }
0x195: {  	v4 =	vld [tilespmem:s18+$0xC1A0];
	_ =	sdelay $0x4  }
0x196: {  	v3 =	vadd.f32 v4, v3;
	_ =	sdelay $0x1  }
0x197: {  	[tilespmem:s31+$0x91A0] =	vst v3;
	v3 =	vld [tilespmem:s31+$0x31B0]  }
0x198: {  	v4 =	vld [tilespmem:s18+$0xC1B0];
	_ =	sdelay $0x4  }
0x199: {  	v3 =	vadd.f32 v4, v3;
	_ =	sdelay $0x1  }
0x19a: {  	[tilespmem:s31+$0x91B0] =	vst v3;
	v3 =	vld [tilespmem:s31+$0x31C0]  }
0x19b: {  	v4 =	vld [tilespmem:s18+$0xC1C0];
	_ =	sdelay $0x4  }
0x19c: {  	v3 =	vadd.f32 v4, v3;
	_ =	sdelay $0x1  }
0x19d: {  	[tilespmem:s31+$0x91C0] =	vst v3;
	v3 =	vld [tilespmem:s31+$0x31D0]  }
0x19e: {  	v4 =	vld [tilespmem:s18+$0xC1D0];
	_ =	sdelay $0x4  }
0x19f: {  	v3 =	vadd.f32 v4, v3;
	_ =	sdelay $0x1  }
0x1a0: {  	[tilespmem:s31+$0x91D0] =	vst v3;
	v3 =	vld [tilespmem:s31+$0x31E0]  }
0x1a1: {  	v4 =	vld [tilespmem:s18+$0xC1E0];
	_ =	sdelay $0x4  }
0x1a2: {  	v3 =	vadd.f32 v4, v3;
	_ =	sdelay $0x1  }
0x1a3: {  	[tilespmem:s31+$0x91E0] =	vst v3;
	v3 =	vld [tilespmem:s31+$0x31F0]  }
0x1a4: {  	v4 =	vld [tilespmem:s18+$0xC1F0];
	_ =	sdelay $0x4  }
0x1a5: {  	v3 =	vadd.f32 v4, v3;
	_ =	sdelay $0x1  }
0x1a6: {  	[tilespmem:s31+$0x91F0] =	vst v3;
	v3 =	vld [tilespmem:s31+$0x3580]  }
0x1a7: {  	v4 =	vld [tilespmem:s18+$0xC580];
	_ =	sdelay $0x4  }
0x1a8: {  	v3 =	vadd.f32 v4, v3;
	_ =	sdelay $0x1  }
0x1a9: {  	[tilespmem:s31+$0x9580] =	vst v3;
	v3 =	vld [tilespmem:s31+$0x3590]  }
0x1aa: {  	v4 =	vld [tilespmem:s18+$0xC590];
	_ =	sdelay $0x4  }
0x1ab: {  	v3 =	vadd.f32 v4, v3  }
0x1ac: {  	s25 =	sadd.s32 $0x1, s28  }
0x1ad: {  	s14 =	smulhi.u32 $0x3531DEC1, s25;
	[tilespmem:s31+$0x9590] =	vst v3;
	v3 =	vld [tilespmem:s31+$0x35A0]  }
0x1ae: {  	v4 =	vld [tilespmem:s18+$0xC5A0]  }
0x1af: {  	s8 =	sshrl.u32 s14, $0x4  }
0x1b0: {  	s15 =	smul.u32 $0x4D, s8;
	_ =	sdelay $0x1  }
0x1b1: {  	s9 =	ssub.s32 s28, s15  }
0x1b2: {  	s16 =	simm.s32 $0x0;
	s8 =	smul.u32 $0x2680, s8;
	s9 =	sadd.s32 $0x1, s9;
	v3 =	vadd.f32 v4, v3  }
0x1b3: {  	s13 =	smul.u32 $0x1800, s16;
	s9 =	sshrl.u32 s9, $0x3  }
0x1b4: {  	s14 =	simm.s32 $0x80;
	s8 =	ssub.s32 s26, s8;
	s9 =	smul.u32 $0x6000, s9;
	[tilespmem:s31+$0x95A0] =	vst v3;
	v3 =	vld [tilespmem:s31+$0x35B0]  }
0x1b5: {  	s14 =	sand.u32 $0x380, s14;
	s8 =	sadd.s32 $0x80, s8;
	v4 =	vld [tilespmem:s18+$0xC5B0]  }
0x1b6: {  	s19 =	sor.u32 s14, s13;
	s8 =	sand.u32 $0x380, s8;
	s9 =	sshra.s32 s9, $0x2  }
0x1b7: {  	v5 =	vld [tilespmem:s19+$0x3180];
	s20 =	sor.u32 s8, s9  }
0x1b8: {  	v6 =	vld [tilespmem:s20+$0xC180];
	_ =	sdelay $0x1  }
0x1b9: {  	v3 =	vadd.f32 v4, v3;
	_ =	sdelay $0x1  }
0x1ba: {  	v4 =	vld [tilespmem:s31+$0x35C0];
	[tilespmem:s31+$0x95B0] =	vst v3  }
0x1bb: {  	v5 =	vadd.f32 v6, v5;
	v3 =	vld [tilespmem:s18+$0xC5C0];
	_ =	sdelay $0x1  }
0x1bc: {  	[tilespmem:s19+$0x9180] =	vst v5;
	v5 =	vld [tilespmem:s19+$0x3190]  }
0x1bd: {  	v6 =	vld [tilespmem:s20+$0xC190];
	_ =	sdelay $0x1  }
0x1be: {  	v3 =	vadd.f32 v3, v4;
	_ =	sdelay $0x1  }
0x1bf: {  	v4 =	vld [tilespmem:s31+$0x35D0];
	[tilespmem:s31+$0x95C0] =	vst v3  }
0x1c0: {  	v5 =	vadd.f32 v6, v5;
	v3 =	vld [tilespmem:s18+$0xC5D0];
	_ =	sdelay $0x1  }
0x1c1: {  	[tilespmem:s19+$0x9190] =	vst v5;
	v5 =	vld [tilespmem:s19+$0x31A0]  }
0x1c2: {  	v6 =	vld [tilespmem:s20+$0xC1A0];
	_ =	sdelay $0x1  }
0x1c3: {  	v3 =	vadd.f32 v3, v4;
	_ =	sdelay $0x1  }
0x1c4: {  	v4 =	vld [tilespmem:s31+$0x35E0];
	[tilespmem:s31+$0x95D0] =	vst v3  }
0x1c5: {  	v5 =	vadd.f32 v6, v5;
	v3 =	vld [tilespmem:s18+$0xC5E0];
	_ =	sdelay $0x1  }
0x1c6: {  	[tilespmem:s19+$0x91A0] =	vst v5;
	v5 =	vld [tilespmem:s19+$0x31B0]  }
0x1c7: {  	v6 =	vld [tilespmem:s20+$0xC1B0];
	_ =	sdelay $0x1  }
0x1c8: {  	v3 =	vadd.f32 v3, v4;
	_ =	sdelay $0x1  }
0x1c9: {  	v4 =	vld [tilespmem:s31+$0x35F0];
	[tilespmem:s31+$0x95E0] =	vst v3  }
0x1ca: {  	v5 =	vadd.f32 v6, v5;
	v3 =	vld [tilespmem:s18+$0xC5F0];
	_ =	sdelay $0x1  }
0x1cb: {  	[tilespmem:s19+$0x91B0] =	vst v5;
	v5 =	vld [tilespmem:s19+$0x31C0]  }
0x1cc: {  	v6 =	vld [tilespmem:s20+$0xC1C0];
	_ =	sdelay $0x1  }
0x1cd: {  	v3 =	vadd.f32 v3, v4;
	_ =	sdelay $0x1  }
0x1ce: {  	v4 =	vld [tilespmem:s31+$0x3980];
	[tilespmem:s31+$0x95F0] =	vst v3  }
0x1cf: {  	v5 =	vadd.f32 v6, v5;
	v3 =	vld [tilespmem:s18+$0xC980];
	_ =	sdelay $0x1  }
0x1d0: {  	[tilespmem:s19+$0x91C0] =	vst v5;
	v5 =	vld [tilespmem:s19+$0x31D0]  }
0x1d1: {  	v6 =	vld [tilespmem:s20+$0xC1D0];
	_ =	sdelay $0x1  }
0x1d2: {  	v3 =	vadd.f32 v3, v4;
	_ =	sdelay $0x1  }
0x1d3: {  	v4 =	vld [tilespmem:s31+$0x3990];
	[tilespmem:s31+$0x9980] =	vst v3  }
0x1d4: {  	v5 =	vadd.f32 v6, v5;
	v3 =	vld [tilespmem:s18+$0xC990];
	_ =	sdelay $0x1  }
0x1d5: {  	[tilespmem:s19+$0x91D0] =	vst v5;
	v5 =	vld [tilespmem:s19+$0x31E0]  }
0x1d6: {  	v6 =	vld [tilespmem:s20+$0xC1E0];
	_ =	sdelay $0x1  }
0x1d7: {  	v3 =	vadd.f32 v3, v4;
	_ =	sdelay $0x1  }
0x1d8: {  	v4 =	vld [tilespmem:s31+$0x39A0];
	[tilespmem:s31+$0x9990] =	vst v3  }
0x1d9: {  	v3 =	vadd.f32 v6, v5;
	v5 =	vld [tilespmem:s18+$0xC9A0];
	_ =	sdelay $0x4  }
0x1da: {  	[tilespmem:s19+$0x91E0] =	vst v3;
	v3 =	vld [tilespmem:s19+$0x31F0];
	v4 =	vadd.f32 v5, v4  }
0x1db: {  	v6 =	vld [tilespmem:s20+$0xC1F0]  }
0x1dc: {  	v5 =	vld [tilespmem:s31+$0x39B0];
	[tilespmem:s31+$0x99A0] =	vst v4  }
0x1dd: {  	v4 =	vld [tilespmem:s18+$0xC9B0];
	_ =	sdelay $0x2  }
0x1de: {  	v3 =	vadd.f32 v6, v3;
	_ =	sdelay $0x1  }
0x1df: {  	[tilespmem:s19+$0x91F0] =	vst v3;
	v3 =	vld [tilespmem:s19+$0x3580];
	v4 =	vadd.f32 v4, v5  }
0x1e0: {  	v6 =	vld [tilespmem:s20+$0xC580]  }
0x1e1: {  	v5 =	vld [tilespmem:s31+$0x39C0];
	[tilespmem:s31+$0x99B0] =	vst v4  }
0x1e2: {  	v4 =	vld [tilespmem:s18+$0xC9C0];
	_ =	sdelay $0x2  }
0x1e3: {  	v3 =	vadd.f32 v6, v3;
	_ =	sdelay $0x1  }
0x1e4: {  	[tilespmem:s19+$0x9580] =	vst v3;
	v3 =	vld [tilespmem:s19+$0x3590];
	v4 =	vadd.f32 v4, v5  }
0x1e5: {  	v5 =	vld [tilespmem:s20+$0xC590]  }
0x1e6: {  	v6 =	vld [tilespmem:s31+$0x39D0];
	[tilespmem:s31+$0x99C0] =	vst v4  }
0x1e7: {  	v4 =	vld [tilespmem:s18+$0xC9D0];
	_ =	sdelay $0x2  }
0x1e8: {  	v3 =	vadd.f32 v5, v3;
	_ =	sdelay $0x1  }
0x1e9: {  	s2 =	sadd.s32 $0x1, s25;
	[tilespmem:s19+$0x9590] =	vst v3;
	v3 =	vadd.f32 v4, v6;
	v4 =	vld [tilespmem:s19+$0x35A0]  }
0x1ea: {  	s17 =	smulhi.u32 $0x3531DEC1, s2;
	v6 =	vld [tilespmem:s20+$0xC5A0]  }
0x1eb: {  	v5 =	vld [tilespmem:s31+$0x39E0];
	[tilespmem:s31+$0x99D0] =	vst v3  }
0x1ec: {  	s8 =	sshrl.u32 s17, $0x4;
	v3 =	vld [tilespmem:s18+$0xC9E0]  }
0x1ed: {  	s21 =	smul.u32 $0x4D, s8;
	_ =	sdelay $0x1  }
0x1ee: {  	s9 =	ssub.s32 s28, s21;
	v4 =	vadd.f32 v6, v4  }
0x1ef: {  	s24 =	simm.s32 $0x0;
	s8 =	smul.u32 $0x2680, s8;
	s9 =	sadd.s32 $0x2, s9  }
0x1f0: {  	s13 =	smul.u32 $0x1800, s24;
	s9 =	sshrl.u32 s9, $0x3;
	[tilespmem:s19+$0x95A0] =	vst v4;
	v4 =	vld [tilespmem:s19+$0x35B0];
	v3 =	vadd.f32 v3, v5  }
0x1f1: {  	s25 =	simm.s32 $0x100;
	s8 =	ssub.s32 s26, s8;
	s9 =	smul.u32 $0x6000, s9;
	v5 =	vld [tilespmem:s31+$0x39F0]  }
0x1f2: {  	s14 =	sand.u32 $0x380, s25;
	s8 =	sadd.s32 $0x100, s8;
	v6 =	vld [tilespmem:s20+$0xC5B0];
	[tilespmem:s31+$0x99E0] =	vst v3  }
0x1f3: {  	s21 =	sor.u32 s14, s13;
	s8 =	sand.u32 $0x380, s8;
	s9 =	sshra.s32 s9, $0x2;
	v3 =	vld [tilespmem:s18+$0xC9F0]  }
0x1f4: {  	v7 =	vld [tilespmem:s21+$0x3180];
	s9 =	sor.u32 s8, s9  }
0x1f5: {  	v8 =	vld [tilespmem:s9+$0xC180];
	_ =	sdelay $0x1  }
0x1f6: {  	v4 =	vadd.f32 v6, v4  }
0x1f7: {  	v6 =	vld [tilespmem:s19+$0x35C0];
	v3 =	vadd.f32 v3, v5  }
0x1f8: {  	[tilespmem:s19+$0x95B0] =	vst v4;
	v5 =	vld [tilespmem:s31+$0x3D80]  }
0x1f9: {  	v4 =	vadd.f32 v8, v7;
	[tilespmem:s31+$0x99F0] =	vst v3;
	v3 =	vld [tilespmem:s20+$0xC5C0]  }
0x1fa: {  	v7 =	vld [tilespmem:s18+$0xCD80]  }
0x1fb: {  	[tilespmem:s21+$0x9180] =	vst v4;
	v4 =	vld [tilespmem:s21+$0x3190]  }
0x1fc: {  	v8 =	vld [tilespmem:s9+$0xC190];
	_ =	sdelay $0x1  }
0x1fd: {  	v3 =	vadd.f32 v3, v6  }
0x1fe: {  	v6 =	vld [tilespmem:s19+$0x35D0];
	v5 =	vadd.f32 v7, v5  }
0x1ff: {  	v7 =	vld [tilespmem:s31+$0x3D90];
	[tilespmem:s19+$0x95C0] =	vst v3  }
0x200: {  	v3 =	vadd.f32 v8, v4;
	v4 =	vld [tilespmem:s20+$0xC5D0];
	[tilespmem:s31+$0x9D80] =	vst v5  }
0x201: {  	v5 =	vld [tilespmem:s18+$0xCD90];
	_ =	sdelay $0x2  }
0x202: {  	[tilespmem:s21+$0x9190] =	vst v3;
	v3 =	vld [tilespmem:s21+$0x31A0]  }
0x203: {  	v8 =	vld [tilespmem:s9+$0xC1A0];
	v4 =	vadd.f32 v4, v6  }
0x204: {  	v6 =	vld [tilespmem:s19+$0x35E0];
	v5 =	vadd.f32 v5, v7  }
0x205: {  	v7 =	vld [tilespmem:s31+$0x3DA0];
	[tilespmem:s19+$0x95D0] =	vst v4  }
0x206: {  	v4 =	vld [tilespmem:s20+$0xC5E0];
	[tilespmem:s31+$0x9D90] =	vst v5  }
0x207: {  	v5 =	vld [tilespmem:s18+$0xCDA0]  }
0x208: {  	v3 =	vadd.f32 v8, v3;
	_ =	sdelay $0x1  }
0x209: {  	[tilespmem:s21+$0x91A0] =	vst v3;
	v3 =	vld [tilespmem:s21+$0x31B0]  }
0x20a: {  	v8 =	vld [tilespmem:s9+$0xC1B0];
	v4 =	vadd.f32 v4, v6  }
0x20b: {  	v6 =	vld [tilespmem:s19+$0x35F0];
	v5 =	vadd.f32 v5, v7  }
0x20c: {  	v7 =	vld [tilespmem:s31+$0x3DB0];
	[tilespmem:s19+$0x95E0] =	vst v4  }
0x20d: {  	v4 =	vld [tilespmem:s20+$0xC5F0];
	[tilespmem:s31+$0x9DA0] =	vst v5  }
0x20e: {  	v5 =	vld [tilespmem:s18+$0xCDB0]  }
0x20f: {  	v3 =	vadd.f32 v8, v3;
	_ =	sdelay $0x1  }
0x210: {  	[tilespmem:s21+$0x91B0] =	vst v3;
	v3 =	vld [tilespmem:s21+$0x31C0]  }
0x211: {  	v8 =	vld [tilespmem:s9+$0xC1C0];
	v4 =	vadd.f32 v4, v6  }
0x212: {  	v6 =	vld [tilespmem:s19+$0x3980];
	v5 =	vadd.f32 v5, v7  }
0x213: {  	v7 =	vld [tilespmem:s31+$0x3DC0];
	[tilespmem:s19+$0x95F0] =	vst v4  }
0x214: {  	v4 =	vld [tilespmem:s20+$0xC980];
	[tilespmem:s31+$0x9DB0] =	vst v5  }
0x215: {  	v5 =	vld [tilespmem:s18+$0xCDC0]  }
0x216: {  	v3 =	vadd.f32 v8, v3;
	_ =	sdelay $0x1  }
0x217: {  	[tilespmem:s21+$0x91C0] =	vst v3;
	v3 =	vld [tilespmem:s21+$0x31D0]  }
0x218: {  	v8 =	vld [tilespmem:s9+$0xC1D0];
	v4 =	vadd.f32 v4, v6  }
0x219: {  	v6 =	vld [tilespmem:s19+$0x3990];
	v5 =	vadd.f32 v5, v7  }
0x21a: {  	v7 =	vld [tilespmem:s31+$0x3DD0];
	[tilespmem:s19+$0x9980] =	vst v4  }
0x21b: {  	v4 =	vld [tilespmem:s20+$0xC990];
	[tilespmem:s31+$0x9DC0] =	vst v5  }
0x21c: {  	v5 =	vld [tilespmem:s18+$0xCDD0]  }
0x21d: {  	v3 =	vadd.f32 v8, v3;
	_ =	sdelay $0x1  }
0x21e: {  	[tilespmem:s21+$0x91D0] =	vst v3;
	v3 =	vld [tilespmem:s21+$0x31E0]  }
0x21f: {  	v8 =	vld [tilespmem:s9+$0xC1E0];
	v4 =	vadd.f32 v4, v6  }
0x220: {  	v6 =	vld [tilespmem:s19+$0x39A0];
	v5 =	vadd.f32 v5, v7  }
0x221: {  	v7 =	vld [tilespmem:s31+$0x3DE0];
	[tilespmem:s19+$0x9990] =	vst v4  }
0x222: {  	v4 =	vld [tilespmem:s20+$0xC9A0];
	[tilespmem:s31+$0x9DD0] =	vst v5  }
0x223: {  	v5 =	vld [tilespmem:s18+$0xCDE0]  }
0x224: {  	v3 =	vadd.f32 v8, v3;
	_ =	sdelay $0x1  }
0x225: {  	[tilespmem:s21+$0x91E0] =	vst v3;
	v3 =	vld [tilespmem:s21+$0x31F0]  }
0x226: {  	v8 =	vld [tilespmem:s9+$0xC1F0];
	v4 =	vadd.f32 v4, v6  }
0x227: {  	v6 =	vld [tilespmem:s19+$0x39B0];
	v5 =	vadd.f32 v5, v7  }
0x228: {  	v7 =	vld [tilespmem:s31+$0x3DF0];
	[tilespmem:s19+$0x99A0] =	vst v4  }
0x229: {  	v4 =	vld [tilespmem:s20+$0xC9B0];
	[tilespmem:s31+$0x9DE0] =	vst v5  }
0x22a: {  	v5 =	vld [tilespmem:s18+$0xCDF0]  }
0x22b: {  	v3 =	vadd.f32 v8, v3;
	_ =	sdelay $0x1  }
0x22c: {  	[tilespmem:s21+$0x91F0] =	vst v3;
	v3 =	vld [tilespmem:s21+$0x3580]  }
0x22d: {  	v8 =	vld [tilespmem:s9+$0xC580];
	v4 =	vadd.f32 v4, v6  }
0x22e: {  	v6 =	vld [tilespmem:s19+$0x39C0];
	v5 =	vadd.f32 v5, v7  }
0x22f: {  	v7 =	vld [tilespmem:s31+$0x4180];
	[tilespmem:s19+$0x99B0] =	vst v4  }
0x230: {  	v4 =	vld [tilespmem:s20+$0xC9C0];
	[tilespmem:s31+$0x9DF0] =	vst v5  }
0x231: {  	v5 =	vld [tilespmem:s18+$0xD180];
	_ =	sdelay $0x1  }
0x232: {  	v3 =	vadd.f32 v8, v3  }
0x233: {  	v8 =	vld [tilespmem:s19+$0x39D0]  }
0x234: {  	[tilespmem:s21+$0x9580] =	vst v3;
	v3 =	vld [tilespmem:s21+$0x3590];
	v4 =	vadd.f32 v4, v6  }
0x235: {  	v6 =	vld [tilespmem:s9+$0xC590];
	v5 =	vadd.f32 v5, v7  }
0x236: {  	v7 =	vld [tilespmem:s31+$0x4190];
	[tilespmem:s19+$0x99C0] =	vst v4  }
0x237: {  	v4 =	vld [tilespmem:s20+$0xC9D0];
	[tilespmem:s31+$0xA180] =	vst v5  }
0x238: {  	v5 =	vld [tilespmem:s18+$0xD190];
	_ =	sdelay $0x1  }
0x239: {  	v3 =	vadd.f32 v6, v3  }
0x23a: {  	v6 =	vld [tilespmem:s19+$0x39E0]  }
0x23b: {  	[tilespmem:s21+$0x9590] =	vst v3;
	v3 =	vadd.f32 v4, v8;
	v4 =	vld [tilespmem:s21+$0x35A0]  }
0x23c: {  	s2 =	sadd.s32 $0x1, s2;
	v8 =	vld [tilespmem:s31+$0x41A0];
	v5 =	vadd.f32 v5, v7  }
0x23d: {  	s15 =	smulhi.u32 $0x3531DEC1, s2;
	v7 =	vld [tilespmem:s9+$0xC5A0];
	[tilespmem:s19+$0x99D0] =	vst v3  }
0x23e: {  	v3 =	vld [tilespmem:s20+$0xC9E0];
	[tilespmem:s31+$0xA190] =	vst v5  }
0x23f: {  	s8 =	sshrl.u32 s15, $0x4;
	v5 =	vld [tilespmem:s18+$0xD1A0]  }
0x240: {  	s16 =	smul.u32 $0x4D, s8;
	_ =	sdelay $0x1  }
0x241: {  	s13 =	ssub.s32 s28, s16;
	v4 =	vadd.f32 v7, v4;
	v7 =	vld [tilespmem:s31+$0x41B0]  }
0x242: {  	s17 =	simm.s32 $0x0;
	s8 =	smul.u32 $0x2680, s8;
	s13 =	sadd.s32 $0x3, s13;
	v3 =	vadd.f32 v3, v6;
	v6 =	vld [tilespmem:s19+$0x39F0]  }
0x243: {  	s14 =	smul.u32 $0x1800, s17;
	s13 =	sshrl.u32 s13, $0x3;
	[tilespmem:s21+$0x95A0] =	vst v4;
	v4 =	vld [tilespmem:s21+$0x35B0];
	v5 =	vadd.f32 v5, v8  }
0x244: {  	s15 =	simm.s32 $0x180;
	s8 =	ssub.s32 s26, s8;
	s16 =	smul.u32 $0x6000, s13;
	v8 =	vld [tilespmem:s9+$0xC5B0];
	[tilespmem:s19+$0x99E0] =	vst v3  }
0x245: {  	s24 =	sand.u32 $0x380, s15;
	s8 =	sadd.s32 $0x180, s8;
	v3 =	vld [tilespmem:s20+$0xC9F0];
	[tilespmem:s31+$0xA1A0] =	vst v5  }
0x246: {  	s8 =	sand.u32 $0x380, s8;
	s13 =	sor.u32 s24, s14;
	s25 =	sshra.s32 s16, $0x2;
	v5 =	vld [tilespmem:s18+$0xD1B0]  }
0x247: {  	v9 =	vld [tilespmem:s13+$0x3180];
	s14 =	sor.u32 s8, s25  }
0x248: {  	v10 =	vld [tilespmem:s14+$0xC180]  }
0x249: {  	v11 =	vld [tilespmem:s31+$0x41C0];
	v4 =	vadd.f32 v8, v4  }
0x24a: {  	v8 =	vld [tilespmem:s21+$0x35C0];
	v3 =	vadd.f32 v3, v6  }
0x24b: {  	v6 =	vld [tilespmem:s19+$0x3D80];
	[tilespmem:s21+$0x95B0] =	vst v4;
	v4 =	vadd.f32 v5, v7  }
0x24c: {  	[tilespmem:s19+$0x99F0] =	vst v3;
	v3 =	vld [tilespmem:s9+$0xC5C0]  }
0x24d: {  	v5 =	vadd.f32 v10, v9;
	[tilespmem:s31+$0xA1B0] =	vst v4;
	v4 =	vld [tilespmem:s20+$0xCD80]  }
0x24e: {  	v7 =	vld [tilespmem:s18+$0xD1C0]  }
0x24f: {  	[tilespmem:s13+$0x9180] =	vst v5;
	v5 =	vld [tilespmem:s13+$0x3190]  }
0x250: {  	v9 =	vld [tilespmem:s14+$0xC190]  }
0x251: {  	v10 =	vld [tilespmem:s31+$0x41D0];
	v3 =	vadd.f32 v3, v8  }
0x252: {  	v8 =	vld [tilespmem:s21+$0x35D0];
	v4 =	vadd.f32 v4, v6  }
0x253: {  	v6 =	vld [tilespmem:s19+$0x3D90];
	[tilespmem:s21+$0x95C0] =	vst v3;
	v3 =	vadd.f32 v7, v11  }
0x254: {  	v7 =	vld [tilespmem:s9+$0xC5D0];
	[tilespmem:s19+$0x9D80] =	vst v4  }
0x255: {  	v4 =	vadd.f32 v9, v5;
	v5 =	vld [tilespmem:s20+$0xCD90];
	[tilespmem:s31+$0xA1C0] =	vst v3  }
0x256: {  	v3 =	vld [tilespmem:s18+$0xD1D0]  }
0x257: {  	v11 =	vld [tilespmem:s31+$0x41E0]  }
0x258: {  	[tilespmem:s13+$0x9190] =	vst v4;
	v4 =	vld [tilespmem:s13+$0x31A0]  }
0x259: {  	v9 =	vld [tilespmem:s14+$0xC1A0];
	v7 =	vadd.f32 v7, v8  }
0x25a: {  	v8 =	vld [tilespmem:s21+$0x35E0];
	v5 =	vadd.f32 v5, v6  }
0x25b: {  	v6 =	vld [tilespmem:s19+$0x3DA0];
	[tilespmem:s21+$0x95D0] =	vst v7;
	v3 =	vadd.f32 v3, v10  }
0x25c: {  	v7 =	vld [tilespmem:s9+$0xC5E0];
	[tilespmem:s19+$0x9D90] =	vst v5  }
0x25d: {  	v5 =	vld [tilespmem:s20+$0xCDA0];
	[tilespmem:s31+$0xA1D0] =	vst v3  }
0x25e: {  	v4 =	vadd.f32 v9, v4;
	v3 =	vld [tilespmem:s18+$0xD1E0]  }
0x25f: {  	v10 =	vld [tilespmem:s31+$0x41F0]  }
0x260: {  	[tilespmem:s13+$0x91A0] =	vst v4;
	v4 =	vld [tilespmem:s13+$0x31B0]  }
0x261: {  	v9 =	vld [tilespmem:s14+$0xC1B0];
	v7 =	vadd.f32 v7, v8  }
0x262: {  	v8 =	vld [tilespmem:s21+$0x35F0];
	v5 =	vadd.f32 v5, v6  }
0x263: {  	v6 =	vld [tilespmem:s19+$0x3DB0];
	[tilespmem:s21+$0x95E0] =	vst v7;
	v3 =	vadd.f32 v3, v11  }
0x264: {  	v7 =	vld [tilespmem:s9+$0xC5F0];
	[tilespmem:s19+$0x9DA0] =	vst v5  }
0x265: {  	v5 =	vld [tilespmem:s20+$0xCDB0];
	[tilespmem:s31+$0xA1E0] =	vst v3  }
0x266: {  	v4 =	vadd.f32 v9, v4;
	v3 =	vld [tilespmem:s18+$0xD1F0]  }
0x267: {  	v11 =	vld [tilespmem:s31+$0x4580]  }
0x268: {  	[tilespmem:s13+$0x91B0] =	vst v4;
	v4 =	vld [tilespmem:s13+$0x31C0]  }
0x269: {  	v9 =	vld [tilespmem:s14+$0xC1C0];
	v7 =	vadd.f32 v7, v8  }
0x26a: {  	v8 =	vld [tilespmem:s21+$0x3980];
	v5 =	vadd.f32 v5, v6  }
0x26b: {  	v6 =	vld [tilespmem:s19+$0x3DC0];
	[tilespmem:s21+$0x95F0] =	vst v7;
	v3 =	vadd.f32 v3, v10  }
0x26c: {  	v7 =	vld [tilespmem:s9+$0xC980];
	[tilespmem:s19+$0x9DB0] =	vst v5  }
0x26d: {  	v5 =	vld [tilespmem:s20+$0xCDC0];
	[tilespmem:s31+$0xA1F0] =	vst v3  }
0x26e: {  	v4 =	vadd.f32 v9, v4;
	v3 =	vld [tilespmem:s18+$0xD580]  }
0x26f: {  	v10 =	vld [tilespmem:s31+$0x4590]  }
0x270: {  	[tilespmem:s13+$0x91C0] =	vst v4;
	v4 =	vld [tilespmem:s13+$0x31D0]  }
0x271: {  	v9 =	vld [tilespmem:s14+$0xC1D0];
	v7 =	vadd.f32 v7, v8  }
0x272: {  	v8 =	vld [tilespmem:s21+$0x3990];
	v5 =	vadd.f32 v5, v6  }
0x273: {  	v6 =	vld [tilespmem:s19+$0x3DD0];
	[tilespmem:s21+$0x9980] =	vst v7;
	v3 =	vadd.f32 v3, v11  }
0x274: {  	v7 =	vld [tilespmem:s9+$0xC990];
	[tilespmem:s19+$0x9DC0] =	vst v5  }
0x275: {  	v5 =	vld [tilespmem:s20+$0xCDD0];
	[tilespmem:s31+$0xA580] =	vst v3  }
0x276: {  	v4 =	vadd.f32 v9, v4;
	v3 =	vld [tilespmem:s18+$0xD590]  }
0x277: {  	v11 =	vld [tilespmem:s31+$0x45A0]  }
0x278: {  	[tilespmem:s13+$0x91D0] =	vst v4;
	v4 =	vld [tilespmem:s13+$0x31E0]  }
0x279: {  	v9 =	vld [tilespmem:s14+$0xC1E0];
	v7 =	vadd.f32 v7, v8  }
0x27a: {  	v8 =	vld [tilespmem:s21+$0x39A0];
	v5 =	vadd.f32 v5, v6  }
0x27b: {  	v6 =	vld [tilespmem:s19+$0x3DE0];
	[tilespmem:s21+$0x9990] =	vst v7;
	v3 =	vadd.f32 v3, v10  }
0x27c: {  	v7 =	vld [tilespmem:s9+$0xC9A0];
	[tilespmem:s19+$0x9DD0] =	vst v5  }
0x27d: {  	v5 =	vld [tilespmem:s20+$0xCDE0];
	[tilespmem:s31+$0xA590] =	vst v3  }
0x27e: {  	v4 =	vadd.f32 v9, v4;
	v3 =	vld [tilespmem:s18+$0xD5A0]  }
0x27f: {  	v10 =	vld [tilespmem:s31+$0x45B0]  }
0x280: {  	[tilespmem:s13+$0x91E0] =	vst v4;
	v4 =	vld [tilespmem:s13+$0x31F0]  }
0x281: {  	v9 =	vld [tilespmem:s14+$0xC1F0];
	v7 =	vadd.f32 v7, v8  }
0x282: {  	v8 =	vld [tilespmem:s21+$0x39B0];
	v5 =	vadd.f32 v5, v6  }
0x283: {  	v6 =	vld [tilespmem:s19+$0x3DF0];
	[tilespmem:s21+$0x99A0] =	vst v7;
	v3 =	vadd.f32 v3, v11  }
0x284: {  	v7 =	vld [tilespmem:s9+$0xC9B0];
	[tilespmem:s19+$0x9DE0] =	vst v5  }
0x285: {  	v5 =	vld [tilespmem:s20+$0xCDF0];
	[tilespmem:s31+$0xA5A0] =	vst v3  }
0x286: {  	v4 =	vadd.f32 v9, v4;
	v3 =	vld [tilespmem:s18+$0xD5B0]  }
0x287: {  	v11 =	vld [tilespmem:s31+$0x45C0]  }
0x288: {  	[tilespmem:s13+$0x91F0] =	vst v4;
	v4 =	vld [tilespmem:s13+$0x3580]  }
0x289: {  	v9 =	vld [tilespmem:s14+$0xC580];
	v7 =	vadd.f32 v7, v8  }
0x28a: {  	v8 =	vld [tilespmem:s21+$0x39C0];
	v5 =	vadd.f32 v5, v6  }
0x28b: {  	v6 =	vld [tilespmem:s19+$0x4180];
	[tilespmem:s21+$0x99B0] =	vst v7;
	v3 =	vadd.f32 v3, v10  }
0x28c: {  	v7 =	vld [tilespmem:s9+$0xC9C0];
	[tilespmem:s19+$0x9DF0] =	vst v5  }
0x28d: {  	v5 =	vld [tilespmem:s20+$0xD180];
	[tilespmem:s31+$0xA5B0] =	vst v3  }
0x28e: {  	v3 =	vadd.f32 v9, v4;
	v4 =	vld [tilespmem:s18+$0xD5C0]  }
0x28f: {  	v10 =	vld [tilespmem:s21+$0x39D0]  }
0x290: {  	v9 =	vld [tilespmem:s31+$0x45D0]  }
0x291: {  	[tilespmem:s13+$0x9580] =	vst v3;
	v3 =	vld [tilespmem:s13+$0x3590];
	v7 =	vadd.f32 v7, v8  }
0x292: {  	v8 =	vld [tilespmem:s14+$0xC590];
	v5 =	vadd.f32 v5, v6  }
0x293: {  	v6 =	vld [tilespmem:s19+$0x4190];
	[tilespmem:s21+$0x99C0] =	vst v7;
	v4 =	vadd.f32 v4, v11  }
0x294: {  	v7 =	vld [tilespmem:s9+$0xC9D0];
	[tilespmem:s19+$0xA180] =	vst v5  }
0x295: {  	v5 =	vld [tilespmem:s20+$0xD190];
	[tilespmem:s31+$0xA5C0] =	vst v4  }
0x296: {  	v11 =	vld [tilespmem:s18+$0xD5D0]  }
0x297: {  	v12 =	vld [tilespmem:s21+$0x39E0];
	v3 =	vadd.f32 v8, v3  }
0x298: {  	v13 =	vld [tilespmem:s19+$0x41A0]  }
0x299: {  	v4 =	vld [tilespmem:s31+$0x45E0];
	[tilespmem:s13+$0x9590] =	vst v3;
	v3 =	vadd.f32 v7, v10  }
0x29a: {  	v7 =	vld [tilespmem:s13+$0x35A0];
	v5 =	vadd.f32 v5, v6  }
0x29b: {  	v6 =	vld [tilespmem:s14+$0xC5A0];
	[tilespmem:s21+$0x99D0] =	vst v3;
	v3 =	vadd.f32 v11, v9  }
0x29c: {  	v9 =	vld [tilespmem:s9+$0xC9E0];
	[tilespmem:s19+$0xA190] =	vst v5  }
0x29d: {  	v11 =	vld [tilespmem:s20+$0xD1A0];
	[tilespmem:s31+$0xA5D0] =	vst v3  }
0x29e: {  	s8 =	sadd.s32 $0x1, s2;
	v5 =	vld [tilespmem:s18+$0xD5E0]  }
0x29f: {  	s2 =	smulhi.u32 $0x3531DEC1, s8;
	v8 =	vld [tilespmem:s21+$0x39F0]  }
0x2a0: {  	v10 =	vld [tilespmem:s13+$0x35B0];
	v7 =	vadd.f32 v6, v7  }
0x2a1: {  	s25 =	sshrl.u32 s2, $0x4;
	v3 =	vld [tilespmem:s31+$0x45F0];
	v9 =	vadd.f32 v9, v12  }
0x2a2: {  	s17 =	simm.s32 $0x4;
	s2 =	simm.s32 $0x5;
	s16 =	smul.u32 $0x4D, s25;
	v6 =	vld [tilespmem:s19+$0x41B0];
	[tilespmem:s13+$0x95A0] =	vst v7;
	v7 =	vadd.f32 v11, v13  }
.LBB2_7:
0x2a3: {  	p1 =	sne.s32 s2, $0xF;
	v11 =	vld [tilespmem:s14+$0xC5B0];
	[tilespmem:s21+$0x99E0] =	vst v9;
	v4 =	vadd.f32 v5, v4  }
0x2a4: {  	s16 =	ssub.s32 s28, s16;
	v5 =	vld [tilespmem:s9+$0xC9F0];
	[tilespmem:s19+$0xA1A0] =	vst v7  }
0x2a5: {  	s24 =	smul.u32 $0x2680, s25;
	s16 =	sadd.s32 s16, s17;
	s17 =	sshrl.u32 s17, $0x3;
	v7 =	vld [tilespmem:s20+$0xD1B0];
	[tilespmem:s31+$0xA5E0] =	vst v4  }
0x2a6: {  	s17 =	smul.u32 $0x1800, s17;
	s16 =	sshrl.u32 s16, $0x3;
	v4 =	vld [tilespmem:s18+$0xD5F0];
	s18 =	smov.u32 s20  }
0x2a7: {  	s15 =	sadd.s32 $0x80, s15;
	s20 =	ssub.s32 s26, s24;
	s16 =	smul.u32 $0x6000, s16;
	v9 =	vld [tilespmem:s19+$0x41C0]  }
0x2a8: {  	s24 =	sand.u32 $0x380, s15;
	s25 =	sadd.s32 s20, s15;
	s20 =	smov.u32 s9;
	v10 =	vadd.f32 v11, v10;
	v11 =	vld [tilespmem:s21+$0x3D80]  }
0x2a9: {  	s24 =	sor.u32 s24, s17;
	s17 =	sand.u32 $0x380, s25;
	s16 =	sshra.s32 s16, $0x2;
	v12 =	vld [tilespmem:s13+$0x35C0];
	v5 =	vadd.f32 v5, v8  }
0x2aa: {  	s9 =	smov.u32 s14;
	v8 =	vld [tilespmem:s24+$0x3180];
	[tilespmem:s13+$0x95B0] =	vst v10;
	v6 =	vadd.f32 v7, v6;
	s14 =	sor.u32 s17, s16;
	s17 =	smov.u32 s2  }
0x2ab: {  	v7 =	vld [tilespmem:s14+$0xC180];
	[tilespmem:s21+$0x99F0] =	vst v5;
	v3 =	vadd.f32 v4, v3  }
0x2ac: {  	v4 =	vld [tilespmem:s9+$0xC5C0];
	[tilespmem:s19+$0xA1B0] =	vst v6  }
0x2ad: {  	v5 =	vld [tilespmem:s20+$0xCD80];
	[tilespmem:s31+$0xA5F0] =	vst v3;
	s31 =	smov.u32 s19;
	s19 =	smov.u32 s21;
	s21 =	smov.u32 s13  }
0x2ae: {  	s13 =	smov.u32 s24;
	v3 =	vld [tilespmem:s18+$0xD1C0]  }
0x2af: {  	v6 =	vld [tilespmem:s31+$0x41D0]  }
0x2b0: {  	v7 =	vadd.f32 v7, v8;
	v8 =	vld [tilespmem:s19+$0x3D90]  }
0x2b1: {  	v4 =	vadd.f32 v4, v12;
	v10 =	vld [tilespmem:s21+$0x35D0]  }
0x2b2: {  	[tilespmem:s13+$0x9180] =	vst v7;
	v7 =	vld [tilespmem:s13+$0x3190];
	v5 =	vadd.f32 v5, v11  }
0x2b3: {  	v11 =	vld [tilespmem:s14+$0xC190];
	[tilespmem:s21+$0x95C0] =	vst v4;
	v3 =	vadd.f32 v3, v9  }
0x2b4: {  	v4 =	vld [tilespmem:s9+$0xC5D0];
	[tilespmem:s19+$0x9D80] =	vst v5  }
0x2b5: {  	v5 =	vld [tilespmem:s20+$0xCD90];
	[tilespmem:s31+$0xA1C0] =	vst v3  }
0x2b6: {  	v3 =	vld [tilespmem:s18+$0xD1D0]  }
0x2b7: {  	v9 =	vld [tilespmem:s31+$0x41E0]  }
0x2b8: {  	v7 =	vadd.f32 v11, v7;
	v11 =	vld [tilespmem:s19+$0x3DA0]  }
0x2b9: {  	v4 =	vadd.f32 v4, v10;
	v10 =	vld [tilespmem:s21+$0x35E0]  }
0x2ba: {  	[tilespmem:s13+$0x9190] =	vst v7;
	v7 =	vld [tilespmem:s13+$0x31A0];
	v5 =	vadd.f32 v5, v8  }
0x2bb: {  	v8 =	vld [tilespmem:s14+$0xC1A0];
	[tilespmem:s21+$0x95D0] =	vst v4;
	v3 =	vadd.f32 v3, v6  }
0x2bc: {  	v4 =	vld [tilespmem:s9+$0xC5E0];
	[tilespmem:s19+$0x9D90] =	vst v5  }
0x2bd: {  	v5 =	vld [tilespmem:s20+$0xCDA0];
	[tilespmem:s31+$0xA1D0] =	vst v3  }
0x2be: {  	v3 =	vld [tilespmem:s18+$0xD1E0]  }
0x2bf: {  	v6 =	vld [tilespmem:s31+$0x41F0]  }
0x2c0: {  	v7 =	vadd.f32 v8, v7;
	v8 =	vld [tilespmem:s19+$0x3DB0]  }
0x2c1: {  	v4 =	vadd.f32 v4, v10;
	v10 =	vld [tilespmem:s21+$0x35F0]  }
0x2c2: {  	[tilespmem:s13+$0x91A0] =	vst v7;
	v7 =	vld [tilespmem:s13+$0x31B0];
	v5 =	vadd.f32 v5, v11  }
0x2c3: {  	v11 =	vld [tilespmem:s14+$0xC1B0];
	[tilespmem:s21+$0x95E0] =	vst v4;
	v3 =	vadd.f32 v3, v9  }
0x2c4: {  	v4 =	vld [tilespmem:s9+$0xC5F0];
	[tilespmem:s19+$0x9DA0] =	vst v5  }
0x2c5: {  	v5 =	vld [tilespmem:s20+$0xCDB0];
	[tilespmem:s31+$0xA1E0] =	vst v3  }
0x2c6: {  	v3 =	vld [tilespmem:s18+$0xD1F0]  }
0x2c7: {  	v9 =	vld [tilespmem:s31+$0x4580]  }
0x2c8: {  	v7 =	vadd.f32 v11, v7;
	v11 =	vld [tilespmem:s19+$0x3DC0]  }
0x2c9: {  	v4 =	vadd.f32 v4, v10;
	v10 =	vld [tilespmem:s21+$0x3980]  }
0x2ca: {  	[tilespmem:s13+$0x91B0] =	vst v7;
	v7 =	vld [tilespmem:s13+$0x31C0];
	v5 =	vadd.f32 v5, v8  }
0x2cb: {  	v8 =	vld [tilespmem:s14+$0xC1C0];
	[tilespmem:s21+$0x95F0] =	vst v4;
	v3 =	vadd.f32 v3, v6  }
0x2cc: {  	v4 =	vld [tilespmem:s9+$0xC980];
	[tilespmem:s19+$0x9DB0] =	vst v5  }
0x2cd: {  	v5 =	vld [tilespmem:s20+$0xCDC0];
	[tilespmem:s31+$0xA1F0] =	vst v3  }
0x2ce: {  	v3 =	vld [tilespmem:s18+$0xD580]  }
0x2cf: {  	v6 =	vld [tilespmem:s31+$0x4590]  }
0x2d0: {  	v7 =	vadd.f32 v8, v7;
	v8 =	vld [tilespmem:s19+$0x3DD0]  }
0x2d1: {  	v4 =	vadd.f32 v4, v10;
	v10 =	vld [tilespmem:s21+$0x3990]  }
0x2d2: {  	[tilespmem:s13+$0x91C0] =	vst v7;
	v7 =	vld [tilespmem:s13+$0x31D0];
	v5 =	vadd.f32 v5, v11  }
0x2d3: {  	v11 =	vld [tilespmem:s14+$0xC1D0];
	[tilespmem:s21+$0x9980] =	vst v4;
	v3 =	vadd.f32 v3, v9  }
0x2d4: {  	v4 =	vld [tilespmem:s9+$0xC990];
	[tilespmem:s19+$0x9DC0] =	vst v5  }
0x2d5: {  	v5 =	vld [tilespmem:s20+$0xCDD0];
	[tilespmem:s31+$0xA580] =	vst v3  }
0x2d6: {  	v3 =	vld [tilespmem:s18+$0xD590]  }
0x2d7: {  	v9 =	vld [tilespmem:s31+$0x45A0]  }
0x2d8: {  	v7 =	vadd.f32 v11, v7;
	v11 =	vld [tilespmem:s19+$0x3DE0]  }
0x2d9: {  	v4 =	vadd.f32 v4, v10;
	v10 =	vld [tilespmem:s21+$0x39A0]  }
0x2da: {  	[tilespmem:s13+$0x91D0] =	vst v7;
	v7 =	vld [tilespmem:s13+$0x31E0];
	v5 =	vadd.f32 v5, v8  }
0x2db: {  	v8 =	vld [tilespmem:s14+$0xC1E0];
	[tilespmem:s21+$0x9990] =	vst v4;
	v3 =	vadd.f32 v3, v6  }
0x2dc: {  	v4 =	vld [tilespmem:s9+$0xC9A0];
	[tilespmem:s19+$0x9DD0] =	vst v5  }
0x2dd: {  	v5 =	vld [tilespmem:s20+$0xCDE0];
	[tilespmem:s31+$0xA590] =	vst v3  }
0x2de: {  	v3 =	vld [tilespmem:s18+$0xD5A0]  }
0x2df: {  	v6 =	vld [tilespmem:s31+$0x45B0]  }
0x2e0: {  	v7 =	vadd.f32 v8, v7;
	v8 =	vld [tilespmem:s19+$0x3DF0]  }
0x2e1: {  	v4 =	vadd.f32 v4, v10;
	v10 =	vld [tilespmem:s21+$0x39B0]  }
0x2e2: {  	[tilespmem:s13+$0x91E0] =	vst v7;
	v7 =	vld [tilespmem:s13+$0x31F0];
	v5 =	vadd.f32 v5, v11  }
0x2e3: {  	v11 =	vld [tilespmem:s14+$0xC1F0];
	[tilespmem:s21+$0x99A0] =	vst v4;
	v3 =	vadd.f32 v3, v9  }
0x2e4: {  	v4 =	vld [tilespmem:s9+$0xC9B0];
	[tilespmem:s19+$0x9DE0] =	vst v5  }
0x2e5: {  	v5 =	vld [tilespmem:s20+$0xCDF0];
	[tilespmem:s31+$0xA5A0] =	vst v3  }
0x2e6: {  	v3 =	vld [tilespmem:s18+$0xD5B0]  }
0x2e7: {  	v9 =	vld [tilespmem:s31+$0x45C0]  }
0x2e8: {  	v7 =	vadd.f32 v11, v7;
	v11 =	vld [tilespmem:s19+$0x4180]  }
0x2e9: {  	v4 =	vadd.f32 v4, v10;
	v10 =	vld [tilespmem:s21+$0x39C0]  }
0x2ea: {  	[tilespmem:s13+$0x91F0] =	vst v7;
	v7 =	vld [tilespmem:s13+$0x3580];
	v5 =	vadd.f32 v5, v8  }
0x2eb: {  	v8 =	vld [tilespmem:s14+$0xC580];
	[tilespmem:s21+$0x99B0] =	vst v4;
	v3 =	vadd.f32 v3, v6  }
0x2ec: {  	v4 =	vld [tilespmem:s9+$0xC9C0];
	[tilespmem:s19+$0x9DF0] =	vst v5  }
0x2ed: {  	v5 =	vld [tilespmem:s20+$0xD180];
	[tilespmem:s31+$0xA5B0] =	vst v3  }
0x2ee: {  	v3 =	vld [tilespmem:s18+$0xD5C0]  }
0x2ef: {  	v6 =	vld [tilespmem:s31+$0x45D0]  }
0x2f0: {  	v7 =	vadd.f32 v8, v7;
	v8 =	vld [tilespmem:s19+$0x4190]  }
0x2f1: {  	v4 =	vadd.f32 v4, v10;
	v10 =	vld [tilespmem:s21+$0x39D0]  }
0x2f2: {  	[tilespmem:s13+$0x9580] =	vst v7;
	v7 =	vld [tilespmem:s13+$0x3590];
	v5 =	vadd.f32 v5, v11  }
0x2f3: {  	v11 =	vld [tilespmem:s14+$0xC590];
	[tilespmem:s21+$0x99C0] =	vst v4;
	v3 =	vadd.f32 v3, v9  }
0x2f4: {  	v9 =	vld [tilespmem:s9+$0xC9D0];
	[tilespmem:s19+$0xA180] =	vst v5  }
0x2f5: {  	v5 =	vld [tilespmem:s20+$0xD190];
	[tilespmem:s31+$0xA5C0] =	vst v3  }
0x2f6: {  	v3 =	vld [tilespmem:s18+$0xD5D0]  }
0x2f7: {  	v4 =	vld [tilespmem:s31+$0x45E0]  }
0x2f8: {  	v7 =	vadd.f32 v11, v7;
	v11 =	vld [tilespmem:s19+$0x41A0]  }
0x2f9: {  	v9 =	vadd.f32 v9, v10;
	v10 =	vld [tilespmem:s21+$0x39E0]  }
0x2fa: {  	[tilespmem:s13+$0x9590] =	vst v7;
	v7 =	vld [tilespmem:s13+$0x35A0];
	v5 =	vadd.f32 v5, v8  }
0x2fb: {  	v8 =	vld [tilespmem:s14+$0xC5A0];
	[tilespmem:s21+$0x99D0] =	vst v9;
	v3 =	vadd.f32 v3, v6  }
0x2fc: {  	v9 =	vld [tilespmem:s9+$0xC9E0];
	[tilespmem:s19+$0xA190] =	vst v5  }
0x2fd: {  	v12 =	vld [tilespmem:s20+$0xD1A0];
	[tilespmem:s31+$0xA5D0] =	vst v3  }
.Ltmp3:
0x2fe: {  	s8 =	sadd.s32 $0x1, s8;
	v5 =	vld [tilespmem:s18+$0xD5E0];
	(pc) =	sbr.rel @p1 .LBB2_7-.Ltmp3, $4  }
0x2ff: {  	s16 =	smulhi.u32 $0x3531DEC1, s8;
	v3 =	vld [tilespmem:s31+$0x45F0]  }
0x300: {  	v7 =	vadd.f32 v8, v7;
	v6 =	vld [tilespmem:s19+$0x41B0]  }
0x301: {  	s25 =	sshrl.u32 s16, $0x4;
	v9 =	vadd.f32 v9, v10;
	v8 =	vld [tilespmem:s21+$0x39F0]  }
0x302: {  	s2 =	sadd.s32 $0x1, s2;
	s16 =	smul.u32 $0x4D, s25;
	[tilespmem:s13+$0x95A0] =	vst v7;
	v10 =	vld [tilespmem:s13+$0x35B0];
	v7 =	vadd.f32 v12, v11  }
0x303: {  	_ = 	snop  }
0x304: {  	s2 =	ssub.s32 s28, s16  }
0x305: {  	s8 =	smul.u32 $0x2680, s25;
	s24 =	sshrl.u32 s17, $0x3;
	s2 =	sadd.s32 s2, s17  }
0x306: {  	s16 =	smul.u32 $0x1800, s24;
	s2 =	sshrl.u32 s2, $0x3  }
0x307: {  	s15 =	sadd.s32 $0x80, s15;
	s8 =	ssub.s32 s26, s8;
	s2 =	smul.u32 $0x6000, s2  }
0x308: {  	s8 =	sadd.s32 s8, s15;
	s15 =	sand.u32 $0x380, s15  }
0x309: {  	s15 =	sor.u32 s15, s16;
	s8 =	sand.u32 $0x380, s8;
	s2 =	sshra.s32 s2, $0x2  }
0x30a: {  	v11 =	vld [tilespmem:s15+$0x3180];
	s8 =	sor.u32 s8, s2  }
0x30b: {  	v12 =	vld [tilespmem:s8+$0xC180];
	_ =	sdelay $0x4  }
0x30c: {  	v11 =	vadd.f32 v12, v11;
	_ =	sdelay $0x1  }
0x30d: {  	v38 =	vld [tilespmem:s15+$0x3190];
	[tilespmem:s15+$0x9180] =	vst v11  }
0x30e: {  	v39 =	vld [tilespmem:s8+$0xC190];
	_ =	sdelay $0x4  }
0x30f: {  	v11 =	vadd.f32 v39, v38;
	_ =	sdelay $0x1  }
0x310: {  	v40 =	vld [tilespmem:s15+$0x31A0];
	[tilespmem:s15+$0x9190] =	vst v11  }
0x311: {  	v41 =	vld [tilespmem:s8+$0xC1A0];
	_ =	sdelay $0x4  }
0x312: {  	v11 =	vadd.f32 v41, v40;
	_ =	sdelay $0x1  }
0x313: {  	v42 =	vld [tilespmem:s15+$0x31B0];
	[tilespmem:s15+$0x91A0] =	vst v11  }
0x314: {  	v43 =	vld [tilespmem:s8+$0xC1B0];
	_ =	sdelay $0x4  }
0x315: {  	v11 =	vadd.f32 v43, v42;
	_ =	sdelay $0x1  }
0x316: {  	v44 =	vld [tilespmem:s15+$0x31C0];
	[tilespmem:s15+$0x91B0] =	vst v11  }
0x317: {  	v45 =	vld [tilespmem:s8+$0xC1C0];
	_ =	sdelay $0x4  }
0x318: {  	v11 =	vadd.f32 v45, v44;
	_ =	sdelay $0x1  }
0x319: {  	v46 =	vld [tilespmem:s15+$0x31D0];
	[tilespmem:s15+$0x91C0] =	vst v11  }
0x31a: {  	v47 =	vld [tilespmem:s8+$0xC1D0];
	_ =	sdelay $0x4  }
0x31b: {  	v11 =	vadd.f32 v47, v46;
	_ =	sdelay $0x1  }
0x31c: {  	v48 =	vld [tilespmem:s15+$0x31E0];
	[tilespmem:s15+$0x91D0] =	vst v11  }
0x31d: {  	v49 =	vld [tilespmem:s8+$0xC1E0];
	_ =	sdelay $0x4  }
0x31e: {  	v11 =	vadd.f32 v49, v48;
	_ =	sdelay $0x1  }
0x31f: {  	v50 =	vld [tilespmem:s15+$0x31F0];
	[tilespmem:s15+$0x91E0] =	vst v11  }
0x320: {  	v51 =	vld [tilespmem:s8+$0xC1F0];
	_ =	sdelay $0x4  }
0x321: {  	v11 =	vadd.f32 v51, v50;
	_ =	sdelay $0x1  }
0x322: {  	v52 =	vld [tilespmem:s15+$0x3580];
	[tilespmem:s15+$0x91F0] =	vst v11  }
0x323: {  	v53 =	vld [tilespmem:s8+$0xC580];
	_ =	sdelay $0x4  }
0x324: {  	v11 =	vadd.f32 v53, v52;
	_ =	sdelay $0x1  }
0x325: {  	v54 =	vld [tilespmem:s15+$0x3590];
	[tilespmem:s15+$0x9580] =	vst v11  }
0x326: {  	v55 =	vld [tilespmem:s8+$0xC590];
	_ =	sdelay $0x4  }
0x327: {  	v11 =	vadd.f32 v55, v54;
	_ =	sdelay $0x1  }
0x328: {  	v56 =	vld [tilespmem:s15+$0x35A0];
	[tilespmem:s15+$0x9590] =	vst v11  }
0x329: {  	v57 =	vld [tilespmem:s8+$0xC5A0];
	_ =	sdelay $0x4  }
0x32a: {  	v11 =	vadd.f32 v57, v56  }
0x32b: {  	v58 =	vld [tilespmem:s14+$0xC5B0]  }
0x32c: {  	v59 =	vld [tilespmem:s15+$0x35B0];
	[tilespmem:s15+$0x95A0] =	vst v11  }
0x32d: {  	v13 =	vld [tilespmem:s8+$0xC5B0];
	_ =	sdelay $0x3  }
0x32e: {  	v10 =	vadd.f32 v58, v10  }
0x32f: {  	v60 =	vld [tilespmem:s13+$0x35C0];
	v61 =	vadd.f32 v13, v59  }
0x330: {  	v63 =	vld [tilespmem:s15+$0x35C0];
	[tilespmem:s13+$0x95B0] =	vst v10  }
0x331: {  	v62 =	vld [tilespmem:s14+$0xC5C0];
	[tilespmem:s15+$0x95B0] =	vst v61  }
0x332: {  	v10 =	vld [tilespmem:s8+$0xC5C0];
	_ =	sdelay $0x3  }
0x333: {  	v11 =	vadd.f32 v62, v60  }
0x334: {  	v16 =	vld [tilespmem:s13+$0x35D0];
	v10 =	vadd.f32 v10, v63  }
0x335: {  	v17 =	vld [tilespmem:s15+$0x35D0];
	[tilespmem:s13+$0x95C0] =	vst v11  }
0x336: {  	v11 =	vld [tilespmem:s14+$0xC5D0];
	[tilespmem:s15+$0x95C0] =	vst v10  }
0x337: {  	v10 =	vld [tilespmem:s8+$0xC5D0];
	_ =	sdelay $0x3  }
0x338: {  	v11 =	vadd.f32 v11, v16  }
0x339: {  	v18 =	vld [tilespmem:s13+$0x35E0];
	v10 =	vadd.f32 v10, v17  }
0x33a: {  	v19 =	vld [tilespmem:s15+$0x35E0];
	[tilespmem:s13+$0x95D0] =	vst v11  }
0x33b: {  	v11 =	vld [tilespmem:s14+$0xC5E0];
	[tilespmem:s15+$0x95D0] =	vst v10  }
0x33c: {  	v10 =	vld [tilespmem:s8+$0xC5E0];
	_ =	sdelay $0x3  }
0x33d: {  	v11 =	vadd.f32 v11, v18  }
0x33e: {  	v20 =	vld [tilespmem:s13+$0x35F0];
	v10 =	vadd.f32 v10, v19  }
0x33f: {  	v21 =	vld [tilespmem:s15+$0x35F0];
	[tilespmem:s13+$0x95E0] =	vst v11  }
0x340: {  	v11 =	vld [tilespmem:s14+$0xC5F0];
	[tilespmem:s15+$0x95E0] =	vst v10  }
0x341: {  	v10 =	vld [tilespmem:s8+$0xC5F0];
	_ =	sdelay $0x3  }
0x342: {  	v11 =	vadd.f32 v11, v20  }
0x343: {  	v22 =	vld [tilespmem:s13+$0x3980];
	v10 =	vadd.f32 v10, v21  }
0x344: {  	v23 =	vld [tilespmem:s15+$0x3980];
	[tilespmem:s13+$0x95F0] =	vst v11  }
0x345: {  	v11 =	vld [tilespmem:s14+$0xC980];
	[tilespmem:s15+$0x95F0] =	vst v10  }
0x346: {  	v10 =	vld [tilespmem:s8+$0xC980];
	_ =	sdelay $0x3  }
0x347: {  	v11 =	vadd.f32 v11, v22  }
0x348: {  	v24 =	vld [tilespmem:s13+$0x3990];
	v10 =	vadd.f32 v10, v23  }
0x349: {  	v25 =	vld [tilespmem:s15+$0x3990];
	[tilespmem:s13+$0x9980] =	vst v11  }
0x34a: {  	v11 =	vld [tilespmem:s14+$0xC990];
	[tilespmem:s15+$0x9980] =	vst v10  }
0x34b: {  	v10 =	vld [tilespmem:s8+$0xC990];
	_ =	sdelay $0x3  }
0x34c: {  	v11 =	vadd.f32 v11, v24  }
0x34d: {  	v26 =	vld [tilespmem:s13+$0x39A0];
	v10 =	vadd.f32 v10, v25  }
0x34e: {  	v27 =	vld [tilespmem:s15+$0x39A0];
	[tilespmem:s13+$0x9990] =	vst v11  }
0x34f: {  	v11 =	vld [tilespmem:s14+$0xC9A0];
	[tilespmem:s15+$0x9990] =	vst v10  }
0x350: {  	v10 =	vld [tilespmem:s8+$0xC9A0];
	_ =	sdelay $0x3  }
0x351: {  	v11 =	vadd.f32 v11, v26  }
0x352: {  	v28 =	vld [tilespmem:s13+$0x39B0];
	v10 =	vadd.f32 v10, v27  }
0x353: {  	v29 =	vld [tilespmem:s15+$0x39B0];
	[tilespmem:s13+$0x99A0] =	vst v11  }
0x354: {  	v11 =	vld [tilespmem:s14+$0xC9B0];
	[tilespmem:s15+$0x99A0] =	vst v10  }
0x355: {  	v10 =	vld [tilespmem:s8+$0xC9B0];
	_ =	sdelay $0x3  }
0x356: {  	v11 =	vadd.f32 v11, v28  }
0x357: {  	v30 =	vld [tilespmem:s13+$0x39C0];
	v10 =	vadd.f32 v10, v29  }
0x358: {  	v31 =	vld [tilespmem:s15+$0x39C0];
	[tilespmem:s13+$0x99B0] =	vst v11  }
0x359: {  	v11 =	vld [tilespmem:s14+$0xC9C0];
	[tilespmem:s15+$0x99B0] =	vst v10  }
0x35a: {  	v10 =	vld [tilespmem:s8+$0xC9C0];
	_ =	sdelay $0x3  }
0x35b: {  	v11 =	vadd.f32 v11, v30  }
0x35c: {  	v32 =	vld [tilespmem:s13+$0x39D0];
	v10 =	vadd.f32 v10, v31  }
0x35d: {  	v33 =	vld [tilespmem:s15+$0x39D0];
	[tilespmem:s13+$0x99C0] =	vst v11  }
0x35e: {  	v11 =	vld [tilespmem:s14+$0xC9D0];
	[tilespmem:s15+$0x99C0] =	vst v10  }
0x35f: {  	v10 =	vld [tilespmem:s8+$0xC9D0];
	_ =	sdelay $0x3  }
0x360: {  	v11 =	vadd.f32 v11, v32  }
0x361: {  	v34 =	vld [tilespmem:s13+$0x39E0];
	v10 =	vadd.f32 v10, v33  }
0x362: {  	v35 =	vld [tilespmem:s15+$0x39E0];
	[tilespmem:s13+$0x99D0] =	vst v11  }
0x363: {  	v11 =	vld [tilespmem:s14+$0xC9E0];
	[tilespmem:s15+$0x99D0] =	vst v10  }
0x364: {  	v10 =	vld [tilespmem:s8+$0xC9E0];
	_ =	sdelay $0x3  }
0x365: {  	[tilespmem:s21+$0x99E0] =	vst v9;
	v36 =	vld [tilespmem:s13+$0x39F0];
	v11 =	vadd.f32 v11, v34  }
0x366: {  	v37 =	vld [tilespmem:s9+$0xC9F0];
	v10 =	vadd.f32 v10, v35  }
0x367: {  	v38 =	vld [tilespmem:s15+$0x39F0];
	[tilespmem:s13+$0x99E0] =	vst v11  }
0x368: {  	v11 =	vld [tilespmem:s14+$0xC9F0];
	[tilespmem:s15+$0x99E0] =	vst v10  }
0x369: {  	v10 =	vld [tilespmem:s8+$0xC9F0];
	_ =	sdelay $0x1  }
0x36a: {  	v8 =	vadd.f32 v37, v8  }
0x36b: {  	v39 =	vld [tilespmem:s21+$0x3D80]  }
0x36c: {  	[tilespmem:s21+$0x99F0] =	vst v8;
	v40 =	vld [tilespmem:s13+$0x3D80];
	v9 =	vadd.f32 v11, v36  }
0x36d: {  	v41 =	vld [tilespmem:s9+$0xCD80];
	v42 =	vadd.f32 v10, v38  }
0x36e: {  	v44 =	vld [tilespmem:s15+$0x3D80];
	[tilespmem:s13+$0x99F0] =	vst v9  }
0x36f: {  	v43 =	vld [tilespmem:s14+$0xCD80];
	[tilespmem:s15+$0x99F0] =	vst v42  }
0x370: {  	v9 =	vld [tilespmem:s8+$0xCD80];
	_ =	sdelay $0x2  }
0x371: {  	v45 =	vld [tilespmem:s21+$0x3D90];
	v11 =	vadd.f32 v41, v39  }
0x372: {  	v46 =	vld [tilespmem:s13+$0x3D90];
	v8 =	vadd.f32 v43, v40  }
0x373: {  	v49 =	vld [tilespmem:s15+$0x3D90];
	[tilespmem:s21+$0x9D80] =	vst v11;
	v47 =	vadd.f32 v9, v44  }
0x374: {  	v11 =	vld [tilespmem:s9+$0xCD90];
	[tilespmem:s13+$0x9D80] =	vst v8  }
0x375: {  	v48 =	vld [tilespmem:s14+$0xCD90];
	[tilespmem:s15+$0x9D80] =	vst v47  }
0x376: {  	v8 =	vld [tilespmem:s8+$0xCD90];
	_ =	sdelay $0x2  }
0x377: {  	v50 =	vld [tilespmem:s21+$0x3DA0];
	v11 =	vadd.f32 v11, v45  }
0x378: {  	v51 =	vld [tilespmem:s13+$0x3DA0];
	v9 =	vadd.f32 v48, v46  }
0x379: {  	v52 =	vld [tilespmem:s15+$0x3DA0];
	[tilespmem:s21+$0x9D90] =	vst v11;
	v8 =	vadd.f32 v8, v49  }
0x37a: {  	v11 =	vld [tilespmem:s9+$0xCDA0];
	[tilespmem:s13+$0x9D90] =	vst v9  }
0x37b: {  	v9 =	vld [tilespmem:s14+$0xCDA0];
	[tilespmem:s15+$0x9D90] =	vst v8  }
0x37c: {  	v8 =	vld [tilespmem:s8+$0xCDA0];
	_ =	sdelay $0x2  }
0x37d: {  	v53 =	vld [tilespmem:s21+$0x3DB0];
	v11 =	vadd.f32 v11, v50  }
0x37e: {  	v54 =	vld [tilespmem:s13+$0x3DB0];
	v9 =	vadd.f32 v9, v51  }
0x37f: {  	v55 =	vld [tilespmem:s15+$0x3DB0];
	[tilespmem:s21+$0x9DA0] =	vst v11;
	v8 =	vadd.f32 v8, v52  }
0x380: {  	v11 =	vld [tilespmem:s9+$0xCDB0];
	[tilespmem:s13+$0x9DA0] =	vst v9  }
0x381: {  	v9 =	vld [tilespmem:s14+$0xCDB0];
	[tilespmem:s15+$0x9DA0] =	vst v8  }
0x382: {  	v8 =	vld [tilespmem:s8+$0xCDB0];
	_ =	sdelay $0x2  }
0x383: {  	v58 =	vld [tilespmem:s15+$0x3DC0];
	v11 =	vadd.f32 v11, v53  }
0x384: {  	v56 =	vld [tilespmem:s21+$0x3DC0];
	v9 =	vadd.f32 v9, v54  }
0x385: {  	v57 =	vld [tilespmem:s13+$0x3DC0];
	[tilespmem:s21+$0x9DB0] =	vst v11;
	v8 =	vadd.f32 v8, v55  }
0x386: {  	v11 =	vld [tilespmem:s9+$0xCDC0];
	[tilespmem:s13+$0x9DB0] =	vst v9  }
0x387: {  	v9 =	vld [tilespmem:s14+$0xCDC0];
	[tilespmem:s15+$0x9DB0] =	vst v8  }
0x388: {  	v8 =	vld [tilespmem:s8+$0xCDC0];
	_ =	sdelay $0x2  }
0x389: {  	v60 =	vld [tilespmem:s13+$0x3DD0];
	v11 =	vadd.f32 v11, v56  }
0x38a: {  	v59 =	vld [tilespmem:s21+$0x3DD0];
	v9 =	vadd.f32 v9, v57  }
0x38b: {  	v61 =	vld [tilespmem:s15+$0x3DD0];
	[tilespmem:s21+$0x9DC0] =	vst v11;
	v8 =	vadd.f32 v8, v58  }
0x38c: {  	v11 =	vld [tilespmem:s9+$0xCDD0];
	[tilespmem:s13+$0x9DC0] =	vst v9  }
0x38d: {  	v9 =	vld [tilespmem:s14+$0xCDD0];
	[tilespmem:s15+$0x9DC0] =	vst v8  }
0x38e: {  	v8 =	vld [tilespmem:s8+$0xCDD0];
	_ =	sdelay $0x2  }
0x38f: {  	v62 =	vld [tilespmem:s21+$0x3DE0];
	v11 =	vadd.f32 v11, v59  }
0x390: {  	v16 =	vld [tilespmem:s15+$0x3DE0];
	v9 =	vadd.f32 v9, v60  }
0x391: {  	v63 =	vld [tilespmem:s13+$0x3DE0];
	[tilespmem:s21+$0x9DD0] =	vst v11;
	v8 =	vadd.f32 v8, v61  }
0x392: {  	v11 =	vld [tilespmem:s9+$0xCDE0];
	[tilespmem:s13+$0x9DD0] =	vst v9  }
0x393: {  	v9 =	vld [tilespmem:s14+$0xCDE0];
	[tilespmem:s15+$0x9DD0] =	vst v8  }
0x394: {  	v8 =	vld [tilespmem:s8+$0xCDE0];
	_ =	sdelay $0x2  }
0x395: {  	v18 =	vld [tilespmem:s13+$0x3DF0];
	v11 =	vadd.f32 v11, v62  }
0x396: {  	v17 =	vld [tilespmem:s21+$0x3DF0];
	v9 =	vadd.f32 v9, v63  }
0x397: {  	v19 =	vld [tilespmem:s15+$0x3DF0];
	[tilespmem:s21+$0x9DE0] =	vst v11;
	v8 =	vadd.f32 v8, v16  }
0x398: {  	v11 =	vld [tilespmem:s9+$0xCDF0];
	[tilespmem:s13+$0x9DE0] =	vst v9  }
0x399: {  	v9 =	vld [tilespmem:s14+$0xCDF0];
	[tilespmem:s15+$0x9DE0] =	vst v8  }
0x39a: {  	v8 =	vld [tilespmem:s8+$0xCDF0];
	_ =	sdelay $0x2  }
0x39b: {  	v20 =	vld [tilespmem:s21+$0x4180];
	v11 =	vadd.f32 v11, v17  }
0x39c: {  	v22 =	vld [tilespmem:s15+$0x4180];
	v9 =	vadd.f32 v9, v18  }
0x39d: {  	v21 =	vld [tilespmem:s13+$0x4180];
	[tilespmem:s21+$0x9DF0] =	vst v11;
	v8 =	vadd.f32 v8, v19  }
0x39e: {  	v11 =	vld [tilespmem:s9+$0xD180];
	[tilespmem:s13+$0x9DF0] =	vst v9  }
0x39f: {  	v9 =	vld [tilespmem:s14+$0xD180];
	[tilespmem:s15+$0x9DF0] =	vst v8  }
0x3a0: {  	v8 =	vld [tilespmem:s8+$0xD180];
	_ =	sdelay $0x2  }
0x3a1: {  	v24 =	vld [tilespmem:s13+$0x4190];
	v11 =	vadd.f32 v11, v20  }
0x3a2: {  	v23 =	vld [tilespmem:s21+$0x4190];
	v9 =	vadd.f32 v9, v21  }
0x3a3: {  	v25 =	vld [tilespmem:s15+$0x4190];
	[tilespmem:s21+$0xA180] =	vst v11;
	v8 =	vadd.f32 v8, v22  }
0x3a4: {  	v11 =	vld [tilespmem:s9+$0xD190];
	[tilespmem:s13+$0xA180] =	vst v9  }
0x3a5: {  	v9 =	vld [tilespmem:s14+$0xD190];
	[tilespmem:s15+$0xA180] =	vst v8  }
0x3a6: {  	v8 =	vld [tilespmem:s8+$0xD190];
	_ =	sdelay $0x2  }
0x3a7: {  	v26 =	vld [tilespmem:s21+$0x41A0];
	v11 =	vadd.f32 v11, v23  }
0x3a8: {  	v28 =	vld [tilespmem:s15+$0x41A0];
	v9 =	vadd.f32 v9, v24  }
0x3a9: {  	v27 =	vld [tilespmem:s13+$0x41A0];
	[tilespmem:s21+$0xA190] =	vst v11;
	v8 =	vadd.f32 v8, v25  }
0x3aa: {  	v11 =	vld [tilespmem:s9+$0xD1A0];
	[tilespmem:s13+$0xA190] =	vst v9  }
0x3ab: {  	v9 =	vld [tilespmem:s14+$0xD1A0];
	[tilespmem:s15+$0xA190] =	vst v8  }
0x3ac: {  	[tilespmem:s19+$0xA1A0] =	vst v7;
	v29 =	vld [tilespmem:s8+$0xD1A0]  }
0x3ad: {  	v30 =	vld [tilespmem:s20+$0xD1B0]  }
0x3ae: {  	v32 =	vld [tilespmem:s21+$0x41B0]  }
0x3af: {  	v31 =	vld [tilespmem:s19+$0x41C0];
	v11 =	vadd.f32 v11, v26  }
0x3b0: {  	v33 =	vld [tilespmem:s13+$0x41B0];
	v9 =	vadd.f32 v9, v27  }
0x3b1: {  	v36 =	vld [tilespmem:s15+$0x41B0];
	[tilespmem:s21+$0xA1A0] =	vst v11;
	v7 =	vadd.f32 v29, v28  }
0x3b2: {  	v34 =	vld [tilespmem:s9+$0xD1B0];
	[tilespmem:s13+$0xA1A0] =	vst v9  }
0x3b3: {  	v35 =	vld [tilespmem:s14+$0xD1B0];
	[tilespmem:s15+$0xA1A0] =	vst v7  }
0x3b4: {  	v37 =	vld [tilespmem:s8+$0xD1B0]  }
0x3b5: {  	v6 =	vadd.f32 v30, v6;
	v39 =	vld [tilespmem:s19+$0x41D0]  }
0x3b6: {  	v41 =	vld [tilespmem:s13+$0x41C0]  }
0x3b7: {  	[tilespmem:s19+$0xA1B0] =	vst v6;
	v40 =	vld [tilespmem:s21+$0x41C0];
	v9 =	vadd.f32 v34, v32  }
0x3b8: {  	v38 =	vld [tilespmem:s20+$0xD1C0];
	v8 =	vadd.f32 v35, v33  }
0x3b9: {  	v44 =	vld [tilespmem:s15+$0x41C0];
	[tilespmem:s21+$0xA1B0] =	vst v9;
	v6 =	vadd.f32 v37, v36  }
0x3ba: {  	v42 =	vld [tilespmem:s9+$0xD1C0];
	[tilespmem:s13+$0xA1B0] =	vst v8  }
0x3bb: {  	v43 =	vld [tilespmem:s14+$0xD1C0];
	[tilespmem:s15+$0xA1B0] =	vst v6  }
0x3bc: {  	v6 =	vld [tilespmem:s8+$0xD1C0]  }
0x3bd: {  	v45 =	vld [tilespmem:s19+$0x41E0]  }
0x3be: {  	v50 =	vld [tilespmem:s15+$0x41D0];
	v7 =	vadd.f32 v38, v31  }
0x3bf: {  	v46 =	vld [tilespmem:s21+$0x41D0];
	v8 =	vadd.f32 v42, v40  }
0x3c0: {  	v47 =	vld [tilespmem:s13+$0x41D0];
	[tilespmem:s19+$0xA1C0] =	vst v7;
	v9 =	vadd.f32 v43, v41  }
0x3c1: {  	[tilespmem:s21+$0xA1C0] =	vst v8;
	v7 =	vld [tilespmem:s20+$0xD1D0];
	v6 =	vadd.f32 v6, v44  }
0x3c2: {  	v48 =	vld [tilespmem:s9+$0xD1D0];
	[tilespmem:s13+$0xA1C0] =	vst v9  }
0x3c3: {  	v49 =	vld [tilespmem:s14+$0xD1D0];
	[tilespmem:s15+$0xA1C0] =	vst v6  }
0x3c4: {  	v6 =	vld [tilespmem:s8+$0xD1D0]  }
0x3c5: {  	v53 =	vld [tilespmem:s13+$0x41E0]  }
0x3c6: {  	v51 =	vld [tilespmem:s19+$0x41F0];
	v7 =	vadd.f32 v7, v39  }
0x3c7: {  	v56 =	vld [tilespmem:s15+$0x41E0];
	v9 =	vadd.f32 v48, v46  }
0x3c8: {  	v52 =	vld [tilespmem:s21+$0x41E0];
	[tilespmem:s19+$0xA1D0] =	vst v7;
	v8 =	vadd.f32 v49, v47  }
0x3c9: {  	[tilespmem:s21+$0xA1D0] =	vst v9;
	v7 =	vld [tilespmem:s20+$0xD1E0];
	v6 =	vadd.f32 v6, v50  }
0x3ca: {  	v54 =	vld [tilespmem:s9+$0xD1E0];
	[tilespmem:s13+$0xA1D0] =	vst v8  }
0x3cb: {  	v55 =	vld [tilespmem:s14+$0xD1E0];
	[tilespmem:s15+$0xA1D0] =	vst v6  }
0x3cc: {  	v6 =	vld [tilespmem:s8+$0xD1E0]  }
0x3cd: {  	v59 =	vld [tilespmem:s13+$0x41F0]  }
0x3ce: {  	v57 =	vld [tilespmem:s19+$0x4580];
	v7 =	vadd.f32 v7, v45  }
0x3cf: {  	v62 =	vld [tilespmem:s15+$0x41F0];
	v8 =	vadd.f32 v54, v52  }
0x3d0: {  	v58 =	vld [tilespmem:s21+$0x41F0];
	[tilespmem:s19+$0xA1E0] =	vst v7;
	v9 =	vadd.f32 v55, v53  }
0x3d1: {  	[tilespmem:s21+$0xA1E0] =	vst v8;
	v7 =	vld [tilespmem:s20+$0xD1F0];
	v6 =	vadd.f32 v6, v56  }
0x3d2: {  	v60 =	vld [tilespmem:s9+$0xD1F0];
	[tilespmem:s13+$0xA1E0] =	vst v9  }
0x3d3: {  	v61 =	vld [tilespmem:s14+$0xD1F0];
	[tilespmem:s15+$0xA1E0] =	vst v6  }
0x3d4: {  	v6 =	vld [tilespmem:s8+$0xD1F0]  }
0x3d5: {  	v17 =	vld [tilespmem:s13+$0x4580]  }
0x3d6: {  	v63 =	vld [tilespmem:s19+$0x4590];
	v7 =	vadd.f32 v7, v51  }
0x3d7: {  	v20 =	vld [tilespmem:s15+$0x4580];
	v9 =	vadd.f32 v60, v58  }
0x3d8: {  	v16 =	vld [tilespmem:s21+$0x4580];
	[tilespmem:s19+$0xA1F0] =	vst v7;
	v8 =	vadd.f32 v61, v59  }
0x3d9: {  	[tilespmem:s21+$0xA1F0] =	vst v9;
	v7 =	vld [tilespmem:s20+$0xD580];
	v6 =	vadd.f32 v6, v62  }
0x3da: {  	v18 =	vld [tilespmem:s9+$0xD580];
	[tilespmem:s13+$0xA1F0] =	vst v8  }
0x3db: {  	v19 =	vld [tilespmem:s14+$0xD580];
	[tilespmem:s15+$0xA1F0] =	vst v6  }
0x3dc: {  	v6 =	vld [tilespmem:s8+$0xD580]  }
0x3dd: {  	v23 =	vld [tilespmem:s13+$0x4590]  }
0x3de: {  	v21 =	vld [tilespmem:s19+$0x45A0];
	v7 =	vadd.f32 v7, v57  }
0x3df: {  	v26 =	vld [tilespmem:s15+$0x4590];
	v8 =	vadd.f32 v18, v16  }
0x3e0: {  	v22 =	vld [tilespmem:s21+$0x4590];
	[tilespmem:s19+$0xA580] =	vst v7;
	v9 =	vadd.f32 v19, v17  }
0x3e1: {  	[tilespmem:s21+$0xA580] =	vst v8;
	v7 =	vld [tilespmem:s20+$0xD590];
	v6 =	vadd.f32 v6, v20  }
0x3e2: {  	v24 =	vld [tilespmem:s9+$0xD590];
	[tilespmem:s13+$0xA580] =	vst v9  }
0x3e3: {  	v25 =	vld [tilespmem:s14+$0xD590];
	[tilespmem:s15+$0xA580] =	vst v6  }
0x3e4: {  	v6 =	vld [tilespmem:s8+$0xD590]  }
0x3e5: {  	v27 =	vld [tilespmem:s19+$0x45B0]  }
0x3e6: {  	v32 =	vld [tilespmem:s15+$0x45A0];
	v7 =	vadd.f32 v7, v63  }
0x3e7: {  	v28 =	vld [tilespmem:s21+$0x45A0];
	v9 =	vadd.f32 v24, v22  }
0x3e8: {  	v29 =	vld [tilespmem:s13+$0x45A0];
	[tilespmem:s19+$0xA590] =	vst v7;
	v8 =	vadd.f32 v25, v23  }
0x3e9: {  	[tilespmem:s21+$0xA590] =	vst v9;
	v7 =	vld [tilespmem:s20+$0xD5A0];
	v6 =	vadd.f32 v6, v26  }
0x3ea: {  	v30 =	vld [tilespmem:s9+$0xD5A0];
	[tilespmem:s13+$0xA590] =	vst v8  }
0x3eb: {  	v31 =	vld [tilespmem:s14+$0xD5A0];
	[tilespmem:s15+$0xA590] =	vst v6  }
0x3ec: {  	v6 =	vld [tilespmem:s8+$0xD5A0]  }
0x3ed: {  	v34 =	vld [tilespmem:s21+$0x45B0]  }
0x3ee: {  	v33 =	vld [tilespmem:s19+$0x45C0];
	v7 =	vadd.f32 v7, v21  }
0x3ef: {  	v35 =	vld [tilespmem:s13+$0x45B0];
	v8 =	vadd.f32 v30, v28  }
0x3f0: {  	v38 =	vld [tilespmem:s15+$0x45B0];
	[tilespmem:s19+$0xA5A0] =	vst v7;
	v9 =	vadd.f32 v31, v29  }
0x3f1: {  	[tilespmem:s21+$0xA5A0] =	vst v8;
	v7 =	vld [tilespmem:s20+$0xD5B0];
	v6 =	vadd.f32 v6, v32  }
0x3f2: {  	v36 =	vld [tilespmem:s9+$0xD5B0];
	[tilespmem:s13+$0xA5A0] =	vst v9  }
0x3f3: {  	v37 =	vld [tilespmem:s14+$0xD5B0];
	[tilespmem:s15+$0xA5A0] =	vst v6  }
0x3f4: {  	v6 =	vld [tilespmem:s8+$0xD5B0]  }
0x3f5: {  	v40 =	vld [tilespmem:s21+$0x45C0]  }
0x3f6: {  	v41 =	vld [tilespmem:s13+$0x45C0];
	v7 =	vadd.f32 v7, v27  }
0x3f7: {  	v39 =	vld [tilespmem:s19+$0x45D0];
	v9 =	vadd.f32 v36, v34  }
0x3f8: {  	v44 =	vld [tilespmem:s15+$0x45C0];
	[tilespmem:s19+$0xA5B0] =	vst v7;
	v8 =	vadd.f32 v37, v35  }
0x3f9: {  	[tilespmem:s21+$0xA5B0] =	vst v9;
	v7 =	vld [tilespmem:s20+$0xD5C0];
	v6 =	vadd.f32 v6, v38  }
0x3fa: {  	v42 =	vld [tilespmem:s9+$0xD5C0];
	[tilespmem:s13+$0xA5B0] =	vst v8  }
0x3fb: {  	v43 =	vld [tilespmem:s14+$0xD5C0];
	[tilespmem:s15+$0xA5B0] =	vst v6  }
0x3fc: {  	v6 =	vld [tilespmem:s8+$0xD5C0]  }
0x3fd: {  	v46 =	vld [tilespmem:s21+$0x45D0]  }
0x3fe: {  	v47 =	vld [tilespmem:s13+$0x45D0];
	v7 =	vadd.f32 v7, v33  }
0x3ff: {  	v45 =	vld [tilespmem:s19+$0x45E0];
	v8 =	vadd.f32 v42, v40  }
0x400: {  	v50 =	vld [tilespmem:s15+$0x45D0];
	[tilespmem:s19+$0xA5C0] =	vst v7;
	v9 =	vadd.f32 v43, v41  }
0x401: {  	[tilespmem:s21+$0xA5C0] =	vst v8;
	v7 =	vld [tilespmem:s20+$0xD5D0];
	v6 =	vadd.f32 v6, v44  }
0x402: {  	v48 =	vld [tilespmem:s9+$0xD5D0];
	[tilespmem:s13+$0xA5C0] =	vst v9  }
0x403: {  	v49 =	vld [tilespmem:s14+$0xD5D0];
	[tilespmem:s15+$0xA5C0] =	vst v6  }
0x404: {  	v6 =	vld [tilespmem:s8+$0xD5D0]  }
0x405: {  	v52 =	vld [tilespmem:s21+$0x45E0]  }
0x406: {  	v53 =	vld [tilespmem:s13+$0x45E0];
	v7 =	vadd.f32 v7, v39  }
0x407: {  	v51 =	vld [tilespmem:s19+$0x45F0];
	v9 =	vadd.f32 v48, v46  }
0x408: {  	v56 =	vld [tilespmem:s15+$0x45E0];
	[tilespmem:s19+$0xA5D0] =	vst v7;
	v8 =	vadd.f32 v49, v47  }
0x409: {  	[tilespmem:s21+$0xA5D0] =	vst v9;
	v7 =	vld [tilespmem:s20+$0xD5E0];
	v6 =	vadd.f32 v6, v50  }
0x40a: {  	v4 =	vadd.f32 v5, v4;
	v54 =	vld [tilespmem:s9+$0xD5E0];
	[tilespmem:s13+$0xA5D0] =	vst v8  }
0x40b: {  	v55 =	vld [tilespmem:s14+$0xD5E0];
	[tilespmem:s15+$0xA5D0] =	vst v6  }
0x40c: {  	[tilespmem:s31+$0xA5E0] =	vst v4;
	v57 =	vld [tilespmem:s8+$0xD5E0]  }
0x40d: {  	v58 =	vld [tilespmem:s18+$0xD5F0]  }
0x40e: {  	v60 =	vld [tilespmem:s13+$0x45F0];
	v7 =	vadd.f32 v7, v45  }
0x40f: {  	v59 =	vld [tilespmem:s21+$0x45F0];
	v8 =	vadd.f32 v54, v52  }
0x410: {  	v62 =	vld [tilespmem:s15+$0x45F0];
	[tilespmem:s19+$0xA5E0] =	vst v7;
	v5 =	vadd.f32 v55, v53  }
0x411: {  	[tilespmem:s21+$0xA5E0] =	vst v8;
	v7 =	vld [tilespmem:s20+$0xD5F0];
	v4 =	vadd.f32 v57, v56  }
0x412: {  	v61 =	vld [tilespmem:s9+$0xD5F0];
	[tilespmem:s13+$0xA5E0] =	vst v5  }
0x413: {  	v5 =	vld [tilespmem:s14+$0xD5F0];
	[tilespmem:s15+$0xA5E0] =	vst v4  }
0x414: {  	v4 =	vld [tilespmem:s8+$0xD5F0]  }
0x415: {  	v3 =	vadd.f32 v58, v3  }
0x416: {  	v63 =	vadd.f32 v7, v51  }
0x417: {  	[tilespmem:s31+$0xA5F0] =	vst v3;
	v3 =	vadd.f32 v61, v59  }
0x418: {  	[tilespmem:s19+$0xA5F0] =	vst v63;
	v5 =	vadd.f32 v5, v60  }
0x419: {  	[tilespmem:s21+$0xA5F0] =	vst v3;
	v3 =	vadd.f32 v4, v62  }
0x41a: {  	[tilespmem:s13+$0xA5F0] =	vst v5  }
0x41b: {  	s2 =	simm.s32 @!p0 $0x6;
	[tilespmem:s15+$0xA5F0] =	vst v3  }
0x41c: {  	_ =	swait.ge @!p0 [sflag:s2], $0x10  }
0x41d: {  	[sflag:s2] =	ssyncset.done @!p0 $0x0  }
0x41e: {  	[sflag:s2] =	ssyncadd.s32 @!p0 $0xFFFFFFF0  }
0x41f: {  	v3 =	vld @!p0 [tilespmem:$0x80];
	_ =	sdelay $0x4  }
0x420: {  	v4 =	vshrl.u32 @!p0 v3, $0x3  }
0x421: {  	v4 =	vmul.u32 @!p0 $0x30, v4  }
0x422: {  	v5 =	vlaneseq.u32 @!p0;
	v3 =	vand.u32 @!p0 $0x7, v3  }
0x423: {  	v6 =	vshrl.u32 @!p0 v5, $0x3;
	v3 =	vor.u32 @!p0 v3, v4;
	v4 =	vand.u32 @!p0 $0x7, v5  }
0x424: {  	v6 =	vmul.u32 @!p0 $0x8, v6;
	v4 =	vperm.xlane @!p0 v3, v4;
	_ =	sdelay $0x1  }
0x425: {  	v4 =	vadd.s32 @!p0 v6, v4;
	_ =	sdelay $0x2  }
0x426: {  	v5 =	vor.u32 @!p0 $0x8, v5  }
0x427: {  	vm1 =	vmmov @!p0 $0xffff;
	s8 =	simm.s32 @!p0 $0x3180;
	s2 =	simm.s32 @!p0 $0x0;
	v3 =	vperm.xlane @!p0 v3, v5  }
0x428: {  	[tilespmem:s8], [sflag:$0x2] =	stream.indirect_vreg.gather @!p0 [hbm4b:s1+s2], $0x80, v4, vm1, $0xb8;
	[tilespmem:$0x1B180] =	vst v63  }
0x429: {  	v3 =	vadd.s32 @!p0 v6, v3;
	s8 =	simm.s32 @!p0 $0x3980  }
0x42a: {  	[tilespmem:s8], [sflag:$0x2] =	stream.indirect_vreg.gather @!p0 [hbm4b:s10+s2], $0x80, v4, vm1, $0xb8;
	[tilespmem:$0x1B180] =	vst v63  }
0x42b: {  	s8 =	simm.s32 @!p0 $0x4180  }
0x42c: {  	[tilespmem:s8], [sflag:$0x2] =	stream.indirect_vreg.gather @!p0 [hbm4b:s11+s2], $0x80, v4, vm1, $0xb8;
	[tilespmem:$0x1B180] =	vst v63  }
0x42d: {  	s8 =	simm.s32 @!p0 $0x4980  }
0x42e: {  	[tilespmem:s8], [sflag:$0x2] =	stream.indirect_vreg.gather @!p0 [hbm4b:s1+s2], $0x80, v3, vm1, $0xb8;
	[tilespmem:$0x1B180] =	vst v63  }
0x42f: {  	s25 =	sadd.s32 s6, s30;
	s8 =	simm.s32 @!p0 $0x5180  }
0x430: {  	[tilespmem:s8], [sflag:$0x2] =	stream.indirect_vreg.gather @!p0 [hbm4b:s10+s2], $0x80, v3, vm1, $0xb8;
	[tilespmem:$0x1B180] =	vst v63  }
.Ltmp4:
0x431: {  	s8 =	sshrl.u32 s25, $0x3;
	(pc) =	sbr.rel .LBB2_9-.Ltmp4, $4  }
0x432: {  	s9 =	simm.s32 @!p0 $0x5980;
	s8 =	smul.u32 $0x300, s8  }
0x433: {  	[tilespmem:s9], [sflag:$0x2] =	stream.indirect_vreg.gather @!p0 [hbm4b:s11+s2], $0x80, v3, vm1, $0xb8;
	[tilespmem:$0x1B180] =	vst v63  }
0x434: {  	s31 =	simm.s32 $0x9180;
	s30 =	sadd.s32 s4, s8  }
0x435: {  	[hbm4b:s30+s5] =	stream.linear.scatter [tilespmem:s31], [sflag:$0x4], $0x3000, $0x38;
	[tilespmem:$0x1B180] =	vst v63  }
.LBB2_3:
0x436: {  	_ =	swait.ge [sflag:s22], $0x3000  }
0x437: {  	s2 =	sshrl.u32 @!p0 s2, $0x3;
	s8 =	simm.s32 @!p0 $0x0;
	[sflag:s22] =	ssyncset.done $0x0  }
0x438: {  	s21 =	smulhi.u32 $0x3531DEC1, s28;
	s2 =	sadd.s32 @!p0 s7, s2;
	[sflag:s22] =	ssyncadd.s32 $0xFFFFD000  }
0x439: {  	[tilespmem:s8], [sflag:$0x5] =	stream.linear.gather @!p0 [hbm4b:s2+s8], $0x10, $0x38;
	[tilespmem:$0x1B180] =	vst v63  }
0x43a: {  	s2 =	sshrl.u32 s21, $0x4  }
0x43b: {  	s24 =	smul.u32 $0x4D, s2;
	_ =	sdelay $0x1  }
0x43c: {  	p1 =	por p0, !p1;
	s9 =	simm.s32 $0x0;
	s8 =	ssub.s32 s28, s24  }
0x43d: {  	s13 =	simm.s32 $0x0;
	s2 =	smul.u32 $0x2680, s2;
	s8 =	sadd.s32 $0x0, s8  }
0x43e: {  	s9 =	smul.u32 $0x1800, s9;
	s13 =	sand.u32 $0x380, s13;
	s8 =	sshrl.u32 s8, $0x3  }
0x43f: {  	_ =	swait.ge @p1 [sflag:s23], $0x3000;
	s2 =	ssub.s32 s26, s2;
	s8 =	smul.u32 $0x6000, s8  }
0x440: {  	s31 =	sor.u32 s13, s9;
	[sflag:s23] =	ssyncset.done @p1 $0x0;
	s2 =	sadd.s32 $0x0, s2  }
0x441: {  	[sflag:s23] =	ssyncadd.s32 @p1 $0xFFFFD000;
	s2 =	sand.u32 $0x380, s2;
	s8 =	sshra.s32 s8, $0x2  }
0x442: {  	v3 =	vld [tilespmem:s31+$0x180];
	s18 =	sor.u32 s2, s8  }
0x443: {  	v4 =	vld [tilespmem:s18+$0xC180];
	_ =	sdelay $0x4  }
0x444: {  	v3 =	vadd.f32 v4, v3;
	_ =	sdelay $0x1  }
0x445: {  	[tilespmem:s31+$0x6180] =	vst v3;
	v3 =	vld [tilespmem:s31+$0x190]  }
0x446: {  	v4 =	vld [tilespmem:s18+$0xC190];
	_ =	sdelay $0x4  }
0x447: {  	v3 =	vadd.f32 v4, v3;
	_ =	sdelay $0x1  }
0x448: {  	[tilespmem:s31+$0x6190] =	vst v3;
	v3 =	vld [tilespmem:s31+$0x1A0]  }
0x449: {  	v4 =	vld [tilespmem:s18+$0xC1A0];
	_ =	sdelay $0x4  }
0x44a: {  	v3 =	vadd.f32 v4, v3;
	_ =	sdelay $0x1  }
0x44b: {  	[tilespmem:s31+$0x61A0] =	vst v3;
	v3 =	vld [tilespmem:s31+$0x1B0]  }
0x44c: {  	v4 =	vld [tilespmem:s18+$0xC1B0];
	_ =	sdelay $0x4  }
0x44d: {  	v3 =	vadd.f32 v4, v3;
	_ =	sdelay $0x1  }
0x44e: {  	[tilespmem:s31+$0x61B0] =	vst v3;
	v3 =	vld [tilespmem:s31+$0x1C0]  }
0x44f: {  	v4 =	vld [tilespmem:s18+$0xC1C0];
	_ =	sdelay $0x4  }
0x450: {  	v3 =	vadd.f32 v4, v3;
	_ =	sdelay $0x1  }
0x451: {  	[tilespmem:s31+$0x61C0] =	vst v3;
	v3 =	vld [tilespmem:s31+$0x1D0]  }
0x452: {  	v4 =	vld [tilespmem:s18+$0xC1D0];
	_ =	sdelay $0x4  }
0x453: {  	v3 =	vadd.f32 v4, v3;
	_ =	sdelay $0x1  }
0x454: {  	[tilespmem:s31+$0x61D0] =	vst v3;
	v3 =	vld [tilespmem:s31+$0x1E0]  }
0x455: {  	v4 =	vld [tilespmem:s18+$0xC1E0];
	_ =	sdelay $0x4  }
0x456: {  	v3 =	vadd.f32 v4, v3;
	_ =	sdelay $0x1  }
0x457: {  	[tilespmem:s31+$0x61E0] =	vst v3;
	v3 =	vld [tilespmem:s31+$0x1F0]  }
0x458: {  	v4 =	vld [tilespmem:s18+$0xC1F0];
	_ =	sdelay $0x4  }
0x459: {  	v3 =	vadd.f32 v4, v3;
	_ =	sdelay $0x1  }
0x45a: {  	[tilespmem:s31+$0x61F0] =	vst v3;
	v3 =	vld [tilespmem:s31+$0x580]  }
0x45b: {  	v4 =	vld [tilespmem:s18+$0xC580];
	_ =	sdelay $0x4  }
0x45c: {  	v3 =	vadd.f32 v4, v3;
	_ =	sdelay $0x1  }
0x45d: {  	[tilespmem:s31+$0x6580] =	vst v3;
	v3 =	vld [tilespmem:s31+$0x590]  }
0x45e: {  	v4 =	vld [tilespmem:s18+$0xC590];
	_ =	sdelay $0x4  }
0x45f: {  	v3 =	vadd.f32 v4, v3  }
0x460: {  	s25 =	sadd.s32 $0x1, s28  }
0x461: {  	s14 =	smulhi.u32 $0x3531DEC1, s25;
	[tilespmem:s31+$0x6590] =	vst v3;
	v3 =	vld [tilespmem:s31+$0x5A0]  }
0x462: {  	v4 =	vld [tilespmem:s18+$0xC5A0]  }
0x463: {  	s8 =	sshrl.u32 s14, $0x4  }
0x464: {  	s15 =	smul.u32 $0x4D, s8;
	_ =	sdelay $0x1  }
0x465: {  	s9 =	ssub.s32 s28, s15  }
0x466: {  	s16 =	simm.s32 $0x0;
	s8 =	smul.u32 $0x2680, s8;
	s9 =	sadd.s32 $0x1, s9;
	v3 =	vadd.f32 v4, v3  }
0x467: {  	s13 =	smul.u32 $0x1800, s16;
	s9 =	sshrl.u32 s9, $0x3  }
0x468: {  	s14 =	simm.s32 $0x80;
	s8 =	ssub.s32 s26, s8;
	s9 =	smul.u32 $0x6000, s9;
	[tilespmem:s31+$0x65A0] =	vst v3;
	v3 =	vld [tilespmem:s31+$0x5B0]  }
0x469: {  	s14 =	sand.u32 $0x380, s14;
	s8 =	sadd.s32 $0x80, s8;
	v4 =	vld [tilespmem:s18+$0xC5B0]  }
0x46a: {  	s19 =	sor.u32 s14, s13;
	s8 =	sand.u32 $0x380, s8;
	s9 =	sshra.s32 s9, $0x2  }
0x46b: {  	v5 =	vld [tilespmem:s19+$0x180];
	s20 =	sor.u32 s8, s9  }
0x46c: {  	v6 =	vld [tilespmem:s20+$0xC180];
	_ =	sdelay $0x1  }
0x46d: {  	v3 =	vadd.f32 v4, v3;
	_ =	sdelay $0x1  }
0x46e: {  	v4 =	vld [tilespmem:s31+$0x5C0];
	[tilespmem:s31+$0x65B0] =	vst v3  }
0x46f: {  	v5 =	vadd.f32 v6, v5;
	v3 =	vld [tilespmem:s18+$0xC5C0];
	_ =	sdelay $0x1  }
0x470: {  	[tilespmem:s19+$0x6180] =	vst v5;
	v5 =	vld [tilespmem:s19+$0x190]  }
0x471: {  	v6 =	vld [tilespmem:s20+$0xC190];
	_ =	sdelay $0x1  }
0x472: {  	v3 =	vadd.f32 v3, v4;
	_ =	sdelay $0x1  }
0x473: {  	v4 =	vld [tilespmem:s31+$0x5D0];
	[tilespmem:s31+$0x65C0] =	vst v3  }
0x474: {  	v5 =	vadd.f32 v6, v5;
	v3 =	vld [tilespmem:s18+$0xC5D0];
	_ =	sdelay $0x1  }
0x475: {  	[tilespmem:s19+$0x6190] =	vst v5;
	v5 =	vld [tilespmem:s19+$0x1A0]  }
0x476: {  	v6 =	vld [tilespmem:s20+$0xC1A0];
	_ =	sdelay $0x1  }
0x477: {  	v3 =	vadd.f32 v3, v4;
	_ =	sdelay $0x1  }
0x478: {  	v4 =	vld [tilespmem:s31+$0x5E0];
	[tilespmem:s31+$0x65D0] =	vst v3  }
0x479: {  	v5 =	vadd.f32 v6, v5;
	v3 =	vld [tilespmem:s18+$0xC5E0];
	_ =	sdelay $0x1  }
0x47a: {  	[tilespmem:s19+$0x61A0] =	vst v5;
	v5 =	vld [tilespmem:s19+$0x1B0]  }
0x47b: {  	v6 =	vld [tilespmem:s20+$0xC1B0];
	_ =	sdelay $0x1  }
0x47c: {  	v3 =	vadd.f32 v3, v4;
	_ =	sdelay $0x1  }
0x47d: {  	v4 =	vld [tilespmem:s31+$0x5F0];
	[tilespmem:s31+$0x65E0] =	vst v3  }
0x47e: {  	v5 =	vadd.f32 v6, v5;
	v3 =	vld [tilespmem:s18+$0xC5F0];
	_ =	sdelay $0x1  }
0x47f: {  	[tilespmem:s19+$0x61B0] =	vst v5;
	v5 =	vld [tilespmem:s19+$0x1C0]  }
0x480: {  	v6 =	vld [tilespmem:s20+$0xC1C0];
	_ =	sdelay $0x1  }
0x481: {  	v3 =	vadd.f32 v3, v4;
	_ =	sdelay $0x1  }
0x482: {  	v4 =	vld [tilespmem:s31+$0x980];
	[tilespmem:s31+$0x65F0] =	vst v3  }
0x483: {  	v5 =	vadd.f32 v6, v5;
	v3 =	vld [tilespmem:s18+$0xC980];
	_ =	sdelay $0x1  }
0x484: {  	[tilespmem:s19+$0x61C0] =	vst v5;
	v5 =	vld [tilespmem:s19+$0x1D0]  }
0x485: {  	v6 =	vld [tilespmem:s20+$0xC1D0];
	_ =	sdelay $0x1  }
0x486: {  	v3 =	vadd.f32 v3, v4;
	_ =	sdelay $0x1  }
0x487: {  	v4 =	vld [tilespmem:s31+$0x990];
	[tilespmem:s31+$0x6980] =	vst v3  }
0x488: {  	v5 =	vadd.f32 v6, v5;
	v3 =	vld [tilespmem:s18+$0xC990];
	_ =	sdelay $0x1  }
0x489: {  	[tilespmem:s19+$0x61D0] =	vst v5;
	v5 =	vld [tilespmem:s19+$0x1E0]  }
0x48a: {  	v6 =	vld [tilespmem:s20+$0xC1E0];
	_ =	sdelay $0x1  }
0x48b: {  	v3 =	vadd.f32 v3, v4;
	_ =	sdelay $0x1  }
0x48c: {  	v4 =	vld [tilespmem:s31+$0x9A0];
	[tilespmem:s31+$0x6990] =	vst v3  }
0x48d: {  	v3 =	vadd.f32 v6, v5;
	v5 =	vld [tilespmem:s18+$0xC9A0];
	_ =	sdelay $0x4  }
0x48e: {  	[tilespmem:s19+$0x61E0] =	vst v3;
	v3 =	vld [tilespmem:s19+$0x1F0];
	v4 =	vadd.f32 v5, v4  }
0x48f: {  	v6 =	vld [tilespmem:s20+$0xC1F0]  }
0x490: {  	v5 =	vld [tilespmem:s31+$0x9B0];
	[tilespmem:s31+$0x69A0] =	vst v4  }
0x491: {  	v4 =	vld [tilespmem:s18+$0xC9B0];
	_ =	sdelay $0x2  }
0x492: {  	v3 =	vadd.f32 v6, v3;
	_ =	sdelay $0x1  }
0x493: {  	[tilespmem:s19+$0x61F0] =	vst v3;
	v3 =	vld [tilespmem:s19+$0x580];
	v4 =	vadd.f32 v4, v5  }
0x494: {  	v6 =	vld [tilespmem:s20+$0xC580]  }
0x495: {  	v5 =	vld [tilespmem:s31+$0x9C0];
	[tilespmem:s31+$0x69B0] =	vst v4  }
0x496: {  	v4 =	vld [tilespmem:s18+$0xC9C0];
	_ =	sdelay $0x2  }
0x497: {  	v3 =	vadd.f32 v6, v3;
	_ =	sdelay $0x1  }
0x498: {  	[tilespmem:s19+$0x6580] =	vst v3;
	v3 =	vld [tilespmem:s19+$0x590];
	v4 =	vadd.f32 v4, v5  }
0x499: {  	v5 =	vld [tilespmem:s20+$0xC590]  }
0x49a: {  	v6 =	vld [tilespmem:s31+$0x9D0];
	[tilespmem:s31+$0x69C0] =	vst v4  }
0x49b: {  	v4 =	vld [tilespmem:s18+$0xC9D0];
	_ =	sdelay $0x2  }
0x49c: {  	v3 =	vadd.f32 v5, v3;
	_ =	sdelay $0x1  }
0x49d: {  	s2 =	sadd.s32 $0x1, s25;
	[tilespmem:s19+$0x6590] =	vst v3;
	v3 =	vadd.f32 v4, v6;
	v4 =	vld [tilespmem:s19+$0x5A0]  }
0x49e: {  	s17 =	smulhi.u32 $0x3531DEC1, s2;
	v6 =	vld [tilespmem:s20+$0xC5A0]  }
0x49f: {  	v5 =	vld [tilespmem:s31+$0x9E0];
	[tilespmem:s31+$0x69D0] =	vst v3  }
0x4a0: {  	s8 =	sshrl.u32 s17, $0x4;
	v3 =	vld [tilespmem:s18+$0xC9E0]  }
0x4a1: {  	s21 =	smul.u32 $0x4D, s8;
	_ =	sdelay $0x1  }
0x4a2: {  	s9 =	ssub.s32 s28, s21;
	v4 =	vadd.f32 v6, v4  }
0x4a3: {  	s24 =	simm.s32 $0x0;
	s8 =	smul.u32 $0x2680, s8;
	s9 =	sadd.s32 $0x2, s9  }
0x4a4: {  	s13 =	smul.u32 $0x1800, s24;
	s9 =	sshrl.u32 s9, $0x3;
	[tilespmem:s19+$0x65A0] =	vst v4;
	v4 =	vld [tilespmem:s19+$0x5B0];
	v3 =	vadd.f32 v3, v5  }
0x4a5: {  	s25 =	simm.s32 $0x100;
	s8 =	ssub.s32 s26, s8;
	s9 =	smul.u32 $0x6000, s9;
	v5 =	vld [tilespmem:s31+$0x9F0]  }
0x4a6: {  	s14 =	sand.u32 $0x380, s25;
	s8 =	sadd.s32 $0x100, s8;
	v6 =	vld [tilespmem:s20+$0xC5B0];
	[tilespmem:s31+$0x69E0] =	vst v3  }
0x4a7: {  	s21 =	sor.u32 s14, s13;
	s8 =	sand.u32 $0x380, s8;
	s9 =	sshra.s32 s9, $0x2;
	v3 =	vld [tilespmem:s18+$0xC9F0]  }
0x4a8: {  	v7 =	vld [tilespmem:s21+$0x180];
	s9 =	sor.u32 s8, s9  }
0x4a9: {  	v8 =	vld [tilespmem:s9+$0xC180];
	_ =	sdelay $0x1  }
0x4aa: {  	v4 =	vadd.f32 v6, v4  }
0x4ab: {  	v6 =	vld [tilespmem:s19+$0x5C0];
	v3 =	vadd.f32 v3, v5  }
0x4ac: {  	[tilespmem:s19+$0x65B0] =	vst v4;
	v5 =	vld [tilespmem:s31+$0xD80]  }
0x4ad: {  	v4 =	vadd.f32 v8, v7;
	[tilespmem:s31+$0x69F0] =	vst v3;
	v3 =	vld [tilespmem:s20+$0xC5C0]  }
0x4ae: {  	v7 =	vld [tilespmem:s18+$0xCD80]  }
0x4af: {  	[tilespmem:s21+$0x6180] =	vst v4;
	v4 =	vld [tilespmem:s21+$0x190]  }
0x4b0: {  	v8 =	vld [tilespmem:s9+$0xC190];
	_ =	sdelay $0x1  }
0x4b1: {  	v3 =	vadd.f32 v3, v6  }
0x4b2: {  	v6 =	vld [tilespmem:s19+$0x5D0];
	v5 =	vadd.f32 v7, v5  }
0x4b3: {  	v7 =	vld [tilespmem:s31+$0xD90];
	[tilespmem:s19+$0x65C0] =	vst v3  }
0x4b4: {  	v3 =	vadd.f32 v8, v4;
	v4 =	vld [tilespmem:s20+$0xC5D0];
	[tilespmem:s31+$0x6D80] =	vst v5  }
0x4b5: {  	v5 =	vld [tilespmem:s18+$0xCD90];
	_ =	sdelay $0x2  }
0x4b6: {  	[tilespmem:s21+$0x6190] =	vst v3;
	v3 =	vld [tilespmem:s21+$0x1A0]  }
0x4b7: {  	v8 =	vld [tilespmem:s9+$0xC1A0];
	v4 =	vadd.f32 v4, v6  }
0x4b8: {  	v6 =	vld [tilespmem:s19+$0x5E0];
	v5 =	vadd.f32 v5, v7  }
0x4b9: {  	v7 =	vld [tilespmem:s31+$0xDA0];
	[tilespmem:s19+$0x65D0] =	vst v4  }
0x4ba: {  	v4 =	vld [tilespmem:s20+$0xC5E0];
	[tilespmem:s31+$0x6D90] =	vst v5  }
0x4bb: {  	v5 =	vld [tilespmem:s18+$0xCDA0]  }
0x4bc: {  	v3 =	vadd.f32 v8, v3;
	_ =	sdelay $0x1  }
0x4bd: {  	[tilespmem:s21+$0x61A0] =	vst v3;
	v3 =	vld [tilespmem:s21+$0x1B0]  }
0x4be: {  	v8 =	vld [tilespmem:s9+$0xC1B0];
	v4 =	vadd.f32 v4, v6  }
0x4bf: {  	v6 =	vld [tilespmem:s19+$0x5F0];
	v5 =	vadd.f32 v5, v7  }
0x4c0: {  	v7 =	vld [tilespmem:s31+$0xDB0];
	[tilespmem:s19+$0x65E0] =	vst v4  }
0x4c1: {  	v4 =	vld [tilespmem:s20+$0xC5F0];
	[tilespmem:s31+$0x6DA0] =	vst v5  }
0x4c2: {  	v5 =	vld [tilespmem:s18+$0xCDB0]  }
0x4c3: {  	v3 =	vadd.f32 v8, v3;
	_ =	sdelay $0x1  }
0x4c4: {  	[tilespmem:s21+$0x61B0] =	vst v3;
	v3 =	vld [tilespmem:s21+$0x1C0]  }
0x4c5: {  	v8 =	vld [tilespmem:s9+$0xC1C0];
	v4 =	vadd.f32 v4, v6  }
0x4c6: {  	v6 =	vld [tilespmem:s19+$0x980];
	v5 =	vadd.f32 v5, v7  }
0x4c7: {  	v7 =	vld [tilespmem:s31+$0xDC0];
	[tilespmem:s19+$0x65F0] =	vst v4  }
0x4c8: {  	v4 =	vld [tilespmem:s20+$0xC980];
	[tilespmem:s31+$0x6DB0] =	vst v5  }
0x4c9: {  	v5 =	vld [tilespmem:s18+$0xCDC0]  }
0x4ca: {  	v3 =	vadd.f32 v8, v3;
	_ =	sdelay $0x1  }
0x4cb: {  	[tilespmem:s21+$0x61C0] =	vst v3;
	v3 =	vld [tilespmem:s21+$0x1D0]  }
0x4cc: {  	v8 =	vld [tilespmem:s9+$0xC1D0];
	v4 =	vadd.f32 v4, v6  }
0x4cd: {  	v6 =	vld [tilespmem:s19+$0x990];
	v5 =	vadd.f32 v5, v7  }
0x4ce: {  	v7 =	vld [tilespmem:s31+$0xDD0];
	[tilespmem:s19+$0x6980] =	vst v4  }
0x4cf: {  	v4 =	vld [tilespmem:s20+$0xC990];
	[tilespmem:s31+$0x6DC0] =	vst v5  }
0x4d0: {  	v5 =	vld [tilespmem:s18+$0xCDD0]  }
0x4d1: {  	v3 =	vadd.f32 v8, v3;
	_ =	sdelay $0x1  }
0x4d2: {  	[tilespmem:s21+$0x61D0] =	vst v3;
	v3 =	vld [tilespmem:s21+$0x1E0]  }
0x4d3: {  	v8 =	vld [tilespmem:s9+$0xC1E0];
	v4 =	vadd.f32 v4, v6  }
0x4d4: {  	v6 =	vld [tilespmem:s19+$0x9A0];
	v5 =	vadd.f32 v5, v7  }
0x4d5: {  	v7 =	vld [tilespmem:s31+$0xDE0];
	[tilespmem:s19+$0x6990] =	vst v4  }
0x4d6: {  	v4 =	vld [tilespmem:s20+$0xC9A0];
	[tilespmem:s31+$0x6DD0] =	vst v5  }
0x4d7: {  	v5 =	vld [tilespmem:s18+$0xCDE0]  }
0x4d8: {  	v3 =	vadd.f32 v8, v3;
	_ =	sdelay $0x1  }
0x4d9: {  	[tilespmem:s21+$0x61E0] =	vst v3;
	v3 =	vld [tilespmem:s21+$0x1F0]  }
0x4da: {  	v8 =	vld [tilespmem:s9+$0xC1F0];
	v4 =	vadd.f32 v4, v6  }
0x4db: {  	v6 =	vld [tilespmem:s19+$0x9B0];
	v5 =	vadd.f32 v5, v7  }
0x4dc: {  	v7 =	vld [tilespmem:s31+$0xDF0];
	[tilespmem:s19+$0x69A0] =	vst v4  }
0x4dd: {  	v4 =	vld [tilespmem:s20+$0xC9B0];
	[tilespmem:s31+$0x6DE0] =	vst v5  }
0x4de: {  	v5 =	vld [tilespmem:s18+$0xCDF0]  }
0x4df: {  	v3 =	vadd.f32 v8, v3;
	_ =	sdelay $0x1  }
0x4e0: {  	[tilespmem:s21+$0x61F0] =	vst v3;
	v3 =	vld [tilespmem:s21+$0x580]  }
0x4e1: {  	v8 =	vld [tilespmem:s9+$0xC580];
	v4 =	vadd.f32 v4, v6  }
0x4e2: {  	v6 =	vld [tilespmem:s19+$0x9C0];
	v5 =	vadd.f32 v5, v7  }
0x4e3: {  	v7 =	vld [tilespmem:s31+$0x1180];
	[tilespmem:s19+$0x69B0] =	vst v4  }
0x4e4: {  	v4 =	vld [tilespmem:s20+$0xC9C0];
	[tilespmem:s31+$0x6DF0] =	vst v5  }
0x4e5: {  	v5 =	vld [tilespmem:s18+$0xD180];
	_ =	sdelay $0x1  }
0x4e6: {  	v3 =	vadd.f32 v8, v3  }
0x4e7: {  	v8 =	vld [tilespmem:s19+$0x9D0]  }
0x4e8: {  	[tilespmem:s21+$0x6580] =	vst v3;
	v3 =	vld [tilespmem:s21+$0x590];
	v4 =	vadd.f32 v4, v6  }
0x4e9: {  	v6 =	vld [tilespmem:s9+$0xC590];
	v5 =	vadd.f32 v5, v7  }
0x4ea: {  	v7 =	vld [tilespmem:s31+$0x1190];
	[tilespmem:s19+$0x69C0] =	vst v4  }
0x4eb: {  	v4 =	vld [tilespmem:s20+$0xC9D0];
	[tilespmem:s31+$0x7180] =	vst v5  }
0x4ec: {  	v5 =	vld [tilespmem:s18+$0xD190];
	_ =	sdelay $0x1  }
0x4ed: {  	v3 =	vadd.f32 v6, v3  }
0x4ee: {  	v6 =	vld [tilespmem:s19+$0x9E0]  }
0x4ef: {  	[tilespmem:s21+$0x6590] =	vst v3;
	v3 =	vadd.f32 v4, v8;
	v4 =	vld [tilespmem:s21+$0x5A0]  }
0x4f0: {  	s2 =	sadd.s32 $0x1, s2;
	v8 =	vld [tilespmem:s31+$0x11A0];
	v5 =	vadd.f32 v5, v7  }
0x4f1: {  	s15 =	smulhi.u32 $0x3531DEC1, s2;
	v7 =	vld [tilespmem:s9+$0xC5A0];
	[tilespmem:s19+$0x69D0] =	vst v3  }
0x4f2: {  	v3 =	vld [tilespmem:s20+$0xC9E0];
	[tilespmem:s31+$0x7190] =	vst v5  }
0x4f3: {  	s8 =	sshrl.u32 s15, $0x4;
	v5 =	vld [tilespmem:s18+$0xD1A0]  }
0x4f4: {  	s16 =	smul.u32 $0x4D, s8;
	_ =	sdelay $0x1  }
0x4f5: {  	s13 =	ssub.s32 s28, s16;
	v4 =	vadd.f32 v7, v4;
	v7 =	vld [tilespmem:s31+$0x11B0]  }
0x4f6: {  	s17 =	simm.s32 $0x0;
	s8 =	smul.u32 $0x2680, s8;
	s13 =	sadd.s32 $0x3, s13;
	v3 =	vadd.f32 v3, v6;
	v6 =	vld [tilespmem:s19+$0x9F0]  }
0x4f7: {  	s14 =	smul.u32 $0x1800, s17;
	s13 =	sshrl.u32 s13, $0x3;
	[tilespmem:s21+$0x65A0] =	vst v4;
	v4 =	vld [tilespmem:s21+$0x5B0];
	v5 =	vadd.f32 v5, v8  }
0x4f8: {  	s15 =	simm.s32 $0x180;
	s8 =	ssub.s32 s26, s8;
	s16 =	smul.u32 $0x6000, s13;
	v8 =	vld [tilespmem:s9+$0xC5B0];
	[tilespmem:s19+$0x69E0] =	vst v3  }
0x4f9: {  	s24 =	sand.u32 $0x380, s15;
	s8 =	sadd.s32 $0x180, s8;
	v3 =	vld [tilespmem:s20+$0xC9F0];
	[tilespmem:s31+$0x71A0] =	vst v5  }
0x4fa: {  	s8 =	sand.u32 $0x380, s8;
	s13 =	sor.u32 s24, s14;
	s25 =	sshra.s32 s16, $0x2;
	v5 =	vld [tilespmem:s18+$0xD1B0]  }
0x4fb: {  	v9 =	vld [tilespmem:s13+$0x180];
	s14 =	sor.u32 s8, s25  }
0x4fc: {  	v10 =	vld [tilespmem:s14+$0xC180]  }
0x4fd: {  	v11 =	vld [tilespmem:s31+$0x11C0];
	v4 =	vadd.f32 v8, v4  }
0x4fe: {  	v8 =	vld [tilespmem:s21+$0x5C0];
	v3 =	vadd.f32 v3, v6  }
0x4ff: {  	v6 =	vld [tilespmem:s19+$0xD80];
	[tilespmem:s21+$0x65B0] =	vst v4;
	v4 =	vadd.f32 v5, v7  }
0x500: {  	[tilespmem:s19+$0x69F0] =	vst v3;
	v3 =	vld [tilespmem:s9+$0xC5C0]  }
0x501: {  	v5 =	vadd.f32 v10, v9;
	[tilespmem:s31+$0x71B0] =	vst v4;
	v4 =	vld [tilespmem:s20+$0xCD80]  }
0x502: {  	v7 =	vld [tilespmem:s18+$0xD1C0]  }
0x503: {  	[tilespmem:s13+$0x6180] =	vst v5;
	v5 =	vld [tilespmem:s13+$0x190]  }
0x504: {  	v9 =	vld [tilespmem:s14+$0xC190]  }
0x505: {  	v10 =	vld [tilespmem:s31+$0x11D0];
	v3 =	vadd.f32 v3, v8  }
0x506: {  	v8 =	vld [tilespmem:s21+$0x5D0];
	v4 =	vadd.f32 v4, v6  }
0x507: {  	v6 =	vld [tilespmem:s19+$0xD90];
	[tilespmem:s21+$0x65C0] =	vst v3;
	v3 =	vadd.f32 v7, v11  }
0x508: {  	v7 =	vld [tilespmem:s9+$0xC5D0];
	[tilespmem:s19+$0x6D80] =	vst v4  }
0x509: {  	v4 =	vadd.f32 v9, v5;
	v5 =	vld [tilespmem:s20+$0xCD90];
	[tilespmem:s31+$0x71C0] =	vst v3  }
0x50a: {  	v3 =	vld [tilespmem:s18+$0xD1D0]  }
0x50b: {  	v11 =	vld [tilespmem:s31+$0x11E0]  }
0x50c: {  	[tilespmem:s13+$0x6190] =	vst v4;
	v4 =	vld [tilespmem:s13+$0x1A0]  }
0x50d: {  	v9 =	vld [tilespmem:s14+$0xC1A0];
	v7 =	vadd.f32 v7, v8  }
0x50e: {  	v8 =	vld [tilespmem:s21+$0x5E0];
	v5 =	vadd.f32 v5, v6  }
0x50f: {  	v6 =	vld [tilespmem:s19+$0xDA0];
	[tilespmem:s21+$0x65D0] =	vst v7;
	v3 =	vadd.f32 v3, v10  }
0x510: {  	v7 =	vld [tilespmem:s9+$0xC5E0];
	[tilespmem:s19+$0x6D90] =	vst v5  }
0x511: {  	v5 =	vld [tilespmem:s20+$0xCDA0];
	[tilespmem:s31+$0x71D0] =	vst v3  }
0x512: {  	v4 =	vadd.f32 v9, v4;
	v3 =	vld [tilespmem:s18+$0xD1E0]  }
0x513: {  	v10 =	vld [tilespmem:s31+$0x11F0]  }
0x514: {  	[tilespmem:s13+$0x61A0] =	vst v4;
	v4 =	vld [tilespmem:s13+$0x1B0]  }
0x515: {  	v9 =	vld [tilespmem:s14+$0xC1B0];
	v7 =	vadd.f32 v7, v8  }
0x516: {  	v8 =	vld [tilespmem:s21+$0x5F0];
	v5 =	vadd.f32 v5, v6  }
0x517: {  	v6 =	vld [tilespmem:s19+$0xDB0];
	[tilespmem:s21+$0x65E0] =	vst v7;
	v3 =	vadd.f32 v3, v11  }
0x518: {  	v7 =	vld [tilespmem:s9+$0xC5F0];
	[tilespmem:s19+$0x6DA0] =	vst v5  }
0x519: {  	v5 =	vld [tilespmem:s20+$0xCDB0];
	[tilespmem:s31+$0x71E0] =	vst v3  }
0x51a: {  	v4 =	vadd.f32 v9, v4;
	v3 =	vld [tilespmem:s18+$0xD1F0]  }
0x51b: {  	v11 =	vld [tilespmem:s31+$0x1580]  }
0x51c: {  	[tilespmem:s13+$0x61B0] =	vst v4;
	v4 =	vld [tilespmem:s13+$0x1C0]  }
0x51d: {  	v9 =	vld [tilespmem:s14+$0xC1C0];
	v7 =	vadd.f32 v7, v8  }
0x51e: {  	v8 =	vld [tilespmem:s21+$0x980];
	v5 =	vadd.f32 v5, v6  }
0x51f: {  	v6 =	vld [tilespmem:s19+$0xDC0];
	[tilespmem:s21+$0x65F0] =	vst v7;
	v3 =	vadd.f32 v3, v10  }
0x520: {  	v7 =	vld [tilespmem:s9+$0xC980];
	[tilespmem:s19+$0x6DB0] =	vst v5  }
0x521: {  	v5 =	vld [tilespmem:s20+$0xCDC0];
	[tilespmem:s31+$0x71F0] =	vst v3  }
0x522: {  	v4 =	vadd.f32 v9, v4;
	v3 =	vld [tilespmem:s18+$0xD580]  }
0x523: {  	v10 =	vld [tilespmem:s31+$0x1590]  }
0x524: {  	[tilespmem:s13+$0x61C0] =	vst v4;
	v4 =	vld [tilespmem:s13+$0x1D0]  }
0x525: {  	v9 =	vld [tilespmem:s14+$0xC1D0];
	v7 =	vadd.f32 v7, v8  }
0x526: {  	v8 =	vld [tilespmem:s21+$0x990];
	v5 =	vadd.f32 v5, v6  }
0x527: {  	v6 =	vld [tilespmem:s19+$0xDD0];
	[tilespmem:s21+$0x6980] =	vst v7;
	v3 =	vadd.f32 v3, v11  }
0x528: {  	v7 =	vld [tilespmem:s9+$0xC990];
	[tilespmem:s19+$0x6DC0] =	vst v5  }
0x529: {  	v5 =	vld [tilespmem:s20+$0xCDD0];
	[tilespmem:s31+$0x7580] =	vst v3  }
0x52a: {  	v4 =	vadd.f32 v9, v4;
	v3 =	vld [tilespmem:s18+$0xD590]  }
0x52b: {  	v11 =	vld [tilespmem:s31+$0x15A0]  }
0x52c: {  	[tilespmem:s13+$0x61D0] =	vst v4;
	v4 =	vld [tilespmem:s13+$0x1E0]  }
0x52d: {  	v9 =	vld [tilespmem:s14+$0xC1E0];
	v7 =	vadd.f32 v7, v8  }
0x52e: {  	v8 =	vld [tilespmem:s21+$0x9A0];
	v5 =	vadd.f32 v5, v6  }
0x52f: {  	v6 =	vld [tilespmem:s19+$0xDE0];
	[tilespmem:s21+$0x6990] =	vst v7;
	v3 =	vadd.f32 v3, v10  }
0x530: {  	v7 =	vld [tilespmem:s9+$0xC9A0];
	[tilespmem:s19+$0x6DD0] =	vst v5  }
0x531: {  	v5 =	vld [tilespmem:s20+$0xCDE0];
	[tilespmem:s31+$0x7590] =	vst v3  }
0x532: {  	v4 =	vadd.f32 v9, v4;
	v3 =	vld [tilespmem:s18+$0xD5A0]  }
0x533: {  	v10 =	vld [tilespmem:s31+$0x15B0]  }
0x534: {  	[tilespmem:s13+$0x61E0] =	vst v4;
	v4 =	vld [tilespmem:s13+$0x1F0]  }
0x535: {  	v9 =	vld [tilespmem:s14+$0xC1F0];
	v7 =	vadd.f32 v7, v8  }
0x536: {  	v8 =	vld [tilespmem:s21+$0x9B0];
	v5 =	vadd.f32 v5, v6  }
0x537: {  	v6 =	vld [tilespmem:s19+$0xDF0];
	[tilespmem:s21+$0x69A0] =	vst v7;
	v3 =	vadd.f32 v3, v11  }
0x538: {  	v7 =	vld [tilespmem:s9+$0xC9B0];
	[tilespmem:s19+$0x6DE0] =	vst v5  }
0x539: {  	v5 =	vld [tilespmem:s20+$0xCDF0];
	[tilespmem:s31+$0x75A0] =	vst v3  }
0x53a: {  	v4 =	vadd.f32 v9, v4;
	v3 =	vld [tilespmem:s18+$0xD5B0]  }
0x53b: {  	v11 =	vld [tilespmem:s31+$0x15C0]  }
0x53c: {  	[tilespmem:s13+$0x61F0] =	vst v4;
	v4 =	vld [tilespmem:s13+$0x580]  }
0x53d: {  	v9 =	vld [tilespmem:s14+$0xC580];
	v7 =	vadd.f32 v7, v8  }
0x53e: {  	v8 =	vld [tilespmem:s21+$0x9C0];
	v5 =	vadd.f32 v5, v6  }
0x53f: {  	v6 =	vld [tilespmem:s19+$0x1180];
	[tilespmem:s21+$0x69B0] =	vst v7;
	v3 =	vadd.f32 v3, v10  }
0x540: {  	v7 =	vld [tilespmem:s9+$0xC9C0];
	[tilespmem:s19+$0x6DF0] =	vst v5  }
0x541: {  	v5 =	vld [tilespmem:s20+$0xD180];
	[tilespmem:s31+$0x75B0] =	vst v3  }
0x542: {  	v3 =	vadd.f32 v9, v4;
	v4 =	vld [tilespmem:s18+$0xD5C0]  }
0x543: {  	v10 =	vld [tilespmem:s21+$0x9D0]  }
0x544: {  	v9 =	vld [tilespmem:s31+$0x15D0]  }
0x545: {  	[tilespmem:s13+$0x6580] =	vst v3;
	v3 =	vld [tilespmem:s13+$0x590];
	v7 =	vadd.f32 v7, v8  }
0x546: {  	v8 =	vld [tilespmem:s14+$0xC590];
	v5 =	vadd.f32 v5, v6  }
0x547: {  	v6 =	vld [tilespmem:s19+$0x1190];
	[tilespmem:s21+$0x69C0] =	vst v7;
	v4 =	vadd.f32 v4, v11  }
0x548: {  	v7 =	vld [tilespmem:s9+$0xC9D0];
	[tilespmem:s19+$0x7180] =	vst v5  }
0x549: {  	v5 =	vld [tilespmem:s20+$0xD190];
	[tilespmem:s31+$0x75C0] =	vst v4  }
0x54a: {  	v11 =	vld [tilespmem:s18+$0xD5D0]  }
0x54b: {  	v12 =	vld [tilespmem:s21+$0x9E0];
	v3 =	vadd.f32 v8, v3  }
0x54c: {  	v13 =	vld [tilespmem:s19+$0x11A0]  }
0x54d: {  	v4 =	vld [tilespmem:s31+$0x15E0];
	[tilespmem:s13+$0x6590] =	vst v3;
	v3 =	vadd.f32 v7, v10  }
0x54e: {  	v7 =	vld [tilespmem:s13+$0x5A0];
	v5 =	vadd.f32 v5, v6  }
0x54f: {  	v6 =	vld [tilespmem:s14+$0xC5A0];
	[tilespmem:s21+$0x69D0] =	vst v3;
	v3 =	vadd.f32 v11, v9  }
0x550: {  	v9 =	vld [tilespmem:s9+$0xC9E0];
	[tilespmem:s19+$0x7190] =	vst v5  }
0x551: {  	v11 =	vld [tilespmem:s20+$0xD1A0];
	[tilespmem:s31+$0x75D0] =	vst v3  }
0x552: {  	s8 =	sadd.s32 $0x1, s2;
	v5 =	vld [tilespmem:s18+$0xD5E0]  }
0x553: {  	s2 =	smulhi.u32 $0x3531DEC1, s8;
	v8 =	vld [tilespmem:s21+$0x9F0]  }
0x554: {  	v10 =	vld [tilespmem:s13+$0x5B0];
	v7 =	vadd.f32 v6, v7  }
0x555: {  	s25 =	sshrl.u32 s2, $0x4;
	v3 =	vld [tilespmem:s31+$0x15F0];
	v9 =	vadd.f32 v9, v12  }
0x556: {  	s17 =	simm.s32 $0x4;
	s2 =	simm.s32 $0x5;
	s16 =	smul.u32 $0x4D, s25;
	v6 =	vld [tilespmem:s19+$0x11B0];
	[tilespmem:s13+$0x65A0] =	vst v7;
	v7 =	vadd.f32 v11, v13  }
.LBB2_4:
0x557: {  	p1 =	sne.s32 s2, $0xF;
	v11 =	vld [tilespmem:s14+$0xC5B0];
	[tilespmem:s21+$0x69E0] =	vst v9;
	v4 =	vadd.f32 v5, v4  }
0x558: {  	s16 =	ssub.s32 s28, s16;
	v5 =	vld [tilespmem:s9+$0xC9F0];
	[tilespmem:s19+$0x71A0] =	vst v7  }
0x559: {  	s25 =	smul.u32 $0x2680, s25;
	s16 =	sadd.s32 s16, s17;
	s17 =	sshrl.u32 s17, $0x3;
	v7 =	vld [tilespmem:s20+$0xD1B0];
	[tilespmem:s31+$0x75E0] =	vst v4  }
0x55a: {  	s17 =	smul.u32 $0x1800, s17;
	s16 =	sshrl.u32 s16, $0x3;
	v4 =	vld [tilespmem:s18+$0xD5F0];
	s18 =	smov.u32 s20  }
0x55b: {  	s15 =	sadd.s32 $0x80, s15;
	s20 =	ssub.s32 s26, s25;
	s16 =	smul.u32 $0x6000, s16;
	v9 =	vld [tilespmem:s19+$0x11C0]  }
0x55c: {  	s25 =	sand.u32 $0x380, s15;
	s24 =	sadd.s32 s20, s15;
	s20 =	smov.u32 s9;
	v10 =	vadd.f32 v11, v10;
	v11 =	vld [tilespmem:s21+$0xD80]  }
0x55d: {  	s25 =	sor.u32 s25, s17;
	s17 =	sand.u32 $0x380, s24;
	s16 =	sshra.s32 s16, $0x2;
	v12 =	vld [tilespmem:s13+$0x5C0];
	v5 =	vadd.f32 v5, v8  }
0x55e: {  	s9 =	smov.u32 s14;
	s14 =	sor.u32 s17, s16;
	s17 =	smov.u32 s2;
	v8 =	vld [tilespmem:s25+$0x180];
	[tilespmem:s13+$0x65B0] =	vst v10;
	v6 =	vadd.f32 v7, v6  }
0x55f: {  	v7 =	vld [tilespmem:s14+$0xC180];
	[tilespmem:s21+$0x69F0] =	vst v5;
	v3 =	vadd.f32 v4, v3  }
0x560: {  	v4 =	vld [tilespmem:s9+$0xC5C0];
	[tilespmem:s19+$0x71B0] =	vst v6  }
0x561: {  	v5 =	vld [tilespmem:s20+$0xCD80];
	[tilespmem:s31+$0x75F0] =	vst v3;
	s31 =	smov.u32 s19;
	s19 =	smov.u32 s21;
	s21 =	smov.u32 s13  }
0x562: {  	s13 =	smov.u32 s25;
	v3 =	vld [tilespmem:s18+$0xD1C0]  }
0x563: {  	v6 =	vld [tilespmem:s31+$0x11D0]  }
0x564: {  	v7 =	vadd.f32 v7, v8;
	v8 =	vld [tilespmem:s19+$0xD90]  }
0x565: {  	v4 =	vadd.f32 v4, v12;
	v10 =	vld [tilespmem:s21+$0x5D0]  }
0x566: {  	[tilespmem:s13+$0x6180] =	vst v7;
	v7 =	vld [tilespmem:s13+$0x190];
	v5 =	vadd.f32 v5, v11  }
0x567: {  	v11 =	vld [tilespmem:s14+$0xC190];
	[tilespmem:s21+$0x65C0] =	vst v4;
	v3 =	vadd.f32 v3, v9  }
0x568: {  	v4 =	vld [tilespmem:s9+$0xC5D0];
	[tilespmem:s19+$0x6D80] =	vst v5  }
0x569: {  	v5 =	vld [tilespmem:s20+$0xCD90];
	[tilespmem:s31+$0x71C0] =	vst v3  }
0x56a: {  	v3 =	vld [tilespmem:s18+$0xD1D0]  }
0x56b: {  	v9 =	vld [tilespmem:s31+$0x11E0]  }
0x56c: {  	v7 =	vadd.f32 v11, v7;
	v11 =	vld [tilespmem:s19+$0xDA0]  }
0x56d: {  	v4 =	vadd.f32 v4, v10;
	v10 =	vld [tilespmem:s21+$0x5E0]  }
0x56e: {  	[tilespmem:s13+$0x6190] =	vst v7;
	v7 =	vld [tilespmem:s13+$0x1A0];
	v5 =	vadd.f32 v5, v8  }
0x56f: {  	v8 =	vld [tilespmem:s14+$0xC1A0];
	[tilespmem:s21+$0x65D0] =	vst v4;
	v3 =	vadd.f32 v3, v6  }
0x570: {  	v4 =	vld [tilespmem:s9+$0xC5E0];
	[tilespmem:s19+$0x6D90] =	vst v5  }
0x571: {  	v5 =	vld [tilespmem:s20+$0xCDA0];
	[tilespmem:s31+$0x71D0] =	vst v3  }
0x572: {  	v3 =	vld [tilespmem:s18+$0xD1E0]  }
0x573: {  	v6 =	vld [tilespmem:s31+$0x11F0]  }
0x574: {  	v7 =	vadd.f32 v8, v7;
	v8 =	vld [tilespmem:s19+$0xDB0]  }
0x575: {  	v4 =	vadd.f32 v4, v10;
	v10 =	vld [tilespmem:s21+$0x5F0]  }
0x576: {  	[tilespmem:s13+$0x61A0] =	vst v7;
	v7 =	vld [tilespmem:s13+$0x1B0];
	v5 =	vadd.f32 v5, v11  }
0x577: {  	v11 =	vld [tilespmem:s14+$0xC1B0];
	[tilespmem:s21+$0x65E0] =	vst v4;
	v3 =	vadd.f32 v3, v9  }
0x578: {  	v4 =	vld [tilespmem:s9+$0xC5F0];
	[tilespmem:s19+$0x6DA0] =	vst v5  }
0x579: {  	v5 =	vld [tilespmem:s20+$0xCDB0];
	[tilespmem:s31+$0x71E0] =	vst v3  }
0x57a: {  	v3 =	vld [tilespmem:s18+$0xD1F0]  }
0x57b: {  	v9 =	vld [tilespmem:s31+$0x1580]  }
0x57c: {  	v7 =	vadd.f32 v11, v7;
	v11 =	vld [tilespmem:s19+$0xDC0]  }
0x57d: {  	v4 =	vadd.f32 v4, v10;
	v10 =	vld [tilespmem:s21+$0x980]  }
0x57e: {  	[tilespmem:s13+$0x61B0] =	vst v7;
	v7 =	vld [tilespmem:s13+$0x1C0];
	v5 =	vadd.f32 v5, v8  }
0x57f: {  	v8 =	vld [tilespmem:s14+$0xC1C0];
	[tilespmem:s21+$0x65F0] =	vst v4;
	v3 =	vadd.f32 v3, v6  }
0x580: {  	v4 =	vld [tilespmem:s9+$0xC980];
	[tilespmem:s19+$0x6DB0] =	vst v5  }
0x581: {  	v5 =	vld [tilespmem:s20+$0xCDC0];
	[tilespmem:s31+$0x71F0] =	vst v3  }
0x582: {  	v3 =	vld [tilespmem:s18+$0xD580]  }
0x583: {  	v6 =	vld [tilespmem:s31+$0x1590]  }
0x584: {  	v7 =	vadd.f32 v8, v7;
	v8 =	vld [tilespmem:s19+$0xDD0]  }
0x585: {  	v4 =	vadd.f32 v4, v10;
	v10 =	vld [tilespmem:s21+$0x990]  }
0x586: {  	[tilespmem:s13+$0x61C0] =	vst v7;
	v7 =	vld [tilespmem:s13+$0x1D0];
	v5 =	vadd.f32 v5, v11  }
0x587: {  	v11 =	vld [tilespmem:s14+$0xC1D0];
	[tilespmem:s21+$0x6980] =	vst v4;
	v3 =	vadd.f32 v3, v9  }
0x588: {  	v4 =	vld [tilespmem:s9+$0xC990];
	[tilespmem:s19+$0x6DC0] =	vst v5  }
0x589: {  	v5 =	vld [tilespmem:s20+$0xCDD0];
	[tilespmem:s31+$0x7580] =	vst v3  }
0x58a: {  	v3 =	vld [tilespmem:s18+$0xD590]  }
0x58b: {  	v9 =	vld [tilespmem:s31+$0x15A0]  }
0x58c: {  	v7 =	vadd.f32 v11, v7;
	v11 =	vld [tilespmem:s19+$0xDE0]  }
0x58d: {  	v4 =	vadd.f32 v4, v10;
	v10 =	vld [tilespmem:s21+$0x9A0]  }
0x58e: {  	[tilespmem:s13+$0x61D0] =	vst v7;
	v7 =	vld [tilespmem:s13+$0x1E0];
	v5 =	vadd.f32 v5, v8  }
0x58f: {  	v8 =	vld [tilespmem:s14+$0xC1E0];
	[tilespmem:s21+$0x6990] =	vst v4;
	v3 =	vadd.f32 v3, v6  }
0x590: {  	v4 =	vld [tilespmem:s9+$0xC9A0];
	[tilespmem:s19+$0x6DD0] =	vst v5  }
0x591: {  	v5 =	vld [tilespmem:s20+$0xCDE0];
	[tilespmem:s31+$0x7590] =	vst v3  }
0x592: {  	v3 =	vld [tilespmem:s18+$0xD5A0]  }
0x593: {  	v6 =	vld [tilespmem:s31+$0x15B0]  }
0x594: {  	v7 =	vadd.f32 v8, v7;
	v8 =	vld [tilespmem:s19+$0xDF0]  }
0x595: {  	v4 =	vadd.f32 v4, v10;
	v10 =	vld [tilespmem:s21+$0x9B0]  }
0x596: {  	[tilespmem:s13+$0x61E0] =	vst v7;
	v7 =	vld [tilespmem:s13+$0x1F0];
	v5 =	vadd.f32 v5, v11  }
0x597: {  	v11 =	vld [tilespmem:s14+$0xC1F0];
	[tilespmem:s21+$0x69A0] =	vst v4;
	v3 =	vadd.f32 v3, v9  }
0x598: {  	v4 =	vld [tilespmem:s9+$0xC9B0];
	[tilespmem:s19+$0x6DE0] =	vst v5  }
0x599: {  	v5 =	vld [tilespmem:s20+$0xCDF0];
	[tilespmem:s31+$0x75A0] =	vst v3  }
0x59a: {  	v3 =	vld [tilespmem:s18+$0xD5B0]  }
0x59b: {  	v9 =	vld [tilespmem:s31+$0x15C0]  }
0x59c: {  	v7 =	vadd.f32 v11, v7;
	v11 =	vld [tilespmem:s19+$0x1180]  }
0x59d: {  	v4 =	vadd.f32 v4, v10;
	v10 =	vld [tilespmem:s21+$0x9C0]  }
0x59e: {  	[tilespmem:s13+$0x61F0] =	vst v7;
	v7 =	vld [tilespmem:s13+$0x580];
	v5 =	vadd.f32 v5, v8  }
0x59f: {  	v8 =	vld [tilespmem:s14+$0xC580];
	[tilespmem:s21+$0x69B0] =	vst v4;
	v3 =	vadd.f32 v3, v6  }
0x5a0: {  	v4 =	vld [tilespmem:s9+$0xC9C0];
	[tilespmem:s19+$0x6DF0] =	vst v5  }
0x5a1: {  	v5 =	vld [tilespmem:s20+$0xD180];
	[tilespmem:s31+$0x75B0] =	vst v3  }
0x5a2: {  	v3 =	vld [tilespmem:s18+$0xD5C0]  }
0x5a3: {  	v6 =	vld [tilespmem:s31+$0x15D0]  }
0x5a4: {  	v7 =	vadd.f32 v8, v7;
	v8 =	vld [tilespmem:s19+$0x1190]  }
0x5a5: {  	v4 =	vadd.f32 v4, v10;
	v10 =	vld [tilespmem:s21+$0x9D0]  }
0x5a6: {  	[tilespmem:s13+$0x6580] =	vst v7;
	v7 =	vld [tilespmem:s13+$0x590];
	v5 =	vadd.f32 v5, v11  }
0x5a7: {  	v11 =	vld [tilespmem:s14+$0xC590];
	[tilespmem:s21+$0x69C0] =	vst v4;
	v3 =	vadd.f32 v3, v9  }
0x5a8: {  	v9 =	vld [tilespmem:s9+$0xC9D0];
	[tilespmem:s19+$0x7180] =	vst v5  }
0x5a9: {  	v5 =	vld [tilespmem:s20+$0xD190];
	[tilespmem:s31+$0x75C0] =	vst v3  }
0x5aa: {  	v3 =	vld [tilespmem:s18+$0xD5D0]  }
0x5ab: {  	v4 =	vld [tilespmem:s31+$0x15E0]  }
0x5ac: {  	v7 =	vadd.f32 v11, v7;
	v11 =	vld [tilespmem:s19+$0x11A0]  }
0x5ad: {  	v9 =	vadd.f32 v9, v10;
	v10 =	vld [tilespmem:s21+$0x9E0]  }
0x5ae: {  	[tilespmem:s13+$0x6590] =	vst v7;
	v7 =	vld [tilespmem:s13+$0x5A0];
	v5 =	vadd.f32 v5, v8  }
0x5af: {  	v8 =	vld [tilespmem:s14+$0xC5A0];
	[tilespmem:s21+$0x69D0] =	vst v9;
	v3 =	vadd.f32 v3, v6  }
0x5b0: {  	v9 =	vld [tilespmem:s9+$0xC9E0];
	[tilespmem:s19+$0x7190] =	vst v5  }
0x5b1: {  	v12 =	vld [tilespmem:s20+$0xD1A0];
	[tilespmem:s31+$0x75D0] =	vst v3  }
.Ltmp5:
0x5b2: {  	s8 =	sadd.s32 $0x1, s8;
	v5 =	vld [tilespmem:s18+$0xD5E0];
	(pc) =	sbr.rel @p1 .LBB2_4-.Ltmp5, $4  }
0x5b3: {  	s16 =	smulhi.u32 $0x3531DEC1, s8;
	v3 =	vld [tilespmem:s31+$0x15F0]  }
0x5b4: {  	v7 =	vadd.f32 v8, v7;
	v6 =	vld [tilespmem:s19+$0x11B0]  }
0x5b5: {  	s25 =	sshrl.u32 s16, $0x4;
	v9 =	vadd.f32 v9, v10;
	v8 =	vld [tilespmem:s21+$0x9F0]  }
0x5b6: {  	s2 =	sadd.s32 $0x1, s2;
	s16 =	smul.u32 $0x4D, s25;
	[tilespmem:s13+$0x65A0] =	vst v7;
	v10 =	vld [tilespmem:s13+$0x5B0];
	v7 =	vadd.f32 v12, v11  }
.Ltmp6:
0x5b7: {  	_ = 	snop;
	(pc) =	sbr.rel .LBB2_5-.Ltmp6, $1  }
0x5b8: {  	_ =	sdelay $0x3  }
.LBB2_10:
0x5b9: {  	s2 =	simm.s32 $0x0  }
0x5ba: {  	s8 =	rddreg [dreg:$0x7];
	s9 =	simm.s32 $0x100;
	s24 =	simm.s32 $0x8  }
0x5bb: {  	[tilespmem:s9], [sflag:$0x8] =	stream.linear.gather [hbm4b:s8+s2], $0x8, $0x38;
	[tilespmem:$0x1B180] =	vst v63  }
0x5bc: {  	_ =	swait.ge [sflag:s24], $0x8  }
0x5bd: {  	[sflag:s24] =	ssyncset.done $0x0  }
0x5be: {  	[sflag:s24] =	ssyncadd.s32 $0xFFFFFFF8  }
0x5bf: {  	v3 =	vld.msk [tilespmem:$0x100], $0xff;
	_ =	sdelay $0x4  }
0x5c0: {  	v4 =	vshrl.u32 v3, $0x3  }
0x5c1: {  	v4 =	vmul.u32 $0x30, v4  }
0x5c2: {  	v3 =	vand.u32 $0x7, v3  }
0x5c3: {  	v3 =	vor.u32 v3, v4  }
0x5c4: {  	v3 =	vperm.xlane v3, v0;
	_ =	sdelay $0x1  }
0x5c5: {  	v3 =	vadd.s32 v1, v3;
	_ =	sdelay $0x2  }
0x5c6: {  	s31 =	sor.u32 $0x260, s2  }
0x5c7: {  	s25 =	simm.s32 $0x180;
	s13 =	sand.u32 $0xFFFF, s31  }
0x5c8: {  	[tilespmem:s25], [sflag:$0x1] =	stream.indirect_vreg.gather [hbm4b:s1+s2], $0x80, v3, vm0, $0xb8;
	[tilespmem:$0x1B180] =	vst v63  }
0x5c9: {  	s29 =	simm.s32 $0x980;
	s9 =	smul.u32 $0x1A99, s13  }
0x5ca: {  	[tilespmem:s29], [sflag:$0x1] =	stream.indirect_vreg.gather [hbm4b:s10+s2], $0x80, v3, vm0, $0xb8;
	[tilespmem:$0x1B180] =	vst v63  }
0x5cb: {  	s30 =	simm.s32 $0x1180;
	s14 =	sshrl.u32 s9, $0x13  }
0x5cc: {  	[tilespmem:s30], [sflag:$0x1] =	stream.indirect_vreg.gather [hbm4b:s11+s2], $0x80, v3, vm0, $0xb8;
	[tilespmem:$0x1B180] =	vst v63  }
0x5cd: {  	s2 =	smul.u32 $0x4D, s14;
	_ =	sdelay $0x1  }
0x5ce: {  	_ =	swait.ge [sflag:s22], $0x1800;
	s2 =	ssub.s32 s31, s2  }
0x5cf: {  	[sflag:s22] =	ssyncset.done $0x0;
	s8 =	sand.u32 $0xFFF8, s2  }
0x5d0: {  	[sflag:s22] =	ssyncadd.s32 $0xFFFFE800;
	s8 =	sshrl.u32 s8, $0x3  }
0x5d1: {  	_ =	swait.ge [sflag:s23], $0x3000;
	s8 =	smul.u32 $0x6000, s8  }
0x5d2: {  	s26 =	simm.s32 $0x0;
	s2 =	sshll.u32 s2, $0x7;
	[sflag:s23] =	ssyncset.done $0x0  }
0x5d3: {  	s2 =	sand.u32 $0x380, s2;
	[sflag:s23] =	ssyncadd.s32 $0xFFFFD000;
	s8 =	sshrl.u32 s8, $0x2  }
0x5d4: {  	v3 =	vld [tilespmem:s26+$0x180];
	s18 =	sor.u32 s2, s8  }
0x5d5: {  	v4 =	vld [tilespmem:s18+$0xC180];
	_ =	sdelay $0x4  }
0x5d6: {  	v3 =	vadd.f32 v4, v3;
	_ =	sdelay $0x1  }
0x5d7: {  	[tilespmem:s26+$0x6180] =	vst v3;
	v3 =	vld [tilespmem:s26+$0x190]  }
0x5d8: {  	v4 =	vld [tilespmem:s18+$0xC190];
	_ =	sdelay $0x4  }
0x5d9: {  	v3 =	vadd.f32 v4, v3;
	_ =	sdelay $0x1  }
0x5da: {  	[tilespmem:s26+$0x6190] =	vst v3;
	v3 =	vld [tilespmem:s26+$0x1A0]  }
0x5db: {  	v4 =	vld [tilespmem:s18+$0xC1A0];
	_ =	sdelay $0x4  }
0x5dc: {  	v3 =	vadd.f32 v4, v3;
	_ =	sdelay $0x1  }
0x5dd: {  	[tilespmem:s26+$0x61A0] =	vst v3;
	v3 =	vld [tilespmem:s26+$0x1B0]  }
0x5de: {  	v4 =	vld [tilespmem:s18+$0xC1B0];
	_ =	sdelay $0x4  }
0x5df: {  	v3 =	vadd.f32 v4, v3;
	_ =	sdelay $0x1  }
0x5e0: {  	[tilespmem:s26+$0x61B0] =	vst v3;
	v3 =	vld [tilespmem:s26+$0x1C0]  }
0x5e1: {  	v4 =	vld [tilespmem:s18+$0xC1C0];
	_ =	sdelay $0x4  }
0x5e2: {  	v3 =	vadd.f32 v4, v3;
	_ =	sdelay $0x1  }
0x5e3: {  	[tilespmem:s26+$0x61C0] =	vst v3;
	v3 =	vld [tilespmem:s26+$0x1D0]  }
0x5e4: {  	v4 =	vld [tilespmem:s18+$0xC1D0];
	_ =	sdelay $0x4  }
0x5e5: {  	v3 =	vadd.f32 v4, v3;
	_ =	sdelay $0x1  }
0x5e6: {  	[tilespmem:s26+$0x61D0] =	vst v3;
	v3 =	vld [tilespmem:s26+$0x1E0]  }
0x5e7: {  	v4 =	vld [tilespmem:s18+$0xC1E0];
	_ =	sdelay $0x4  }
0x5e8: {  	v3 =	vadd.f32 v4, v3;
	_ =	sdelay $0x1  }
0x5e9: {  	[tilespmem:s26+$0x61E0] =	vst v3;
	v3 =	vld [tilespmem:s26+$0x1F0]  }
0x5ea: {  	v4 =	vld [tilespmem:s18+$0xC1F0];
	_ =	sdelay $0x4  }
0x5eb: {  	v3 =	vadd.f32 v4, v3;
	_ =	sdelay $0x1  }
0x5ec: {  	[tilespmem:s26+$0x61F0] =	vst v3;
	v3 =	vld [tilespmem:s26+$0x580]  }
0x5ed: {  	v4 =	vld [tilespmem:s18+$0xC580];
	_ =	sdelay $0x4  }
0x5ee: {  	v3 =	vadd.f32 v4, v3;
	_ =	sdelay $0x1  }
0x5ef: {  	[tilespmem:s26+$0x6580] =	vst v3;
	v3 =	vld [tilespmem:s26+$0x590]  }
0x5f0: {  	v4 =	vld [tilespmem:s18+$0xC590];
	_ =	sdelay $0x3  }
0x5f1: {  	s15 =	simm.s32 $0x1  }
0x5f2: {  	s2 =	sor.u32 $0x260, s15;
	v3 =	vadd.f32 v4, v3  }
0x5f3: {  	s16 =	sand.u32 $0xFFFF, s2  }
0x5f4: {  	s8 =	smul.u32 $0x1A99, s16;
	[tilespmem:s26+$0x6590] =	vst v3;
	v3 =	vld [tilespmem:s26+$0x5A0]  }
0x5f5: {  	v4 =	vld [tilespmem:s18+$0xC5A0]  }
0x5f6: {  	s8 =	sshrl.u32 s8, $0x13  }
0x5f7: {  	s8 =	smul.u32 $0x4D, s8;
	_ =	sdelay $0x1  }
0x5f8: {  	s2 =	ssub.s32 s2, s8  }
0x5f9: {  	s8 =	sand.u32 $0xFFF8, s2;
	v3 =	vadd.f32 v4, v3  }
0x5fa: {  	s8 =	sshrl.u32 s8, $0x3  }
0x5fb: {  	s8 =	smul.u32 $0x6000, s8;
	[tilespmem:s26+$0x65A0] =	vst v3;
	v3 =	vld [tilespmem:s26+$0x5B0]  }
0x5fc: {  	s2 =	sshll.u32 s2, $0x7;
	v4 =	vld [tilespmem:s18+$0xC5B0]  }
0x5fd: {  	s19 =	simm.s32 $0x80;
	s2 =	sand.u32 $0x380, s2;
	s8 =	sshrl.u32 s8, $0x2  }
0x5fe: {  	v5 =	vld [tilespmem:s19+$0x180];
	s20 =	sor.u32 s2, s8  }
0x5ff: {  	v6 =	vld [tilespmem:s20+$0xC180];
	_ =	sdelay $0x1  }
0x600: {  	v3 =	vadd.f32 v4, v3;
	_ =	sdelay $0x1  }
0x601: {  	v4 =	vld [tilespmem:s26+$0x5C0];
	[tilespmem:s26+$0x65B0] =	vst v3  }
0x602: {  	v5 =	vadd.f32 v6, v5;
	v3 =	vld [tilespmem:s18+$0xC5C0];
	_ =	sdelay $0x1  }
0x603: {  	[tilespmem:s19+$0x6180] =	vst v5;
	v5 =	vld [tilespmem:s19+$0x190]  }
0x604: {  	v6 =	vld [tilespmem:s20+$0xC190];
	_ =	sdelay $0x1  }
0x605: {  	v3 =	vadd.f32 v3, v4;
	_ =	sdelay $0x1  }
0x606: {  	v4 =	vld [tilespmem:s26+$0x5D0];
	[tilespmem:s26+$0x65C0] =	vst v3  }
0x607: {  	v5 =	vadd.f32 v6, v5;
	v3 =	vld [tilespmem:s18+$0xC5D0];
	_ =	sdelay $0x1  }
0x608: {  	[tilespmem:s19+$0x6190] =	vst v5;
	v5 =	vld [tilespmem:s19+$0x1A0]  }
0x609: {  	v6 =	vld [tilespmem:s20+$0xC1A0];
	_ =	sdelay $0x1  }
0x60a: {  	v3 =	vadd.f32 v3, v4;
	_ =	sdelay $0x1  }
0x60b: {  	v4 =	vld [tilespmem:s26+$0x5E0];
	[tilespmem:s26+$0x65D0] =	vst v3  }
0x60c: {  	v5 =	vadd.f32 v6, v5;
	v3 =	vld [tilespmem:s18+$0xC5E0];
	_ =	sdelay $0x1  }
0x60d: {  	[tilespmem:s19+$0x61A0] =	vst v5;
	v5 =	vld [tilespmem:s19+$0x1B0]  }
0x60e: {  	v6 =	vld [tilespmem:s20+$0xC1B0];
	_ =	sdelay $0x1  }
0x60f: {  	v3 =	vadd.f32 v3, v4;
	_ =	sdelay $0x1  }
0x610: {  	v4 =	vld [tilespmem:s26+$0x5F0];
	[tilespmem:s26+$0x65E0] =	vst v3  }
0x611: {  	v5 =	vadd.f32 v6, v5;
	v3 =	vld [tilespmem:s18+$0xC5F0];
	_ =	sdelay $0x1  }
0x612: {  	[tilespmem:s19+$0x61B0] =	vst v5;
	v5 =	vld [tilespmem:s19+$0x1C0]  }
0x613: {  	v6 =	vld [tilespmem:s20+$0xC1C0];
	_ =	sdelay $0x1  }
0x614: {  	v3 =	vadd.f32 v3, v4;
	_ =	sdelay $0x1  }
0x615: {  	v4 =	vld [tilespmem:s26+$0x980];
	[tilespmem:s26+$0x65F0] =	vst v3  }
0x616: {  	v5 =	vadd.f32 v6, v5;
	v3 =	vld [tilespmem:s18+$0xC980];
	_ =	sdelay $0x1  }
0x617: {  	[tilespmem:s19+$0x61C0] =	vst v5;
	v5 =	vld [tilespmem:s19+$0x1D0]  }
0x618: {  	v6 =	vld [tilespmem:s20+$0xC1D0];
	_ =	sdelay $0x1  }
0x619: {  	v3 =	vadd.f32 v3, v4;
	_ =	sdelay $0x1  }
0x61a: {  	v4 =	vld [tilespmem:s26+$0x990];
	[tilespmem:s26+$0x6980] =	vst v3  }
0x61b: {  	v5 =	vadd.f32 v6, v5;
	v3 =	vld [tilespmem:s18+$0xC990];
	_ =	sdelay $0x1  }
0x61c: {  	[tilespmem:s19+$0x61D0] =	vst v5;
	v5 =	vld [tilespmem:s19+$0x1E0]  }
0x61d: {  	v6 =	vld [tilespmem:s20+$0xC1E0];
	_ =	sdelay $0x1  }
0x61e: {  	v3 =	vadd.f32 v3, v4;
	_ =	sdelay $0x1  }
0x61f: {  	v4 =	vld [tilespmem:s26+$0x9A0];
	[tilespmem:s26+$0x6990] =	vst v3  }
0x620: {  	v3 =	vadd.f32 v6, v5;
	v5 =	vld [tilespmem:s18+$0xC9A0];
	_ =	sdelay $0x4  }
0x621: {  	[tilespmem:s19+$0x61E0] =	vst v3;
	v3 =	vld [tilespmem:s19+$0x1F0];
	v4 =	vadd.f32 v5, v4  }
0x622: {  	v6 =	vld [tilespmem:s20+$0xC1F0]  }
0x623: {  	v5 =	vld [tilespmem:s26+$0x9B0];
	[tilespmem:s26+$0x69A0] =	vst v4  }
0x624: {  	v4 =	vld [tilespmem:s18+$0xC9B0];
	_ =	sdelay $0x2  }
0x625: {  	v3 =	vadd.f32 v6, v3;
	_ =	sdelay $0x1  }
0x626: {  	[tilespmem:s19+$0x61F0] =	vst v3;
	v3 =	vld [tilespmem:s19+$0x580];
	v4 =	vadd.f32 v4, v5  }
0x627: {  	v6 =	vld [tilespmem:s20+$0xC580]  }
0x628: {  	v5 =	vld [tilespmem:s26+$0x9C0];
	[tilespmem:s26+$0x69B0] =	vst v4  }
0x629: {  	v4 =	vld [tilespmem:s18+$0xC9C0];
	_ =	sdelay $0x2  }
0x62a: {  	v3 =	vadd.f32 v6, v3;
	_ =	sdelay $0x1  }
0x62b: {  	[tilespmem:s19+$0x6580] =	vst v3;
	v3 =	vld [tilespmem:s19+$0x590];
	v4 =	vadd.f32 v4, v5  }
0x62c: {  	v5 =	vld [tilespmem:s20+$0xC590]  }
0x62d: {  	v6 =	vld [tilespmem:s26+$0x9D0];
	[tilespmem:s26+$0x69C0] =	vst v4  }
0x62e: {  	v4 =	vld [tilespmem:s18+$0xC9D0];
	_ =	sdelay $0x2  }
0x62f: {  	s17 =	simm.s32 $0x2;
	v3 =	vadd.f32 v5, v3  }
0x630: {  	s2 =	sor.u32 $0x260, s17  }
0x631: {  	s21 =	sand.u32 $0xFFFF, s2;
	[tilespmem:s19+$0x6590] =	vst v3;
	v3 =	vadd.f32 v4, v6;
	v4 =	vld [tilespmem:s19+$0x5A0]  }
0x632: {  	s8 =	smul.u32 $0x1A99, s21;
	v6 =	vld [tilespmem:s20+$0xC5A0]  }
0x633: {  	v5 =	vld [tilespmem:s26+$0x9E0];
	[tilespmem:s26+$0x69D0] =	vst v3  }
0x634: {  	s8 =	sshrl.u32 s8, $0x13;
	v3 =	vld [tilespmem:s18+$0xC9E0]  }
0x635: {  	s8 =	smul.u32 $0x4D, s8;
	_ =	sdelay $0x1  }
0x636: {  	s2 =	ssub.s32 s2, s8;
	v4 =	vadd.f32 v6, v4  }
0x637: {  	s8 =	sand.u32 $0xFFF8, s2  }
0x638: {  	s8 =	sshrl.u32 s8, $0x3;
	[tilespmem:s19+$0x65A0] =	vst v4;
	v4 =	vld [tilespmem:s19+$0x5B0];
	v3 =	vadd.f32 v3, v5  }
0x639: {  	s8 =	smul.u32 $0x6000, s8;
	v5 =	vld [tilespmem:s26+$0x9F0]  }
0x63a: {  	s2 =	sshll.u32 s2, $0x7;
	v6 =	vld [tilespmem:s20+$0xC5B0];
	[tilespmem:s26+$0x69E0] =	vst v3  }
0x63b: {  	s21 =	simm.s32 $0x100;
	s2 =	sand.u32 $0x380, s2;
	s8 =	sshrl.u32 s8, $0x2;
	v3 =	vld [tilespmem:s18+$0xC9F0]  }
0x63c: {  	v7 =	vld [tilespmem:s21+$0x180];
	s9 =	sor.u32 s2, s8  }
0x63d: {  	v8 =	vld [tilespmem:s9+$0xC180];
	_ =	sdelay $0x1  }
0x63e: {  	v4 =	vadd.f32 v6, v4  }
0x63f: {  	v6 =	vld [tilespmem:s19+$0x5C0];
	v3 =	vadd.f32 v3, v5  }
0x640: {  	[tilespmem:s19+$0x65B0] =	vst v4;
	v5 =	vld [tilespmem:s26+$0xD80]  }
0x641: {  	v4 =	vadd.f32 v8, v7;
	[tilespmem:s26+$0x69F0] =	vst v3;
	v3 =	vld [tilespmem:s20+$0xC5C0]  }
0x642: {  	v7 =	vld [tilespmem:s18+$0xCD80]  }
0x643: {  	[tilespmem:s21+$0x6180] =	vst v4;
	v4 =	vld [tilespmem:s21+$0x190]  }
0x644: {  	v8 =	vld [tilespmem:s9+$0xC190];
	_ =	sdelay $0x1  }
0x645: {  	v3 =	vadd.f32 v3, v6  }
0x646: {  	v6 =	vld [tilespmem:s19+$0x5D0];
	v5 =	vadd.f32 v7, v5  }
0x647: {  	v7 =	vld [tilespmem:s26+$0xD90];
	[tilespmem:s19+$0x65C0] =	vst v3  }
0x648: {  	v3 =	vadd.f32 v8, v4;
	v4 =	vld [tilespmem:s20+$0xC5D0];
	[tilespmem:s26+$0x6D80] =	vst v5  }
0x649: {  	v5 =	vld [tilespmem:s18+$0xCD90];
	_ =	sdelay $0x2  }
0x64a: {  	[tilespmem:s21+$0x6190] =	vst v3;
	v3 =	vld [tilespmem:s21+$0x1A0]  }
0x64b: {  	v8 =	vld [tilespmem:s9+$0xC1A0];
	v4 =	vadd.f32 v4, v6  }
0x64c: {  	v6 =	vld [tilespmem:s19+$0x5E0];
	v5 =	vadd.f32 v5, v7  }
0x64d: {  	v7 =	vld [tilespmem:s26+$0xDA0];
	[tilespmem:s19+$0x65D0] =	vst v4  }
0x64e: {  	v4 =	vld [tilespmem:s20+$0xC5E0];
	[tilespmem:s26+$0x6D90] =	vst v5  }
0x64f: {  	v5 =	vld [tilespmem:s18+$0xCDA0]  }
0x650: {  	v3 =	vadd.f32 v8, v3;
	_ =	sdelay $0x1  }
0x651: {  	[tilespmem:s21+$0x61A0] =	vst v3;
	v3 =	vld [tilespmem:s21+$0x1B0]  }
0x652: {  	v8 =	vld [tilespmem:s9+$0xC1B0];
	v4 =	vadd.f32 v4, v6  }
0x653: {  	v6 =	vld [tilespmem:s19+$0x5F0];
	v5 =	vadd.f32 v5, v7  }
0x654: {  	v7 =	vld [tilespmem:s26+$0xDB0];
	[tilespmem:s19+$0x65E0] =	vst v4  }
0x655: {  	v4 =	vld [tilespmem:s20+$0xC5F0];
	[tilespmem:s26+$0x6DA0] =	vst v5  }
0x656: {  	v5 =	vld [tilespmem:s18+$0xCDB0]  }
0x657: {  	v3 =	vadd.f32 v8, v3;
	_ =	sdelay $0x1  }
0x658: {  	[tilespmem:s21+$0x61B0] =	vst v3;
	v3 =	vld [tilespmem:s21+$0x1C0]  }
0x659: {  	v8 =	vld [tilespmem:s9+$0xC1C0];
	v4 =	vadd.f32 v4, v6  }
0x65a: {  	v6 =	vld [tilespmem:s19+$0x980];
	v5 =	vadd.f32 v5, v7  }
0x65b: {  	v7 =	vld [tilespmem:s26+$0xDC0];
	[tilespmem:s19+$0x65F0] =	vst v4  }
0x65c: {  	v4 =	vld [tilespmem:s20+$0xC980];
	[tilespmem:s26+$0x6DB0] =	vst v5  }
0x65d: {  	v5 =	vld [tilespmem:s18+$0xCDC0]  }
0x65e: {  	v3 =	vadd.f32 v8, v3;
	_ =	sdelay $0x1  }
0x65f: {  	[tilespmem:s21+$0x61C0] =	vst v3;
	v3 =	vld [tilespmem:s21+$0x1D0]  }
0x660: {  	v8 =	vld [tilespmem:s9+$0xC1D0];
	v4 =	vadd.f32 v4, v6  }
0x661: {  	v6 =	vld [tilespmem:s19+$0x990];
	v5 =	vadd.f32 v5, v7  }
0x662: {  	v7 =	vld [tilespmem:s26+$0xDD0];
	[tilespmem:s19+$0x6980] =	vst v4  }
0x663: {  	v4 =	vld [tilespmem:s20+$0xC990];
	[tilespmem:s26+$0x6DC0] =	vst v5  }
0x664: {  	v5 =	vld [tilespmem:s18+$0xCDD0]  }
0x665: {  	v3 =	vadd.f32 v8, v3;
	_ =	sdelay $0x1  }
0x666: {  	[tilespmem:s21+$0x61D0] =	vst v3;
	v3 =	vld [tilespmem:s21+$0x1E0]  }
0x667: {  	v8 =	vld [tilespmem:s9+$0xC1E0];
	v4 =	vadd.f32 v4, v6  }
0x668: {  	v6 =	vld [tilespmem:s19+$0x9A0];
	v5 =	vadd.f32 v5, v7  }
0x669: {  	v7 =	vld [tilespmem:s26+$0xDE0];
	[tilespmem:s19+$0x6990] =	vst v4  }
0x66a: {  	v4 =	vld [tilespmem:s20+$0xC9A0];
	[tilespmem:s26+$0x6DD0] =	vst v5  }
0x66b: {  	v5 =	vld [tilespmem:s18+$0xCDE0]  }
0x66c: {  	v3 =	vadd.f32 v8, v3;
	_ =	sdelay $0x1  }
0x66d: {  	[tilespmem:s21+$0x61E0] =	vst v3;
	v3 =	vld [tilespmem:s21+$0x1F0]  }
0x66e: {  	v8 =	vld [tilespmem:s9+$0xC1F0];
	v4 =	vadd.f32 v4, v6  }
0x66f: {  	v6 =	vld [tilespmem:s19+$0x9B0];
	v5 =	vadd.f32 v5, v7  }
0x670: {  	v7 =	vld [tilespmem:s26+$0xDF0];
	[tilespmem:s19+$0x69A0] =	vst v4  }
0x671: {  	v4 =	vld [tilespmem:s20+$0xC9B0];
	[tilespmem:s26+$0x6DE0] =	vst v5  }
0x672: {  	v5 =	vld [tilespmem:s18+$0xCDF0]  }
0x673: {  	v3 =	vadd.f32 v8, v3;
	_ =	sdelay $0x1  }
0x674: {  	[tilespmem:s21+$0x61F0] =	vst v3;
	v3 =	vld [tilespmem:s21+$0x580]  }
0x675: {  	v8 =	vld [tilespmem:s9+$0xC580];
	v4 =	vadd.f32 v4, v6  }
0x676: {  	v6 =	vld [tilespmem:s19+$0x9C0];
	v5 =	vadd.f32 v5, v7  }
0x677: {  	v7 =	vld [tilespmem:s26+$0x1180];
	[tilespmem:s19+$0x69B0] =	vst v4  }
0x678: {  	v4 =	vld [tilespmem:s20+$0xC9C0];
	[tilespmem:s26+$0x6DF0] =	vst v5  }
0x679: {  	v5 =	vld [tilespmem:s18+$0xD180];
	_ =	sdelay $0x1  }
0x67a: {  	v3 =	vadd.f32 v8, v3  }
0x67b: {  	v8 =	vld [tilespmem:s19+$0x9D0]  }
0x67c: {  	[tilespmem:s21+$0x6580] =	vst v3;
	v3 =	vld [tilespmem:s21+$0x590];
	v4 =	vadd.f32 v4, v6  }
0x67d: {  	v6 =	vld [tilespmem:s9+$0xC590];
	v5 =	vadd.f32 v5, v7  }
0x67e: {  	v7 =	vld [tilespmem:s26+$0x1190];
	[tilespmem:s19+$0x69C0] =	vst v4  }
0x67f: {  	v4 =	vld [tilespmem:s20+$0xC9D0];
	[tilespmem:s26+$0x7180] =	vst v5  }
0x680: {  	v5 =	vld [tilespmem:s18+$0xD190];
	_ =	sdelay $0x1  }
0x681: {  	v3 =	vadd.f32 v6, v3  }
0x682: {  	s28 =	simm.s32 $0x3;
	v6 =	vld [tilespmem:s19+$0x9E0]  }
0x683: {  	s2 =	sor.u32 $0x260, s28;
	[tilespmem:s21+$0x6590] =	vst v3;
	v3 =	vadd.f32 v4, v8;
	v4 =	vld [tilespmem:s21+$0x5A0]  }
0x684: {  	s31 =	sand.u32 $0xFFFF, s2;
	v8 =	vld [tilespmem:s26+$0x11A0];
	v5 =	vadd.f32 v5, v7  }
0x685: {  	s8 =	smul.u32 $0x1A99, s31;
	v7 =	vld [tilespmem:s9+$0xC5A0];
	[tilespmem:s19+$0x69D0] =	vst v3  }
0x686: {  	v3 =	vld [tilespmem:s20+$0xC9E0];
	[tilespmem:s26+$0x7190] =	vst v5  }
0x687: {  	s8 =	sshrl.u32 s8, $0x13;
	v5 =	vld [tilespmem:s18+$0xD1A0]  }
0x688: {  	s8 =	smul.u32 $0x4D, s8;
	_ =	sdelay $0x1  }
0x689: {  	s2 =	ssub.s32 s2, s8;
	v4 =	vadd.f32 v7, v4;
	v7 =	vld [tilespmem:s26+$0x11B0]  }
0x68a: {  	s8 =	sand.u32 $0xFFF8, s2;
	v3 =	vadd.f32 v3, v6;
	v6 =	vld [tilespmem:s19+$0x9F0]  }
0x68b: {  	s8 =	sshrl.u32 s8, $0x3;
	[tilespmem:s21+$0x65A0] =	vst v4;
	v4 =	vld [tilespmem:s21+$0x5B0];
	v5 =	vadd.f32 v5, v8  }
0x68c: {  	s8 =	smul.u32 $0x6000, s8;
	v8 =	vld [tilespmem:s9+$0xC5B0];
	[tilespmem:s19+$0x69E0] =	vst v3  }
0x68d: {  	s2 =	sshll.u32 s2, $0x7;
	v3 =	vld [tilespmem:s20+$0xC9F0];
	[tilespmem:s26+$0x71A0] =	vst v5  }
0x68e: {  	s13 =	simm.s32 $0x180;
	s2 =	sand.u32 $0x380, s2;
	s8 =	sshrl.u32 s8, $0x2;
	v5 =	vld [tilespmem:s18+$0xD1B0]  }
0x68f: {  	v9 =	vld [tilespmem:s13+$0x180];
	s14 =	sor.u32 s2, s8  }
0x690: {  	v10 =	vld [tilespmem:s14+$0xC180]  }
0x691: {  	v11 =	vld [tilespmem:s26+$0x11C0];
	v4 =	vadd.f32 v8, v4  }
0x692: {  	v8 =	vld [tilespmem:s21+$0x5C0];
	v3 =	vadd.f32 v3, v6  }
0x693: {  	v6 =	vld [tilespmem:s19+$0xD80];
	[tilespmem:s21+$0x65B0] =	vst v4;
	v4 =	vadd.f32 v5, v7  }
0x694: {  	[tilespmem:s19+$0x69F0] =	vst v3;
	v3 =	vld [tilespmem:s9+$0xC5C0]  }
0x695: {  	v5 =	vadd.f32 v10, v9;
	[tilespmem:s26+$0x71B0] =	vst v4;
	v4 =	vld [tilespmem:s20+$0xCD80]  }
0x696: {  	v7 =	vld [tilespmem:s18+$0xD1C0]  }
0x697: {  	[tilespmem:s13+$0x6180] =	vst v5;
	v5 =	vld [tilespmem:s13+$0x190]  }
0x698: {  	v9 =	vld [tilespmem:s14+$0xC190]  }
0x699: {  	v10 =	vld [tilespmem:s26+$0x11D0];
	v3 =	vadd.f32 v3, v8  }
0x69a: {  	v8 =	vld [tilespmem:s21+$0x5D0];
	v4 =	vadd.f32 v4, v6  }
0x69b: {  	v6 =	vld [tilespmem:s19+$0xD90];
	[tilespmem:s21+$0x65C0] =	vst v3;
	v3 =	vadd.f32 v7, v11  }
0x69c: {  	v7 =	vld [tilespmem:s9+$0xC5D0];
	[tilespmem:s19+$0x6D80] =	vst v4  }
0x69d: {  	v4 =	vadd.f32 v9, v5;
	v5 =	vld [tilespmem:s20+$0xCD90];
	[tilespmem:s26+$0x71C0] =	vst v3  }
0x69e: {  	v3 =	vld [tilespmem:s18+$0xD1D0]  }
0x69f: {  	v11 =	vld [tilespmem:s26+$0x11E0]  }
0x6a0: {  	[tilespmem:s13+$0x6190] =	vst v4;
	v4 =	vld [tilespmem:s13+$0x1A0]  }
0x6a1: {  	v9 =	vld [tilespmem:s14+$0xC1A0];
	v7 =	vadd.f32 v7, v8  }
0x6a2: {  	v8 =	vld [tilespmem:s21+$0x5E0];
	v5 =	vadd.f32 v5, v6  }
0x6a3: {  	v6 =	vld [tilespmem:s19+$0xDA0];
	[tilespmem:s21+$0x65D0] =	vst v7;
	v3 =	vadd.f32 v3, v10  }
0x6a4: {  	v7 =	vld [tilespmem:s9+$0xC5E0];
	[tilespmem:s19+$0x6D90] =	vst v5  }
0x6a5: {  	v5 =	vld [tilespmem:s20+$0xCDA0];
	[tilespmem:s26+$0x71D0] =	vst v3  }
0x6a6: {  	v4 =	vadd.f32 v9, v4;
	v3 =	vld [tilespmem:s18+$0xD1E0]  }
0x6a7: {  	v10 =	vld [tilespmem:s26+$0x11F0]  }
0x6a8: {  	[tilespmem:s13+$0x61A0] =	vst v4;
	v4 =	vld [tilespmem:s13+$0x1B0]  }
0x6a9: {  	v9 =	vld [tilespmem:s14+$0xC1B0];
	v7 =	vadd.f32 v7, v8  }
0x6aa: {  	v8 =	vld [tilespmem:s21+$0x5F0];
	v5 =	vadd.f32 v5, v6  }
0x6ab: {  	v6 =	vld [tilespmem:s19+$0xDB0];
	[tilespmem:s21+$0x65E0] =	vst v7;
	v3 =	vadd.f32 v3, v11  }
0x6ac: {  	v7 =	vld [tilespmem:s9+$0xC5F0];
	[tilespmem:s19+$0x6DA0] =	vst v5  }
0x6ad: {  	v5 =	vld [tilespmem:s20+$0xCDB0];
	[tilespmem:s26+$0x71E0] =	vst v3  }
0x6ae: {  	v4 =	vadd.f32 v9, v4;
	v3 =	vld [tilespmem:s18+$0xD1F0]  }
0x6af: {  	v11 =	vld [tilespmem:s26+$0x1580]  }
0x6b0: {  	[tilespmem:s13+$0x61B0] =	vst v4;
	v4 =	vld [tilespmem:s13+$0x1C0]  }
0x6b1: {  	v9 =	vld [tilespmem:s14+$0xC1C0];
	v7 =	vadd.f32 v7, v8  }
0x6b2: {  	v8 =	vld [tilespmem:s21+$0x980];
	v5 =	vadd.f32 v5, v6  }
0x6b3: {  	v6 =	vld [tilespmem:s19+$0xDC0];
	[tilespmem:s21+$0x65F0] =	vst v7;
	v3 =	vadd.f32 v3, v10  }
0x6b4: {  	v7 =	vld [tilespmem:s9+$0xC980];
	[tilespmem:s19+$0x6DB0] =	vst v5  }
0x6b5: {  	v5 =	vld [tilespmem:s20+$0xCDC0];
	[tilespmem:s26+$0x71F0] =	vst v3  }
0x6b6: {  	v4 =	vadd.f32 v9, v4;
	v3 =	vld [tilespmem:s18+$0xD580]  }
0x6b7: {  	v10 =	vld [tilespmem:s26+$0x1590]  }
0x6b8: {  	[tilespmem:s13+$0x61C0] =	vst v4;
	v4 =	vld [tilespmem:s13+$0x1D0]  }
0x6b9: {  	v9 =	vld [tilespmem:s14+$0xC1D0];
	v7 =	vadd.f32 v7, v8  }
0x6ba: {  	v8 =	vld [tilespmem:s21+$0x990];
	v5 =	vadd.f32 v5, v6  }
0x6bb: {  	v6 =	vld [tilespmem:s19+$0xDD0];
	[tilespmem:s21+$0x6980] =	vst v7;
	v3 =	vadd.f32 v3, v11  }
0x6bc: {  	v7 =	vld [tilespmem:s9+$0xC990];
	[tilespmem:s19+$0x6DC0] =	vst v5  }
0x6bd: {  	v5 =	vld [tilespmem:s20+$0xCDD0];
	[tilespmem:s26+$0x7580] =	vst v3  }
0x6be: {  	v4 =	vadd.f32 v9, v4;
	v3 =	vld [tilespmem:s18+$0xD590]  }
0x6bf: {  	v11 =	vld [tilespmem:s26+$0x15A0]  }
0x6c0: {  	[tilespmem:s13+$0x61D0] =	vst v4;
	v4 =	vld [tilespmem:s13+$0x1E0]  }
0x6c1: {  	v9 =	vld [tilespmem:s14+$0xC1E0];
	v7 =	vadd.f32 v7, v8  }
0x6c2: {  	v8 =	vld [tilespmem:s21+$0x9A0];
	v5 =	vadd.f32 v5, v6  }
0x6c3: {  	v6 =	vld [tilespmem:s19+$0xDE0];
	[tilespmem:s21+$0x6990] =	vst v7;
	v3 =	vadd.f32 v3, v10  }
0x6c4: {  	v7 =	vld [tilespmem:s9+$0xC9A0];
	[tilespmem:s19+$0x6DD0] =	vst v5  }
0x6c5: {  	v5 =	vld [tilespmem:s20+$0xCDE0];
	[tilespmem:s26+$0x7590] =	vst v3  }
0x6c6: {  	v4 =	vadd.f32 v9, v4;
	v3 =	vld [tilespmem:s18+$0xD5A0]  }
0x6c7: {  	v10 =	vld [tilespmem:s26+$0x15B0]  }
0x6c8: {  	[tilespmem:s13+$0x61E0] =	vst v4;
	v4 =	vld [tilespmem:s13+$0x1F0]  }
0x6c9: {  	v9 =	vld [tilespmem:s14+$0xC1F0];
	v7 =	vadd.f32 v7, v8  }
0x6ca: {  	v8 =	vld [tilespmem:s21+$0x9B0];
	v5 =	vadd.f32 v5, v6  }
0x6cb: {  	v6 =	vld [tilespmem:s19+$0xDF0];
	[tilespmem:s21+$0x69A0] =	vst v7;
	v3 =	vadd.f32 v3, v11  }
0x6cc: {  	v7 =	vld [tilespmem:s9+$0xC9B0];
	[tilespmem:s19+$0x6DE0] =	vst v5  }
0x6cd: {  	v5 =	vld [tilespmem:s20+$0xCDF0];
	[tilespmem:s26+$0x75A0] =	vst v3  }
0x6ce: {  	v3 =	vadd.f32 v9, v4;
	v4 =	vld [tilespmem:s18+$0xD5B0]  }
0x6cf: {  	v11 =	vld [tilespmem:s21+$0x9C0]  }
0x6d0: {  	v9 =	vld [tilespmem:s26+$0x15C0]  }
0x6d1: {  	[tilespmem:s13+$0x61F0] =	vst v3;
	v3 =	vld [tilespmem:s13+$0x580];
	v7 =	vadd.f32 v7, v8  }
0x6d2: {  	v8 =	vld [tilespmem:s14+$0xC580];
	v5 =	vadd.f32 v5, v6  }
0x6d3: {  	v6 =	vld [tilespmem:s19+$0x1180];
	[tilespmem:s21+$0x69B0] =	vst v7;
	v4 =	vadd.f32 v4, v10  }
0x6d4: {  	v7 =	vld [tilespmem:s9+$0xC9C0];
	[tilespmem:s19+$0x6DF0] =	vst v5  }
0x6d5: {  	v5 =	vld [tilespmem:s20+$0xD180];
	[tilespmem:s26+$0x75B0] =	vst v4  }
0x6d6: {  	v4 =	vld [tilespmem:s18+$0xD5C0]  }
0x6d7: {  	v10 =	vld [tilespmem:s21+$0x9D0];
	v3 =	vadd.f32 v8, v3  }
0x6d8: {  	v8 =	vld [tilespmem:s26+$0x15D0]  }
0x6d9: {  	[tilespmem:s13+$0x6580] =	vst v3;
	v3 =	vadd.f32 v7, v11;
	v7 =	vld [tilespmem:s13+$0x590]  }
0x6da: {  	v11 =	vld [tilespmem:s19+$0x1190];
	v5 =	vadd.f32 v5, v6  }
0x6db: {  	v6 =	vld [tilespmem:s14+$0xC590];
	[tilespmem:s21+$0x69C0] =	vst v3;
	v3 =	vadd.f32 v4, v9  }
0x6dc: {  	v9 =	vld [tilespmem:s9+$0xC9D0];
	[tilespmem:s19+$0x7180] =	vst v5  }
0x6dd: {  	v5 =	vld [tilespmem:s20+$0xD190];
	[tilespmem:s26+$0x75C0] =	vst v3  }
0x6de: {  	v3 =	vld [tilespmem:s18+$0xD5D0]  }
0x6df: {  	v4 =	vld [tilespmem:s26+$0x15E0]  }
0x6e0: {  	v6 =	vadd.f32 v6, v7;
	v7 =	vld [tilespmem:s19+$0x11A0]  }
0x6e1: {  	v10 =	vadd.f32 v9, v10;
	v9 =	vld [tilespmem:s21+$0x9E0]  }
0x6e2: {  	[tilespmem:s13+$0x6590] =	vst v6;
	v6 =	vld [tilespmem:s13+$0x5A0];
	v5 =	vadd.f32 v5, v11  }
0x6e3: {  	v11 =	vld [tilespmem:s14+$0xC5A0];
	[tilespmem:s21+$0x69D0] =	vst v10;
	v3 =	vadd.f32 v3, v8  }
0x6e4: {  	s8 =	simm.s32 $0x4;
	v10 =	vld [tilespmem:s9+$0xC9E0];
	[tilespmem:s19+$0x7190] =	vst v5  }
0x6e5: {  	s17 =	sor.u32 $0x260, s8;
	v8 =	vld [tilespmem:s20+$0xD1A0];
	[tilespmem:s26+$0x75D0] =	vst v3  }
0x6e6: {  	s15 =	sand.u32 $0xFFFF, s17;
	v5 =	vld [tilespmem:s18+$0xD5E0]  }
0x6e7: {  	s16 =	smul.u32 $0x1A99, s15;
	v3 =	vld [tilespmem:s26+$0x15F0]  }
0x6e8: {  	s2 =	simm.s32 $0x800;
	s15 =	simm.s32 $0xA00;
	v11 =	vadd.f32 v11, v6;
	v6 =	vld [tilespmem:s19+$0x11B0]  }
.LBB2_11:
0x6e9: {  	p0 =	sne.s32 s15, $0xE00;
	s16 =	sshrl.u32 s16, $0x13;
	v9 =	vadd.f32 v10, v9;
	v10 =	vld [tilespmem:s21+$0x9F0]  }
0x6ea: {  	s16 =	smul.u32 $0x4D, s16;
	[tilespmem:s13+$0x65A0] =	vst v11;
	v11 =	vld [tilespmem:s13+$0x5B0];
	v7 =	vadd.f32 v8, v7  }
0x6eb: {  	v8 =	vld [tilespmem:s14+$0xC5B0];
	[tilespmem:s21+$0x69E0] =	vst v9;
	v4 =	vadd.f32 v5, v4  }
0x6ec: {  	s16 =	ssub.s32 s17, s16;
	v5 =	vld [tilespmem:s9+$0xC9F0];
	[tilespmem:s19+$0x71A0] =	vst v7  }
0x6ed: {  	s17 =	sand.u32 $0xFFF8, s16;
	v7 =	vld [tilespmem:s20+$0xD1B0];
	[tilespmem:s26+$0x75E0] =	vst v4  }
0x6ee: {  	s17 =	sshrl.u32 s17, $0x3;
	v4 =	vld [tilespmem:s18+$0xD5F0];
	s18 =	smov.u32 s20;
	s20 =	smov.u32 s9  }
0x6ef: {  	s9 =	smov.u32 s14;
	s17 =	smul.u32 $0x6000, s17;
	v9 =	vld [tilespmem:s19+$0x11C0]  }
0x6f0: {  	s14 =	sshll.u32 s16, $0x7;
	v8 =	vadd.f32 v8, v11;
	v11 =	vld [tilespmem:s21+$0xD80]  }
0x6f1: {  	s16 =	sshra.s32 s2, $0x2;
	s2 =	sand.u32 $0x380, s14;
	s14 =	sshrl.u32 s17, $0x2;
	v12 =	vld [tilespmem:s13+$0x5C0];
	v5 =	vadd.f32 v5, v10  }
0x6f2: {  	v10 =	vld [tilespmem:s16+$0x180];
	s14 =	sor.u32 s2, s14;
	[tilespmem:s13+$0x65B0] =	vst v8;
	v6 =	vadd.f32 v7, v6;
	s2 =	smov.u32 s15  }
0x6f3: {  	v7 =	vld [tilespmem:s14+$0xC180];
	[tilespmem:s21+$0x69F0] =	vst v5;
	v3 =	vadd.f32 v4, v3  }
0x6f4: {  	v4 =	vld [tilespmem:s9+$0xC5C0];
	[tilespmem:s19+$0x71B0] =	vst v6  }
0x6f5: {  	v5 =	vld [tilespmem:s20+$0xCD80];
	[tilespmem:s26+$0x75F0] =	vst v3;
	s26 =	smov.u32 s19;
	s19 =	smov.u32 s21;
	s21 =	smov.u32 s13  }
0x6f6: {  	s13 =	smov.u32 s16;
	v3 =	vld [tilespmem:s18+$0xD1C0]  }
0x6f7: {  	v6 =	vld [tilespmem:s26+$0x11D0]  }
0x6f8: {  	v7 =	vadd.f32 v7, v10;
	v8 =	vld [tilespmem:s19+$0xD90]  }
0x6f9: {  	v4 =	vadd.f32 v4, v12;
	v10 =	vld [tilespmem:s21+$0x5D0]  }
0x6fa: {  	[tilespmem:s13+$0x6180] =	vst v7;
	v7 =	vld [tilespmem:s13+$0x190];
	v5 =	vadd.f32 v5, v11  }
0x6fb: {  	v11 =	vld [tilespmem:s14+$0xC190];
	[tilespmem:s21+$0x65C0] =	vst v4;
	v3 =	vadd.f32 v3, v9  }
0x6fc: {  	v4 =	vld [tilespmem:s9+$0xC5D0];
	[tilespmem:s19+$0x6D80] =	vst v5  }
0x6fd: {  	v5 =	vld [tilespmem:s20+$0xCD90];
	[tilespmem:s26+$0x71C0] =	vst v3  }
0x6fe: {  	v3 =	vld [tilespmem:s18+$0xD1D0]  }
0x6ff: {  	v9 =	vld [tilespmem:s26+$0x11E0]  }
0x700: {  	v7 =	vadd.f32 v11, v7;
	v11 =	vld [tilespmem:s19+$0xDA0]  }
0x701: {  	v4 =	vadd.f32 v4, v10;
	v10 =	vld [tilespmem:s21+$0x5E0]  }
0x702: {  	[tilespmem:s13+$0x6190] =	vst v7;
	v7 =	vld [tilespmem:s13+$0x1A0];
	v5 =	vadd.f32 v5, v8  }
0x703: {  	v8 =	vld [tilespmem:s14+$0xC1A0];
	[tilespmem:s21+$0x65D0] =	vst v4;
	v3 =	vadd.f32 v3, v6  }
0x704: {  	v4 =	vld [tilespmem:s9+$0xC5E0];
	[tilespmem:s19+$0x6D90] =	vst v5  }
0x705: {  	v5 =	vld [tilespmem:s20+$0xCDA0];
	[tilespmem:s26+$0x71D0] =	vst v3  }
0x706: {  	v3 =	vld [tilespmem:s18+$0xD1E0]  }
0x707: {  	v6 =	vld [tilespmem:s26+$0x11F0]  }
0x708: {  	v7 =	vadd.f32 v8, v7;
	v8 =	vld [tilespmem:s19+$0xDB0]  }
0x709: {  	v4 =	vadd.f32 v4, v10;
	v10 =	vld [tilespmem:s21+$0x5F0]  }
0x70a: {  	[tilespmem:s13+$0x61A0] =	vst v7;
	v7 =	vld [tilespmem:s13+$0x1B0];
	v5 =	vadd.f32 v5, v11  }
0x70b: {  	v11 =	vld [tilespmem:s14+$0xC1B0];
	[tilespmem:s21+$0x65E0] =	vst v4;
	v3 =	vadd.f32 v3, v9  }
0x70c: {  	v4 =	vld [tilespmem:s9+$0xC5F0];
	[tilespmem:s19+$0x6DA0] =	vst v5  }
0x70d: {  	v5 =	vld [tilespmem:s20+$0xCDB0];
	[tilespmem:s26+$0x71E0] =	vst v3  }
0x70e: {  	v3 =	vld [tilespmem:s18+$0xD1F0]  }
0x70f: {  	v9 =	vld [tilespmem:s26+$0x1580]  }
0x710: {  	v7 =	vadd.f32 v11, v7;
	v11 =	vld [tilespmem:s19+$0xDC0]  }
0x711: {  	v4 =	vadd.f32 v4, v10;
	v10 =	vld [tilespmem:s21+$0x980]  }
0x712: {  	[tilespmem:s13+$0x61B0] =	vst v7;
	v7 =	vld [tilespmem:s13+$0x1C0];
	v5 =	vadd.f32 v5, v8  }
0x713: {  	v8 =	vld [tilespmem:s14+$0xC1C0];
	[tilespmem:s21+$0x65F0] =	vst v4;
	v3 =	vadd.f32 v3, v6  }
0x714: {  	v4 =	vld [tilespmem:s9+$0xC980];
	[tilespmem:s19+$0x6DB0] =	vst v5  }
0x715: {  	v5 =	vld [tilespmem:s20+$0xCDC0];
	[tilespmem:s26+$0x71F0] =	vst v3  }
0x716: {  	v3 =	vld [tilespmem:s18+$0xD580]  }
0x717: {  	v6 =	vld [tilespmem:s26+$0x1590]  }
0x718: {  	v7 =	vadd.f32 v8, v7;
	v8 =	vld [tilespmem:s19+$0xDD0]  }
0x719: {  	v4 =	vadd.f32 v4, v10;
	v10 =	vld [tilespmem:s21+$0x990]  }
0x71a: {  	[tilespmem:s13+$0x61C0] =	vst v7;
	v7 =	vld [tilespmem:s13+$0x1D0];
	v5 =	vadd.f32 v5, v11  }
0x71b: {  	v11 =	vld [tilespmem:s14+$0xC1D0];
	[tilespmem:s21+$0x6980] =	vst v4;
	v3 =	vadd.f32 v3, v9  }
0x71c: {  	v4 =	vld [tilespmem:s9+$0xC990];
	[tilespmem:s19+$0x6DC0] =	vst v5  }
0x71d: {  	v5 =	vld [tilespmem:s20+$0xCDD0];
	[tilespmem:s26+$0x7580] =	vst v3  }
0x71e: {  	v3 =	vld [tilespmem:s18+$0xD590]  }
0x71f: {  	v9 =	vld [tilespmem:s26+$0x15A0]  }
0x720: {  	v7 =	vadd.f32 v11, v7;
	v11 =	vld [tilespmem:s19+$0xDE0]  }
0x721: {  	v4 =	vadd.f32 v4, v10;
	v10 =	vld [tilespmem:s21+$0x9A0]  }
0x722: {  	[tilespmem:s13+$0x61D0] =	vst v7;
	v7 =	vld [tilespmem:s13+$0x1E0];
	v5 =	vadd.f32 v5, v8  }
0x723: {  	v8 =	vld [tilespmem:s14+$0xC1E0];
	[tilespmem:s21+$0x6990] =	vst v4;
	v3 =	vadd.f32 v3, v6  }
0x724: {  	v4 =	vld [tilespmem:s9+$0xC9A0];
	[tilespmem:s19+$0x6DD0] =	vst v5  }
0x725: {  	v5 =	vld [tilespmem:s20+$0xCDE0];
	[tilespmem:s26+$0x7590] =	vst v3  }
0x726: {  	v3 =	vld [tilespmem:s18+$0xD5A0]  }
0x727: {  	v6 =	vld [tilespmem:s26+$0x15B0]  }
0x728: {  	v7 =	vadd.f32 v8, v7;
	v8 =	vld [tilespmem:s19+$0xDF0]  }
0x729: {  	v4 =	vadd.f32 v4, v10;
	v10 =	vld [tilespmem:s21+$0x9B0]  }
0x72a: {  	[tilespmem:s13+$0x61E0] =	vst v7;
	v7 =	vld [tilespmem:s13+$0x1F0];
	v5 =	vadd.f32 v5, v11  }
0x72b: {  	v11 =	vld [tilespmem:s14+$0xC1F0];
	[tilespmem:s21+$0x69A0] =	vst v4;
	v3 =	vadd.f32 v3, v9  }
0x72c: {  	v4 =	vld [tilespmem:s9+$0xC9B0];
	[tilespmem:s19+$0x6DE0] =	vst v5  }
0x72d: {  	v5 =	vld [tilespmem:s20+$0xCDF0];
	[tilespmem:s26+$0x75A0] =	vst v3  }
0x72e: {  	v3 =	vld [tilespmem:s18+$0xD5B0]  }
0x72f: {  	v9 =	vld [tilespmem:s26+$0x15C0]  }
0x730: {  	v7 =	vadd.f32 v11, v7;
	v11 =	vld [tilespmem:s19+$0x1180]  }
0x731: {  	v4 =	vadd.f32 v4, v10;
	v10 =	vld [tilespmem:s21+$0x9C0]  }
0x732: {  	[tilespmem:s13+$0x61F0] =	vst v7;
	v7 =	vld [tilespmem:s13+$0x580];
	v5 =	vadd.f32 v5, v8  }
0x733: {  	v8 =	vld [tilespmem:s14+$0xC580];
	[tilespmem:s21+$0x69B0] =	vst v4;
	v3 =	vadd.f32 v3, v6  }
0x734: {  	v4 =	vld [tilespmem:s9+$0xC9C0];
	[tilespmem:s19+$0x6DF0] =	vst v5  }
0x735: {  	v5 =	vld [tilespmem:s20+$0xD180];
	[tilespmem:s26+$0x75B0] =	vst v3  }
0x736: {  	v3 =	vld [tilespmem:s18+$0xD5C0]  }
0x737: {  	v6 =	vld [tilespmem:s26+$0x15D0]  }
0x738: {  	v7 =	vadd.f32 v8, v7;
	v8 =	vld [tilespmem:s19+$0x1190]  }
0x739: {  	v4 =	vadd.f32 v4, v10;
	v10 =	vld [tilespmem:s21+$0x9D0]  }
0x73a: {  	[tilespmem:s13+$0x6580] =	vst v7;
	v7 =	vld [tilespmem:s13+$0x590];
	v5 =	vadd.f32 v5, v11  }
0x73b: {  	v11 =	vld [tilespmem:s14+$0xC590];
	[tilespmem:s21+$0x69C0] =	vst v4;
	v3 =	vadd.f32 v3, v9  }
0x73c: {  	v9 =	vld [tilespmem:s9+$0xC9D0];
	[tilespmem:s19+$0x7180] =	vst v5  }
0x73d: {  	v5 =	vld [tilespmem:s20+$0xD190];
	[tilespmem:s26+$0x75C0] =	vst v3  }
0x73e: {  	v3 =	vld [tilespmem:s18+$0xD5D0]  }
0x73f: {  	v4 =	vld [tilespmem:s26+$0x15E0]  }
0x740: {  	v11 =	vadd.f32 v11, v7;
	v7 =	vld [tilespmem:s19+$0x11A0]  }
0x741: {  	v10 =	vadd.f32 v9, v10;
	v9 =	vld [tilespmem:s21+$0x9E0]  }
0x742: {  	[tilespmem:s13+$0x6590] =	vst v11;
	v11 =	vld [tilespmem:s13+$0x5A0];
	v5 =	vadd.f32 v5, v8  }
0x743: {  	v12 =	vld [tilespmem:s14+$0xC5A0];
	[tilespmem:s21+$0x69D0] =	vst v10;
	v3 =	vadd.f32 v3, v6  }
.Ltmp7:
0x744: {  	s8 =	sadd.s32 $0x1, s8;
	v10 =	vld [tilespmem:s9+$0xC9E0];
	[tilespmem:s19+$0x7190] =	vst v5;
	(pc) =	sbr.rel @p0 .LBB2_11-.Ltmp7, $4  }
0x745: {  	s17 =	sor.u32 $0x260, s8;
	v8 =	vld [tilespmem:s20+$0xD1A0];
	[tilespmem:s26+$0x75D0] =	vst v3  }
0x746: {  	s16 =	sand.u32 $0xFFFF, s17;
	v5 =	vld [tilespmem:s18+$0xD5E0]  }
0x747: {  	s16 =	smul.u32 $0x1A99, s16;
	v3 =	vld [tilespmem:s26+$0x15F0]  }
0x748: {  	s15 =	sadd.s32 $0x200, s15;
	v11 =	vadd.f32 v12, v11;
	v6 =	vld [tilespmem:s19+$0x11B0]  }
0x749: {  	s8 =	sshrl.u32 s16, $0x13  }
0x74a: {  	s8 =	smul.u32 $0x4D, s8;
	_ =	sdelay $0x1  }
0x74b: {  	s8 =	ssub.s32 s17, s8  }
0x74c: {  	s15 =	sand.u32 $0xFFF8, s8  }
0x74d: {  	s15 =	sshrl.u32 s15, $0x3  }
0x74e: {  	s28 =	smul.u32 $0x6000, s15  }
0x74f: {  	s8 =	sshll.u32 s8, $0x7  }
0x750: {  	s31 =	sshra.s32 s2, $0x2;
	s8 =	sand.u32 $0x380, s8;
	s17 =	sshrl.u32 s28, $0x2  }
0x751: {  	v12 =	vld [tilespmem:s31+$0x180];
	s28 =	sor.u32 s8, s17  }
0x752: {  	v13 =	vld [tilespmem:s28+$0xC180];
	_ =	sdelay $0x4  }
0x753: {  	v12 =	vadd.f32 v13, v12;
	_ =	sdelay $0x1  }
0x754: {  	v37 =	vld [tilespmem:s31+$0x190];
	[tilespmem:s31+$0x6180] =	vst v12  }
0x755: {  	v38 =	vld [tilespmem:s28+$0xC190];
	_ =	sdelay $0x4  }
0x756: {  	v12 =	vadd.f32 v38, v37;
	_ =	sdelay $0x1  }
0x757: {  	v39 =	vld [tilespmem:s31+$0x1A0];
	[tilespmem:s31+$0x6190] =	vst v12  }
0x758: {  	v40 =	vld [tilespmem:s28+$0xC1A0];
	_ =	sdelay $0x4  }
0x759: {  	v12 =	vadd.f32 v40, v39;
	_ =	sdelay $0x1  }
0x75a: {  	v41 =	vld [tilespmem:s31+$0x1B0];
	[tilespmem:s31+$0x61A0] =	vst v12  }
0x75b: {  	v42 =	vld [tilespmem:s28+$0xC1B0];
	_ =	sdelay $0x4  }
0x75c: {  	v12 =	vadd.f32 v42, v41;
	_ =	sdelay $0x1  }
0x75d: {  	v43 =	vld [tilespmem:s31+$0x1C0];
	[tilespmem:s31+$0x61B0] =	vst v12  }
0x75e: {  	v44 =	vld [tilespmem:s28+$0xC1C0];
	_ =	sdelay $0x4  }
0x75f: {  	v12 =	vadd.f32 v44, v43;
	_ =	sdelay $0x1  }
0x760: {  	v45 =	vld [tilespmem:s31+$0x1D0];
	[tilespmem:s31+$0x61C0] =	vst v12  }
0x761: {  	v46 =	vld [tilespmem:s28+$0xC1D0];
	_ =	sdelay $0x4  }
0x762: {  	v12 =	vadd.f32 v46, v45;
	_ =	sdelay $0x1  }
0x763: {  	v47 =	vld [tilespmem:s31+$0x1E0];
	[tilespmem:s31+$0x61D0] =	vst v12  }
0x764: {  	v48 =	vld [tilespmem:s28+$0xC1E0];
	_ =	sdelay $0x4  }
0x765: {  	v12 =	vadd.f32 v48, v47;
	_ =	sdelay $0x1  }
0x766: {  	v49 =	vld [tilespmem:s31+$0x1F0];
	[tilespmem:s31+$0x61E0] =	vst v12  }
0x767: {  	v50 =	vld [tilespmem:s28+$0xC1F0];
	_ =	sdelay $0x4  }
0x768: {  	v12 =	vadd.f32 v50, v49;
	_ =	sdelay $0x1  }
0x769: {  	v51 =	vld [tilespmem:s31+$0x580];
	[tilespmem:s31+$0x61F0] =	vst v12  }
0x76a: {  	v52 =	vld [tilespmem:s28+$0xC580];
	_ =	sdelay $0x4  }
0x76b: {  	v12 =	vadd.f32 v52, v51;
	_ =	sdelay $0x1  }
0x76c: {  	v53 =	vld [tilespmem:s31+$0x590];
	[tilespmem:s31+$0x6580] =	vst v12  }
0x76d: {  	v54 =	vld [tilespmem:s28+$0xC590];
	_ =	sdelay $0x4  }
0x76e: {  	v12 =	vadd.f32 v54, v53;
	_ =	sdelay $0x1  }
0x76f: {  	v55 =	vld [tilespmem:s31+$0x5A0];
	[tilespmem:s31+$0x6590] =	vst v12  }
0x770: {  	v56 =	vld [tilespmem:s28+$0xC5A0];
	_ =	sdelay $0x4  }
0x771: {  	v57 =	vld [tilespmem:s13+$0x5B0];
	v12 =	vadd.f32 v56, v55  }
0x772: {  	[tilespmem:s13+$0x65A0] =	vst v11;
	v59 =	vld [tilespmem:s31+$0x5B0]  }
0x773: {  	v58 =	vld [tilespmem:s14+$0xC5B0];
	[tilespmem:s31+$0x65A0] =	vst v12  }
0x774: {  	v14 =	vld [tilespmem:s28+$0xC5B0];
	_ =	sdelay $0x3  }
0x775: {  	v11 =	vadd.f32 v58, v57  }
0x776: {  	v60 =	vld [tilespmem:s13+$0x5C0];
	v61 =	vadd.f32 v14, v59  }
0x777: {  	v63 =	vld [tilespmem:s31+$0x5C0];
	[tilespmem:s13+$0x65B0] =	vst v11  }
0x778: {  	v62 =	vld [tilespmem:s14+$0xC5C0];
	[tilespmem:s31+$0x65B0] =	vst v61  }
0x779: {  	v11 =	vld [tilespmem:s28+$0xC5C0];
	_ =	sdelay $0x3  }
0x77a: {  	v12 =	vadd.f32 v62, v60  }
0x77b: {  	v16 =	vld [tilespmem:s13+$0x5D0];
	v11 =	vadd.f32 v11, v63  }
0x77c: {  	v17 =	vld [tilespmem:s31+$0x5D0];
	[tilespmem:s13+$0x65C0] =	vst v12  }
0x77d: {  	v12 =	vld [tilespmem:s14+$0xC5D0];
	[tilespmem:s31+$0x65C0] =	vst v11  }
0x77e: {  	v11 =	vld [tilespmem:s28+$0xC5D0];
	_ =	sdelay $0x3  }
0x77f: {  	v12 =	vadd.f32 v12, v16  }
0x780: {  	v18 =	vld [tilespmem:s13+$0x5E0];
	v11 =	vadd.f32 v11, v17  }
0x781: {  	v19 =	vld [tilespmem:s31+$0x5E0];
	[tilespmem:s13+$0x65D0] =	vst v12  }
0x782: {  	v12 =	vld [tilespmem:s14+$0xC5E0];
	[tilespmem:s31+$0x65D0] =	vst v11  }
0x783: {  	v11 =	vld [tilespmem:s28+$0xC5E0];
	_ =	sdelay $0x3  }
0x784: {  	v12 =	vadd.f32 v12, v18  }
0x785: {  	v20 =	vld [tilespmem:s13+$0x5F0];
	v11 =	vadd.f32 v11, v19  }
0x786: {  	v21 =	vld [tilespmem:s31+$0x5F0];
	[tilespmem:s13+$0x65E0] =	vst v12  }
0x787: {  	v12 =	vld [tilespmem:s14+$0xC5F0];
	[tilespmem:s31+$0x65E0] =	vst v11  }
0x788: {  	v11 =	vld [tilespmem:s28+$0xC5F0];
	_ =	sdelay $0x3  }
0x789: {  	v12 =	vadd.f32 v12, v20  }
0x78a: {  	v22 =	vld [tilespmem:s13+$0x980];
	v11 =	vadd.f32 v11, v21  }
0x78b: {  	v23 =	vld [tilespmem:s31+$0x980];
	[tilespmem:s13+$0x65F0] =	vst v12  }
0x78c: {  	v12 =	vld [tilespmem:s14+$0xC980];
	[tilespmem:s31+$0x65F0] =	vst v11  }
0x78d: {  	v11 =	vld [tilespmem:s28+$0xC980];
	_ =	sdelay $0x3  }
0x78e: {  	v12 =	vadd.f32 v12, v22  }
0x78f: {  	v24 =	vld [tilespmem:s13+$0x990];
	v11 =	vadd.f32 v11, v23  }
0x790: {  	v25 =	vld [tilespmem:s31+$0x990];
	[tilespmem:s13+$0x6980] =	vst v12  }
0x791: {  	v12 =	vld [tilespmem:s14+$0xC990];
	[tilespmem:s31+$0x6980] =	vst v11  }
0x792: {  	v11 =	vld [tilespmem:s28+$0xC990];
	_ =	sdelay $0x3  }
0x793: {  	v12 =	vadd.f32 v12, v24  }
0x794: {  	v26 =	vld [tilespmem:s13+$0x9A0];
	v11 =	vadd.f32 v11, v25  }
0x795: {  	v27 =	vld [tilespmem:s31+$0x9A0];
	[tilespmem:s13+$0x6990] =	vst v12  }
0x796: {  	v12 =	vld [tilespmem:s14+$0xC9A0];
	[tilespmem:s31+$0x6990] =	vst v11  }
0x797: {  	v11 =	vld [tilespmem:s28+$0xC9A0];
	_ =	sdelay $0x3  }
0x798: {  	v12 =	vadd.f32 v12, v26  }
0x799: {  	v28 =	vld [tilespmem:s13+$0x9B0];
	v11 =	vadd.f32 v11, v27  }
0x79a: {  	v29 =	vld [tilespmem:s31+$0x9B0];
	[tilespmem:s13+$0x69A0] =	vst v12  }
0x79b: {  	v12 =	vld [tilespmem:s14+$0xC9B0];
	[tilespmem:s31+$0x69A0] =	vst v11  }
0x79c: {  	v11 =	vld [tilespmem:s28+$0xC9B0];
	_ =	sdelay $0x3  }
0x79d: {  	v12 =	vadd.f32 v12, v28  }
0x79e: {  	v30 =	vld [tilespmem:s13+$0x9C0];
	v11 =	vadd.f32 v11, v29  }
0x79f: {  	v31 =	vld [tilespmem:s31+$0x9C0];
	[tilespmem:s13+$0x69B0] =	vst v12  }
0x7a0: {  	v12 =	vld [tilespmem:s14+$0xC9C0];
	[tilespmem:s31+$0x69B0] =	vst v11  }
0x7a1: {  	v11 =	vld [tilespmem:s28+$0xC9C0];
	_ =	sdelay $0x3  }
0x7a2: {  	v12 =	vadd.f32 v12, v30  }
0x7a3: {  	v32 =	vld [tilespmem:s13+$0x9D0];
	v11 =	vadd.f32 v11, v31  }
0x7a4: {  	v33 =	vld [tilespmem:s31+$0x9D0];
	[tilespmem:s13+$0x69C0] =	vst v12  }
0x7a5: {  	v12 =	vld [tilespmem:s14+$0xC9D0];
	[tilespmem:s31+$0x69C0] =	vst v11  }
0x7a6: {  	v11 =	vld [tilespmem:s28+$0xC9D0];
	_ =	sdelay $0x3  }
0x7a7: {  	v12 =	vadd.f32 v12, v32  }
0x7a8: {  	v34 =	vld [tilespmem:s13+$0x9E0];
	v11 =	vadd.f32 v11, v33  }
0x7a9: {  	v35 =	vld [tilespmem:s31+$0x9E0];
	[tilespmem:s13+$0x69D0] =	vst v12  }
0x7aa: {  	v12 =	vld [tilespmem:s14+$0xC9E0];
	[tilespmem:s31+$0x69D0] =	vst v11  }
0x7ab: {  	v11 =	vld [tilespmem:s28+$0xC9E0];
	_ =	sdelay $0x1  }
0x7ac: {  	v9 =	vadd.f32 v10, v9  }
0x7ad: {  	v36 =	vld [tilespmem:s21+$0x9F0]  }
0x7ae: {  	[tilespmem:s21+$0x69E0] =	vst v9;
	v37 =	vld [tilespmem:s13+$0x9F0];
	v12 =	vadd.f32 v12, v34  }
0x7af: {  	v38 =	vld [tilespmem:s9+$0xC9F0];
	v11 =	vadd.f32 v11, v35  }
0x7b0: {  	v39 =	vld [tilespmem:s31+$0x9F0];
	[tilespmem:s13+$0x69E0] =	vst v12  }
0x7b1: {  	v12 =	vld [tilespmem:s14+$0xC9F0];
	[tilespmem:s31+$0x69E0] =	vst v11  }
0x7b2: {  	v11 =	vld [tilespmem:s28+$0xC9F0];
	_ =	sdelay $0x1  }
0x7b3: {  	v10 =	vadd.f32 v38, v36  }
0x7b4: {  	v40 =	vld [tilespmem:s21+$0xD80]  }
0x7b5: {  	[tilespmem:s21+$0x69F0] =	vst v10;
	v41 =	vld [tilespmem:s13+$0xD80];
	v9 =	vadd.f32 v12, v37  }
0x7b6: {  	v42 =	vld [tilespmem:s9+$0xCD80];
	v43 =	vadd.f32 v11, v39  }
0x7b7: {  	v45 =	vld [tilespmem:s31+$0xD80];
	[tilespmem:s13+$0x69F0] =	vst v9  }
0x7b8: {  	v44 =	vld [tilespmem:s14+$0xCD80];
	[tilespmem:s31+$0x69F0] =	vst v43  }
0x7b9: {  	v9 =	vld [tilespmem:s28+$0xCD80];
	_ =	sdelay $0x1  }
0x7ba: {  	v12 =	vadd.f32 v42, v40  }
0x7bb: {  	v46 =	vld [tilespmem:s21+$0xD90]  }
0x7bc: {  	v47 =	vld [tilespmem:s13+$0xD90];
	[tilespmem:s21+$0x6D80] =	vst v12;
	v10 =	vadd.f32 v44, v41  }
0x7bd: {  	v12 =	vld [tilespmem:s9+$0xCD90];
	v9 =	vadd.f32 v9, v45  }
0x7be: {  	v48 =	vld [tilespmem:s31+$0xD90];
	[tilespmem:s13+$0x6D80] =	vst v10  }
0x7bf: {  	v10 =	vld [tilespmem:s14+$0xCD90];
	[tilespmem:s31+$0x6D80] =	vst v9  }
0x7c0: {  	v9 =	vld [tilespmem:s28+$0xCD90];
	_ =	sdelay $0x1  }
0x7c1: {  	v12 =	vadd.f32 v12, v46  }
0x7c2: {  	v49 =	vld [tilespmem:s21+$0xDA0]  }
0x7c3: {  	v50 =	vld [tilespmem:s13+$0xDA0];
	[tilespmem:s21+$0x6D90] =	vst v12;
	v10 =	vadd.f32 v10, v47  }
0x7c4: {  	v12 =	vld [tilespmem:s9+$0xCDA0];
	v9 =	vadd.f32 v9, v48  }
0x7c5: {  	v51 =	vld [tilespmem:s31+$0xDA0];
	[tilespmem:s13+$0x6D90] =	vst v10  }
0x7c6: {  	v10 =	vld [tilespmem:s14+$0xCDA0];
	[tilespmem:s31+$0x6D90] =	vst v9  }
0x7c7: {  	v9 =	vld [tilespmem:s28+$0xCDA0];
	_ =	sdelay $0x1  }
0x7c8: {  	v12 =	vadd.f32 v12, v49  }
0x7c9: {  	v52 =	vld [tilespmem:s21+$0xDB0]  }
0x7ca: {  	v53 =	vld [tilespmem:s13+$0xDB0];
	[tilespmem:s21+$0x6DA0] =	vst v12;
	v10 =	vadd.f32 v10, v50  }
0x7cb: {  	v12 =	vld [tilespmem:s9+$0xCDB0];
	v9 =	vadd.f32 v9, v51  }
0x7cc: {  	v54 =	vld [tilespmem:s31+$0xDB0];
	[tilespmem:s13+$0x6DA0] =	vst v10  }
0x7cd: {  	v10 =	vld [tilespmem:s14+$0xCDB0];
	[tilespmem:s31+$0x6DA0] =	vst v9  }
0x7ce: {  	v9 =	vld [tilespmem:s28+$0xCDB0];
	_ =	sdelay $0x1  }
0x7cf: {  	v12 =	vadd.f32 v12, v52  }
0x7d0: {  	v57 =	vld [tilespmem:s31+$0xDC0]  }
0x7d1: {  	v55 =	vld [tilespmem:s21+$0xDC0];
	[tilespmem:s21+$0x6DB0] =	vst v12;
	v10 =	vadd.f32 v10, v53  }
0x7d2: {  	v12 =	vld [tilespmem:s9+$0xCDC0];
	v9 =	vadd.f32 v9, v54  }
0x7d3: {  	v56 =	vld [tilespmem:s13+$0xDC0];
	[tilespmem:s13+$0x6DB0] =	vst v10  }
0x7d4: {  	v10 =	vld [tilespmem:s14+$0xCDC0];
	[tilespmem:s31+$0x6DB0] =	vst v9  }
0x7d5: {  	v9 =	vld [tilespmem:s28+$0xCDC0];
	_ =	sdelay $0x1  }
0x7d6: {  	v12 =	vadd.f32 v12, v55  }
0x7d7: {  	v58 =	vld [tilespmem:s21+$0xDD0]  }
0x7d8: {  	v60 =	vld [tilespmem:s31+$0xDD0];
	[tilespmem:s21+$0x6DC0] =	vst v12;
	v10 =	vadd.f32 v10, v56  }
0x7d9: {  	v12 =	vld [tilespmem:s9+$0xCDD0];
	v9 =	vadd.f32 v9, v57  }
0x7da: {  	v59 =	vld [tilespmem:s13+$0xDD0];
	[tilespmem:s13+$0x6DC0] =	vst v10  }
0x7db: {  	v10 =	vld [tilespmem:s14+$0xCDD0];
	[tilespmem:s31+$0x6DC0] =	vst v9  }
0x7dc: {  	v9 =	vld [tilespmem:s28+$0xCDD0];
	_ =	sdelay $0x1  }
0x7dd: {  	v12 =	vadd.f32 v12, v58  }
0x7de: {  	v62 =	vld [tilespmem:s13+$0xDE0]  }
0x7df: {  	v61 =	vld [tilespmem:s21+$0xDE0];
	[tilespmem:s21+$0x6DD0] =	vst v12;
	v10 =	vadd.f32 v10, v59  }
0x7e0: {  	v12 =	vld [tilespmem:s9+$0xCDE0];
	v9 =	vadd.f32 v9, v60  }
0x7e1: {  	v63 =	vld [tilespmem:s31+$0xDE0];
	[tilespmem:s13+$0x6DD0] =	vst v10  }
0x7e2: {  	v10 =	vld [tilespmem:s14+$0xCDE0];
	[tilespmem:s31+$0x6DD0] =	vst v9  }
0x7e3: {  	v9 =	vld [tilespmem:s28+$0xCDE0];
	_ =	sdelay $0x1  }
0x7e4: {  	v12 =	vadd.f32 v12, v61  }
0x7e5: {  	v16 =	vld [tilespmem:s21+$0xDF0]  }
0x7e6: {  	v18 =	vld [tilespmem:s31+$0xDF0];
	[tilespmem:s21+$0x6DE0] =	vst v12;
	v10 =	vadd.f32 v10, v62  }
0x7e7: {  	v12 =	vld [tilespmem:s9+$0xCDF0];
	v9 =	vadd.f32 v9, v63  }
0x7e8: {  	v17 =	vld [tilespmem:s13+$0xDF0];
	[tilespmem:s13+$0x6DE0] =	vst v10  }
0x7e9: {  	v10 =	vld [tilespmem:s14+$0xCDF0];
	[tilespmem:s31+$0x6DE0] =	vst v9  }
0x7ea: {  	v9 =	vld [tilespmem:s28+$0xCDF0];
	_ =	sdelay $0x1  }
0x7eb: {  	v12 =	vadd.f32 v12, v16  }
0x7ec: {  	v20 =	vld [tilespmem:s13+$0x1180]  }
0x7ed: {  	v19 =	vld [tilespmem:s21+$0x1180];
	[tilespmem:s21+$0x6DF0] =	vst v12;
	v10 =	vadd.f32 v10, v17  }
0x7ee: {  	v12 =	vld [tilespmem:s9+$0xD180];
	v9 =	vadd.f32 v9, v18  }
0x7ef: {  	v21 =	vld [tilespmem:s31+$0x1180];
	[tilespmem:s13+$0x6DF0] =	vst v10  }
0x7f0: {  	v10 =	vld [tilespmem:s14+$0xD180];
	[tilespmem:s31+$0x6DF0] =	vst v9  }
0x7f1: {  	v9 =	vld [tilespmem:s28+$0xD180];
	_ =	sdelay $0x1  }
0x7f2: {  	v12 =	vadd.f32 v12, v19  }
0x7f3: {  	v22 =	vld [tilespmem:s21+$0x1190]  }
0x7f4: {  	v24 =	vld [tilespmem:s31+$0x1190];
	[tilespmem:s21+$0x7180] =	vst v12;
	v10 =	vadd.f32 v10, v20  }
0x7f5: {  	v12 =	vld [tilespmem:s9+$0xD190];
	v9 =	vadd.f32 v9, v21  }
0x7f6: {  	v23 =	vld [tilespmem:s13+$0x1190];
	[tilespmem:s13+$0x7180] =	vst v10  }
0x7f7: {  	v10 =	vld [tilespmem:s14+$0xD190];
	[tilespmem:s31+$0x7180] =	vst v9  }
0x7f8: {  	v9 =	vld [tilespmem:s28+$0xD190];
	_ =	sdelay $0x1  }
0x7f9: {  	v12 =	vadd.f32 v12, v22  }
0x7fa: {  	v26 =	vld [tilespmem:s13+$0x11A0]  }
0x7fb: {  	v25 =	vld [tilespmem:s21+$0x11A0];
	[tilespmem:s21+$0x7190] =	vst v12;
	v10 =	vadd.f32 v10, v23  }
0x7fc: {  	v27 =	vld [tilespmem:s9+$0xD1A0];
	v9 =	vadd.f32 v9, v24  }
0x7fd: {  	v29 =	vld [tilespmem:s31+$0x11A0];
	[tilespmem:s13+$0x7190] =	vst v10  }
0x7fe: {  	v7 =	vadd.f32 v8, v7;
	v28 =	vld [tilespmem:s14+$0xD1A0];
	[tilespmem:s31+$0x7190] =	vst v9  }
0x7ff: {  	v30 =	vld [tilespmem:s28+$0xD1A0]  }
0x800: {  	[tilespmem:s19+$0x71A0] =	vst v7;
	v32 =	vld [tilespmem:s19+$0x11C0]  }
0x801: {  	v31 =	vld [tilespmem:s20+$0xD1B0];
	v10 =	vadd.f32 v27, v25  }
0x802: {  	v34 =	vld [tilespmem:s13+$0x11B0]  }
0x803: {  	v33 =	vld [tilespmem:s21+$0x11B0];
	[tilespmem:s21+$0x71A0] =	vst v10;
	v8 =	vadd.f32 v28, v26  }
0x804: {  	v35 =	vld [tilespmem:s9+$0xD1B0];
	v7 =	vadd.f32 v30, v29  }
0x805: {  	v37 =	vld [tilespmem:s31+$0x11B0];
	[tilespmem:s13+$0x71A0] =	vst v8  }
0x806: {  	v36 =	vld [tilespmem:s14+$0xD1B0];
	[tilespmem:s31+$0x71A0] =	vst v7  }
0x807: {  	v38 =	vld [tilespmem:s28+$0xD1B0]  }
0x808: {  	v6 =	vadd.f32 v31, v6;
	v40 =	vld [tilespmem:s19+$0x11D0]  }
0x809: {  	v42 =	vld [tilespmem:s13+$0x11C0];
	v8 =	vadd.f32 v35, v33  }
0x80a: {  	[tilespmem:s19+$0x71B0] =	vst v6;
	v41 =	vld [tilespmem:s21+$0x11C0]  }
0x80b: {  	v39 =	vld [tilespmem:s20+$0xD1C0];
	[tilespmem:s21+$0x71B0] =	vst v8;
	v9 =	vadd.f32 v36, v34  }
0x80c: {  	v43 =	vld [tilespmem:s9+$0xD1C0];
	v6 =	vadd.f32 v38, v37  }
0x80d: {  	v45 =	vld [tilespmem:s31+$0x11C0];
	[tilespmem:s13+$0x71B0] =	vst v9  }
0x80e: {  	v44 =	vld [tilespmem:s14+$0xD1C0];
	[tilespmem:s31+$0x71B0] =	vst v6  }
0x80f: {  	v6 =	vld [tilespmem:s28+$0xD1C0]  }
0x810: {  	v46 =	vld [tilespmem:s19+$0x11E0]  }
0x811: {  	v47 =	vld [tilespmem:s21+$0x11D0];
	v9 =	vadd.f32 v43, v41  }
0x812: {  	v48 =	vld [tilespmem:s13+$0x11D0];
	v7 =	vadd.f32 v39, v32  }
0x813: {  	v51 =	vld [tilespmem:s31+$0x11D0];
	[tilespmem:s21+$0x71C0] =	vst v9;
	v8 =	vadd.f32 v44, v42  }
0x814: {  	v49 =	vld [tilespmem:s9+$0xD1D0];
	[tilespmem:s19+$0x71C0] =	vst v7;
	v6 =	vadd.f32 v6, v45  }
0x815: {  	[tilespmem:s13+$0x71C0] =	vst v8;
	v7 =	vld [tilespmem:s20+$0xD1D0]  }
0x816: {  	v50 =	vld [tilespmem:s14+$0xD1D0];
	[tilespmem:s31+$0x71C0] =	vst v6  }
0x817: {  	v6 =	vld [tilespmem:s28+$0xD1D0]  }
0x818: {  	v52 =	vld [tilespmem:s19+$0x11F0]  }
0x819: {  	v53 =	vld [tilespmem:s21+$0x11E0];
	v8 =	vadd.f32 v49, v47  }
0x81a: {  	v54 =	vld [tilespmem:s13+$0x11E0];
	v7 =	vadd.f32 v7, v40  }
0x81b: {  	v57 =	vld [tilespmem:s31+$0x11E0];
	[tilespmem:s21+$0x71D0] =	vst v8;
	v9 =	vadd.f32 v50, v48  }
0x81c: {  	v55 =	vld [tilespmem:s9+$0xD1E0];
	[tilespmem:s19+$0x71D0] =	vst v7;
	v6 =	vadd.f32 v6, v51  }
0x81d: {  	[tilespmem:s13+$0x71D0] =	vst v9;
	v7 =	vld [tilespmem:s20+$0xD1E0]  }
0x81e: {  	v56 =	vld [tilespmem:s14+$0xD1E0];
	[tilespmem:s31+$0x71D0] =	vst v6  }
0x81f: {  	v6 =	vld [tilespmem:s28+$0xD1E0]  }
0x820: {  	v58 =	vld [tilespmem:s19+$0x1580]  }
0x821: {  	v59 =	vld [tilespmem:s21+$0x11F0];
	v9 =	vadd.f32 v55, v53  }
0x822: {  	v60 =	vld [tilespmem:s13+$0x11F0];
	v7 =	vadd.f32 v7, v46  }
0x823: {  	v63 =	vld [tilespmem:s31+$0x11F0];
	[tilespmem:s21+$0x71E0] =	vst v9;
	v8 =	vadd.f32 v56, v54  }
0x824: {  	v61 =	vld [tilespmem:s9+$0xD1F0];
	[tilespmem:s19+$0x71E0] =	vst v7;
	v6 =	vadd.f32 v6, v57  }
0x825: {  	[tilespmem:s13+$0x71E0] =	vst v8;
	v7 =	vld [tilespmem:s20+$0xD1F0]  }
0x826: {  	v62 =	vld [tilespmem:s14+$0xD1F0];
	[tilespmem:s31+$0x71E0] =	vst v6  }
0x827: {  	v6 =	vld [tilespmem:s28+$0xD1F0]  }
0x828: {  	v16 =	vld [tilespmem:s19+$0x1590]  }
0x829: {  	v17 =	vld [tilespmem:s21+$0x1580];
	v8 =	vadd.f32 v61, v59  }
0x82a: {  	v18 =	vld [tilespmem:s13+$0x1580];
	v7 =	vadd.f32 v7, v52  }
0x82b: {  	v21 =	vld [tilespmem:s31+$0x1580];
	[tilespmem:s21+$0x71F0] =	vst v8;
	v9 =	vadd.f32 v62, v60  }
0x82c: {  	v19 =	vld [tilespmem:s9+$0xD580];
	[tilespmem:s19+$0x71F0] =	vst v7;
	v6 =	vadd.f32 v6, v63  }
0x82d: {  	[tilespmem:s13+$0x71F0] =	vst v9;
	v7 =	vld [tilespmem:s20+$0xD580]  }
0x82e: {  	v20 =	vld [tilespmem:s14+$0xD580];
	[tilespmem:s31+$0x71F0] =	vst v6  }
0x82f: {  	v6 =	vld [tilespmem:s28+$0xD580]  }
0x830: {  	v22 =	vld [tilespmem:s19+$0x15A0]  }
0x831: {  	v23 =	vld [tilespmem:s21+$0x1590];
	v9 =	vadd.f32 v19, v17  }
0x832: {  	v27 =	vld [tilespmem:s31+$0x1590];
	v7 =	vadd.f32 v7, v58  }
0x833: {  	v24 =	vld [tilespmem:s13+$0x1590];
	[tilespmem:s21+$0x7580] =	vst v9;
	v8 =	vadd.f32 v20, v18  }
0x834: {  	v25 =	vld [tilespmem:s9+$0xD590];
	[tilespmem:s19+$0x7580] =	vst v7;
	v6 =	vadd.f32 v6, v21  }
0x835: {  	[tilespmem:s13+$0x7580] =	vst v8;
	v7 =	vld [tilespmem:s20+$0xD590]  }
0x836: {  	v26 =	vld [tilespmem:s14+$0xD590];
	[tilespmem:s31+$0x7580] =	vst v6  }
0x837: {  	v6 =	vld [tilespmem:s28+$0xD590]  }
0x838: {  	v28 =	vld [tilespmem:s19+$0x15B0]  }
0x839: {  	v33 =	vld [tilespmem:s31+$0x15A0];
	v8 =	vadd.f32 v25, v23  }
0x83a: {  	v29 =	vld [tilespmem:s21+$0x15A0];
	v7 =	vadd.f32 v7, v16  }
0x83b: {  	v30 =	vld [tilespmem:s13+$0x15A0];
	[tilespmem:s21+$0x7590] =	vst v8;
	v9 =	vadd.f32 v26, v24  }
0x83c: {  	v31 =	vld [tilespmem:s9+$0xD5A0];
	[tilespmem:s19+$0x7590] =	vst v7;
	v6 =	vadd.f32 v6, v27  }
0x83d: {  	[tilespmem:s13+$0x7590] =	vst v9;
	v7 =	vld [tilespmem:s20+$0xD5A0]  }
0x83e: {  	v32 =	vld [tilespmem:s14+$0xD5A0];
	[tilespmem:s31+$0x7590] =	vst v6  }
0x83f: {  	v6 =	vld [tilespmem:s28+$0xD5A0]  }
0x840: {  	v35 =	vld [tilespmem:s21+$0x15B0]  }
0x841: {  	v34 =	vld [tilespmem:s19+$0x15C0];
	v9 =	vadd.f32 v31, v29  }
0x842: {  	v36 =	vld [tilespmem:s13+$0x15B0];
	v7 =	vadd.f32 v7, v22  }
0x843: {  	v39 =	vld [tilespmem:s31+$0x15B0];
	[tilespmem:s21+$0x75A0] =	vst v9;
	v8 =	vadd.f32 v32, v30  }
0x844: {  	v37 =	vld [tilespmem:s9+$0xD5B0];
	[tilespmem:s19+$0x75A0] =	vst v7;
	v6 =	vadd.f32 v6, v33  }
0x845: {  	[tilespmem:s13+$0x75A0] =	vst v8;
	v7 =	vld [tilespmem:s20+$0xD5B0]  }
0x846: {  	v38 =	vld [tilespmem:s14+$0xD5B0];
	[tilespmem:s31+$0x75A0] =	vst v6  }
0x847: {  	v6 =	vld [tilespmem:s28+$0xD5B0]  }
0x848: {  	v41 =	vld [tilespmem:s21+$0x15C0]  }
0x849: {  	v42 =	vld [tilespmem:s13+$0x15C0];
	v8 =	vadd.f32 v37, v35  }
0x84a: {  	v47 =	vld [tilespmem:s21+$0x15D0];
	v7 =	vadd.f32 v7, v28  }
0x84b: {  	v45 =	vld [tilespmem:s31+$0x15C0];
	[tilespmem:s21+$0x75B0] =	vst v8;
	v9 =	vadd.f32 v38, v36  }
0x84c: {  	v43 =	vld [tilespmem:s9+$0xD5C0];
	[tilespmem:s19+$0x75B0] =	vst v7;
	v6 =	vadd.f32 v6, v39  }
0x84d: {  	[tilespmem:s13+$0x75B0] =	vst v9;
	v7 =	vld [tilespmem:s20+$0xD5C0]  }
0x84e: {  	v44 =	vld [tilespmem:s14+$0xD5C0];
	[tilespmem:s31+$0x75B0] =	vst v6  }
0x84f: {  	v6 =	vld [tilespmem:s28+$0xD5C0]  }
0x850: {  	v40 =	vld [tilespmem:s19+$0x15D0]  }
0x851: {  	v48 =	vld [tilespmem:s13+$0x15D0];
	v9 =	vadd.f32 v43, v41  }
0x852: {  	v53 =	vld [tilespmem:s21+$0x15E0];
	v7 =	vadd.f32 v7, v34  }
0x853: {  	v51 =	vld [tilespmem:s31+$0x15D0];
	[tilespmem:s21+$0x75C0] =	vst v9;
	v8 =	vadd.f32 v44, v42  }
0x854: {  	v49 =	vld [tilespmem:s9+$0xD5D0];
	[tilespmem:s19+$0x75C0] =	vst v7;
	v6 =	vadd.f32 v6, v45  }
0x855: {  	[tilespmem:s13+$0x75C0] =	vst v8;
	v7 =	vld [tilespmem:s20+$0xD5D0]  }
0x856: {  	v50 =	vld [tilespmem:s14+$0xD5D0];
	[tilespmem:s31+$0x75C0] =	vst v6  }
0x857: {  	v4 =	vadd.f32 v5, v4;
	v6 =	vld [tilespmem:s28+$0xD5D0]  }
0x858: {  	v46 =	vld [tilespmem:s19+$0x15E0]  }
0x859: {  	[tilespmem:s26+$0x75E0] =	vst v4;
	v54 =	vld [tilespmem:s13+$0x15E0];
	v8 =	vadd.f32 v49, v47  }
0x85a: {  	v59 =	vld [tilespmem:s18+$0xD5F0];
	v7 =	vadd.f32 v7, v40  }
0x85b: {  	v57 =	vld [tilespmem:s31+$0x15E0];
	[tilespmem:s21+$0x75D0] =	vst v8;
	v9 =	vadd.f32 v50, v48  }
0x85c: {  	v55 =	vld [tilespmem:s9+$0xD5E0];
	[tilespmem:s19+$0x75D0] =	vst v7;
	v6 =	vadd.f32 v6, v51  }
0x85d: {  	[tilespmem:s13+$0x75D0] =	vst v9;
	v7 =	vld [tilespmem:s20+$0xD5E0]  }
0x85e: {  	v56 =	vld [tilespmem:s14+$0xD5E0];
	[tilespmem:s31+$0x75D0] =	vst v6  }
0x85f: {  	v58 =	vld [tilespmem:s28+$0xD5E0]  }
0x860: {  	v61 =	vld [tilespmem:s13+$0x15F0]  }
0x861: {  	v52 =	vld [tilespmem:s19+$0x15F0];
	v9 =	vadd.f32 v55, v53  }
0x862: {  	v60 =	vld [tilespmem:s21+$0x15F0];
	v7 =	vadd.f32 v7, v46  }
0x863: {  	v62 =	vld [tilespmem:s31+$0x15F0];
	[tilespmem:s21+$0x75E0] =	vst v9;
	v5 =	vadd.f32 v56, v54  }
0x864: {  	v9 =	vld [tilespmem:s9+$0xD5F0];
	[tilespmem:s19+$0x75E0] =	vst v7;
	v4 =	vadd.f32 v58, v57  }
0x865: {  	[tilespmem:s13+$0x75E0] =	vst v5;
	v7 =	vld [tilespmem:s20+$0xD5F0]  }
0x866: {  	v5 =	vld [tilespmem:s14+$0xD5F0];
	[tilespmem:s31+$0x75E0] =	vst v4  }
0x867: {  	v3 =	vadd.f32 v59, v3;
	v4 =	vld [tilespmem:s28+$0xD5F0];
	_ =	sdelay $0x1  }
0x868: {  	[tilespmem:s26+$0x75F0] =	vst v3;
	v3 =	vadd.f32 v9, v60  }
0x869: {  	v63 =	vadd.f32 v7, v52  }
0x86a: {  	[tilespmem:s21+$0x75F0] =	vst v3;
	v5 =	vadd.f32 v5, v61  }
0x86b: {  	[tilespmem:s19+$0x75F0] =	vst v63;
	v3 =	vadd.f32 v4, v62  }
0x86c: {  	[tilespmem:s13+$0x75F0] =	vst v5  }
0x86d: {  	[tilespmem:s31+$0x75F0] =	vst v3  }
0x86e: {  	s26 =	simm.s32 $0x6180;
	s21 =	rddreg [dreg:$0x8]  }
0x86f: {  	[hbm4b:s21+s5] =	stream.linear.scatter [tilespmem:s26], [sflag:$0x3], $0x1800, $0x38;
	[tilespmem:$0x1B180] =	vst v63  }
0x870: {  	_ =	swait.ge [sflag:s3], $0x3000  }
0x871: {  	[sflag:s3] =	ssyncset.done $0x0  }
0x872: {  	[sflag:s3] =	ssyncadd.s32 $0xFFFFD000  }
0x873: {  	_ =	swait.ge [sflag:s23], $0x1800  }
0x874: {  	s28 =	rddreg [dreg:$0xa]  }
0x875: {  	s31 =	rddreg [dreg:$0x9];
	s8 =	sadd.s32 $0x1, s28  }
0x876: {  	p0 =	sne.s32 s8, s31  }
.Ltmp8:
0x877: {  	_ = 	snop;
	(pc) =	sbr.rel @p0 .LBB2_1-.Ltmp8, $3  }
0x878: {  	_ =	sdelay $0x1  }
0x879: {  	[sflag:s23] =	ssyncset.done $0x0  }
0x87a: {  	[sflag:s23] =	ssyncadd.s32 $0xFFFFE800  }
0x87b: {  	_ =	sfence.sel $0x180000  }
0x87c: {  	[bflag:$0x0] =	sbarrier.arrive $0xFFFF  }
0x87d: {  	_ =	strace $0x90000047  }
0x87e: {  	s0 =	stileid.u32;
	[bflag:$0x2] =	sbarrier.arrive $0xFFFF  }
0x87f: {  	p0 =	sne.s32 s0, $0x0;
	s0 =	rddreg [dreg:$0x4]  }
0x880: {  	s0 =	sadd.s32 @!p0 $0x100000, s0  }
0x881: {  	[sflag:s0] =	ssyncadd.tile.s32 @!p0 $0x1;
	_ =	shalt  }
.Lfunc_end2:
_tile_overlayer_lowered:
.L_overlay_start_2:
0x882: {  	(tag) =	ssettag $0x2  }
0x883: {  	s0 =	rddreg [dreg:$0x0];
	s2 =	stileid.u32  }
0x884: {  	s1 =	rddreg [dreg:$0x1];
	p0 =	sne.s32 s2, $0x0  }
0x885: {  	s3 =	rddreg [dreg:$0x2];
	[bflag:$0x3] =	sbarrier.arrive $0xFFFF;
	s2 =	simm.s32 @!p0 $0x1C08  }
0x886: {  	[timem:s3], [sflag:s2] =	dma.local @!p0 [hbm:s0], s1  }
0x887: {  	s0 =	simm.s32 @!p0 $0x8  }
0x888: {  	_ =	swait.ge @!p0 [sflag:s0], s1  }
0x889: {  	s1 =	ssub.s32 @!p0 $0x0, s1;
	[sflag:s0] =	ssyncset.done @!p0 $0x0  }
0x88a: {  	[sflag:s0] =	ssyncadd.s32 @!p0 s1  }
0x88b: {  	[bflag:$0x3] =	sbarrier.arrive $0xFFFF  }
0x88c: {  	_ =	shalt  }

// kernel: sparse-core-data-format-call.cloned.1.call-start
scs
called_computation_lowered:
.L_overlay_start_0:
0x0: {  	s2 =	sld [smem:$0x3FD9]  }
0x1: {  	s3 =	sld [smem:$0x3FFE];
	_ =	sdelay $0x1  }
0x2: {  	s1 =	srdreg.scid  }
0x3: {  	s0 =	sand.u32 $0x1, s1  }
0x4: {  	s18 =	sshll.u32 s0, $0xA;
	s2 =	sadd.s32 s3, s2  }
0x5: {  	s2 =	sadd.s32 s2, s18  }
0x6: {  	[smem:$0x3FC5] =	sst s2  }
0x7: {  	_ = 	snop  }
0x8: {  	s2 =	sld [smem:$0x3FD0];
	(tm) =	ssettm $0x1  }
0x9: {  	s19 =	sld [smem:$0x3FFB];
	_ =	sdelay $0x3  }
0xa: {  	_ =	strace s19  }
0xb: {  	s3 =	sld [smem:$0x3FFC];
	_ =	sdelay $0x3  }
0xc: {  	_ =	strace s3  }
0xd: {  	s3 =	sld [smem:$0x3FFD];
	_ =	sdelay $0x3  }
0xe: {  	_ =	strace s3  }
0xf: {  	_ =	strace $0x8FFFFFFF  }
0x10: {  	s20 =	sld [smem:$0x3FDB];
	_ =	sdelay $0x1  }
0x11: {  	s4 =	simm.s32 $_scs_section_size  }
0x12: {  	s5 =	simm.s32 $_size__tile_overlayer_lowered;
	s6 =	simm.s32 $_tile_overlayer_lowered  }
0x13: {  	s23 =	simm.s32 $0x1BFF;
	s22 =	sshll.u32 s6, $0x1;
	s3 =	sadd.s32 s4, s20  }
0x14: {  	s7 =	simm.s32 $0x0;
	s21 =	sshll.u32 s5, $0x1;
	s5 =	sadd.s32 s22, s3  }
0x15: {  	[timem:s7], [sflag:s23] =	dma.local [hbm:s5], s21  }
0x16: {  	_ =	swait.ge [sflag:s23], s21  }
0x17: {  	s4 =	ssub.s32 $0x0, s21;
	[sflag:s23] =	ssyncset.done $0x0  }
0x18: {  	[sflag:s23] =	ssyncadd.s32 s4;
	_ =	sdelay $0x1  }
0x19: {  	s24 =	simm.s32 $0x1B8B  }
0x1a: {  	_ =	swait.ge [sflag:s24], $0x1  }
0x1b: {  	[sflag:s24] =	ssyncset.done $0x0  }
0x1c: {  	s26 =	simm.s32 $0x1B8E;
	s25 =	sld [smem:$0x3FFE];
	[sflag:s24] =	ssyncadd.s32 $0xFFFFFFFF  }
0x1d: {  	s27 =	simm.s32 $execute0_lowered;
	[smem:$0x3FD2] =	sst s26  }
0x1e: {  	s5 =	sshll.u32 s27, $0x1;
	_ =	strace $0x80000049;
	[dreg:$0x1] =	wrdreg $0xFFFFFFFF  }
0x1f: {  	s28 =	simm.s32 $_size_execute0_lowered;
	s3 =	sadd.s32 s3, s5;
	[dreg:$0x0] =	wrdreg $0x0  }
0x20: {  	s5 =	sshll.u32 s28, $0x1;
	[dreg:$0x2] =	wrdreg s3  }
0x21: {  	[dreg:$0x3] =	wrdreg s5  }
0x22: {  	[dreg:$0x4] =	wrdreg $0xC0  }
0x23: {  	_ =	task [dreg:s7], $0x5FFFF  }
0x24: {  	[dreg:$0x1] =	wrdreg $0xFFFFFFFF  }
0x25: {  	[dreg:$0x0] =	wrdreg $0x60  }
0x26: {  	[dreg:$0x2] =	wrdreg s25  }
0x27: {  	[dreg:$0x3] =	wrdreg s2  }
0x28: {  	[dreg:$0x4] =	wrdreg $0x9  }
0x29: {  	_ =	task.clear_ibuf [dreg:s7], $0x5FFFF;
	_ =	strace $0x90000049  }
0x2a: {  	s29 =	simm.s32 $0x9;
	_ =	strace $0x8000004B  }
0x2b: {  	_ =	swait.ge [sflag:s29], $0x1  }
0x2c: {  	[sflag:s29] =	ssyncadd.s32 $0xFFFFFFFF  }
0x2d: {  	_ =	strace $0x9000004B  }
0x2e: {  	_ =	sfence  }
0x2f: {  	s30 =	sld [smem:$0x0];
	_ =	sdelay $0x2  }
0x30: {  	s31 =	sshll.u32 s1, $0xD;
	s1 =	sshrl.u32 s1, $0x2  }
0x31: {  	s3 =	sand.u32 $0x4000, s31;
	s1 =	sadd.s32 s1, s30  }
0x32: {  	s0 =	sor.u32 s3, s0;
	s1 =	sshll.u32 s1, $0x11  }
0x33: {  	s0 =	sor.u32 s1, s0  }
0x34: {  	s0 =	sadd.s32 $0x8F2B, s0  }
0x35: {  	[sflag:s0] =	ssyncadd.remote.s32 $0x1  }
0x36: {  	_ =	sfence.sel $0xFFFF  }
0x37: {  	[dreg:$0x0] =	wrdreg $0xFFFFFFFF;
	(pc) =	sbr.abs _section_cstart, $3  }
0x38: {  	[dreg:$0x1] =	wrdreg $0xFFFFFFFF  }
0x39: {  	_ =	task.clear_ibuf [dreg:s7], $0x2FFFF;
	_ =	strace $0x9FFFFFFF  }
0x3a: {  	(tm) =	ssettm $0x7FFFFFFF  }
0x3b: {  	_ =	shalt  }
tec
execute0_lowered:
.L_overlay_start_1:
0x0: {  	(tag) =	ssettag $0x1  }
0x1: {  	s0 =	stileid.u32;
	s1 =	srdreg.scid  }
0x2: {  	s1 =	sshll.u32 s1, $0x4;
	s2 =	sshll.u32 s0, $0x7  }
0x3: {  	s7 =	rddreg [dreg:$0x0];
	s3 =	sand.u32 $0x10, s1;
	s1 =	sand.u32 $0x80, s2  }
0x4: {  	s8 =	simm.s32 $0x2;
	s30 =	sor.u32 s0, s3;
	s4 =	ssub.s32 $0x100, s1  }
0x5: {  	s16 =	simm.s32 $0x0;
	s3 =	sshrl.u32 s30, $0x1;
	s31 =	sshrl.u32 s4, $0x7  }
0x6: {  	s4 =	sshrl.u32 s4, $0x8;
	s2 =	sand.u32 $0x1, s31;
	s5 =	ssub.s32 $0x5C, s3  }
0x7: {  	s9 =	simm.s32 $0x1800;
	s2 =	sadd.s32 s4, s2;
	s5 =	sshrl.u32 s5, $0x4  }
0x8: {  	s10 =	simm.s32 $0x0;
	s15 =	simm.s32 $0x0;
	s6 =	smul.u32 s5, s2  }
.Ltmp0:
0x9: {  	s17 =	simm.s32 $0x0;
	s4 =	rddreg [dreg:$0x1];
	(pc) =	sbr.rel .LBB1_1-.Ltmp0, $4  }
0xa: {  	s11 =	simm.s32 $0x0;
	s14 =	simm.s32 $0x0;
	s2 =	rddreg [dreg:$0x2]  }
0xb: {  	_ =	strace $0x8000004A;
	s5 =	simm.s32 $0x1;
	s6 =	smul.u32 $0x6, s6  }
0xc: {  	s7 =	sadd.s32 $0x800, s7;
	s13 =	smov.u32 s1;
	[sflag:s5] =	ssyncpa.u1 $0x0  }
0xd: {  	s12 =	smov.u32 s3;
	[sflag:s8] =	ssyncpa.u1 $0x0;
	s8 =	sor.u32 $0x1, s6  }
.LBB1_4:
0xe: {  	_ =	sdelay $0x2  }
0xf: {  	s21 =	sshrl.u32 s17, $0x3  }
0x10: {  	[tilespmem:v0+s20+$0xFFFFFFD0 ss:$0x1] =	vst.idx.msk $0xffff, v7;
	s22 =	sshll.u32 s16, $0x3;
	s21 =	smul.u32 $0x1800, s21  }
0x11: {  	v56 =	vld.idx.msk [tilespmem:v1+s19+$0x0 ss:$0x1], $0xffff;
	[tilespmem:v0+s20+$0xFFFFFFE0 ss:$0x1] =	vst.idx.msk $0xffff, v5;
	s27 =	sshll.u32 s17, $0x7;
	s22 =	sand.u32 $0xFFFFFC00, s22  }
0x12: {  	v57 =	vld.idx.msk [tilespmem:v1+s19+$0xFFFFFF90 ss:$0x1], $0xffff;
	[tilespmem:v0+s20+$0xFFFFFFF0 ss:$0x1] =	vst.idx.msk $0xffff, v4;
	s17 =	sand.u32 $0x380, s27;
	s21 =	sadd.s32 s21, s22  }
0x13: {  	v58 =	vld.idx.msk [tilespmem:v1+s19+$0xFFFFFFA0 ss:$0x1], $0xffff;
	[tilespmem:v0+s20+$0x0 ss:$0x1] =	vst.idx.msk $0xffff, v2;
	s28 =	sand.u32 $0x7F, s16;
	s17 =	sor.u32 s17, s21  }
0x14: {  	v59 =	vld.idx.msk [tilespmem:v1+s19+$0xFFFFFFB0 ss:$0x1], $0xffff;
	[tilespmem:v0+s20+$0x10 ss:$0x1] =	vst.idx.msk $0xffff, v3;
	s16 =	sor.u32 s28, s17  }
0x15: {  	v60 =	vld.idx.msk [tilespmem:v1+s19+$0xFFFFFFC0 ss:$0x1], $0xffff;
	[tilespmem:v0+s20+$0x20 ss:$0x1] =	vst.idx.msk $0xffff, v6;
	s29 =	smulhi.u32 $0xAAAAAAAB, s16  }
0x16: {  	v61 =	vld.idx.msk [tilespmem:v1+s19+$0xFFFFFFD0 ss:$0x1], $0xffff;
	[tilespmem:v0+s19+$0x30 ss:$0x1] =	vst.idx.msk $0xffff, v56;
	s17 =	smulhi.u32 $0xAAAAAAAB, s17  }
0x17: {  	v62 =	vld.idx.msk [tilespmem:v1+s19+$0xFFFFFFE0 ss:$0x1], $0xffff;
	[tilespmem:v0+s19+$0xFFFFFFC0 ss:$0x1] =	vst.idx.msk $0xffff, v57;
	s20 =	sshrl.u32 s29, $0x9  }
0x18: {  	v63 =	vld.idx.msk [tilespmem:v1+s19+$0xFFFFFFF0 ss:$0x1], $0xffff;
	[tilespmem:v0+s19+$0xFFFFFFD0 ss:$0x1] =	vst.idx.msk $0xffff, v58;
	s17 =	sshrl.u32 s17, $0x9;
	s20 =	smul.u32 $0x300, s20  }
0x19: {  	s15 =	smul.u32 $0x6000, s15;
	[tilespmem:v0+s19+$0xFFFFFFE0 ss:$0x1] =	vst.idx.msk $0xffff, v59;
	s17 =	sand.u32 $0xFF, s17  }
0x1a: {  	[tilespmem:v0+s19+$0xFFFFFFF0 ss:$0x1] =	vst.idx.msk $0xffff, v60;
	s17 =	smul.u32 $0x60, s17;
	s16 =	ssub.s32 s16, s20  }
0x1b: {  	s15 =	sadd.s32 s4, s15;
	[tilespmem:v0+s19+$0x0 ss:$0x1] =	vst.idx.msk $0xffff, v61;
	s20 =	sand.u32 $0x7, s16  }
0x1c: {  	[tilespmem:v0+s19+$0x10 ss:$0x1] =	vst.idx.msk $0xffff, v62;
	s15 =	sadd.s32 s17, s15;
	s16 =	sshrl.u32 s16, $0x3;
	s30 =	sshll.u32 s20, $0x12  }
0x1d: {  	[tilespmem:v0+s19+$0x20 ss:$0x1] =	vst.idx.msk $0xffff, v63;
	s15 =	sadd.s32 s16, s15;
	s31 =	sor.u32 $0x400, s30  }
0x1e: {  	[hbm4b:s15+s31] =	stream.strided.scatter [tilespmem:s18], [sflag:$0x2], $0x4000, s9, s31, $0x38;
	[tilespmem:$0x10000] =	vst v63  }
.LBB1_5:
0x1f: {  	s18 =	sadd.s32 $0x80, s11  }
0x20: {  	s15 =	sadd.s32 $0x10, s12;
	s19 =	smov.u32 s12;
	p1 =	sgt.s32 s18, $0x2FF  }
0x21: {  	s19 =	smov.u32 @p1 s15  }
0x22: {  	s21 =	smov.u32 s13;
	s15 =	sadd.s32 $0x100, s13;
	p2 =	sgt.s32 s19, $0x4C  }
0x23: {  	s21 =	smov.u32 @p2 s15  }
0x24: {  	s18 =	simm.s32 @p1 $0x0;
	p1 =	sgt.s32 s21, $0xFF  }
0x25: {  	p0 =	slt.u32 s14, $0x2;
	s21 =	smov.u32 @p1 s1;
	p1 =	sne.s32 s14, s8  }
.Ltmp1:
0x26: {  	s20 =	simm.s32 @!p0 $0x2;
	(pc) =	sbr.rel @!p1 .LBB1_6-.Ltmp1, $4  }
0x27: {  	s16 =	smov.u32 s11;
	s17 =	smov.u32 s13;
	_ =	swait.ge @!p0 [sflag:s20], $0x4000  }
0x28: {  	s10 =	sadd.s32 $0x4000, s10;
	[sflag:s20] =	ssyncset.done @!p0 $0x0;
	s11 =	smov.u32 s18  }
0x29: {  	s19 =	smov.u32 @p2 s3;
	s15 =	smov.u32 s12;
	[sflag:s20] =	ssyncadd.s32 @!p0 $0xFFFFC000  }
0x2a: {  	s12 =	smov.u32 s19;
	s14 =	sadd.s32 $0x1, s14;
	s13 =	smov.u32 s21  }
.LBB1_1:
0x2b: {  	p0 =	sge.u32 s14, s6  }
0x2c: {  	s18 =	sshrl.u32 @!p0 s12, $0x3  }
0x2d: {  	s19 =	sshll.u32 @!p0 s11, $0x3;
	s18 =	smul.u32 @!p0 $0x1800, s18  }
0x2e: {  	s20 =	sshll.u32 @!p0 s12, $0x7;
	s19 =	sand.u32 @!p0 $0xFFFFFC00, s19  }
0x2f: {  	s18 =	sadd.s32 @!p0 s18, s19;
	s19 =	sand.u32 @!p0 $0x380, s20  }
0x30: {  	s18 =	sor.u32 @!p0 s19, s18  }
0x31: {  	s19 =	sand.u32 @!p0 $0x7F, s11;
	s20 =	smulhi.u32 @!p0 $0xAAAAAAAB, s18  }
0x32: {  	s18 =	sor.u32 @!p0 s19, s18  }
0x33: {  	s19 =	smulhi.u32 @!p0 $0xAAAAAAAB, s18;
	s20 =	sshrl.u32 @!p0 s20, $0x9  }
0x34: {  	s21 =	smulhi.u32 @!p0 $0x3333334, s20;
	_ =	sdelay $0x1  }
0x35: {  	s19 =	sshrl.u32 @!p0 s19, $0x9;
	s21 =	smul.u32 @!p0 $0x50, s21  }
0x36: {  	s31 =	sadd.s32 $0xFFFFFFFF, s14;
	s19 =	smul.u32 @!p0 $0x300, s19  }
0x37: {  	s22 =	sxor.u32 @!p0 $0xFFFFFFFF, s14;
	s20 =	ssub.s32 @!p0 s20, s21;
	s21 =	smul.u32 @!p0 $0x1E00, s13  }
0x38: {  	s22 =	sshll.u32 @!p0 s22, $0xE;
	s18 =	ssub.s32 @!p0 s18, s19;
	s19 =	smul.u32 @!p0 $0x60, s20  }
0x39: {  	s20 =	sand.u32 @!p0 $0x4000, s22;
	s22 =	sand.u32 @!p0 $0x7, s18;
	s21 =	sadd.s32 @!p0 s7, s21  }
0x3a: {  	s18 =	sshrl.u32 @!p0 s18, $0x3;
	s19 =	sadd.s32 @!p0 s19, s21;
	s21 =	sshll.u32 @!p0 s22, $0x12  }
0x3b: {  	s18 =	sadd.s32 @!p0 s18, s19;
	s19 =	sor.u32 @!p0 $0x80, s21;
	s21 =	simm.s32 @!p0 $0xF000  }
0x3c: {  	[tilespmem:s20], [sflag:$0x1] =	stream.strided.gather @!p0 [hbm4b:s18+s19], $0x4000, s21, s19, $0x38;
	[tilespmem:$0x10000] =	vst v63  }
0x3d: {  	p0 =	sge.u32 s31, s6  }
.Ltmp2:
0x3e: {  	_ = 	snop;
	(pc) =	sbr.rel @p0 .LBB1_5-.Ltmp2, $1  }
0x3f: {  	_ =	sdelay $0x3  }
0x40: {  	s18 =	sand.u32 $0x4000, s10  }
0x41: {  	s19 =	sor.u32 $0x70, s18  }
0x42: {  	v1 =	vmov s19;
	_ =	sdelay $0x1  }
0x43: {  	_ =	swait.ge [sflag:s5], $0x4000  }
0x44: {  	[sflag:s5] =	ssyncset.done $0x0  }
0x45: {  	s20 =	simm.s32 $0x0;
	[sflag:s5] =	ssyncadd.s32 $0xFFFFC000  }
0x46: {  	s18 =	sor.u32 $0x8040, s18;
	v6 =	vld.idx.msk [tilespmem:v1+s20+$0x0 ss:$0x1], $0xffff  }
0x47: {  	v0 =	vmov s18;
	v8 =	vld.idx.msk [tilespmem:v1+s20+$0xFFFFFF90 ss:$0x1], $0xffff  }
0x48: {  	v7 =	vld.idx.msk [tilespmem:v1+s20+$0xFFFFFFA0 ss:$0x1], $0xffff  }
0x49: {  	v5 =	vld.idx.msk [tilespmem:v1+s20+$0xFFFFFFB0 ss:$0x1], $0xffff  }
0x4a: {  	v4 =	vld.idx.msk [tilespmem:v1+s20+$0xFFFFFFC0 ss:$0x1], $0xffff  }
0x4b: {  	s31 =	sshll.u32 s14, $0xE;
	v2 =	vld.idx.msk [tilespmem:v1+s20+$0xFFFFFFD0 ss:$0x1], $0xffff  }
0x4c: {  	s18 =	sand.u32 $0x4000, s31;
	v3 =	vld.idx.msk [tilespmem:v1+s20+$0xFFFFFFE0 ss:$0x1], $0xffff;
	[tilespmem:v0+s20+$0x30 ss:$0x1] =	vst.idx.msk $0xffff, v6  }
0x4d: {  	s21 =	simm.s32 $0x400;
	s19 =	simm.s32 $0x80;
	s18 =	sor.u32 $0x8000, s18;
	[tilespmem:v0+s20+$0xFFFFFFC0 ss:$0x1] =	vst.idx.msk $0xffff, v8;
	v6 =	vld.idx.msk [tilespmem:v1+s20+$0xFFFFFFF0 ss:$0x1], $0xffff  }
.LBB1_3:
0x4e: {  	p0 =	sne.s32 s21, $0xFE00;
	v8 =	vld.idx.msk [tilespmem:v1+s19+$0x0 ss:$0x1], $0xffff;
	[tilespmem:v0+s20+$0xFFFFFFD0 ss:$0x1] =	vst.idx.msk $0xffff, v7  }
0x4f: {  	v9 =	vld.idx.msk [tilespmem:v1+s19+$0xFFFFFF90 ss:$0x1], $0xffff;
	[tilespmem:v0+s20+$0xFFFFFFE0 ss:$0x1] =	vst.idx.msk $0xffff, v5  }
0x50: {  	v7 =	vld.idx.msk [tilespmem:v1+s19+$0xFFFFFFA0 ss:$0x1], $0xffff;
	[tilespmem:v0+s20+$0xFFFFFFF0 ss:$0x1] =	vst.idx.msk $0xffff, v4  }
.Ltmp3:
0x51: {  	v5 =	vld.idx.msk [tilespmem:v1+s19+$0xFFFFFFB0 ss:$0x1], $0xffff;
	[tilespmem:v0+s20+$0x0 ss:$0x1] =	vst.idx.msk $0xffff, v2;
	(pc) =	sbr.rel @p0 .LBB1_3-.Ltmp3, $4  }
0x52: {  	v4 =	vld.idx.msk [tilespmem:v1+s19+$0xFFFFFFC0 ss:$0x1], $0xffff;
	[tilespmem:v0+s20+$0x10 ss:$0x1] =	vst.idx.msk $0xffff, v3  }
0x53: {  	v2 =	vld.idx.msk [tilespmem:v1+s19+$0xFFFFFFD0 ss:$0x1], $0xffff;
	[tilespmem:v0+s20+$0x20 ss:$0x1] =	vst.idx.msk $0xffff, v6;
	s20 =	smov.u32 s19  }
0x54: {  	v3 =	vld.idx.msk [tilespmem:v1+s20+$0xFFFFFFE0 ss:$0x1], $0xffff;
	[tilespmem:v0+s20+$0x30 ss:$0x1] =	vst.idx.msk $0xffff, v8  }
0x55: {  	s19 =	sshra.s32 s21, $0x2;
	s21 =	sadd.s32 $0x200, s21;
	[tilespmem:v0+s20+$0xFFFFFFC0 ss:$0x1] =	vst.idx.msk $0xffff, v9;
	v6 =	vld.idx.msk [tilespmem:v1+s20+$0xFFFFFFF0 ss:$0x1], $0xffff  }
.Ltmp4:
0x56: {  	_ = 	snop;
	(pc) =	sbr.rel .LBB1_4-.Ltmp4, $1  }
0x57: {  	_ =	sdelay $0x3  }
.LBB1_6:
0x58: {  	_ =	sfence.sel $0x180000  }
0x59: {  	s1 =	simm.s32 $0x1;
	[bflag:$0x0] =	sbarrier.arrive $0xFFFF  }
0x5a: {  	s31 =	simm.s32 $0x2;
	[sflag:s1] =	ssyncpa.u1 $0x1  }
0x5b: {  	[sflag:s31] =	ssyncpa.u1 $0x1  }
0x5c: {  	p0 =	sne.s32 s0, $0x0;
	_ =	strace $0x9000004A  }
0x5d: {  	s0 =	sadd.s32 @!p0 $0x100000, s2;
	[bflag:$0x2] =	sbarrier.arrive $0xFFFF  }
0x5e: {  	[sflag:s0] =	ssyncadd.tile.s32 @!p0 $0x1;
	_ =	shalt  }
.Lfunc_end1:
_tile_overlayer_lowered:
.L_overlay_start_2:
0x5f: {  	(tag) =	ssettag $0x2  }
0x60: {  	s0 =	rddreg [dreg:$0x0];
	s2 =	stileid.u32  }
0x61: {  	s1 =	rddreg [dreg:$0x1];
	p0 =	sne.s32 s2, $0x0  }
0x62: {  	s3 =	rddreg [dreg:$0x2];
	[bflag:$0x3] =	sbarrier.arrive $0xFFFF;
	s2 =	simm.s32 @!p0 $0x1C01  }
0x63: {  	[timem:s3], [sflag:s2] =	dma.local @!p0 [hbm:s0], s1  }
0x64: {  	s0 =	simm.s32 @!p0 $0x1  }
0x65: {  	_ =	swait.ge @!p0 [sflag:s0], s1  }
0x66: {  	s1 =	ssub.s32 @!p0 $0x0, s1;
	[sflag:s0] =	ssyncset.done @!p0 $0x0  }
0x67: {  	[sflag:s0] =	ssyncadd.s32 @!p0 s1  }
0x68: {  	[bflag:$0x3] =	sbarrier.arrive $0xFFFF  }
0x69: {  	_ =	shalt  }

</sc_bundles>
